<compile_context>
chip_gen: v7x
topology: tpu7x:2x2x1
jax: 0.10.2.dev20260603
libtpu: 0.0.44.dev20260713+nightly
codegen_flags: <defaults>
</compile_context>

<pallas_src>
import math

import jax
import jax.numpy as jnp
import numpy as np
from jax import lax
from jax.experimental import pallas as pl
from jax.experimental.pallas import tpu as pltpu
from jax.experimental.pallas import tpu_sc as plsc

D = 64
B = 1024
L = 200

_NC = 2
_NS = 16
_NW = _NC * _NS
_N = B * L
_PER_W = _N // _NW
_SUB = 128
_NSUB = _PER_W // _SUB


def _pos_encoding_np(max_len, d):
    pos = np.arange(max_len)[:, None].astype(np.float32)
    i = np.arange(0, d, 2).astype(np.float32)
    div = np.exp(-math.log(10000.0) * i / float(d))
    pe = np.zeros((max_len, d), dtype=np.float32)
    pe[:, 0::2] = np.sin(pos * div)
    pe[:, 1::2] = np.cos(pos * div)
    return pe


_PE2 = np.tile(_pos_encoding_np(L, D), (2, 1))


def _emb_body(idx_hbm, pe_hbm, table_hbm, out_hbm,
              idx_v, pe_v, row0, row1, row2, row3,
              gsem0, gsem1, gsem2, gsem3, ssem0, ssem1, ssem2, ssem3):
    wid = lax.axis_index("s") * _NC + lax.axis_index("c")
    base = wid * _PER_W
    pltpu.sync_copy(idx_hbm.at[pl.ds(base, _PER_W)], idx_v)
    pltpu.sync_copy(pe_hbm, pe_v)

    bufs = ((row0, gsem0, ssem0), (row1, gsem1, ssem1),
            (row2, gsem2, ssem2), (row3, gsem3, ssem3))

    def start_gather(g, row, gsem):
        pltpu.async_copy(table_hbm.at[idx_v.at[pl.ds(g * _SUB, _SUB)]], row, gsem)

    def wait_gather(row, gsem):
        pltpu.make_async_copy(table_hbm.at[pl.ds(0, _SUB)], row, gsem).wait()

    def start_store(g, row, ssem):
        pltpu.async_copy(row, out_hbm.at[pl.ds(base + g * _SUB, _SUB)], ssem)

    def wait_store(row, ssem):
        pltpu.make_async_copy(table_hbm.at[pl.ds(0, _SUB)], row, ssem).wait()

    def add_pe(row, g):
        p0 = lax.rem(g * _SUB, L)

        @pl.loop(0, _SUB, unroll=8)
        def _add(j):
            pr = p0 + j
            for v in range(D // 16):
                sl = pl.ds(v * 16, 16)
                plsc.addupdate(row.at[j, sl], pe_v[pr, sl])

    for p in range(3):
        start_gather(p, bufs[p][0], bufs[p][1])

    @pl.loop(0, (_NSUB - 2) // 4)
    def _step(q):
        for b4 in range(4):
            row, gsem, ssem = bufs[b4]
            nrow, ngsem, nssem = bufs[(b4 + 3) % 4]
            g = q * 4 + b4
            wait_gather(row, gsem)

            @pl.when(g + 3 < _NSUB)
            def _pref():
                @pl.when(g >= 1)
                def _w():
                    wait_store(nrow, nssem)

                start_gather(g + 3, nrow, ngsem)

            add_pe(row, g)
            start_store(g, row, ssem)

    for g in (_NSUB - 2, _NSUB - 1):
        row, gsem, ssem = bufs[g % 4]
        wait_gather(row, gsem)
        add_pe(row, g)
        start_store(g, row, ssem)
    for g in range(_NSUB - 4, _NSUB):
        row, gsem, ssem = bufs[g % 4]
        wait_store(row, ssem)


@jax.jit
def _emb(xi, pe2, table):
    f = pl.kernel(
        _emb_body,
        mesh=plsc.VectorSubcoreMesh(core_axis_name="c", subcore_axis_name="s"),
        out_type=jax.ShapeDtypeStruct((_N, D), jnp.float32),
        scratch_types=[
            pltpu.VMEM((_PER_W,), jnp.int32),
            pltpu.VMEM((2 * L, D), jnp.float32),
            pltpu.VMEM((_SUB, D), jnp.float32),
            pltpu.VMEM((_SUB, D), jnp.float32),
            pltpu.VMEM((_SUB, D), jnp.float32),
            pltpu.VMEM((_SUB, D), jnp.float32),
            pltpu.SemaphoreType.DMA,
            pltpu.SemaphoreType.DMA,
            pltpu.SemaphoreType.DMA,
            pltpu.SemaphoreType.DMA,
            pltpu.SemaphoreType.DMA,
            pltpu.SemaphoreType.DMA,
            pltpu.SemaphoreType.DMA,
            pltpu.SemaphoreType.DMA,
        ],
        compiler_params=pltpu.CompilerParams(use_tc_tiling_on_sc=False),
    )
    return f(xi, pe2, table)


def kernel(x, table):
    xi = x.astype(jnp.int32).reshape(_N)
    out = _emb(xi, jnp.asarray(_PE2), table)
    return out.reshape(B, L, D)

# --- scband reference (transcript-rebuilt; emitter-appended) ---
"""Pipeline reference for scband-transformer-embedding-85942295593159 (READ-ONLY COPY).

The authoritative reference and input builder live on the scoring server;
editing this copy changes nothing except your own understanding.
"""

import jax, jax.numpy as jnp
import numpy as np
import math

VOCAB = 1000000
D = 64
B = 1024
L = 200
MAX_LEN = 512


def _pos_encoding(max_len, d):
    pos = np.arange(max_len)[:, None].astype(np.float32)
    i = np.arange(0, d, 2).astype(np.float32)
    div = np.exp(-math.log(10000.0) * i / float(d))
    pe = np.zeros((max_len, d), dtype=np.float32)
    pe[:, 0::2] = np.sin(pos * div)
    pe[:, 1::2] = np.cos(pos * div)
    return jnp.asarray(pe)


def setup_inputs(seed: int = 0) -> dict:
    key = jax.random.key(seed)
    k1, k2 = jax.random.split(key)
    x = jax.random.randint(k1, (B, L), 0, VOCAB)
    table = jax.random.normal(k2, (VOCAB, D), dtype=jnp.float32) * 0.02
    return {"x": x, "table": table}


def reference(x, table):
    # nn.Sequential(token_embed, pos_embed):
    # token_embed: embedding lookup (gather rows of the table)
    tok = jnp.take(table, x, axis=0)  # [B, L, D]
    # pos_embed: add (non-learned) sinusoidal positional encoding
    pe = _pos_encoding(MAX_LEN, table.shape[1])
    out = tok + pe[: x.shape[1]][None, :, :]
    return out

if __name__ == "__main__":
    import jax
    _d = setup_inputs()
    print(jax.jit(kernel)(*tuple(_d.values())))

</pallas_src>

<mosaic_0001>
#map = affine_map<(d0, d1) -> (0)>
#map1 = affine_map<(d0, d1) -> (0, 0)>
module attributes {stable_mosaic.version = 14 : i64} {
  func.func @_emb_body(%arg0: i32, %arg1: i32, %arg2: memref<204800xi32, #tpu.memory_space<hbm>>, %arg3: memref<400x64xf32, #tpu.memory_space<hbm>>, %arg4: memref<1000000x64xf32, #tpu.memory_space<hbm>>, %arg5: memref<204800x64xf32, #tpu.memory_space<hbm>>, %arg6: memref<6400xi32, #tpu.memory_space<vmem>>, %arg7: memref<400x64xf32, #tpu.memory_space<vmem>>, %arg8: memref<128x64xf32, #tpu.memory_space<vmem>>, %arg9: memref<128x64xf32, #tpu.memory_space<vmem>>, %arg10: memref<128x64xf32, #tpu.memory_space<vmem>>, %arg11: memref<128x64xf32, #tpu.memory_space<vmem>>, %arg12: memref<!tpu.dma_semaphore, #tpu.memory_space<semaphore_mem>>, %arg13: memref<!tpu.dma_semaphore, #tpu.memory_space<semaphore_mem>>, %arg14: memref<!tpu.dma_semaphore, #tpu.memory_space<semaphore_mem>>, %arg15: memref<!tpu.dma_semaphore, #tpu.memory_space<semaphore_mem>>, %arg16: memref<!tpu.dma_semaphore, #tpu.memory_space<semaphore_mem>>, %arg17: memref<!tpu.dma_semaphore, #tpu.memory_space<semaphore_mem>>, %arg18: memref<!tpu.dma_semaphore, #tpu.memory_space<semaphore_mem>>, %arg19: memref<!tpu.dma_semaphore, #tpu.memory_space<semaphore_mem>>) attributes {dimension_semantics = [#tpu.dimension_semantics<core_parallel>, #tpu.dimension_semantics<subcore_parallel>], iteration_bounds = array<i64: 2, 16>, scalar_prefetch = 0 : i64, scratch_operands = 14 : i64, tpu.core_type = #tpu.core_type<sc_vector_subcore>, window_params = [{transform_indices = #map}, {transform_indices = #map1}, {transform_indices = #map1}, {transform_indices = #map1}]} {
    %mul3A = arith.constant 2 : i32
    %mul3A_0 = arith.muli %arg1, %mul3A : i32
    %add3A = arith.addi %mul3A_0, %arg0 : i32
    %mul3A_1 = arith.constant 6400 : i32
    %mul3A_2 = arith.muli %add3A, %mul3A_1 : i32
    "tpu.region"() ({
      %run_scoped3A = tpu.sem_alloc : memref<!tpu.dma_semaphore, #tpu.memory_space<semaphore_mem>>
      %dma_start3A_83 = tpu.memref_slice %arg2[%mul3A_2] : memref<204800xi32, #tpu.memory_space<hbm>> -> memref<6400xi32, #tpu.memory_space<hbm>>
      %dma_start3A_84 = tpu.memref_slice %arg2[%mul3A_2] : memref<204800xi32, #tpu.memory_space<hbm>> -> memref<6400xi32, #tpu.memory_space<hbm>>
      tpu.enqueue_dma source(%dma_start3A_84 : memref<6400xi32, #tpu.memory_space<hbm>>) target(%arg6 : memref<6400xi32, #tpu.memory_space<vmem>>) target_semaphore(%run_scoped3A : memref<!tpu.dma_semaphore, #tpu.memory_space<semaphore_mem>>)
      %dma_wait3A_85 = tpu.memref_slice %arg2[%mul3A_2] : memref<204800xi32, #tpu.memory_space<hbm>> -> memref<6400xi32, #tpu.memory_space<hbm>>
      %dma_wait3A_86 = tpu.memref_slice %arg2[%mul3A_2] : memref<204800xi32, #tpu.memory_space<hbm>> -> memref<6400xi32, #tpu.memory_space<hbm>>
      tpu.wait_dma2 semaphore(%run_scoped3A : memref<!tpu.dma_semaphore, #tpu.memory_space<semaphore_mem>>) src(%dma_wait3A_86 : memref<6400xi32, #tpu.memory_space<hbm>>) dst(%arg6 : memref<6400xi32, #tpu.memory_space<vmem>>)
      tpu.yield
    }) : () -> ()
    "tpu.region"() ({
      %run_scoped3A = tpu.sem_alloc : memref<!tpu.dma_semaphore, #tpu.memory_space<semaphore_mem>>
      tpu.enqueue_dma source(%arg3 : memref<400x64xf32, #tpu.memory_space<hbm>>) target(%arg7 : memref<400x64xf32, #tpu.memory_space<vmem>>) target_semaphore(%run_scoped3A : memref<!tpu.dma_semaphore, #tpu.memory_space<semaphore_mem>>)
      tpu.wait_dma2 semaphore(%run_scoped3A : memref<!tpu.dma_semaphore, #tpu.memory_space<semaphore_mem>>) src(%arg3 : memref<400x64xf32, #tpu.memory_space<hbm>>) dst(%arg7 : memref<400x64xf32, #tpu.memory_space<vmem>>)
      tpu.yield
    }) : () -> ()
    %dma_start3A = arith.constant 0 : i32
    %dma_start3A_3 = tpu.memref_slice %arg6[%dma_start3A] : memref<6400xi32, #tpu.memory_space<vmem>> -> memref<128xi32, #tpu.memory_space<vmem>>
    %dma_start3A_4 = arith.constant 0 : i32
    %dma_start3A_5 = arith.constant 0 : i32
    %dma_start3A_6 = tpu.memref_slice %arg4[%dma_start3A_4, %dma_start3A_5] : memref<1000000x64xf32, #tpu.memory_space<hbm>> -> memref<1000000x64xf32, #tpu.memory_space<hbm>>
    tpu.enqueue_indirect_dma source(%dma_start3A_6 : memref<1000000x64xf32, #tpu.memory_space<hbm>>) target(%arg8 : memref<128x64xf32, #tpu.memory_space<vmem>>) offsets(%dma_start3A_3 : memref<128xi32, #tpu.memory_space<vmem>>) semaphore(%arg12 : memref<!tpu.dma_semaphore, #tpu.memory_space<semaphore_mem>>)
    %dma_start3A_7 = arith.constant 128 : i32
    %dma_start3A_8 = tpu.memref_slice %arg6[%dma_start3A_7] : memref<6400xi32, #tpu.memory_space<vmem>> -> memref<128xi32, #tpu.memory_space<vmem>>
    %dma_start3A_9 = arith.constant 0 : i32
    %dma_start3A_10 = arith.constant 0 : i32
    %dma_start3A_11 = tpu.memref_slice %arg4[%dma_start3A_9, %dma_start3A_10] : memref<1000000x64xf32, #tpu.memory_space<hbm>> -> memref<1000000x64xf32, #tpu.memory_space<hbm>>
    tpu.enqueue_indirect_dma source(%dma_start3A_11 : memref<1000000x64xf32, #tpu.memory_space<hbm>>) target(%arg9 : memref<128x64xf32, #tpu.memory_space<vmem>>) offsets(%dma_start3A_8 : memref<128xi32, #tpu.memory_space<vmem>>) semaphore(%arg13 : memref<!tpu.dma_semaphore, #tpu.memory_space<semaphore_mem>>)
    %dma_start3A_12 = arith.constant 256 : i32
    %dma_start3A_13 = tpu.memref_slice %arg6[%dma_start3A_12] : memref<6400xi32, #tpu.memory_space<vmem>> -> memref<128xi32, #tpu.memory_space<vmem>>
    %dma_start3A_14 = arith.constant 0 : i32
    %dma_start3A_15 = arith.constant 0 : i32
    %dma_start3A_16 = tpu.memref_slice %arg4[%dma_start3A_14, %dma_start3A_15] : memref<1000000x64xf32, #tpu.memory_space<hbm>> -> memref<1000000x64xf32, #tpu.memory_space<hbm>>
    tpu.enqueue_indirect_dma source(%dma_start3A_16 : memref<1000000x64xf32, #tpu.memory_space<hbm>>) target(%arg10 : memref<128x64xf32, #tpu.memory_space<vmem>>) offsets(%dma_start3A_13 : memref<128xi32, #tpu.memory_space<vmem>>) semaphore(%arg14 : memref<!tpu.dma_semaphore, #tpu.memory_space<semaphore_mem>>)
    %scan3A = arith.constant 0 : i32
    %scan3A_17 = arith.constant 12 : i32
    %scan3A_18 = arith.addi %scan3A, %scan3A_17 : i32
    %scan3A_19 = arith.constant 1 : i32
    scf.for %scan3A_83 = %scan3A to %scan3A_18 step %scan3A_19  : i32 {
      %mul3A_84 = arith.constant 1 : i32
      %mul3A_85 = arith.muli %scan3A_83, %mul3A_84 : i32
      %add3A_86 = arith.constant 0 : i32
      %add3A_87 = arith.addi %add3A_86, %mul3A_85 : i32
      %mul3A_88 = arith.constant 4 : i32
      %mul3A_89 = arith.muli %add3A_87, %mul3A_88 : i32
      %add3A_90 = arith.constant 0 : i32
      %add3A_91 = arith.addi %mul3A_89, %add3A_90 : i32
      %dma_wait3A_92 = arith.constant 0 : i32
      %dma_wait3A_93 = arith.constant 0 : i32
      %dma_wait3A_94 = tpu.memref_slice %arg4[%dma_wait3A_92, %dma_wait3A_93] : memref<1000000x64xf32, #tpu.memory_space<hbm>> -> memref<128x64xf32, #tpu.memory_space<hbm>>
      %dma_wait3A_95 = arith.constant 0 : i32
      %dma_wait3A_96 = arith.constant 0 : i32
      %dma_wait3A_97 = tpu.memref_slice %arg4[%dma_wait3A_95, %dma_wait3A_96] : memref<1000000x64xf32, #tpu.memory_space<hbm>> -> memref<128x64xf32, #tpu.memory_space<hbm>>
      tpu.wait_dma2 semaphore(%arg12 : memref<!tpu.dma_semaphore, #tpu.memory_space<semaphore_mem>>) src(%dma_wait3A_97 : memref<128x64xf32, #tpu.memory_space<hbm>>) dst(%arg8 : memref<128x64xf32, #tpu.memory_space<vmem>>)
      %add3A_98 = arith.constant 3 : i32
      %add3A_99 = arith.addi %add3A_91, %add3A_98 : i32
      %lt3A = arith.constant 50 : i32
      %lt3A_100 = arith.cmpi slt, %add3A_99, %lt3A : i32
      %convert_element_type3A = arith.extui %lt3A_100 : i1 to i32
      %cond3A = arith.constant 0 : i32
      %cond3A_101 = arith.cmpi ne, %convert_element_type3A, %cond3A : i32
      scf.if %cond3A_101 {
        %ge3A = arith.constant 1 : i32
        %ge3A_217 = arith.cmpi sge, %add3A_91, %ge3A : i32
        %convert_element_type3A_218 = arith.extui %ge3A_217 : i1 to i32
        %cond3A_219 = arith.constant 0 : i32
        %cond3A_220 = arith.cmpi ne, %convert_element_type3A_218, %cond3A_219 : i32
        scf.if %cond3A_220 {
          %dma_wait3A_229 = arith.constant 0 : i32
          %dma_wait3A_230 = arith.constant 0 : i32
          %dma_wait3A_231 = tpu.memref_slice %arg4[%dma_wait3A_229, %dma_wait3A_230] : memref<1000000x64xf32, #tpu.memory_space<hbm>> -> memref<128x64xf32, #tpu.memory_space<hbm>>
          %dma_wait3A_232 = arith.constant 0 : i32
          %dma_wait3A_233 = arith.constant 0 : i32
          %dma_wait3A_234 = tpu.memref_slice %arg4[%dma_wait3A_232, %dma_wait3A_233] : memref<1000000x64xf32, #tpu.memory_space<hbm>> -> memref<128x64xf32, #tpu.memory_space<hbm>>
          tpu.wait_dma2 semaphore(%arg19 : memref<!tpu.dma_semaphore, #tpu.memory_space<semaphore_mem>>) src(%dma_wait3A_234 : memref<128x64xf32, #tpu.memory_space<hbm>>) dst(%arg11 : memref<128x64xf32, #tpu.memory_space<vmem>>)
        } else {
        }
        %add3A_221 = arith.constant 3 : i32
        %add3A_222 = arith.addi %add3A_91, %add3A_221 : i32
        %mul3A_223 = arith.constant 128 : i32
        %mul3A_224 = arith.muli %add3A_222, %mul3A_223 : i32
        %dma_start3A_225 = tpu.memref_slice %arg6[%mul3A_224] : memref<6400xi32, #tpu.memory_space<vmem>> -> memref<128xi32, #tpu.memory_space<vmem>>
        %dma_start3A_226 = arith.constant 0 : i32
        %dma_start3A_227 = arith.constant 0 : i32
        %dma_start3A_228 = tpu.memref_slice %arg4[%dma_start3A_226, %dma_start3A_227] : memref<1000000x64xf32, #tpu.memory_space<hbm>> -> memref<1000000x64xf32, #tpu.memory_space<hbm>>
        tpu.enqueue_indirect_dma source(%dma_start3A_228 : memref<1000000x64xf32, #tpu.memory_space<hbm>>) target(%arg11 : memref<128x64xf32, #tpu.memory_space<vmem>>) offsets(%dma_start3A_225 : memref<128xi32, #tpu.memory_space<vmem>>) semaphore(%arg15 : memref<!tpu.dma_semaphore, #tpu.memory_space<semaphore_mem>>)
      } else {
      }
      %mul3A_102 = arith.constant 128 : i32
      %mul3A_103 = arith.muli %add3A_91, %mul3A_102 : i32
      %rem3A_104 = arith.constant 200 : i32
      %rem3A_105 = arith.remsi %mul3A_103, %rem3A_104 : i32
      %scan3A_106 = arith.constant 0 : i32
      %scan3A_107 = arith.constant 128 : i32
      %scan3A_108 = arith.addi %scan3A_106, %scan3A_107 : i32
      %scan3A_109 = arith.constant 8 : i32
      scf.for %scan3A_217 = %scan3A_106 to %scan3A_108 step %scan3A_109  : i32 {
        %mul3A_218 = arith.constant 1 : i32
        %mul3A_219 = arith.muli %scan3A_217, %mul3A_218 : i32
        %add3A_220 = arith.constant 0 : i32
        %add3A_221 = arith.addi %add3A_220, %mul3A_219 : i32
        %add3A_222 = arith.addi %rem3A_105, %add3A_221 : i32
        %get3A = arith.index_cast %add3A_222 : i32 to index
        %get3A_223 = arith.constant 0 : index
        %get3A_224 = tpu.vector_load %arg7[%get3A, %get3A_223] {strides = array<i32>} : memref<400x64xf32, #tpu.memory_space<vmem>>, vector<1x16xf32>,
        %get3A_225 = vector.shape_cast %get3A_224 : vector<1x16xf32> to vector<16xf32>
        %swap3A = arith.index_cast %add3A_221 : i32 to index
        %swap3A_226 = arith.constant 0 : index
        %swap3A_227 = tpu.vector_load %arg8[%swap3A, %swap3A_226] {strides = array<i32>} : memref<128x64xf32, #tpu.memory_space<vmem>>, vector<1x16xf32>,
        %swap3A_228 = vector.shape_cast %swap3A_227 : vector<1x16xf32> to vector<16xf32>
        %swap3A_229 = vector.shape_cast %get3A_225 : vector<16xf32> to vector<1x16xf32>
        tpu.vector_store %arg8[%swap3A, %swap3A_226], %swap3A_229 {add = true, strides = array<i32>} : memref<128x64xf32, #tpu.memory_space<vmem>>, vector<1x16xf32>,
        %get3A_230 = arith.index_cast %add3A_222 : i32 to index
        %get3A_231 = arith.constant 16 : index
        %get3A_232 = tpu.vector_load %arg7[%get3A_230, %get3A_231] {strides = array<i32>} : memref<400x64xf32, #tpu.memory_space<vmem>>, vector<1x16xf32>,
        %get3A_233 = vector.shape_cast %get3A_232 : vector<1x16xf32> to vector<16xf32>
        %swap3A_234 = arith.index_cast %add3A_221 : i32 to index
        %swap3A_235 = arith.constant 16 : index
        %swap3A_236 = tpu.vector_load %arg8[%swap3A_234, %swap3A_235] {strides = array<i32>} : memref<128x64xf32, #tpu.memory_space<vmem>>, vector<1x16xf32>,
        %swap3A_237 = vector.shape_cast %swap3A_236 : vector<1x16xf32> to vector<16xf32>
        %swap3A_238 = vector.shape_cast %get3A_233 : vector<16xf32> to vector<1x16xf32>
        tpu.vector_store %arg8[%swap3A_234, %swap3A_235], %swap3A_238 {add = true, strides = array<i32>} : memref<128x64xf32, #tpu.memory_space<vmem>>, vector<1x16xf32>,
        %get3A_239 = arith.index_cast %add3A_222 : i32 to index
        %get3A_240 = arith.constant 32 : index
        %get3A_241 = tpu.vector_load %arg7[%get3A_239, %get3A_240] {strides = array<i32>} : memref<400x64xf32, #tpu.memory_space<vmem>>, vector<1x16xf32>,
        %get3A_242 = vector.shape_cast %get3A_241 : vector<1x16xf32> to vector<16xf32>
        %swap3A_243 = arith.index_cast %add3A_221 : i32 to index
        %swap3A_244 = arith.constant 32 : index
        %swap3A_245 = tpu.vector_load %arg8[%swap3A_243, %swap3A_244] {strides = array<i32>} : memref<128x64xf32, #tpu.memory_space<vmem>>, vector<1x16xf32>,
        %swap3A_246 = vector.shape_cast %swap3A_245 : vector<1x16xf32> to vector<16xf32>
        %swap3A_247 = vector.shape_cast %get3A_242 : vector<16xf32> to vector<1x16xf32>
        tpu.vector_store %arg8[%swap3A_243, %swap3A_244], %swap3A_247 {add = true, strides = array<i32>} : memref<128x64xf32, #tpu.memory_space<vmem>>, vector<1x16xf32>,
        %get3A_248 = arith.index_cast %add3A_222 : i32 to index
        %get3A_249 = arith.constant 48 : index
        %get3A_250 = tpu.vector_load %arg7[%get3A_248, %get3A_249] {strides = array<i32>} : memref<400x64xf32, #tpu.memory_space<vmem>>, vector<1x16xf32>,
        %get3A_251 = vector.shape_cast %get3A_250 : vector<1x16xf32> to vector<16xf32>
        %swap3A_252 = arith.index_cast %add3A_221 : i32 to index
        %swap3A_253 = arith.constant 48 : index
        %swap3A_254 = tpu.vector_load %arg8[%swap3A_252, %swap3A_253] {strides = array<i32>} : memref<128x64xf32, #tpu.memory_space<vmem>>, vector<1x16xf32>,
        %swap3A_255 = vector.shape_cast %swap3A_254 : vector<1x16xf32> to vector<16xf32>
        %swap3A_256 = vector.shape_cast %get3A_251 : vector<16xf32> to vector<1x16xf32>
        tpu.vector_store %arg8[%swap3A_252, %swap3A_253], %swap3A_256 {add = true, strides = array<i32>} : memref<128x64xf32, #tpu.memory_space<vmem>>, vector<1x16xf32>,
        %scan3A_257 = arith.constant 1 : i32
        %scan3A_258 = arith.addi %scan3A_217, %scan3A_257 : i32
        %mul3A_259 = arith.constant 1 : i32
        %mul3A_260 = arith.muli %scan3A_258, %mul3A_259 : i32
        %add3A_261 = arith.constant 0 : i32
        %add3A_262 = arith.addi %add3A_261, %mul3A_260 : i32
        %add3A_263 = arith.addi %rem3A_105, %add3A_262 : i32
        %get3A_264 = arith.index_cast %add3A_263 : i32 to index
        %get3A_265 = arith.constant 0 : index
        %get3A_266 = tpu.vector_load %arg7[%get3A_264, %get3A_265] {strides = array<i32>} : memref<400x64xf32, #tpu.memory_space<vmem>>, vector<1x16xf32>,
        %get3A_267 = vector.shape_cast %get3A_266 : vector<1x16xf32> to vector<16xf32>
        %swap3A_268 = arith.index_cast %add3A_262 : i32 to index
        %swap3A_269 = arith.constant 0 : index
        %swap3A_270 = tpu.vector_load %arg8[%swap3A_268, %swap3A_269] {strides = array<i32>} : memref<128x64xf32, #tpu.memory_space<vmem>>, vector<1x16xf32>,
        %swap3A_271 = vector.shape_cast %swap3A_270 : vector<1x16xf32> to vector<16xf32>
        %swap3A_272 = vector.shape_cast %get3A_267 : vector<16xf32> to vector<1x16xf32>
        tpu.vector_store %arg8[%swap3A_268, %swap3A_269], %swap3A_272 {add = true, strides = array<i32>} : memref<128x64xf32, #tpu.memory_space<vmem>>, vector<1x16xf32>,
        %get3A_273 = arith.index_cast %add3A_263 : i32 to index
        %get3A_274 = arith.constant 16 : index
        %get3A_275 = tpu.vector_load %arg7[%get3A_273, %get3A_274] {strides = array<i32>} : memref<400x64xf32, #tpu.memory_space<vmem>>, vector<1x16xf32>,
        %get3A_276 = vector.shape_cast %get3A_275 : vector<1x16xf32> to vector<16xf32>
        %swap3A_277 = arith.index_cast %add3A_262 : i32 to index
        %swap3A_278 = arith.constant 16 : index
        %swap3A_279 = tpu.vector_load %arg8[%swap3A_277, %swap3A_278] {strides = array<i32>} : memref<128x64xf32, #tpu.memory_space<vmem>>, vector<1x16xf32>,
        %swap3A_280 = vector.shape_cast %swap3A_279 : vector<1x16xf32> to vector<16xf32>
        %swap3A_281 = vector.shape_cast %get3A_276 : vector<16xf32> to vector<1x16xf32>
        tpu.vector_store %arg8[%swap3A_277, %swap3A_278], %swap3A_281 {add = true, strides = array<i32>} : memref<128x64xf32, #tpu.memory_space<vmem>>, vector<1x16xf32>,
        %get3A_282 = arith.index_cast %add3A_263 : i32 to index
        %get3A_283 = arith.constant 32 : index
        %get3A_284 = tpu.vector_load %arg7[%get3A_282, %get3A_283] {strides = array<i32>} : memref<400x64xf32, #tpu.memory_space<vmem>>, vector<1x16xf32>,
        %get3A_285 = vector.shape_cast %get3A_284 : vector<1x16xf32> to vector<16xf32>
        %swap3A_286 = arith.index_cast %add3A_262 : i32 to index
        %swap3A_287 = arith.constant 32 : index
        %swap3A_288 = tpu.vector_load %arg8[%swap3A_286, %swap3A_287] {strides = array<i32>} : memref<128x64xf32, #tpu.memory_space<vmem>>, vector<1x16xf32>,
        %swap3A_289 = vector.shape_cast %swap3A_288 : vector<1x16xf32> to vector<16xf32>
        %swap3A_290 = vector.shape_cast %get3A_285 : vector<16xf32> to vector<1x16xf32>
        tpu.vector_store %arg8[%swap3A_286, %swap3A_287], %swap3A_290 {add = true, strides = array<i32>} : memref<128x64xf32, #tpu.memory_space<vmem>>, vector<1x16xf32>,
        %get3A_291 = arith.index_cast %add3A_263 : i32 to index
        %get3A_292 = arith.constant 48 : index
        %get3A_293 = tpu.vector_load %arg7[%get3A_291, %get3A_292] {strides = array<i32>} : memref<400x64xf32, #tpu.memory_space<vmem>>, vector<1x16xf32>,
        %get3A_294 = vector.shape_cast %get3A_293 : vector<1x16xf32> to vector<16xf32>
        %swap3A_295 = arith.index_cast %add3A_262 : i32 to index
        %swap3A_296 = arith.constant 48 : index
        %swap3A_297 = tpu.vector_load %arg8[%swap3A_295, %swap3A_296] {strides = array<i32>} : memref<128x64xf32, #tpu.memory_space<vmem>>, vector<1x16xf32>,
        %swap3A_298 = vector.shape_cast %swap3A_297 : vector<1x16xf32> to vector<16xf32>
        %swap3A_299 = vector.shape_cast %get3A_294 : vector<16xf32> to vector<1x16xf32>
        tpu.vector_store %arg8[%swap3A_295, %swap3A_296], %swap3A_299 {add = true, strides = array<i32>} : memref<128x64xf32, #tpu.memory_space<vmem>>, vector<1x16xf32>,
        %scan3A_300 = arith.constant 2 : i32
        %scan3A_301 = arith.addi %scan3A_217, %scan3A_300 : i32
        %mul3A_302 = arith.constant 1 : i32
        %mul3A_303 = arith.muli %scan3A_301, %mul3A_302 : i32
        %add3A_304 = arith.constant 0 : i32
        %add3A_305 = arith.addi %add3A_304, %mul3A_303 : i32
        %add3A_306 = arith.addi %rem3A_105, %add3A_305 : i32
        %get3A_307 = arith.index_cast %add3A_306 : i32 to index
        %get3A_308 = arith.constant 0 : index
        %get3A_309 = tpu.vector_load %arg7[%get3A_307, %get3A_308] {strides = array<i32>} : memref<400x64xf32, #tpu.memory_space<vmem>>, vector<1x16xf32>,
        %get3A_310 = vector.shape_cast %get3A_309 : vector<1x16xf32> to vector<16xf32>
        %swap3A_311 = arith.index_cast %add3A_305 : i32 to index
        %swap3A_312 = arith.constant 0 : index
        %swap3A_313 = tpu.vector_load %arg8[%swap3A_311, %swap3A_312] {strides = array<i32>} : memref<128x64xf32, #tpu.memory_space<vmem>>, vector<1x16xf32>,
        %swap3A_314 = vector.shape_cast %swap3A_313 : vector<1x16xf32> to vector<16xf32>
        %swap3A_315 = vector.shape_cast %get3A_310 : vector<16xf32> to vector<1x16xf32>
        tpu.vector_store %arg8[%swap3A_311, %swap3A_312], %swap3A_315 {add = true, strides = array<i32>} : memref<128x64xf32, #tpu.memory_space<vmem>>, vector<1x16xf32>,
        %get3A_316 = arith.index_cast %add3A_306 : i32 to index
        %get3A_317 = arith.constant 16 : index
        %get3A_318 = tpu.vector_load %arg7[%get3A_316, %get3A_317] {strides = array<i32>} : memref<400x64xf32, #tpu.memory_space<vmem>>, vector<1x16xf32>,
        %get3A_319 = vector.shape_cast %get3A_318 : vector<1x16xf32> to vector<16xf32>
        %swap3A_320 = arith.index_cast %add3A_305 : i32 to index
        %swap3A_321 = arith.constant 16 : index
        %swap3A_322 = tpu.vector_load %arg8[%swap3A_320, %swap3A_321] {strides = array<i32>} : memref<128x64xf32, #tpu.memory_space<vmem>>, vector<1x16xf32>,
        %swap3A_323 = vector.shape_cast %swap3A_322 : vector<1x16xf32> to vector<16xf32>
        %swap3A_324 = vector.shape_cast %get3A_319 : vector<16xf32> to vector<1x16xf32>
        tpu.vector_store %arg8[%swap3A_320, %swap3A_321], %swap3A_324 {add = true, strides = array<i32>} : memref<128x64xf32, #tpu.memory_space<vmem>>, vector<1x16xf32>,
        %get3A_325 = arith.index_cast %add3A_306 : i32 to index
        %get3A_326 = arith.constant 32 : index
        %get3A_327 = tpu.vector_load %arg7[%get3A_325, %get3A_326] {strides = array<i32>} : memref<400x64xf32, #tpu.memory_space<vmem>>, vector<1x16xf32>,
        %get3A_328 = vector.shape_cast %get3A_327 : vector<1x16xf32> to vector<16xf32>
        %swap3A_329 = arith.index_cast %add3A_305 : i32 to index
        %swap3A_330 = arith.constant 32 : index
        %swap3A_331 = tpu.vector_load %arg8[%swap3A_329, %swap3A_330] {strides = array<i32>} : memref<128x64xf32, #tpu.memory_space<vmem>>, vector<1x16xf32>,
        %swap3A_332 = vector.shape_cast %swap3A_331 : vector<1x16xf32> to vector<16xf32>
        %swap3A_333 = vector.shape_cast %get3A_328 : vector<16xf32> to vector<1x16xf32>
        tpu.vector_store %arg8[%swap3A_329, %swap3A_330], %swap3A_333 {add = true, strides = array<i32>} : memref<128x64xf32, #tpu.memory_space<vmem>>, vector<1x16xf32>,
        %get3A_334 = arith.index_cast %add3A_306 : i32 to index
        %get3A_335 = arith.constant 48 : index
        %get3A_336 = tpu.vector_load %arg7[%get3A_334, %get3A_335] {strides = array<i32>} : memref<400x64xf32, #tpu.memory_space<vmem>>, vector<1x16xf32>,
        %get3A_337 = vector.shape_cast %get3A_336 : vector<1x16xf32> to vector<16xf32>
        %swap3A_338 = arith.index_cast %add3A_305 : i32 to index
        %swap3A_339 = arith.constant 48 : index
        %swap3A_340 = tpu.vector_load %arg8[%swap3A_338, %swap3A_339] {strides = array<i32>} : memref<128x64xf32, #tpu.memory_space<vmem>>, vector<1x16xf32>,
        %swap3A_341 = vector.shape_cast %swap3A_340 : vector<1x16xf32> to vector<16xf32>
        %swap3A_342 = vector.shape_cast %get3A_337 : vector<16xf32> to vector<1x16xf32>
        tpu.vector_store %arg8[%swap3A_338, %swap3A_339], %swap3A_342 {add = true, strides = array<i32>} : memref<128x64xf32, #tpu.memory_space<vmem>>, vector<1x16xf32>,
        %scan3A_343 = arith.constant 3 : i32
        %scan3A_344 = arith.addi %scan3A_217, %scan3A_343 : i32
        %mul3A_345 = arith.constant 1 : i32
        %mul3A_346 = arith.muli %scan3A_344, %mul3A_345 : i32
        %add3A_347 = arith.constant 0 : i32
        %add3A_348 = arith.addi %add3A_347, %mul3A_346 : i32
        %add3A_349 = arith.addi %rem3A_105, %add3A_348 : i32
        %get3A_350 = arith.index_cast %add3A_349 : i32 to index
        %get3A_351 = arith.constant 0 : index
        %get3A_352 = tpu.vector_load %arg7[%get3A_350, %get3A_351] {strides = array<i32>} : memref<400x64xf32, #tpu.memory_space<vmem>>, vector<1x16xf32>,
        %get3A_353 = vector.shape_cast %get3A_352 : vector<1x16xf32> to vector<16xf32>
        %swap3A_354 = arith.index_cast %add3A_348 : i32 to index
        %swap3A_355 = arith.constant 0 : index
        %swap3A_356 = tpu.vector_load %arg8[%swap3A_354, %swap3A_355] {strides = array<i32>} : memref<128x64xf32, #tpu.memory_space<vmem>>, vector<1x16xf32>,
        %swap3A_357 = vector.shape_cast %swap3A_356 : vector<1x16xf32> to vector<16xf32>
        %swap3A_358 = vector.shape_cast %get3A_353 : vector<16xf32> to vector<1x16xf32>
        tpu.vector_store %arg8[%swap3A_354, %swap3A_355], %swap3A_358 {add = true, strides = array<i32>} : memref<128x64xf32, #tpu.memory_space<vmem>>, vector<1x16xf32>,
        %get3A_359 = arith.index_cast %add3A_349 : i32 to index
        %get3A_360 = arith.constant 16 : index
        %get3A_361 = tpu.vector_load %arg7[%get3A_359, %get3A_360] {strides = array<i32>} : memref<400x64xf32, #tpu.memory_space<vmem>>, vector<1x16xf32>,
        %get3A_362 = vector.shape_cast %get3A_361 : vector<1x16xf32> to vector<16xf32>
        %swap3A_363 = arith.index_cast %add3A_348 : i32 to index
        %swap3A_364 = arith.constant 16 : index
        %swap3A_365 = tpu.vector_load %arg8[%swap3A_363, %swap3A_364] {strides = array<i32>} : memref<128x64xf32, #tpu.memory_space<vmem>>, vector<1x16xf32>,
        %swap3A_366 = vector.shape_cast %swap3A_365 : vector<1x16xf32> to vector<16xf32>
        %swap3A_367 = vector.shape_cast %get3A_362 : vector<16xf32> to vector<1x16xf32>
        tpu.vector_store %arg8[%swap3A_363, %swap3A_364], %swap3A_367 {add = true, strides = array<i32>} : memref<128x64xf32, #tpu.memory_space<vmem>>, vector<1x16xf32>,
        %get3A_368 = arith.index_cast %add3A_349 : i32 to index
        %get3A_369 = arith.constant 32 : index
        %get3A_370 = tpu.vector_load %arg7[%get3A_368, %get3A_369] {strides = array<i32>} : memref<400x64xf32, #tpu.memory_space<vmem>>, vector<1x16xf32>,
        %get3A_371 = vector.shape_cast %get3A_370 : vector<1x16xf32> to vector<16xf32>
        %swap3A_372 = arith.index_cast %add3A_348 : i32 to index
        %swap3A_373 = arith.constant 32 : index
        %swap3A_374 = tpu.vector_load %arg8[%swap3A_372, %swap3A_373] {strides = array<i32>} : memref<128x64xf32, #tpu.memory_space<vmem>>, vector<1x16xf32>,
        %swap3A_375 = vector.shape_cast %swap3A_374 : vector<1x16xf32> to vector<16xf32>
        %swap3A_376 = vector.shape_cast %get3A_371 : vector<16xf32> to vector<1x16xf32>
        tpu.vector_store %arg8[%swap3A_372, %swap3A_373], %swap3A_376 {add = true, strides = array<i32>} : memref<128x64xf32, #tpu.memory_space<vmem>>, vector<1x16xf32>,
        %get3A_377 = arith.index_cast %add3A_349 : i32 to index
        %get3A_378 = arith.constant 48 : index
        %get3A_379 = tpu.vector_load %arg7[%get3A_377, %get3A_378] {strides = array<i32>} : memref<400x64xf32, #tpu.memory_space<vmem>>, vector<1x16xf32>,
        %get3A_380 = vector.shape_cast %get3A_379 : vector<1x16xf32> to vector<16xf32>
        %swap3A_381 = arith.index_cast %add3A_348 : i32 to index
        %swap3A_382 = arith.constant 48 : index
        %swap3A_383 = tpu.vector_load %arg8[%swap3A_381, %swap3A_382] {strides = array<i32>} : memref<128x64xf32, #tpu.memory_space<vmem>>, vector<1x16xf32>,
        %swap3A_384 = vector.shape_cast %swap3A_383 : vector<1x16xf32> to vector<16xf32>
        %swap3A_385 = vector.shape_cast %get3A_380 : vector<16xf32> to vector<1x16xf32>
        tpu.vector_store %arg8[%swap3A_381, %swap3A_382], %swap3A_385 {add = true, strides = array<i32>} : memref<128x64xf32, #tpu.memory_space<vmem>>, vector<1x16xf32>,
        %scan3A_386 = arith.constant 4 : i32
        %scan3A_387 = arith.addi %scan3A_217, %scan3A_386 : i32
        %mul3A_388 = arith.constant 1 : i32
        %mul3A_389 = arith.muli %scan3A_387, %mul3A_388 : i32
        %add3A_390 = arith.constant 0 : i32
        %add3A_391 = arith.addi %add3A_390, %mul3A_389 : i32
        %add3A_392 = arith.addi %rem3A_105, %add3A_391 : i32
        %get3A_393 = arith.index_cast %add3A_392 : i32 to index
        %get3A_394 = arith.constant 0 : index
        %get3A_395 = tpu.vector_load %arg7[%get3A_393, %get3A_394] {strides = array<i32>} : memref<400x64xf32, #tpu.memory_space<vmem>>, vector<1x16xf32>,
        %get3A_396 = vector.shape_cast %get3A_395 : vector<1x16xf32> to vector<16xf32>
        %swap3A_397 = arith.index_cast %add3A_391 : i32 to index
        %swap3A_398 = arith.constant 0 : index
        %swap3A_399 = tpu.vector_load %arg8[%swap3A_397, %swap3A_398] {strides = array<i32>} : memref<128x64xf32, #tpu.memory_space<vmem>>, vector<1x16xf32>,
        %swap3A_400 = vector.shape_cast %swap3A_399 : vector<1x16xf32> to vector<16xf32>
        %swap3A_401 = vector.shape_cast %get3A_396 : vector<16xf32> to vector<1x16xf32>
        tpu.vector_store %arg8[%swap3A_397, %swap3A_398], %swap3A_401 {add = true, strides = array<i32>} : memref<128x64xf32, #tpu.memory_space<vmem>>, vector<1x16xf32>,
        %get3A_402 = arith.index_cast %add3A_392 : i32 to index
        %get3A_403 = arith.constant 16 : index
        %get3A_404 = tpu.vector_load %arg7[%get3A_402, %get3A_403] {strides = array<i32>} : memref<400x64xf32, #tpu.memory_space<vmem>>, vector<1x16xf32>,
        %get3A_405 = vector.shape_cast %get3A_404 : vector<1x16xf32> to vector<16xf32>
        %swap3A_406 = arith.index_cast %add3A_391 : i32 to index
        %swap3A_407 = arith.constant 16 : index
        %swap3A_408 = tpu.vector_load %arg8[%swap3A_406, %swap3A_407] {strides = array<i32>} : memref<128x64xf32, #tpu.memory_space<vmem>>, vector<1x16xf32>,
        %swap3A_409 = vector.shape_cast %swap3A_408 : vector<1x16xf32> to vector<16xf32>
        %swap3A_410 = vector.shape_cast %get3A_405 : vector<16xf32> to vector<1x16xf32>
        tpu.vector_store %arg8[%swap3A_406, %swap3A_407], %swap3A_410 {add = true, strides = array<i32>} : memref<128x64xf32, #tpu.memory_space<vmem>>, vector<1x16xf32>,
        %get3A_411 = arith.index_cast %add3A_392 : i32 to index
        %get3A_412 = arith.constant 32 : index
        %get3A_413 = tpu.vector_load %arg7[%get3A_411, %get3A_412] {strides = array<i32>} : memref<400x64xf32, #tpu.memory_space<vmem>>, vector<1x16xf32>,
        %get3A_414 = vector.shape_cast %get3A_413 : vector<1x16xf32> to vector<16xf32>
        %swap3A_415 = arith.index_cast %add3A_391 : i32 to index
        %swap3A_416 = arith.constant 32 : index
        %swap3A_417 = tpu.vector_load %arg8[%swap3A_415, %swap3A_416] {strides = array<i32>} : memref<128x64xf32, #tpu.memory_space<vmem>>, vector<1x16xf32>,
        %swap3A_418 = vector.shape_cast %swap3A_417 : vector<1x16xf32> to vector<16xf32>
        %swap3A_419 = vector.shape_cast %get3A_414 : vector<16xf32> to vector<1x16xf32>
        tpu.vector_store %arg8[%swap3A_415, %swap3A_416], %swap3A_419 {add = true, strides = array<i32>} : memref<128x64xf32, #tpu.memory_space<vmem>>, vector<1x16xf32>,
        %get3A_420 = arith.index_cast %add3A_392 : i32 to index
        %get3A_421 = arith.constant 48 : index
        %get3A_422 = tpu.vector_load %arg7[%get3A_420, %get3A_421] {strides = array<i32>} : memref<400x64xf32, #tpu.memory_space<vmem>>, vector<1x16xf32>,
        %get3A_423 = vector.shape_cast %get3A_422 : vector<1x16xf32> to vector<16xf32>
        %swap3A_424 = arith.index_cast %add3A_391 : i32 to index
        %swap3A_425 = arith.constant 48 : index
        %swap3A_426 = tpu.vector_load %arg8[%swap3A_424, %swap3A_425] {strides = array<i32>} : memref<128x64xf32, #tpu.memory_space<vmem>>, vector<1x16xf32>,
        %swap3A_427 = vector.shape_cast %swap3A_426 : vector<1x16xf32> to vector<16xf32>
        %swap3A_428 = vector.shape_cast %get3A_423 : vector<16xf32> to vector<1x16xf32>
        tpu.vector_store %arg8[%swap3A_424, %swap3A_425], %swap3A_428 {add = true, strides = array<i32>} : memref<128x64xf32, #tpu.memory_space<vmem>>, vector<1x16xf32>,
        %scan3A_429 = arith.constant 5 : i32
        %scan3A_430 = arith.addi %scan3A_217, %scan3A_429 : i32
        %mul3A_431 = arith.constant 1 : i32
        %mul3A_432 = arith.muli %scan3A_430, %mul3A_431 : i32
        %add3A_433 = arith.constant 0 : i32
        %add3A_434 = arith.addi %add3A_433, %mul3A_432 : i32
        %add3A_435 = arith.addi %rem3A_105, %add3A_434 : i32
        %get3A_436 = arith.index_cast %add3A_435 : i32 to index
        %get3A_437 = arith.constant 0 : index
        %get3A_438 = tpu.vector_load %arg7[%get3A_436, %get3A_437] {strides = array<i32>} : memref<400x64xf32, #tpu.memory_space<vmem>>, vector<1x16xf32>,
        %get3A_439 = vector.shape_cast %get3A_438 : vector<1x16xf32> to vector<16xf32>
        %swap3A_440 = arith.index_cast %add3A_434 : i32 to index
        %swap3A_441 = arith.constant 0 : index
        %swap3A_442 = tpu.vector_load %arg8[%swap3A_440, %swap3A_441] {strides = array<i32>} : memref<128x64xf32, #tpu.memory_space<vmem>>, vector<1x16xf32>,
        %swap3A_443 = vector.shape_cast %swap3A_442 : vector<1x16xf32> to vector<16xf32>
        %swap3A_444 = vector.shape_cast %get3A_439 : vector<16xf32> to vector<1x16xf32>
        tpu.vector_store %arg8[%swap3A_440, %swap3A_441], %swap3A_444 {add = true, strides = array<i32>} : memref<128x64xf32, #tpu.memory_space<vmem>>, vector<1x16xf32>,
        %get3A_445 = arith.index_cast %add3A_435 : i32 to index
        %get3A_446 = arith.constant 16 : index
        %get3A_447 = tpu.vector_load %arg7[%get3A_445, %get3A_446] {strides = array<i32>} : memref<400x64xf32, #tpu.memory_space<vmem>>, vector<1x16xf32>,
        %get3A_448 = vector.shape_cast %get3A_447 : vector<1x16xf32> to vector<16xf32>
        %swap3A_449 = arith.index_cast %add3A_434 : i32 to index
        %swap3A_450 = arith.constant 16 : index
        %swap3A_451 = tpu.vector_load %arg8[%swap3A_449, %swap3A_450] {strides = array<i32>} : memref<128x64xf32, #tpu.memory_space<vmem>>, vector<1x16xf32>,
        %swap3A_452 = vector.shape_cast %swap3A_451 : vector<1x16xf32> to vector<16xf32>
        %swap3A_453 = vector.shape_cast %get3A_448 : vector<16xf32> to vector<1x16xf32>
        tpu.vector_store %arg8[%swap3A_449, %swap3A_450], %swap3A_453 {add = true, strides = array<i32>} : memref<128x64xf32, #tpu.memory_space<vmem>>, vector<1x16xf32>,
        %get3A_454 = arith.index_cast %add3A_435 : i32 to index
        %get3A_455 = arith.constant 32 : index
        %get3A_456 = tpu.vector_load %arg7[%get3A_454, %get3A_455] {strides = array<i32>} : memref<400x64xf32, #tpu.memory_space<vmem>>, vector<1x16xf32>,
        %get3A_457 = vector.shape_cast %get3A_456 : vector<1x16xf32> to vector<16xf32>
        %swap3A_458 = arith.index_cast %add3A_434 : i32 to index
        %swap3A_459 = arith.constant 32 : index
        %swap3A_460 = tpu.vector_load %arg8[%swap3A_458, %swap3A_459] {strides = array<i32>} : memref<128x64xf32, #tpu.memory_space<vmem>>, vector<1x16xf32>,
        %swap3A_461 = vector.shape_cast %swap3A_460 : vector<1x16xf32> to vector<16xf32>
        %swap3A_462 = vector.shape_cast %get3A_457 : vector<16xf32> to vector<1x16xf32>
        tpu.vector_store %arg8[%swap3A_458, %swap3A_459], %swap3A_462 {add = true, strides = array<i32>} : memref<128x64xf32, #tpu.memory_space<vmem>>, vector<1x16xf32>,
        %get3A_463 = arith.index_cast %add3A_435 : i32 to index
        %get3A_464 = arith.constant 48 : index
        %get3A_465 = tpu.vector_load %arg7[%get3A_463, %get3A_464] {strides = array<i32>} : memref<400x64xf32, #tpu.memory_space<vmem>>, vector<1x16xf32>,
        %get3A_466 = vector.shape_cast %get3A_465 : vector<1x16xf32> to vector<16xf32>
        %swap3A_467 = arith.index_cast %add3A_434 : i32 to index
        %swap3A_468 = arith.constant 48 : index
        %swap3A_469 = tpu.vector_load %arg8[%swap3A_467, %swap3A_468] {strides = array<i32>} : memref<128x64xf32, #tpu.memory_space<vmem>>, vector<1x16xf32>,
        %swap3A_470 = vector.shape_cast %swap3A_469 : vector<1x16xf32> to vector<16xf32>
        %swap3A_471 = vector.shape_cast %get3A_466 : vector<16xf32> to vector<1x16xf32>
        tpu.vector_store %arg8[%swap3A_467, %swap3A_468], %swap3A_471 {add = true, strides = array<i32>} : memref<128x64xf32, #tpu.memory_space<vmem>>, vector<1x16xf32>,
        %scan3A_472 = arith.constant 6 : i32
        %scan3A_473 = arith.addi %scan3A_217, %scan3A_472 : i32
        %mul3A_474 = arith.constant 1 : i32
        %mul3A_475 = arith.muli %scan3A_473, %mul3A_474 : i32
        %add3A_476 = arith.constant 0 : i32
        %add3A_477 = arith.addi %add3A_476, %mul3A_475 : i32
        %add3A_478 = arith.addi %rem3A_105, %add3A_477 : i32
        %get3A_479 = arith.index_cast %add3A_478 : i32 to index
        %get3A_480 = arith.constant 0 : index
        %get3A_481 = tpu.vector_load %arg7[%get3A_479, %get3A_480] {strides = array<i32>} : memref<400x64xf32, #tpu.memory_space<vmem>>, vector<1x16xf32>,
        %get3A_482 = vector.shape_cast %get3A_481 : vector<1x16xf32> to vector<16xf32>
        %swap3A_483 = arith.index_cast %add3A_477 : i32 to index
        %swap3A_484 = arith.constant 0 : index
        %swap3A_485 = tpu.vector_load %arg8[%swap3A_483, %swap3A_484] {strides = array<i32>} : memref<128x64xf32, #tpu.memory_space<vmem>>, vector<1x16xf32>,
        %swap3A_486 = vector.shape_cast %swap3A_485 : vector<1x16xf32> to vector<16xf32>
        %swap3A_487 = vector.shape_cast %get3A_482 : vector<16xf32> to vector<1x16xf32>
        tpu.vector_store %arg8[%swap3A_483, %swap3A_484], %swap3A_487 {add = true, strides = array<i32>} : memref<128x64xf32, #tpu.memory_space<vmem>>, vector<1x16xf32>,
        %get3A_488 = arith.index_cast %add3A_478 : i32 to index
        %get3A_489 = arith.constant 16 : index
        %get3A_490 = tpu.vector_load %arg7[%get3A_488, %get3A_489] {strides = array<i32>} : memref<400x64xf32, #tpu.memory_space<vmem>>, vector<1x16xf32>,
        %get3A_491 = vector.shape_cast %get3A_490 : vector<1x16xf32> to vector<16xf32>
        %swap3A_492 = arith.index_cast %add3A_477 : i32 to index
        %swap3A_493 = arith.constant 16 : index
        %swap3A_494 = tpu.vector_load %arg8[%swap3A_492, %swap3A_493] {strides = array<i32>} : memref<128x64xf32, #tpu.memory_space<vmem>>, vector<1x16xf32>,
        %swap3A_495 = vector.shape_cast %swap3A_494 : vector<1x16xf32> to vector<16xf32>
        %swap3A_496 = vector.shape_cast %get3A_491 : vector<16xf32> to vector<1x16xf32>
        tpu.vector_store %arg8[%swap3A_492, %swap3A_493], %swap3A_496 {add = true, strides = array<i32>} : memref<128x64xf32, #tpu.memory_space<vmem>>, vector<1x16xf32>,
        %get3A_497 = arith.index_cast %add3A_478 : i32 to index
        %get3A_498 = arith.constant 32 : index
        %get3A_499 = tpu.vector_load %arg7[%get3A_497, %get3A_498] {strides = array<i32>} : memref<400x64xf32, #tpu.memory_space<vmem>>, vector<1x16xf32>,
        %get3A_500 = vector.shape_cast %get3A_499 : vector<1x16xf32> to vector<16xf32>
        %swap3A_501 = arith.index_cast %add3A_477 : i32 to index
        %swap3A_502 = arith.constant 32 : index
        %swap3A_503 = tpu.vector_load %arg8[%swap3A_501, %swap3A_502] {strides = array<i32>} : memref<128x64xf32, #tpu.memory_space<vmem>>, vector<1x16xf32>,
        %swap3A_504 = vector.shape_cast %swap3A_503 : vector<1x16xf32> to vector<16xf32>
        %swap3A_505 = vector.shape_cast %get3A_500 : vector<16xf32> to vector<1x16xf32>
        tpu.vector_store %arg8[%swap3A_501, %swap3A_502], %swap3A_505 {add = true, strides = array<i32>} : memref<128x64xf32, #tpu.memory_space<vmem>>, vector<1x16xf32>,
        %get3A_506 = arith.index_cast %add3A_478 : i32 to index
        %get3A_507 = arith.constant 48 : index
        %get3A_508 = tpu.vector_load %arg7[%get3A_506, %get3A_507] {strides = array<i32>} : memref<400x64xf32, #tpu.memory_space<vmem>>, vector<1x16xf32>,
        %get3A_509 = vector.shape_cast %get3A_508 : vector<1x16xf32> to vector<16xf32>
        %swap3A_510 = arith.index_cast %add3A_477 : i32 to index
        %swap3A_511 = arith.constant 48 : index
        %swap3A_512 = tpu.vector_load %arg8[%swap3A_510, %swap3A_511] {strides = array<i32>} : memref<128x64xf32, #tpu.memory_space<vmem>>, vector<1x16xf32>,
        %swap3A_513 = vector.shape_cast %swap3A_512 : vector<1x16xf32> to vector<16xf32>
        %swap3A_514 = vector.shape_cast %get3A_509 : vector<16xf32> to vector<1x16xf32>
        tpu.vector_store %arg8[%swap3A_510, %swap3A_511], %swap3A_514 {add = true, strides = array<i32>} : memref<128x64xf32, #tpu.memory_space<vmem>>, vector<1x16xf32>,
        %scan3A_515 = arith.constant 7 : i32
        %scan3A_516 = arith.addi %scan3A_217, %scan3A_515 : i32
        %mul3A_517 = arith.constant 1 : i32
        %mul3A_518 = arith.muli %scan3A_516, %mul3A_517 : i32
        %add3A_519 = arith.constant 0 : i32
        %add3A_520 = arith.addi %add3A_519, %mul3A_518 : i32
        %add3A_521 = arith.addi %rem3A_105, %add3A_520 : i32
        %get3A_522 = arith.index_cast %add3A_521 : i32 to index
        %get3A_523 = arith.constant 0 : index
        %get3A_524 = tpu.vector_load %arg7[%get3A_522, %get3A_523] {strides = array<i32>} : memref<400x64xf32, #tpu.memory_space<vmem>>, vector<1x16xf32>,
        %get3A_525 = vector.shape_cast %get3A_524 : vector<1x16xf32> to vector<16xf32>
        %swap3A_526 = arith.index_cast %add3A_520 : i32 to index
        %swap3A_527 = arith.constant 0 : index
        %swap3A_528 = tpu.vector_load %arg8[%swap3A_526, %swap3A_527] {strides = array<i32>} : memref<128x64xf32, #tpu.memory_space<vmem>>, vector<1x16xf32>,
        %swap3A_529 = vector.shape_cast %swap3A_528 : vector<1x16xf32> to vector<16xf32>
        %swap3A_530 = vector.shape_cast %get3A_525 : vector<16xf32> to vector<1x16xf32>
        tpu.vector_store %arg8[%swap3A_526, %swap3A_527], %swap3A_530 {add = true, strides = array<i32>} : memref<128x64xf32, #tpu.memory_space<vmem>>, vector<1x16xf32>,
        %get3A_531 = arith.index_cast %add3A_521 : i32 to index
        %get3A_532 = arith.constant 16 : index
        %get3A_533 = tpu.vector_load %arg7[%get3A_531, %get3A_532] {strides = array<i32>} : memref<400x64xf32, #tpu.memory_space<vmem>>, vector<1x16xf32>,
        %get3A_534 = vector.shape_cast %get3A_533 : vector<1x16xf32> to vector<16xf32>
        %swap3A_535 = arith.index_cast %add3A_520 : i32 to index
        %swap3A_536 = arith.constant 16 : index
        %swap3A_537 = tpu.vector_load %arg8[%swap3A_535, %swap3A_536] {strides = array<i32>} : memref<128x64xf32, #tpu.memory_space<vmem>>, vector<1x16xf32>,
        %swap3A_538 = vector.shape_cast %swap3A_537 : vector<1x16xf32> to vector<16xf32>
        %swap3A_539 = vector.shape_cast %get3A_534 : vector<16xf32> to vector<1x16xf32>
        tpu.vector_store %arg8[%swap3A_535, %swap3A_536], %swap3A_539 {add = true, strides = array<i32>} : memref<128x64xf32, #tpu.memory_space<vmem>>, vector<1x16xf32>,
        %get3A_540 = arith.index_cast %add3A_521 : i32 to index
        %get3A_541 = arith.constant 32 : index
        %get3A_542 = tpu.vector_load %arg7[%get3A_540, %get3A_541] {strides = array<i32>} : memref<400x64xf32, #tpu.memory_space<vmem>>, vector<1x16xf32>,
        %get3A_543 = vector.shape_cast %get3A_542 : vector<1x16xf32> to vector<16xf32>
        %swap3A_544 = arith.index_cast %add3A_520 : i32 to index
        %swap3A_545 = arith.constant 32 : index
        %swap3A_546 = tpu.vector_load %arg8[%swap3A_544, %swap3A_545] {strides = array<i32>} : memref<128x64xf32, #tpu.memory_space<vmem>>, vector<1x16xf32>,
        %swap3A_547 = vector.shape_cast %swap3A_546 : vector<1x16xf32> to vector<16xf32>
        %swap3A_548 = vector.shape_cast %get3A_543 : vector<16xf32> to vector<1x16xf32>
        tpu.vector_store %arg8[%swap3A_544, %swap3A_545], %swap3A_548 {add = true, strides = array<i32>} : memref<128x64xf32, #tpu.memory_space<vmem>>, vector<1x16xf32>,
        %get3A_549 = arith.index_cast %add3A_521 : i32 to index
        %get3A_550 = arith.constant 48 : index
        %get3A_551 = tpu.vector_load %arg7[%get3A_549, %get3A_550] {strides = array<i32>} : memref<400x64xf32, #tpu.memory_space<vmem>>, vector<1x16xf32>,
        %get3A_552 = vector.shape_cast %get3A_551 : vector<1x16xf32> to vector<16xf32>
        %swap3A_553 = arith.index_cast %add3A_520 : i32 to index
        %swap3A_554 = arith.constant 48 : index
        %swap3A_555 = tpu.vector_load %arg8[%swap3A_553, %swap3A_554] {strides = array<i32>} : memref<128x64xf32, #tpu.memory_space<vmem>>, vector<1x16xf32>,
        %swap3A_556 = vector.shape_cast %swap3A_555 : vector<1x16xf32> to vector<16xf32>
        %swap3A_557 = vector.shape_cast %get3A_552 : vector<16xf32> to vector<1x16xf32>
        tpu.vector_store %arg8[%swap3A_553, %swap3A_554], %swap3A_557 {add = true, strides = array<i32>} : memref<128x64xf32, #tpu.memory_space<vmem>>, vector<1x16xf32>,
      }
      %scan3A_110 = arith.constant 128 : i32
      %mul3A_111 = arith.constant 128 : i32
      %mul3A_112 = arith.muli %add3A_91, %mul3A_111 : i32
      %add3A_113 = arith.addi %mul3A_2, %mul3A_112 : i32
      %dma_start3A_114 = arith.constant 0 : i32
      %dma_start3A_115 = tpu.memref_slice %arg5[%add3A_113, %dma_start3A_114] : memref<204800x64xf32, #tpu.memory_space<hbm>> -> memref<128x64xf32, #tpu.memory_space<hbm>>
      %dma_start3A_116 = arith.constant 0 : i32
      %dma_start3A_117 = tpu.memref_slice %arg5[%add3A_113, %dma_start3A_116] : memref<204800x64xf32, #tpu.memory_space<hbm>> -> memref<128x64xf32, #tpu.memory_space<hbm>>
      tpu.enqueue_dma source(%arg8 : memref<128x64xf32, #tpu.memory_space<vmem>>) target(%dma_start3A_117 : memref<128x64xf32, #tpu.memory_space<hbm>>) target_semaphore(%arg16 : memref<!tpu.dma_semaphore, #tpu.memory_space<semaphore_mem>>)
      %mul3A_118 = arith.constant 4 : i32
      %mul3A_119 = arith.muli %add3A_87, %mul3A_118 : i32
      %add3A_120 = arith.constant 1 : i32
      %add3A_121 = arith.addi %mul3A_119, %add3A_120 : i32
      %dma_wait3A_122 = arith.constant 0 : i32
      %dma_wait3A_123 = arith.constant 0 : i32
      %dma_wait3A_124 = tpu.memref_slice %arg4[%dma_wait3A_122, %dma_wait3A_123] : memref<1000000x64xf32, #tpu.memory_space<hbm>> -> memref<128x64xf32, #tpu.memory_space<hbm>>
      %dma_wait3A_125 = arith.constant 0 : i32
      %dma_wait3A_126 = arith.constant 0 : i32
      %dma_wait3A_127 = tpu.memref_slice %arg4[%dma_wait3A_125, %dma_wait3A_126] : memref<1000000x64xf32, #tpu.memory_space<hbm>> -> memref<128x64xf32, #tpu.memory_space<hbm>>
      tpu.wait_dma2 semaphore(%arg13 : memref<!tpu.dma_semaphore, #tpu.memory_space<semaphore_mem>>) src(%dma_wait3A_127 : memref<128x64xf32, #tpu.memory_space<hbm>>) dst(%arg9 : memref<128x64xf32, #tpu.memory_space<vmem>>)
      %add3A_128 = arith.constant 3 : i32
      %add3A_129 = arith.addi %add3A_121, %add3A_128 : i32
      %lt3A_130 = arith.constant 50 : i32
      %lt3A_131 = arith.cmpi slt, %add3A_129, %lt3A_130 : i32
      %convert_element_type3A_132 = arith.extui %lt3A_131 : i1 to i32
      %cond3A_133 = arith.constant 0 : i32
      %cond3A_134 = arith.cmpi ne, %convert_element_type3A_132, %cond3A_133 : i32
      scf.if %cond3A_134 {
        %ge3A = arith.constant 1 : i32
        %ge3A_217 = arith.cmpi sge, %add3A_121, %ge3A : i32
        %convert_element_type3A_218 = arith.extui %ge3A_217 : i1 to i32
        %cond3A_219 = arith.constant 0 : i32
        %cond3A_220 = arith.cmpi ne, %convert_element_type3A_218, %cond3A_219 : i32
        scf.if %cond3A_220 {
          %dma_wait3A_229 = arith.constant 0 : i32
          %dma_wait3A_230 = arith.constant 0 : i32
          %dma_wait3A_231 = tpu.memref_slice %arg4[%dma_wait3A_229, %dma_wait3A_230] : memref<1000000x64xf32, #tpu.memory_space<hbm>> -> memref<128x64xf32, #tpu.memory_space<hbm>>
          %dma_wait3A_232 = arith.constant 0 : i32
          %dma_wait3A_233 = arith.constant 0 : i32
          %dma_wait3A_234 = tpu.memref_slice %arg4[%dma_wait3A_232, %dma_wait3A_233] : memref<1000000x64xf32, #tpu.memory_space<hbm>> -> memref<128x64xf32, #tpu.memory_space<hbm>>
          tpu.wait_dma2 semaphore(%arg16 : memref<!tpu.dma_semaphore, #tpu.memory_space<semaphore_mem>>) src(%dma_wait3A_234 : memref<128x64xf32, #tpu.memory_space<hbm>>) dst(%arg8 : memref<128x64xf32, #tpu.memory_space<vmem>>)
        } else {
        }
        %add3A_221 = arith.constant 3 : i32
        %add3A_222 = arith.addi %add3A_121, %add3A_221 : i32
        %mul3A_223 = arith.constant 128 : i32
        %mul3A_224 = arith.muli %add3A_222, %mul3A_223 : i32
        %dma_start3A_225 = tpu.memref_slice %arg6[%mul3A_224] : memref<6400xi32, #tpu.memory_space<vmem>> -> memref<128xi32, #tpu.memory_space<vmem>>
        %dma_start3A_226 = arith.constant 0 : i32
        %dma_start3A_227 = arith.constant 0 : i32
        %dma_start3A_228 = tpu.memref_slice %arg4[%dma_start3A_226, %dma_start3A_227] : memref<1000000x64xf32, #tpu.memory_space<hbm>> -> memref<1000000x64xf32, #tpu.memory_space<hbm>>
        tpu.enqueue_indirect_dma source(%dma_start3A_228 : memref<1000000x64xf32, #tpu.memory_space<hbm>>) target(%arg8 : memref<128x64xf32, #tpu.memory_space<vmem>>) offsets(%dma_start3A_225 : memref<128xi32, #tpu.memory_space<vmem>>) semaphore(%arg12 : memref<!tpu.dma_semaphore, #tpu.memory_space<semaphore_mem>>)
      } else {
      }
      %mul3A_135 = arith.constant 128 : i32
      %mul3A_136 = arith.muli %add3A_121, %mul3A_135 : i32
      %rem3A_137 = arith.constant 200 : i32
      %rem3A_138 = arith.remsi %mul3A_136, %rem3A_137 : i32
      %scan3A_139 = arith.constant 0 : i32
      %scan3A_140 = arith.constant 128 : i32
      %scan3A_141 = arith.addi %scan3A_139, %scan3A_140 : i32
      %scan3A_142 = arith.constant 8 : i32
      scf.for %scan3A_217 = %scan3A_139 to %scan3A_141 step %scan3A_142  : i32 {
        %mul3A_218 = arith.constant 1 : i32
        %mul3A_219 = arith.muli %scan3A_217, %mul3A_218 : i32
        %add3A_220 = arith.constant 0 : i32
        %add3A_221 = arith.addi %add3A_220, %mul3A_219 : i32
        %add3A_222 = arith.addi %rem3A_138, %add3A_221 : i32
        %get3A = arith.index_cast %add3A_222 : i32 to index
        %get3A_223 = arith.constant 0 : index
        %get3A_224 = tpu.vector_load %arg7[%get3A, %get3A_223] {strides = array<i32>} : memref<400x64xf32, #tpu.memory_space<vmem>>, vector<1x16xf32>,
        %get3A_225 = vector.shape_cast %get3A_224 : vector<1x16xf32> to vector<16xf32>
        %swap3A = arith.index_cast %add3A_221 : i32 to index
        %swap3A_226 = arith.constant 0 : index
        %swap3A_227 = tpu.vector_load %arg9[%swap3A, %swap3A_226] {strides = array<i32>} : memref<128x64xf32, #tpu.memory_space<vmem>>, vector<1x16xf32>,
        %swap3A_228 = vector.shape_cast %swap3A_227 : vector<1x16xf32> to vector<16xf32>
        %swap3A_229 = vector.shape_cast %get3A_225 : vector<16xf32> to vector<1x16xf32>
        tpu.vector_store %arg9[%swap3A, %swap3A_226], %swap3A_229 {add = true, strides = array<i32>} : memref<128x64xf32, #tpu.memory_space<vmem>>, vector<1x16xf32>,
        %get3A_230 = arith.index_cast %add3A_222 : i32 to index
        %get3A_231 = arith.constant 16 : index
        %get3A_232 = tpu.vector_load %arg7[%get3A_230, %get3A_231] {strides = array<i32>} : memref<400x64xf32, #tpu.memory_space<vmem>>, vector<1x16xf32>,
        %get3A_233 = vector.shape_cast %get3A_232 : vector<1x16xf32> to vector<16xf32>
        %swap3A_234 = arith.index_cast %add3A_221 : i32 to index
        %swap3A_235 = arith.constant 16 : index
        %swap3A_236 = tpu.vector_load %arg9[%swap3A_234, %swap3A_235] {strides = array<i32>} : memref<128x64xf32, #tpu.memory_space<vmem>>, vector<1x16xf32>,
        %swap3A_237 = vector.shape_cast %swap3A_236 : vector<1x16xf32> to vector<16xf32>
        %swap3A_238 = vector.shape_cast %get3A_233 : vector<16xf32> to vector<1x16xf32>
        tpu.vector_store %arg9[%swap3A_234, %swap3A_235], %swap3A_238 {add = true, strides = array<i32>} : memref<128x64xf32, #tpu.memory_space<vmem>>, vector<1x16xf32>,
        %get3A_239 = arith.index_cast %add3A_222 : i32 to index
        %get3A_240 = arith.constant 32 : index
        %get3A_241 = tpu.vector_load %arg7[%get3A_239, %get3A_240] {strides = array<i32>} : memref<400x64xf32, #tpu.memory_space<vmem>>, vector<1x16xf32>,
        %get3A_242 = vector.shape_cast %get3A_241 : vector<1x16xf32> to vector<16xf32>
        %swap3A_243 = arith.index_cast %add3A_221 : i32 to index
        %swap3A_244 = arith.constant 32 : index
        %swap3A_245 = tpu.vector_load %arg9[%swap3A_243, %swap3A_244] {strides = array<i32>} : memref<128x64xf32, #tpu.memory_space<vmem>>, vector<1x16xf32>,
        %swap3A_246 = vector.shape_cast %swap3A_245 : vector<1x16xf32> to vector<16xf32>
        %swap3A_247 = vector.shape_cast %get3A_242 : vector<16xf32> to vector<1x16xf32>
        tpu.vector_store %arg9[%swap3A_243, %swap3A_244], %swap3A_247 {add = true, strides = array<i32>} : memref<128x64xf32, #tpu.memory_space<vmem>>, vector<1x16xf32>,
        %get3A_248 = arith.index_cast %add3A_222 : i32 to index
        %get3A_249 = arith.constant 48 : index
        %get3A_250 = tpu.vector_load %arg7[%get3A_248, %get3A_249] {strides = array<i32>} : memref<400x64xf32, #tpu.memory_space<vmem>>, vector<1x16xf32>,
        %get3A_251 = vector.shape_cast %get3A_250 : vector<1x16xf32> to vector<16xf32>
        %swap3A_252 = arith.index_cast %add3A_221 : i32 to index
        %swap3A_253 = arith.constant 48 : index
        %swap3A_254 = tpu.vector_load %arg9[%swap3A_252, %swap3A_253] {strides = array<i32>} : memref<128x64xf32, #tpu.memory_space<vmem>>, vector<1x16xf32>,
        %swap3A_255 = vector.shape_cast %swap3A_254 : vector<1x16xf32> to vector<16xf32>
        %swap3A_256 = vector.shape_cast %get3A_251 : vector<16xf32> to vector<1x16xf32>
        tpu.vector_store %arg9[%swap3A_252, %swap3A_253], %swap3A_256 {add = true, strides = array<i32>} : memref<128x64xf32, #tpu.memory_space<vmem>>, vector<1x16xf32>,
        %scan3A_257 = arith.constant 1 : i32
        %scan3A_258 = arith.addi %scan3A_217, %scan3A_257 : i32
        %mul3A_259 = arith.constant 1 : i32
        %mul3A_260 = arith.muli %scan3A_258, %mul3A_259 : i32
        %add3A_261 = arith.constant 0 : i32
        %add3A_262 = arith.addi %add3A_261, %mul3A_260 : i32
        %add3A_263 = arith.addi %rem3A_138, %add3A_262 : i32
        %get3A_264 = arith.index_cast %add3A_263 : i32 to index
        %get3A_265 = arith.constant 0 : index
        %get3A_266 = tpu.vector_load %arg7[%get3A_264, %get3A_265] {strides = array<i32>} : memref<400x64xf32, #tpu.memory_space<vmem>>, vector<1x16xf32>,
        %get3A_267 = vector.shape_cast %get3A_266 : vector<1x16xf32> to vector<16xf32>
        %swap3A_268 = arith.index_cast %add3A_262 : i32 to index
        %swap3A_269 = arith.constant 0 : index
        %swap3A_270 = tpu.vector_load %arg9[%swap3A_268, %swap3A_269] {strides = array<i32>} : memref<128x64xf32, #tpu.memory_space<vmem>>, vector<1x16xf32>,
        %swap3A_271 = vector.shape_cast %swap3A_270 : vector<1x16xf32> to vector<16xf32>
        %swap3A_272 = vector.shape_cast %get3A_267 : vector<16xf32> to vector<1x16xf32>
        tpu.vector_store %arg9[%swap3A_268, %swap3A_269], %swap3A_272 {add = true, strides = array<i32>} : memref<128x64xf32, #tpu.memory_space<vmem>>, vector<1x16xf32>,
        %get3A_273 = arith.index_cast %add3A_263 : i32 to index
        %get3A_274 = arith.constant 16 : index
        %get3A_275 = tpu.vector_load %arg7[%get3A_273, %get3A_274] {strides = array<i32>} : memref<400x64xf32, #tpu.memory_space<vmem>>, vector<1x16xf32>,
        %get3A_276 = vector.shape_cast %get3A_275 : vector<1x16xf32> to vector<16xf32>
        %swap3A_277 = arith.index_cast %add3A_262 : i32 to index
        %swap3A_278 = arith.constant 16 : index
        %swap3A_279 = tpu.vector_load %arg9[%swap3A_277, %swap3A_278] {strides = array<i32>} : memref<128x64xf32, #tpu.memory_space<vmem>>, vector<1x16xf32>,
        %swap3A_280 = vector.shape_cast %swap3A_279 : vector<1x16xf32> to vector<16xf32>
        %swap3A_281 = vector.shape_cast %get3A_276 : vector<16xf32> to vector<1x16xf32>
        tpu.vector_store %arg9[%swap3A_277, %swap3A_278], %swap3A_281 {add = true, strides = array<i32>} : memref<128x64xf32, #tpu.memory_space<vmem>>, vector<1x16xf32>,
        %get3A_282 = arith.index_cast %add3A_263 : i32 to index
        %get3A_283 = arith.constant 32 : index
        %get3A_284 = tpu.vector_load %arg7[%get3A_282, %get3A_283] {strides = array<i32>} : memref<400x64xf32, #tpu.memory_space<vmem>>, vector<1x16xf32>,
        %get3A_285 = vector.shape_cast %get3A_284 : vector<1x16xf32> to vector<16xf32>
        %swap3A_286 = arith.index_cast %add3A_262 : i32 to index
        %swap3A_287 = arith.constant 32 : index
        %swap3A_288 = tpu.vector_load %arg9[%swap3A_286, %swap3A_287] {strides = array<i32>} : memref<128x64xf32, #tpu.memory_space<vmem>>, vector<1x16xf32>,
        %swap3A_289 = vector.shape_cast %swap3A_288 : vector<1x16xf32> to vector<16xf32>
        %swap3A_290 = vector.shape_cast %get3A_285 : vector<16xf32> to vector<1x16xf32>
        tpu.vector_store %arg9[%swap3A_286, %swap3A_287], %swap3A_290 {add = true, strides = array<i32>} : memref<128x64xf32, #tpu.memory_space<vmem>>, vector<1x16xf32>,
        %get3A_291 = arith.index_cast %add3A_263 : i32 to index
        %get3A_292 = arith.constant 48 : index
        %get3A_293 = tpu.vector_load %arg7[%get3A_291, %get3A_292] {strides = array<i32>} : memref<400x64xf32, #tpu.memory_space<vmem>>, vector<1x16xf32>,
        %get3A_294 = vector.shape_cast %get3A_293 : vector<1x16xf32> to vector<16xf32>
        %swap3A_295 = arith.index_cast %add3A_262 : i32 to index
        %swap3A_296 = arith.constant 48 : index
        %swap3A_297 = tpu.vector_load %arg9[%swap3A_295, %swap3A_296] {strides = array<i32>} : memref<128x64xf32, #tpu.memory_space<vmem>>, vector<1x16xf32>,
        %swap3A_298 = vector.shape_cast %swap3A_297 : vector<1x16xf32> to vector<16xf32>
        %swap3A_299 = vector.shape_cast %get3A_294 : vector<16xf32> to vector<1x16xf32>
        tpu.vector_store %arg9[%swap3A_295, %swap3A_296], %swap3A_299 {add = true, strides = array<i32>} : memref<128x64xf32, #tpu.memory_space<vmem>>, vector<1x16xf32>,
        %scan3A_300 = arith.constant 2 : i32
        %scan3A_301 = arith.addi %scan3A_217, %scan3A_300 : i32
        %mul3A_302 = arith.constant 1 : i32
        %mul3A_303 = arith.muli %scan3A_301, %mul3A_302 : i32
        %add3A_304 = arith.constant 0 : i32
        %add3A_305 = arith.addi %add3A_304, %mul3A_303 : i32
        %add3A_306 = arith.addi %rem3A_138, %add3A_305 : i32
        %get3A_307 = arith.index_cast %add3A_306 : i32 to index
        %get3A_308 = arith.constant 0 : index
        %get3A_309 = tpu.vector_load %arg7[%get3A_307, %get3A_308] {strides = array<i32>} : memref<400x64xf32, #tpu.memory_space<vmem>>, vector<1x16xf32>,
        %get3A_310 = vector.shape_cast %get3A_309 : vector<1x16xf32> to vector<16xf32>
        %swap3A_311 = arith.index_cast %add3A_305 : i32 to index
        %swap3A_312 = arith.constant 0 : index
        %swap3A_313 = tpu.vector_load %arg9[%swap3A_311, %swap3A_312] {strides = array<i32>} : memref<128x64xf32, #tpu.memory_space<vmem>>, vector<1x16xf32>,
        %swap3A_314 = vector.shape_cast %swap3A_313 : vector<1x16xf32> to vector<16xf32>
        %swap3A_315 = vector.shape_cast %get3A_310 : vector<16xf32> to vector<1x16xf32>
        tpu.vector_store %arg9[%swap3A_311, %swap3A_312], %swap3A_315 {add = true, strides = array<i32>} : memref<128x64xf32, #tpu.memory_space<vmem>>, vector<1x16xf32>,
        %get3A_316 = arith.index_cast %add3A_306 : i32 to index
        %get3A_317 = arith.constant 16 : index
        %get3A_318 = tpu.vector_load %arg7[%get3A_316, %get3A_317] {strides = array<i32>} : memref<400x64xf32, #tpu.memory_space<vmem>>, vector<1x16xf32>,
        %get3A_319 = vector.shape_cast %get3A_318 : vector<1x16xf32> to vector<16xf32>
        %swap3A_320 = arith.index_cast %add3A_305 : i32 to index
        %swap3A_321 = arith.constant 16 : index
        %swap3A_322 = tpu.vector_load %arg9[%swap3A_320, %swap3A_321] {strides = array<i32>} : memref<128x64xf32, #tpu.memory_space<vmem>>, vector<1x16xf32>,
        %swap3A_323 = vector.shape_cast %swap3A_322 : vector<1x16xf32> to vector<16xf32>
        %swap3A_324 = vector.shape_cast %get3A_319 : vector<16xf32> to vector<1x16xf32>
        tpu.vector_store %arg9[%swap3A_320, %swap3A_321], %swap3A_324 {add = true, strides = array<i32>} : memref<128x64xf32, #tpu.memory_space<vmem>>, vector<1x16xf32>,
        %get3A_325 = arith.index_cast %add3A_306 : i32 to index
        %get3A_326 = arith.constant 32 : index
        %get3A_327 = tpu.vector_load %arg7[%get3A_325, %get3A_326] {strides = array<i32>} : memref<400x64xf32, #tpu.memory_space<vmem>>, vector<1x16xf32>,
        %get3A_328 = vector.shape_cast %get3A_327 : vector<1x16xf32> to vector<16xf32>
        %swap3A_329 = arith.index_cast %add3A_305 : i32 to index
        %swap3A_330 = arith.constant 32 : index
        %swap3A_331 = tpu.vector_load %arg9[%swap3A_329, %swap3A_330] {strides = array<i32>} : memref<128x64xf32, #tpu.memory_space<vmem>>, vector<1x16xf32>,
        %swap3A_332 = vector.shape_cast %swap3A_331 : vector<1x16xf32> to vector<16xf32>
        %swap3A_333 = vector.shape_cast %get3A_328 : vector<16xf32> to vector<1x16xf32>
        tpu.vector_store %arg9[%swap3A_329, %swap3A_330], %swap3A_333 {add = true, strides = array<i32>} : memref<128x64xf32, #tpu.memory_space<vmem>>, vector<1x16xf32>,
        %get3A_334 = arith.index_cast %add3A_306 : i32 to index
        %get3A_335 = arith.constant 48 : index
        %get3A_336 = tpu.vector_load %arg7[%get3A_334, %get3A_335] {strides = array<i32>} : memref<400x64xf32, #tpu.memory_space<vmem>>, vector<1x16xf32>,
        %get3A_337 = vector.shape_cast %get3A_336 : vector<1x16xf32> to vector<16xf32>
        %swap3A_338 = arith.index_cast %add3A_305 : i32 to index
        %swap3A_339 = arith.constant 48 : index
        %swap3A_340 = tpu.vector_load %arg9[%swap3A_338, %swap3A_339] {strides = array<i32>} : memref<128x64xf32, #tpu.memory_space<vmem>>, vector<1x16xf32>,
        %swap3A_341 = vector.shape_cast %swap3A_340 : vector<1x16xf32> to vector<16xf32>
        %swap3A_342 = vector.shape_cast %get3A_337 : vector<16xf32> to vector<1x16xf32>
        tpu.vector_store %arg9[%swap3A_338, %swap3A_339], %swap3A_342 {add = true, strides = array<i32>} : memref<128x64xf32, #tpu.memory_space<vmem>>, vector<1x16xf32>,
        %scan3A_343 = arith.constant 3 : i32
        %scan3A_344 = arith.addi %scan3A_217, %scan3A_343 : i32
        %mul3A_345 = arith.constant 1 : i32
        %mul3A_346 = arith.muli %scan3A_344, %mul3A_345 : i32
        %add3A_347 = arith.constant 0 : i32
        %add3A_348 = arith.addi %add3A_347, %mul3A_346 : i32
        %add3A_349 = arith.addi %rem3A_138, %add3A_348 : i32
        %get3A_350 = arith.index_cast %add3A_349 : i32 to index
        %get3A_351 = arith.constant 0 : index
        %get3A_352 = tpu.vector_load %arg7[%get3A_350, %get3A_351] {strides = array<i32>} : memref<400x64xf32, #tpu.memory_space<vmem>>, vector<1x16xf32>,
        %get3A_353 = vector.shape_cast %get3A_352 : vector<1x16xf32> to vector<16xf32>
        %swap3A_354 = arith.index_cast %add3A_348 : i32 to index
        %swap3A_355 = arith.constant 0 : index
        %swap3A_356 = tpu.vector_load %arg9[%swap3A_354, %swap3A_355] {strides = array<i32>} : memref<128x64xf32, #tpu.memory_space<vmem>>, vector<1x16xf32>,
        %swap3A_357 = vector.shape_cast %swap3A_356 : vector<1x16xf32> to vector<16xf32>
        %swap3A_358 = vector.shape_cast %get3A_353 : vector<16xf32> to vector<1x16xf32>
        tpu.vector_store %arg9[%swap3A_354, %swap3A_355], %swap3A_358 {add = true, strides = array<i32>} : memref<128x64xf32, #tpu.memory_space<vmem>>, vector<1x16xf32>,
        %get3A_359 = arith.index_cast %add3A_349 : i32 to index
        %get3A_360 = arith.constant 16 : index
        %get3A_361 = tpu.vector_load %arg7[%get3A_359, %get3A_360] {strides = array<i32>} : memref<400x64xf32, #tpu.memory_space<vmem>>, vector<1x16xf32>,
        %get3A_362 = vector.shape_cast %get3A_361 : vector<1x16xf32> to vector<16xf32>
        %swap3A_363 = arith.index_cast %add3A_348 : i32 to index
        %swap3A_364 = arith.constant 16 : index
        %swap3A_365 = tpu.vector_load %arg9[%swap3A_363, %swap3A_364] {strides = array<i32>} : memref<128x64xf32, #tpu.memory_space<vmem>>, vector<1x16xf32>,
        %swap3A_366 = vector.shape_cast %swap3A_365 : vector<1x16xf32> to vector<16xf32>
        %swap3A_367 = vector.shape_cast %get3A_362 : vector<16xf32> to vector<1x16xf32>
        tpu.vector_store %arg9[%swap3A_363, %swap3A_364], %swap3A_367 {add = true, strides = array<i32>} : memref<128x64xf32, #tpu.memory_space<vmem>>, vector<1x16xf32>,
        %get3A_368 = arith.index_cast %add3A_349 : i32 to index
        %get3A_369 = arith.constant 32 : index
        %get3A_370 = tpu.vector_load %arg7[%get3A_368, %get3A_369] {strides = array<i32>} : memref<400x64xf32, #tpu.memory_space<vmem>>, vector<1x16xf32>,
        %get3A_371 = vector.shape_cast %get3A_370 : vector<1x16xf32> to vector<16xf32>
        %swap3A_372 = arith.index_cast %add3A_348 : i32 to index
        %swap3A_373 = arith.constant 32 : index
        %swap3A_374 = tpu.vector_load %arg9[%swap3A_372, %swap3A_373] {strides = array<i32>} : memref<128x64xf32, #tpu.memory_space<vmem>>, vector<1x16xf32>,
        %swap3A_375 = vector.shape_cast %swap3A_374 : vector<1x16xf32> to vector<16xf32>
        %swap3A_376 = vector.shape_cast %get3A_371 : vector<16xf32> to vector<1x16xf32>
        tpu.vector_store %arg9[%swap3A_372, %swap3A_373], %swap3A_376 {add = true, strides = array<i32>} : memref<128x64xf32, #tpu.memory_space<vmem>>, vector<1x16xf32>,
        %get3A_377 = arith.index_cast %add3A_349 : i32 to index
        %get3A_378 = arith.constant 48 : index
        %get3A_379 = tpu.vector_load %arg7[%get3A_377, %get3A_378] {strides = array<i32>} : memref<400x64xf32, #tpu.memory_space<vmem>>, vector<1x16xf32>,
        %get3A_380 = vector.shape_cast %get3A_379 : vector<1x16xf32> to vector<16xf32>
        %swap3A_381 = arith.index_cast %add3A_348 : i32 to index
        %swap3A_382 = arith.constant 48 : index
        %swap3A_383 = tpu.vector_load %arg9[%swap3A_381, %swap3A_382] {strides = array<i32>} : memref<128x64xf32, #tpu.memory_space<vmem>>, vector<1x16xf32>,
        %swap3A_384 = vector.shape_cast %swap3A_383 : vector<1x16xf32> to vector<16xf32>
        %swap3A_385 = vector.shape_cast %get3A_380 : vector<16xf32> to vector<1x16xf32>
        tpu.vector_store %arg9[%swap3A_381, %swap3A_382], %swap3A_385 {add = true, strides = array<i32>} : memref<128x64xf32, #tpu.memory_space<vmem>>, vector<1x16xf32>,
        %scan3A_386 = arith.constant 4 : i32
        %scan3A_387 = arith.addi %scan3A_217, %scan3A_386 : i32
        %mul3A_388 = arith.constant 1 : i32
        %mul3A_389 = arith.muli %scan3A_387, %mul3A_388 : i32
        %add3A_390 = arith.constant 0 : i32
        %add3A_391 = arith.addi %add3A_390, %mul3A_389 : i32
        %add3A_392 = arith.addi %rem3A_138, %add3A_391 : i32
        %get3A_393 = arith.index_cast %add3A_392 : i32 to index
        %get3A_394 = arith.constant 0 : index
        %get3A_395 = tpu.vector_load %arg7[%get3A_393, %get3A_394] {strides = array<i32>} : memref<400x64xf32, #tpu.memory_space<vmem>>, vector<1x16xf32>,
        %get3A_396 = vector.shape_cast %get3A_395 : vector<1x16xf32> to vector<16xf32>
        %swap3A_397 = arith.index_cast %add3A_391 : i32 to index
        %swap3A_398 = arith.constant 0 : index
        %swap3A_399 = tpu.vector_load %arg9[%swap3A_397, %swap3A_398] {strides = array<i32>} : memref<128x64xf32, #tpu.memory_space<vmem>>, vector<1x16xf32>,
        %swap3A_400 = vector.shape_cast %swap3A_399 : vector<1x16xf32> to vector<16xf32>
        %swap3A_401 = vector.shape_cast %get3A_396 : vector<16xf32> to vector<1x16xf32>
        tpu.vector_store %arg9[%swap3A_397, %swap3A_398], %swap3A_401 {add = true, strides = array<i32>} : memref<128x64xf32, #tpu.memory_space<vmem>>, vector<1x16xf32>,
        %get3A_402 = arith.index_cast %add3A_392 : i32 to index
        %get3A_403 = arith.constant 16 : index
        %get3A_404 = tpu.vector_load %arg7[%get3A_402, %get3A_403] {strides = array<i32>} : memref<400x64xf32, #tpu.memory_space<vmem>>, vector<1x16xf32>,
        %get3A_405 = vector.shape_cast %get3A_404 : vector<1x16xf32> to vector<16xf32>
        %swap3A_406 = arith.index_cast %add3A_391 : i32 to index
        %swap3A_407 = arith.constant 16 : index
        %swap3A_408 = tpu.vector_load %arg9[%swap3A_406, %swap3A_407] {strides = array<i32>} : memref<128x64xf32, #tpu.memory_space<vmem>>, vector<1x16xf32>,
        %swap3A_409 = vector.shape_cast %swap3A_408 : vector<1x16xf32> to vector<16xf32>
        %swap3A_410 = vector.shape_cast %get3A_405 : vector<16xf32> to vector<1x16xf32>
        tpu.vector_store %arg9[%swap3A_406, %swap3A_407], %swap3A_410 {add = true, strides = array<i32>} : memref<128x64xf32, #tpu.memory_space<vmem>>, vector<1x16xf32>,
        %get3A_411 = arith.index_cast %add3A_392 : i32 to index
        %get3A_412 = arith.constant 32 : index
        %get3A_413 = tpu.vector_load %arg7[%get3A_411, %get3A_412] {strides = array<i32>} : memref<400x64xf32, #tpu.memory_space<vmem>>, vector<1x16xf32>,
        %get3A_414 = vector.shape_cast %get3A_413 : vector<1x16xf32> to vector<16xf32>
        %swap3A_415 = arith.index_cast %add3A_391 : i32 to index
        %swap3A_416 = arith.constant 32 : index
        %swap3A_417 = tpu.vector_load %arg9[%swap3A_415, %swap3A_416] {strides = array<i32>} : memref<128x64xf32, #tpu.memory_space<vmem>>, vector<1x16xf32>,
        %swap3A_418 = vector.shape_cast %swap3A_417 : vector<1x16xf32> to vector<16xf32>
        %swap3A_419 = vector.shape_cast %get3A_414 : vector<16xf32> to vector<1x16xf32>
        tpu.vector_store %arg9[%swap3A_415, %swap3A_416], %swap3A_419 {add = true, strides = array<i32>} : memref<128x64xf32, #tpu.memory_space<vmem>>, vector<1x16xf32>,
        %get3A_420 = arith.index_cast %add3A_392 : i32 to index
        %get3A_421 = arith.constant 48 : index
        %get3A_422 = tpu.vector_load %arg7[%get3A_420, %get3A_421] {strides = array<i32>} : memref<400x64xf32, #tpu.memory_space<vmem>>, vector<1x16xf32>,
        %get3A_423 = vector.shape_cast %get3A_422 : vector<1x16xf32> to vector<16xf32>
        %swap3A_424 = arith.index_cast %add3A_391 : i32 to index
        %swap3A_425 = arith.constant 48 : index
        %swap3A_426 = tpu.vector_load %arg9[%swap3A_424, %swap3A_425] {strides = array<i32>} : memref<128x64xf32, #tpu.memory_space<vmem>>, vector<1x16xf32>,
        %swap3A_427 = vector.shape_cast %swap3A_426 : vector<1x16xf32> to vector<16xf32>
        %swap3A_428 = vector.shape_cast %get3A_423 : vector<16xf32> to vector<1x16xf32>
        tpu.vector_store %arg9[%swap3A_424, %swap3A_425], %swap3A_428 {add = true, strides = array<i32>} : memref<128x64xf32, #tpu.memory_space<vmem>>, vector<1x16xf32>,
        %scan3A_429 = arith.constant 5 : i32
        %scan3A_430 = arith.addi %scan3A_217, %scan3A_429 : i32
        %mul3A_431 = arith.constant 1 : i32
        %mul3A_432 = arith.muli %scan3A_430, %mul3A_431 : i32
        %add3A_433 = arith.constant 0 : i32
        %add3A_434 = arith.addi %add3A_433, %mul3A_432 : i32
        %add3A_435 = arith.addi %rem3A_138, %add3A_434 : i32
        %get3A_436 = arith.index_cast %add3A_435 : i32 to index
        %get3A_437 = arith.constant 0 : index
        %get3A_438 = tpu.vector_load %arg7[%get3A_436, %get3A_437] {strides = array<i32>} : memref<400x64xf32, #tpu.memory_space<vmem>>, vector<1x16xf32>,
        %get3A_439 = vector.shape_cast %get3A_438 : vector<1x16xf32> to vector<16xf32>
        %swap3A_440 = arith.index_cast %add3A_434 : i32 to index
        %swap3A_441 = arith.constant 0 : index
        %swap3A_442 = tpu.vector_load %arg9[%swap3A_440, %swap3A_441] {strides = array<i32>} : memref<128x64xf32, #tpu.memory_space<vmem>>, vector<1x16xf32>,
        %swap3A_443 = vector.shape_cast %swap3A_442 : vector<1x16xf32> to vector<16xf32>
        %swap3A_444 = vector.shape_cast %get3A_439 : vector<16xf32> to vector<1x16xf32>
        tpu.vector_store %arg9[%swap3A_440, %swap3A_441], %swap3A_444 {add = true, strides = array<i32>} : memref<128x64xf32, #tpu.memory_space<vmem>>, vector<1x16xf32>,
        %get3A_445 = arith.index_cast %add3A_435 : i32 to index
        %get3A_446 = arith.constant 16 : index
        %get3A_447 = tpu.vector_load %arg7[%get3A_445, %get3A_446] {strides = array<i32>} : memref<400x64xf32, #tpu.memory_space<vmem>>, vector<1x16xf32>,
        %get3A_448 = vector.shape_cast %get3A_447 : vector<1x16xf32> to vector<16xf32>
        %swap3A_449 = arith.index_cast %add3A_434 : i32 to index
        %swap3A_450 = arith.constant 16 : index
        %swap3A_451 = tpu.vector_load %arg9[%swap3A_449, %swap3A_450] {strides = array<i32>} : memref<128x64xf32, #tpu.memory_space<vmem>>, vector<1x16xf32>,
        %swap3A_452 = vector.shape_cast %swap3A_451 : vector<1x16xf32> to vector<16xf32>
        %swap3A_453 = vector.shape_cast %get3A_448 : vector<16xf32> to vector<1x16xf32>
        tpu.vector_store %arg9[%swap3A_449, %swap3A_450], %swap3A_453 {add = true, strides = array<i32>} : memref<128x64xf32, #tpu.memory_space<vmem>>, vector<1x16xf32>,
        %get3A_454 = arith.index_cast %add3A_435 : i32 to index
        %get3A_455 = arith.constant 32 : index
        %get3A_456 = tpu.vector_load %arg7[%get3A_454, %get3A_455] {strides = array<i32>} : memref<400x64xf32, #tpu.memory_space<vmem>>, vector<1x16xf32>,
        %get3A_457 = vector.shape_cast %get3A_456 : vector<1x16xf32> to vector<16xf32>
        %swap3A_458 = arith.index_cast %add3A_434 : i32 to index
        %swap3A_459 = arith.constant 32 : index
        %swap3A_460 = tpu.vector_load %arg9[%swap3A_458, %swap3A_459] {strides = array<i32>} : memref<128x64xf32, #tpu.memory_space<vmem>>, vector<1x16xf32>,
        %swap3A_461 = vector.shape_cast %swap3A_460 : vector<1x16xf32> to vector<16xf32>
        %swap3A_462 = vector.shape_cast %get3A_457 : vector<16xf32> to vector<1x16xf32>
        tpu.vector_store %arg9[%swap3A_458, %swap3A_459], %swap3A_462 {add = true, strides = array<i32>} : memref<128x64xf32, #tpu.memory_space<vmem>>, vector<1x16xf32>,
        %get3A_463 = arith.index_cast %add3A_435 : i32 to index
        %get3A_464 = arith.constant 48 : index
        %get3A_465 = tpu.vector_load %arg7[%get3A_463, %get3A_464] {strides = array<i32>} : memref<400x64xf32, #tpu.memory_space<vmem>>, vector<1x16xf32>,
        %get3A_466 = vector.shape_cast %get3A_465 : vector<1x16xf32> to vector<16xf32>
        %swap3A_467 = arith.index_cast %add3A_434 : i32 to index
        %swap3A_468 = arith.constant 48 : index
        %swap3A_469 = tpu.vector_load %arg9[%swap3A_467, %swap3A_468] {strides = array<i32>} : memref<128x64xf32, #tpu.memory_space<vmem>>, vector<1x16xf32>,
        %swap3A_470 = vector.shape_cast %swap3A_469 : vector<1x16xf32> to vector<16xf32>
        %swap3A_471 = vector.shape_cast %get3A_466 : vector<16xf32> to vector<1x16xf32>
        tpu.vector_store %arg9[%swap3A_467, %swap3A_468], %swap3A_471 {add = true, strides = array<i32>} : memref<128x64xf32, #tpu.memory_space<vmem>>, vector<1x16xf32>,
        %scan3A_472 = arith.constant 6 : i32
        %scan3A_473 = arith.addi %scan3A_217, %scan3A_472 : i32
        %mul3A_474 = arith.constant 1 : i32
        %mul3A_475 = arith.muli %scan3A_473, %mul3A_474 : i32
        %add3A_476 = arith.constant 0 : i32
        %add3A_477 = arith.addi %add3A_476, %mul3A_475 : i32
        %add3A_478 = arith.addi %rem3A_138, %add3A_477 : i32
        %get3A_479 = arith.index_cast %add3A_478 : i32 to index
        %get3A_480 = arith.constant 0 : index
        %get3A_481 = tpu.vector_load %arg7[%get3A_479, %get3A_480] {strides = array<i32>} : memref<400x64xf32, #tpu.memory_space<vmem>>, vector<1x16xf32>,
        %get3A_482 = vector.shape_cast %get3A_481 : vector<1x16xf32> to vector<16xf32>
        %swap3A_483 = arith.index_cast %add3A_477 : i32 to index
        %swap3A_484 = arith.constant 0 : index
        %swap3A_485 = tpu.vector_load %arg9[%swap3A_483, %swap3A_484] {strides = array<i32>} : memref<128x64xf32, #tpu.memory_space<vmem>>, vector<1x16xf32>,
        %swap3A_486 = vector.shape_cast %swap3A_485 : vector<1x16xf32> to vector<16xf32>
        %swap3A_487 = vector.shape_cast %get3A_482 : vector<16xf32> to vector<1x16xf32>
        tpu.vector_store %arg9[%swap3A_483, %swap3A_484], %swap3A_487 {add = true, strides = array<i32>} : memref<128x64xf32, #tpu.memory_space<vmem>>, vector<1x16xf32>,
        %get3A_488 = arith.index_cast %add3A_478 : i32 to index
        %get3A_489 = arith.constant 16 : index
        %get3A_490 = tpu.vector_load %arg7[%get3A_488, %get3A_489] {strides = array<i32>} : memref<400x64xf32, #tpu.memory_space<vmem>>, vector<1x16xf32>,
        %get3A_491 = vector.shape_cast %get3A_490 : vector<1x16xf32> to vector<16xf32>
        %swap3A_492 = arith.index_cast %add3A_477 : i32 to index
        %swap3A_493 = arith.constant 16 : index
        %swap3A_494 = tpu.vector_load %arg9[%swap3A_492, %swap3A_493] {strides = array<i32>} : memref<128x64xf32, #tpu.memory_space<vmem>>, vector<1x16xf32>,
        %swap3A_495 = vector.shape_cast %swap3A_494 : vector<1x16xf32> to vector<16xf32>
        %swap3A_496 = vector.shape_cast %get3A_491 : vector<16xf32> to vector<1x16xf32>
        tpu.vector_store %arg9[%swap3A_492, %swap3A_493], %swap3A_496 {add = true, strides = array<i32>} : memref<128x64xf32, #tpu.memory_space<vmem>>, vector<1x16xf32>,
        %get3A_497 = arith.index_cast %add3A_478 : i32 to index
        %get3A_498 = arith.constant 32 : index
        %get3A_499 = tpu.vector_load %arg7[%get3A_497, %get3A_498] {strides = array<i32>} : memref<400x64xf32, #tpu.memory_space<vmem>>, vector<1x16xf32>,
        %get3A_500 = vector.shape_cast %get3A_499 : vector<1x16xf32> to vector<16xf32>
        %swap3A_501 = arith.index_cast %add3A_477 : i32 to index
        %swap3A_502 = arith.constant 32 : index
        %swap3A_503 = tpu.vector_load %arg9[%swap3A_501, %swap3A_502] {strides = array<i32>} : memref<128x64xf32, #tpu.memory_space<vmem>>, vector<1x16xf32>,
        %swap3A_504 = vector.shape_cast %swap3A_503 : vector<1x16xf32> to vector<16xf32>
        %swap3A_505 = vector.shape_cast %get3A_500 : vector<16xf32> to vector<1x16xf32>
        tpu.vector_store %arg9[%swap3A_501, %swap3A_502], %swap3A_505 {add = true, strides = array<i32>} : memref<128x64xf32, #tpu.memory_space<vmem>>, vector<1x16xf32>,
        %get3A_506 = arith.index_cast %add3A_478 : i32 to index
        %get3A_507 = arith.constant 48 : index
        %get3A_508 = tpu.vector_load %arg7[%get3A_506, %get3A_507] {strides = array<i32>} : memref<400x64xf32, #tpu.memory_space<vmem>>, vector<1x16xf32>,
        %get3A_509 = vector.shape_cast %get3A_508 : vector<1x16xf32> to vector<16xf32>
        %swap3A_510 = arith.index_cast %add3A_477 : i32 to index
        %swap3A_511 = arith.constant 48 : index
        %swap3A_512 = tpu.vector_load %arg9[%swap3A_510, %swap3A_511] {strides = array<i32>} : memref<128x64xf32, #tpu.memory_space<vmem>>, vector<1x16xf32>,
        %swap3A_513 = vector.shape_cast %swap3A_512 : vector<1x16xf32> to vector<16xf32>
        %swap3A_514 = vector.shape_cast %get3A_509 : vector<16xf32> to vector<1x16xf32>
        tpu.vector_store %arg9[%swap3A_510, %swap3A_511], %swap3A_514 {add = true, strides = array<i32>} : memref<128x64xf32, #tpu.memory_space<vmem>>, vector<1x16xf32>,
        %scan3A_515 = arith.constant 7 : i32
        %scan3A_516 = arith.addi %scan3A_217, %scan3A_515 : i32
        %mul3A_517 = arith.constant 1 : i32
        %mul3A_518 = arith.muli %scan3A_516, %mul3A_517 : i32
        %add3A_519 = arith.constant 0 : i32
        %add3A_520 = arith.addi %add3A_519, %mul3A_518 : i32
        %add3A_521 = arith.addi %rem3A_138, %add3A_520 : i32
        %get3A_522 = arith.index_cast %add3A_521 : i32 to index
        %get3A_523 = arith.constant 0 : index
        %get3A_524 = tpu.vector_load %arg7[%get3A_522, %get3A_523] {strides = array<i32>} : memref<400x64xf32, #tpu.memory_space<vmem>>, vector<1x16xf32>,
        %get3A_525 = vector.shape_cast %get3A_524 : vector<1x16xf32> to vector<16xf32>
        %swap3A_526 = arith.index_cast %add3A_520 : i32 to index
        %swap3A_527 = arith.constant 0 : index
        %swap3A_528 = tpu.vector_load %arg9[%swap3A_526, %swap3A_527] {strides = array<i32>} : memref<128x64xf32, #tpu.memory_space<vmem>>, vector<1x16xf32>,
        %swap3A_529 = vector.shape_cast %swap3A_528 : vector<1x16xf32> to vector<16xf32>
        %swap3A_530 = vector.shape_cast %get3A_525 : vector<16xf32> to vector<1x16xf32>
        tpu.vector_store %arg9[%swap3A_526, %swap3A_527], %swap3A_530 {add = true, strides = array<i32>} : memref<128x64xf32, #tpu.memory_space<vmem>>, vector<1x16xf32>,
        %get3A_531 = arith.index_cast %add3A_521 : i32 to index
        %get3A_532 = arith.constant 16 : index
        %get3A_533 = tpu.vector_load %arg7[%get3A_531, %get3A_532] {strides = array<i32>} : memref<400x64xf32, #tpu.memory_space<vmem>>, vector<1x16xf32>,
        %get3A_534 = vector.shape_cast %get3A_533 : vector<1x16xf32> to vector<16xf32>
        %swap3A_535 = arith.index_cast %add3A_520 : i32 to index
        %swap3A_536 = arith.constant 16 : index
        %swap3A_537 = tpu.vector_load %arg9[%swap3A_535, %swap3A_536] {strides = array<i32>} : memref<128x64xf32, #tpu.memory_space<vmem>>, vector<1x16xf32>,
        %swap3A_538 = vector.shape_cast %swap3A_537 : vector<1x16xf32> to vector<16xf32>
        %swap3A_539 = vector.shape_cast %get3A_534 : vector<16xf32> to vector<1x16xf32>
        tpu.vector_store %arg9[%swap3A_535, %swap3A_536], %swap3A_539 {add = true, strides = array<i32>} : memref<128x64xf32, #tpu.memory_space<vmem>>, vector<1x16xf32>,
        %get3A_540 = arith.index_cast %add3A_521 : i32 to index
        %get3A_541 = arith.constant 32 : index
        %get3A_542 = tpu.vector_load %arg7[%get3A_540, %get3A_541] {strides = array<i32>} : memref<400x64xf32, #tpu.memory_space<vmem>>, vector<1x16xf32>,
        %get3A_543 = vector.shape_cast %get3A_542 : vector<1x16xf32> to vector<16xf32>
        %swap3A_544 = arith.index_cast %add3A_520 : i32 to index
        %swap3A_545 = arith.constant 32 : index
        %swap3A_546 = tpu.vector_load %arg9[%swap3A_544, %swap3A_545] {strides = array<i32>} : memref<128x64xf32, #tpu.memory_space<vmem>>, vector<1x16xf32>,
        %swap3A_547 = vector.shape_cast %swap3A_546 : vector<1x16xf32> to vector<16xf32>
        %swap3A_548 = vector.shape_cast %get3A_543 : vector<16xf32> to vector<1x16xf32>
        tpu.vector_store %arg9[%swap3A_544, %swap3A_545], %swap3A_548 {add = true, strides = array<i32>} : memref<128x64xf32, #tpu.memory_space<vmem>>, vector<1x16xf32>,
        %get3A_549 = arith.index_cast %add3A_521 : i32 to index
        %get3A_550 = arith.constant 48 : index
        %get3A_551 = tpu.vector_load %arg7[%get3A_549, %get3A_550] {strides = array<i32>} : memref<400x64xf32, #tpu.memory_space<vmem>>, vector<1x16xf32>,
        %get3A_552 = vector.shape_cast %get3A_551 : vector<1x16xf32> to vector<16xf32>
        %swap3A_553 = arith.index_cast %add3A_520 : i32 to index
        %swap3A_554 = arith.constant 48 : index
        %swap3A_555 = tpu.vector_load %arg9[%swap3A_553, %swap3A_554] {strides = array<i32>} : memref<128x64xf32, #tpu.memory_space<vmem>>, vector<1x16xf32>,
        %swap3A_556 = vector.shape_cast %swap3A_555 : vector<1x16xf32> to vector<16xf32>
        %swap3A_557 = vector.shape_cast %get3A_552 : vector<16xf32> to vector<1x16xf32>
        tpu.vector_store %arg9[%swap3A_553, %swap3A_554], %swap3A_557 {add = true, strides = array<i32>} : memref<128x64xf32, #tpu.memory_space<vmem>>, vector<1x16xf32>,
      }
      %scan3A_143 = arith.constant 128 : i32
      %mul3A_144 = arith.constant 128 : i32
      %mul3A_145 = arith.muli %add3A_121, %mul3A_144 : i32
      %add3A_146 = arith.addi %mul3A_2, %mul3A_145 : i32
      %dma_start3A_147 = arith.constant 0 : i32
      %dma_start3A_148 = tpu.memref_slice %arg5[%add3A_146, %dma_start3A_147] : memref<204800x64xf32, #tpu.memory_space<hbm>> -> memref<128x64xf32, #tpu.memory_space<hbm>>
      %dma_start3A_149 = arith.constant 0 : i32
      %dma_start3A_150 = tpu.memref_slice %arg5[%add3A_146, %dma_start3A_149] : memref<204800x64xf32, #tpu.memory_space<hbm>> -> memref<128x64xf32, #tpu.memory_space<hbm>>
      tpu.enqueue_dma source(%arg9 : memref<128x64xf32, #tpu.memory_space<vmem>>) target(%dma_start3A_150 : memref<128x64xf32, #tpu.memory_space<hbm>>) target_semaphore(%arg17 : memref<!tpu.dma_semaphore, #tpu.memory_space<semaphore_mem>>)
      %mul3A_151 = arith.constant 4 : i32
      %mul3A_152 = arith.muli %add3A_87, %mul3A_151 : i32
      %add3A_153 = arith.constant 2 : i32
      %add3A_154 = arith.addi %mul3A_152, %add3A_153 : i32
      %dma_wait3A_155 = arith.constant 0 : i32
      %dma_wait3A_156 = arith.constant 0 : i32
      %dma_wait3A_157 = tpu.memref_slice %arg4[%dma_wait3A_155, %dma_wait3A_156] : memref<1000000x64xf32, #tpu.memory_space<hbm>> -> memref<128x64xf32, #tpu.memory_space<hbm>>
      %dma_wait3A_158 = arith.constant 0 : i32
      %dma_wait3A_159 = arith.constant 0 : i32
      %dma_wait3A_160 = tpu.memref_slice %arg4[%dma_wait3A_158, %dma_wait3A_159] : memref<1000000x64xf32, #tpu.memory_space<hbm>> -> memref<128x64xf32, #tpu.memory_space<hbm>>
      tpu.wait_dma2 semaphore(%arg14 : memref<!tpu.dma_semaphore, #tpu.memory_space<semaphore_mem>>) src(%dma_wait3A_160 : memref<128x64xf32, #tpu.memory_space<hbm>>) dst(%arg10 : memref<128x64xf32, #tpu.memory_space<vmem>>)
      %add3A_161 = arith.constant 3 : i32
      %add3A_162 = arith.addi %add3A_154, %add3A_161 : i32
      %lt3A_163 = arith.constant 50 : i32
      %lt3A_164 = arith.cmpi slt, %add3A_162, %lt3A_163 : i32
      %convert_element_type3A_165 = arith.extui %lt3A_164 : i1 to i32
      %cond3A_166 = arith.constant 0 : i32
      %cond3A_167 = arith.cmpi ne, %convert_element_type3A_165, %cond3A_166 : i32
      scf.if %cond3A_167 {
        %ge3A = arith.constant 1 : i32
        %ge3A_217 = arith.cmpi sge, %add3A_154, %ge3A : i32
        %convert_element_type3A_218 = arith.extui %ge3A_217 : i1 to i32
        %cond3A_219 = arith.constant 0 : i32
        %cond3A_220 = arith.cmpi ne, %convert_element_type3A_218, %cond3A_219 : i32
        scf.if %cond3A_220 {
          %dma_wait3A_229 = arith.constant 0 : i32
          %dma_wait3A_230 = arith.constant 0 : i32
          %dma_wait3A_231 = tpu.memref_slice %arg4[%dma_wait3A_229, %dma_wait3A_230] : memref<1000000x64xf32, #tpu.memory_space<hbm>> -> memref<128x64xf32, #tpu.memory_space<hbm>>
          %dma_wait3A_232 = arith.constant 0 : i32
          %dma_wait3A_233 = arith.constant 0 : i32
          %dma_wait3A_234 = tpu.memref_slice %arg4[%dma_wait3A_232, %dma_wait3A_233] : memref<1000000x64xf32, #tpu.memory_space<hbm>> -> memref<128x64xf32, #tpu.memory_space<hbm>>
          tpu.wait_dma2 semaphore(%arg17 : memref<!tpu.dma_semaphore, #tpu.memory_space<semaphore_mem>>) src(%dma_wait3A_234 : memref<128x64xf32, #tpu.memory_space<hbm>>) dst(%arg9 : memref<128x64xf32, #tpu.memory_space<vmem>>)
        } else {
        }
        %add3A_221 = arith.constant 3 : i32
        %add3A_222 = arith.addi %add3A_154, %add3A_221 : i32
        %mul3A_223 = arith.constant 128 : i32
        %mul3A_224 = arith.muli %add3A_222, %mul3A_223 : i32
        %dma_start3A_225 = tpu.memref_slice %arg6[%mul3A_224] : memref<6400xi32, #tpu.memory_space<vmem>> -> memref<128xi32, #tpu.memory_space<vmem>>
        %dma_start3A_226 = arith.constant 0 : i32
        %dma_start3A_227 = arith.constant 0 : i32
        %dma_start3A_228 = tpu.memref_slice %arg4[%dma_start3A_226, %dma_start3A_227] : memref<1000000x64xf32, #tpu.memory_space<hbm>> -> memref<1000000x64xf32, #tpu.memory_space<hbm>>
        tpu.enqueue_indirect_dma source(%dma_start3A_228 : memref<1000000x64xf32, #tpu.memory_space<hbm>>) target(%arg9 : memref<128x64xf32, #tpu.memory_space<vmem>>) offsets(%dma_start3A_225 : memref<128xi32, #tpu.memory_space<vmem>>) semaphore(%arg13 : memref<!tpu.dma_semaphore, #tpu.memory_space<semaphore_mem>>)
      } else {
      }
      %mul3A_168 = arith.constant 128 : i32
      %mul3A_169 = arith.muli %add3A_154, %mul3A_168 : i32
      %rem3A_170 = arith.constant 200 : i32
      %rem3A_171 = arith.remsi %mul3A_169, %rem3A_170 : i32
      %scan3A_172 = arith.constant 0 : i32
      %scan3A_173 = arith.constant 128 : i32
      %scan3A_174 = arith.addi %scan3A_172, %scan3A_173 : i32
      %scan3A_175 = arith.constant 8 : i32
      scf.for %scan3A_217 = %scan3A_172 to %scan3A_174 step %scan3A_175  : i32 {
        %mul3A_218 = arith.constant 1 : i32
        %mul3A_219 = arith.muli %scan3A_217, %mul3A_218 : i32
        %add3A_220 = arith.constant 0 : i32
        %add3A_221 = arith.addi %add3A_220, %mul3A_219 : i32
        %add3A_222 = arith.addi %rem3A_171, %add3A_221 : i32
        %get3A = arith.index_cast %add3A_222 : i32 to index
        %get3A_223 = arith.constant 0 : index
        %get3A_224 = tpu.vector_load %arg7[%get3A, %get3A_223] {strides = array<i32>} : memref<400x64xf32, #tpu.memory_space<vmem>>, vector<1x16xf32>,
        %get3A_225 = vector.shape_cast %get3A_224 : vector<1x16xf32> to vector<16xf32>
        %swap3A = arith.index_cast %add3A_221 : i32 to index
        %swap3A_226 = arith.constant 0 : index
        %swap3A_227 = tpu.vector_load %arg10[%swap3A, %swap3A_226] {strides = array<i32>} : memref<128x64xf32, #tpu.memory_space<vmem>>, vector<1x16xf32>,
        %swap3A_228 = vector.shape_cast %swap3A_227 : vector<1x16xf32> to vector<16xf32>
        %swap3A_229 = vector.shape_cast %get3A_225 : vector<16xf32> to vector<1x16xf32>
        tpu.vector_store %arg10[%swap3A, %swap3A_226], %swap3A_229 {add = true, strides = array<i32>} : memref<128x64xf32, #tpu.memory_space<vmem>>, vector<1x16xf32>,
        %get3A_230 = arith.index_cast %add3A_222 : i32 to index
        %get3A_231 = arith.constant 16 : index
        %get3A_232 = tpu.vector_load %arg7[%get3A_230, %get3A_231] {strides = array<i32>} : memref<400x64xf32, #tpu.memory_space<vmem>>, vector<1x16xf32>,
        %get3A_233 = vector.shape_cast %get3A_232 : vector<1x16xf32> to vector<16xf32>
        %swap3A_234 = arith.index_cast %add3A_221 : i32 to index
        %swap3A_235 = arith.constant 16 : index
        %swap3A_236 = tpu.vector_load %arg10[%swap3A_234, %swap3A_235] {strides = array<i32>} : memref<128x64xf32, #tpu.memory_space<vmem>>, vector<1x16xf32>,
        %swap3A_237 = vector.shape_cast %swap3A_236 : vector<1x16xf32> to vector<16xf32>
        %swap3A_238 = vector.shape_cast %get3A_233 : vector<16xf32> to vector<1x16xf32>
        tpu.vector_store %arg10[%swap3A_234, %swap3A_235], %swap3A_238 {add = true, strides = array<i32>} : memref<128x64xf32, #tpu.memory_space<vmem>>, vector<1x16xf32>,
        %get3A_239 = arith.index_cast %add3A_222 : i32 to index
        %get3A_240 = arith.constant 32 : index
        %get3A_241 = tpu.vector_load %arg7[%get3A_239, %get3A_240] {strides = array<i32>} : memref<400x64xf32, #tpu.memory_space<vmem>>, vector<1x16xf32>,
        %get3A_242 = vector.shape_cast %get3A_241 : vector<1x16xf32> to vector<16xf32>
        %swap3A_243 = arith.index_cast %add3A_221 : i32 to index
        %swap3A_244 = arith.constant 32 : index
        %swap3A_245 = tpu.vector_load %arg10[%swap3A_243, %swap3A_244] {strides = array<i32>} : memref<128x64xf32, #tpu.memory_space<vmem>>, vector<1x16xf32>,
        %swap3A_246 = vector.shape_cast %swap3A_245 : vector<1x16xf32> to vector<16xf32>
        %swap3A_247 = vector.shape_cast %get3A_242 : vector<16xf32> to vector<1x16xf32>
        tpu.vector_store %arg10[%swap3A_243, %swap3A_244], %swap3A_247 {add = true, strides = array<i32>} : memref<128x64xf32, #tpu.memory_space<vmem>>, vector<1x16xf32>,
        %get3A_248 = arith.index_cast %add3A_222 : i32 to index
        %get3A_249 = arith.constant 48 : index
        %get3A_250 = tpu.vector_load %arg7[%get3A_248, %get3A_249] {strides = array<i32>} : memref<400x64xf32, #tpu.memory_space<vmem>>, vector<1x16xf32>,
        %get3A_251 = vector.shape_cast %get3A_250 : vector<1x16xf32> to vector<16xf32>
        %swap3A_252 = arith.index_cast %add3A_221 : i32 to index
        %swap3A_253 = arith.constant 48 : index
        %swap3A_254 = tpu.vector_load %arg10[%swap3A_252, %swap3A_253] {strides = array<i32>} : memref<128x64xf32, #tpu.memory_space<vmem>>, vector<1x16xf32>,
        %swap3A_255 = vector.shape_cast %swap3A_254 : vector<1x16xf32> to vector<16xf32>
        %swap3A_256 = vector.shape_cast %get3A_251 : vector<16xf32> to vector<1x16xf32>
        tpu.vector_store %arg10[%swap3A_252, %swap3A_253], %swap3A_256 {add = true, strides = array<i32>} : memref<128x64xf32, #tpu.memory_space<vmem>>, vector<1x16xf32>,
        %scan3A_257 = arith.constant 1 : i32
        %scan3A_258 = arith.addi %scan3A_217, %scan3A_257 : i32
        %mul3A_259 = arith.constant 1 : i32
        %mul3A_260 = arith.muli %scan3A_258, %mul3A_259 : i32
        %add3A_261 = arith.constant 0 : i32
        %add3A_262 = arith.addi %add3A_261, %mul3A_260 : i32
        %add3A_263 = arith.addi %rem3A_171, %add3A_262 : i32
        %get3A_264 = arith.index_cast %add3A_263 : i32 to index
        %get3A_265 = arith.constant 0 : index
        %get3A_266 = tpu.vector_load %arg7[%get3A_264, %get3A_265] {strides = array<i32>} : memref<400x64xf32, #tpu.memory_space<vmem>>, vector<1x16xf32>,
        %get3A_267 = vector.shape_cast %get3A_266 : vector<1x16xf32> to vector<16xf32>
        %swap3A_268 = arith.index_cast %add3A_262 : i32 to index
        %swap3A_269 = arith.constant 0 : index
        %swap3A_270 = tpu.vector_load %arg10[%swap3A_268, %swap3A_269] {strides = array<i32>} : memref<128x64xf32, #tpu.memory_space<vmem>>, vector<1x16xf32>,
        %swap3A_271 = vector.shape_cast %swap3A_270 : vector<1x16xf32> to vector<16xf32>
        %swap3A_272 = vector.shape_cast %get3A_267 : vector<16xf32> to vector<1x16xf32>
        tpu.vector_store %arg10[%swap3A_268, %swap3A_269], %swap3A_272 {add = true, strides = array<i32>} : memref<128x64xf32, #tpu.memory_space<vmem>>, vector<1x16xf32>,
        %get3A_273 = arith.index_cast %add3A_263 : i32 to index
        %get3A_274 = arith.constant 16 : index
        %get3A_275 = tpu.vector_load %arg7[%get3A_273, %get3A_274] {strides = array<i32>} : memref<400x64xf32, #tpu.memory_space<vmem>>, vector<1x16xf32>,
        %get3A_276 = vector.shape_cast %get3A_275 : vector<1x16xf32> to vector<16xf32>
        %swap3A_277 = arith.index_cast %add3A_262 : i32 to index
        %swap3A_278 = arith.constant 16 : index
        %swap3A_279 = tpu.vector_load %arg10[%swap3A_277, %swap3A_278] {strides = array<i32>} : memref<128x64xf32, #tpu.memory_space<vmem>>, vector<1x16xf32>,
        %swap3A_280 = vector.shape_cast %swap3A_279 : vector<1x16xf32> to vector<16xf32>
        %swap3A_281 = vector.shape_cast %get3A_276 : vector<16xf32> to vector<1x16xf32>
        tpu.vector_store %arg10[%swap3A_277, %swap3A_278], %swap3A_281 {add = true, strides = array<i32>} : memref<128x64xf32, #tpu.memory_space<vmem>>, vector<1x16xf32>,
        %get3A_282 = arith.index_cast %add3A_263 : i32 to index
        %get3A_283 = arith.constant 32 : index
        %get3A_284 = tpu.vector_load %arg7[%get3A_282, %get3A_283] {strides = array<i32>} : memref<400x64xf32, #tpu.memory_space<vmem>>, vector<1x16xf32>,
        %get3A_285 = vector.shape_cast %get3A_284 : vector<1x16xf32> to vector<16xf32>
        %swap3A_286 = arith.index_cast %add3A_262 : i32 to index
        %swap3A_287 = arith.constant 32 : index
        %swap3A_288 = tpu.vector_load %arg10[%swap3A_286, %swap3A_287] {strides = array<i32>} : memref<128x64xf32, #tpu.memory_space<vmem>>, vector<1x16xf32>,
        %swap3A_289 = vector.shape_cast %swap3A_288 : vector<1x16xf32> to vector<16xf32>
        %swap3A_290 = vector.shape_cast %get3A_285 : vector<16xf32> to vector<1x16xf32>
        tpu.vector_store %arg10[%swap3A_286, %swap3A_287], %swap3A_290 {add = true, strides = array<i32>} : memref<128x64xf32, #tpu.memory_space<vmem>>, vector<1x16xf32>,
        %get3A_291 = arith.index_cast %add3A_263 : i32 to index
        %get3A_292 = arith.constant 48 : index
        %get3A_293 = tpu.vector_load %arg7[%get3A_291, %get3A_292] {strides = array<i32>} : memref<400x64xf32, #tpu.memory_space<vmem>>, vector<1x16xf32>,
        %get3A_294 = vector.shape_cast %get3A_293 : vector<1x16xf32> to vector<16xf32>
        %swap3A_295 = arith.index_cast %add3A_262 : i32 to index
        %swap3A_296 = arith.constant 48 : index
        %swap3A_297 = tpu.vector_load %arg10[%swap3A_295, %swap3A_296] {strides = array<i32>} : memref<128x64xf32, #tpu.memory_space<vmem>>, vector<1x16xf32>,
        %swap3A_298 = vector.shape_cast %swap3A_297 : vector<1x16xf32> to vector<16xf32>
        %swap3A_299 = vector.shape_cast %get3A_294 : vector<16xf32> to vector<1x16xf32>
        tpu.vector_store %arg10[%swap3A_295, %swap3A_296], %swap3A_299 {add = true, strides = array<i32>} : memref<128x64xf32, #tpu.memory_space<vmem>>, vector<1x16xf32>,
        %scan3A_300 = arith.constant 2 : i32
        %scan3A_301 = arith.addi %scan3A_217, %scan3A_300 : i32
        %mul3A_302 = arith.constant 1 : i32
        %mul3A_303 = arith.muli %scan3A_301, %mul3A_302 : i32
        %add3A_304 = arith.constant 0 : i32
        %add3A_305 = arith.addi %add3A_304, %mul3A_303 : i32
        %add3A_306 = arith.addi %rem3A_171, %add3A_305 : i32
        %get3A_307 = arith.index_cast %add3A_306 : i32 to index
        %get3A_308 = arith.constant 0 : index
        %get3A_309 = tpu.vector_load %arg7[%get3A_307, %get3A_308] {strides = array<i32>} : memref<400x64xf32, #tpu.memory_space<vmem>>, vector<1x16xf32>,
        %get3A_310 = vector.shape_cast %get3A_309 : vector<1x16xf32> to vector<16xf32>
        %swap3A_311 = arith.index_cast %add3A_305 : i32 to index
        %swap3A_312 = arith.constant 0 : index
        %swap3A_313 = tpu.vector_load %arg10[%swap3A_311, %swap3A_312] {strides = array<i32>} : memref<128x64xf32, #tpu.memory_space<vmem>>, vector<1x16xf32>,
        %swap3A_314 = vector.shape_cast %swap3A_313 : vector<1x16xf32> to vector<16xf32>
        %swap3A_315 = vector.shape_cast %get3A_310 : vector<16xf32> to vector<1x16xf32>
        tpu.vector_store %arg10[%swap3A_311, %swap3A_312], %swap3A_315 {add = true, strides = array<i32>} : memref<128x64xf32, #tpu.memory_space<vmem>>, vector<1x16xf32>,
        %get3A_316 = arith.index_cast %add3A_306 : i32 to index
        %get3A_317 = arith.constant 16 : index
        %get3A_318 = tpu.vector_load %arg7[%get3A_316, %get3A_317] {strides = array<i32>} : memref<400x64xf32, #tpu.memory_space<vmem>>, vector<1x16xf32>,
        %get3A_319 = vector.shape_cast %get3A_318 : vector<1x16xf32> to vector<16xf32>
        %swap3A_320 = arith.index_cast %add3A_305 : i32 to index
        %swap3A_321 = arith.constant 16 : index
        %swap3A_322 = tpu.vector_load %arg10[%swap3A_320, %swap3A_321] {strides = array<i32>} : memref<128x64xf32, #tpu.memory_space<vmem>>, vector<1x16xf32>,
        %swap3A_323 = vector.shape_cast %swap3A_322 : vector<1x16xf32> to vector<16xf32>
        %swap3A_324 = vector.shape_cast %get3A_319 : vector<16xf32> to vector<1x16xf32>
        tpu.vector_store %arg10[%swap3A_320, %swap3A_321], %swap3A_324 {add = true, strides = array<i32>} : memref<128x64xf32, #tpu.memory_space<vmem>>, vector<1x16xf32>,
        %get3A_325 = arith.index_cast %add3A_306 : i32 to index
        %get3A_326 = arith.constant 32 : index
        %get3A_327 = tpu.vector_load %arg7[%get3A_325, %get3A_326] {strides = array<i32>} : memref<400x64xf32, #tpu.memory_space<vmem>>, vector<1x16xf32>,
        %get3A_328 = vector.shape_cast %get3A_327 : vector<1x16xf32> to vector<16xf32>
        %swap3A_329 = arith.index_cast %add3A_305 : i32 to index
        %swap3A_330 = arith.constant 32 : index
        %swap3A_331 = tpu.vector_load %arg10[%swap3A_329, %swap3A_330] {strides = array<i32>} : memref<128x64xf32, #tpu.memory_space<vmem>>, vector<1x16xf32>,
        %swap3A_332 = vector.shape_cast %swap3A_331 : vector<1x16xf32> to vector<16xf32>
        %swap3A_333 = vector.shape_cast %get3A_328 : vector<16xf32> to vector<1x16xf32>
        tpu.vector_store %arg10[%swap3A_329, %swap3A_330], %swap3A_333 {add = true, strides = array<i32>} : memref<128x64xf32, #tpu.memory_space<vmem>>, vector<1x16xf32>,
        %get3A_334 = arith.index_cast %add3A_306 : i32 to index
        %get3A_335 = arith.constant 48 : index
        %get3A_336 = tpu.vector_load %arg7[%get3A_334, %get3A_335] {strides = array<i32>} : memref<400x64xf32, #tpu.memory_space<vmem>>, vector<1x16xf32>,
        %get3A_337 = vector.shape_cast %get3A_336 : vector<1x16xf32> to vector<16xf32>
        %swap3A_338 = arith.index_cast %add3A_305 : i32 to index
        %swap3A_339 = arith.constant 48 : index
        %swap3A_340 = tpu.vector_load %arg10[%swap3A_338, %swap3A_339] {strides = array<i32>} : memref<128x64xf32, #tpu.memory_space<vmem>>, vector<1x16xf32>,
        %swap3A_341 = vector.shape_cast %swap3A_340 : vector<1x16xf32> to vector<16xf32>
        %swap3A_342 = vector.shape_cast %get3A_337 : vector<16xf32> to vector<1x16xf32>
        tpu.vector_store %arg10[%swap3A_338, %swap3A_339], %swap3A_342 {add = true, strides = array<i32>} : memref<128x64xf32, #tpu.memory_space<vmem>>, vector<1x16xf32>,
        %scan3A_343 = arith.constant 3 : i32
        %scan3A_344 = arith.addi %scan3A_217, %scan3A_343 : i32
        %mul3A_345 = arith.constant 1 : i32
        %mul3A_346 = arith.muli %scan3A_344, %mul3A_345 : i32
        %add3A_347 = arith.constant 0 : i32
        %add3A_348 = arith.addi %add3A_347, %mul3A_346 : i32
        %add3A_349 = arith.addi %rem3A_171, %add3A_348 : i32
        %get3A_350 = arith.index_cast %add3A_349 : i32 to index
        %get3A_351 = arith.constant 0 : index
        %get3A_352 = tpu.vector_load %arg7[%get3A_350, %get3A_351] {strides = array<i32>} : memref<400x64xf32, #tpu.memory_space<vmem>>, vector<1x16xf32>,
        %get3A_353 = vector.shape_cast %get3A_352 : vector<1x16xf32> to vector<16xf32>
        %swap3A_354 = arith.index_cast %add3A_348 : i32 to index
        %swap3A_355 = arith.constant 0 : index
        %swap3A_356 = tpu.vector_load %arg10[%swap3A_354, %swap3A_355] {strides = array<i32>} : memref<128x64xf32, #tpu.memory_space<vmem>>, vector<1x16xf32>,
        %swap3A_357 = vector.shape_cast %swap3A_356 : vector<1x16xf32> to vector<16xf32>
        %swap3A_358 = vector.shape_cast %get3A_353 : vector<16xf32> to vector<1x16xf32>
        tpu.vector_store %arg10[%swap3A_354, %swap3A_355], %swap3A_358 {add = true, strides = array<i32>} : memref<128x64xf32, #tpu.memory_space<vmem>>, vector<1x16xf32>,
        %get3A_359 = arith.index_cast %add3A_349 : i32 to index
        %get3A_360 = arith.constant 16 : index
        %get3A_361 = tpu.vector_load %arg7[%get3A_359, %get3A_360] {strides = array<i32>} : memref<400x64xf32, #tpu.memory_space<vmem>>, vector<1x16xf32>,
        %get3A_362 = vector.shape_cast %get3A_361 : vector<1x16xf32> to vector<16xf32>
        %swap3A_363 = arith.index_cast %add3A_348 : i32 to index
        %swap3A_364 = arith.constant 16 : index
        %swap3A_365 = tpu.vector_load %arg10[%swap3A_363, %swap3A_364] {strides = array<i32>} : memref<128x64xf32, #tpu.memory_space<vmem>>, vector<1x16xf32>,
        %swap3A_366 = vector.shape_cast %swap3A_365 : vector<1x16xf32> to vector<16xf32>
        %swap3A_367 = vector.shape_cast %get3A_362 : vector<16xf32> to vector<1x16xf32>
        tpu.vector_store %arg10[%swap3A_363, %swap3A_364], %swap3A_367 {add = true, strides = array<i32>} : memref<128x64xf32, #tpu.memory_space<vmem>>, vector<1x16xf32>,
        %get3A_368 = arith.index_cast %add3A_349 : i32 to index
        %get3A_369 = arith.constant 32 : index
        %get3A_370 = tpu.vector_load %arg7[%get3A_368, %get3A_369] {strides = array<i32>} : memref<400x64xf32, #tpu.memory_space<vmem>>, vector<1x16xf32>,
        %get3A_371 = vector.shape_cast %get3A_370 : vector<1x16xf32> to vector<16xf32>
        %swap3A_372 = arith.index_cast %add3A_348 : i32 to index
        %swap3A_373 = arith.constant 32 : index
        %swap3A_374 = tpu.vector_load %arg10[%swap3A_372, %swap3A_373] {strides = array<i32>} : memref<128x64xf32, #tpu.memory_space<vmem>>, vector<1x16xf32>,
        %swap3A_375 = vector.shape_cast %swap3A_374 : vector<1x16xf32> to vector<16xf32>
        %swap3A_376 = vector.shape_cast %get3A_371 : vector<16xf32> to vector<1x16xf32>
        tpu.vector_store %arg10[%swap3A_372, %swap3A_373], %swap3A_376 {add = true, strides = array<i32>} : memref<128x64xf32, #tpu.memory_space<vmem>>, vector<1x16xf32>,
        %get3A_377 = arith.index_cast %add3A_349 : i32 to index
        %get3A_378 = arith.constant 48 : index
        %get3A_379 = tpu.vector_load %arg7[%get3A_377, %get3A_378] {strides = array<i32>} : memref<400x64xf32, #tpu.memory_space<vmem>>, vector<1x16xf32>,
        %get3A_380 = vector.shape_cast %get3A_379 : vector<1x16xf32> to vector<16xf32>
        %swap3A_381 = arith.index_cast %add3A_348 : i32 to index
        %swap3A_382 = arith.constant 48 : index
        %swap3A_383 = tpu.vector_load %arg10[%swap3A_381, %swap3A_382] {strides = array<i32>} : memref<128x64xf32, #tpu.memory_space<vmem>>, vector<1x16xf32>,
        %swap3A_384 = vector.shape_cast %swap3A_383 : vector<1x16xf32> to vector<16xf32>
        %swap3A_385 = vector.shape_cast %get3A_380 : vector<16xf32> to vector<1x16xf32>
        tpu.vector_store %arg10[%swap3A_381, %swap3A_382], %swap3A_385 {add = true, strides = array<i32>} : memref<128x64xf32, #tpu.memory_space<vmem>>, vector<1x16xf32>,
        %scan3A_386 = arith.constant 4 : i32
        %scan3A_387 = arith.addi %scan3A_217, %scan3A_386 : i32
        %mul3A_388 = arith.constant 1 : i32
        %mul3A_389 = arith.muli %scan3A_387, %mul3A_388 : i32
        %add3A_390 = arith.constant 0 : i32
        %add3A_391 = arith.addi %add3A_390, %mul3A_389 : i32
        %add3A_392 = arith.addi %rem3A_171, %add3A_391 : i32
        %get3A_393 = arith.index_cast %add3A_392 : i32 to index
        %get3A_394 = arith.constant 0 : index
        %get3A_395 = tpu.vector_load %arg7[%get3A_393, %get3A_394] {strides = array<i32>} : memref<400x64xf32, #tpu.memory_space<vmem>>, vector<1x16xf32>,
        %get3A_396 = vector.shape_cast %get3A_395 : vector<1x16xf32> to vector<16xf32>
        %swap3A_397 = arith.index_cast %add3A_391 : i32 to index
        %swap3A_398 = arith.constant 0 : index
        %swap3A_399 = tpu.vector_load %arg10[%swap3A_397, %swap3A_398] {strides = array<i32>} : memref<128x64xf32, #tpu.memory_space<vmem>>, vector<1x16xf32>,
        %swap3A_400 = vector.shape_cast %swap3A_399 : vector<1x16xf32> to vector<16xf32>
        %swap3A_401 = vector.shape_cast %get3A_396 : vector<16xf32> to vector<1x16xf32>
        tpu.vector_store %arg10[%swap3A_397, %swap3A_398], %swap3A_401 {add = true, strides = array<i32>} : memref<128x64xf32, #tpu.memory_space<vmem>>, vector<1x16xf32>,
        %get3A_402 = arith.index_cast %add3A_392 : i32 to index
        %get3A_403 = arith.constant 16 : index
        %get3A_404 = tpu.vector_load %arg7[%get3A_402, %get3A_403] {strides = array<i32>} : memref<400x64xf32, #tpu.memory_space<vmem>>, vector<1x16xf32>,
        %get3A_405 = vector.shape_cast %get3A_404 : vector<1x16xf32> to vector<16xf32>
        %swap3A_406 = arith.index_cast %add3A_391 : i32 to index
        %swap3A_407 = arith.constant 16 : index
        %swap3A_408 = tpu.vector_load %arg10[%swap3A_406, %swap3A_407] {strides = array<i32>} : memref<128x64xf32, #tpu.memory_space<vmem>>, vector<1x16xf32>,
        %swap3A_409 = vector.shape_cast %swap3A_408 : vector<1x16xf32> to vector<16xf32>
        %swap3A_410 = vector.shape_cast %get3A_405 : vector<16xf32> to vector<1x16xf32>
        tpu.vector_store %arg10[%swap3A_406, %swap3A_407], %swap3A_410 {add = true, strides = array<i32>} : memref<128x64xf32, #tpu.memory_space<vmem>>, vector<1x16xf32>,
        %get3A_411 = arith.index_cast %add3A_392 : i32 to index
        %get3A_412 = arith.constant 32 : index
        %get3A_413 = tpu.vector_load %arg7[%get3A_411, %get3A_412] {strides = array<i32>} : memref<400x64xf32, #tpu.memory_space<vmem>>, vector<1x16xf32>,
        %get3A_414 = vector.shape_cast %get3A_413 : vector<1x16xf32> to vector<16xf32>
        %swap3A_415 = arith.index_cast %add3A_391 : i32 to index
        %swap3A_416 = arith.constant 32 : index
        %swap3A_417 = tpu.vector_load %arg10[%swap3A_415, %swap3A_416] {strides = array<i32>} : memref<128x64xf32, #tpu.memory_space<vmem>>, vector<1x16xf32>,
        %swap3A_418 = vector.shape_cast %swap3A_417 : vector<1x16xf32> to vector<16xf32>
        %swap3A_419 = vector.shape_cast %get3A_414 : vector<16xf32> to vector<1x16xf32>
        tpu.vector_store %arg10[%swap3A_415, %swap3A_416], %swap3A_419 {add = true, strides = array<i32>} : memref<128x64xf32, #tpu.memory_space<vmem>>, vector<1x16xf32>,
        %get3A_420 = arith.index_cast %add3A_392 : i32 to index
        %get3A_421 = arith.constant 48 : index
        %get3A_422 = tpu.vector_load %arg7[%get3A_420, %get3A_421] {strides = array<i32>} : memref<400x64xf32, #tpu.memory_space<vmem>>, vector<1x16xf32>,
        %get3A_423 = vector.shape_cast %get3A_422 : vector<1x16xf32> to vector<16xf32>
        %swap3A_424 = arith.index_cast %add3A_391 : i32 to index
        %swap3A_425 = arith.constant 48 : index
        %swap3A_426 = tpu.vector_load %arg10[%swap3A_424, %swap3A_425] {strides = array<i32>} : memref<128x64xf32, #tpu.memory_space<vmem>>, vector<1x16xf32>,
        %swap3A_427 = vector.shape_cast %swap3A_426 : vector<1x16xf32> to vector<16xf32>
        %swap3A_428 = vector.shape_cast %get3A_423 : vector<16xf32> to vector<1x16xf32>
        tpu.vector_store %arg10[%swap3A_424, %swap3A_425], %swap3A_428 {add = true, strides = array<i32>} : memref<128x64xf32, #tpu.memory_space<vmem>>, vector<1x16xf32>,
        %scan3A_429 = arith.constant 5 : i32
        %scan3A_430 = arith.addi %scan3A_217, %scan3A_429 : i32
        %mul3A_431 = arith.constant 1 : i32
        %mul3A_432 = arith.muli %scan3A_430, %mul3A_431 : i32
        %add3A_433 = arith.constant 0 : i32
        %add3A_434 = arith.addi %add3A_433, %mul3A_432 : i32
        %add3A_435 = arith.addi %rem3A_171, %add3A_434 : i32
        %get3A_436 = arith.index_cast %add3A_435 : i32 to index
        %get3A_437 = arith.constant 0 : index
        %get3A_438 = tpu.vector_load %arg7[%get3A_436, %get3A_437] {strides = array<i32>} : memref<400x64xf32, #tpu.memory_space<vmem>>, vector<1x16xf32>,
        %get3A_439 = vector.shape_cast %get3A_438 : vector<1x16xf32> to vector<16xf32>
        %swap3A_440 = arith.index_cast %add3A_434 : i32 to index
        %swap3A_441 = arith.constant 0 : index
        %swap3A_442 = tpu.vector_load %arg10[%swap3A_440, %swap3A_441] {strides = array<i32>} : memref<128x64xf32, #tpu.memory_space<vmem>>, vector<1x16xf32>,
        %swap3A_443 = vector.shape_cast %swap3A_442 : vector<1x16xf32> to vector<16xf32>
        %swap3A_444 = vector.shape_cast %get3A_439 : vector<16xf32> to vector<1x16xf32>
        tpu.vector_store %arg10[%swap3A_440, %swap3A_441], %swap3A_444 {add = true, strides = array<i32>} : memref<128x64xf32, #tpu.memory_space<vmem>>, vector<1x16xf32>,
        %get3A_445 = arith.index_cast %add3A_435 : i32 to index
        %get3A_446 = arith.constant 16 : index
        %get3A_447 = tpu.vector_load %arg7[%get3A_445, %get3A_446] {strides = array<i32>} : memref<400x64xf32, #tpu.memory_space<vmem>>, vector<1x16xf32>,
        %get3A_448 = vector.shape_cast %get3A_447 : vector<1x16xf32> to vector<16xf32>
        %swap3A_449 = arith.index_cast %add3A_434 : i32 to index
        %swap3A_450 = arith.constant 16 : index
        %swap3A_451 = tpu.vector_load %arg10[%swap3A_449, %swap3A_450] {strides = array<i32>} : memref<128x64xf32, #tpu.memory_space<vmem>>, vector<1x16xf32>,
        %swap3A_452 = vector.shape_cast %swap3A_451 : vector<1x16xf32> to vector<16xf32>
        %swap3A_453 = vector.shape_cast %get3A_448 : vector<16xf32> to vector<1x16xf32>
        tpu.vector_store %arg10[%swap3A_449, %swap3A_450], %swap3A_453 {add = true, strides = array<i32>} : memref<128x64xf32, #tpu.memory_space<vmem>>, vector<1x16xf32>,
        %get3A_454 = arith.index_cast %add3A_435 : i32 to index
        %get3A_455 = arith.constant 32 : index
        %get3A_456 = tpu.vector_load %arg7[%get3A_454, %get3A_455] {strides = array<i32>} : memref<400x64xf32, #tpu.memory_space<vmem>>, vector<1x16xf32>,
        %get3A_457 = vector.shape_cast %get3A_456 : vector<1x16xf32> to vector<16xf32>
        %swap3A_458 = arith.index_cast %add3A_434 : i32 to index
        %swap3A_459 = arith.constant 32 : index
        %swap3A_460 = tpu.vector_load %arg10[%swap3A_458, %swap3A_459] {strides = array<i32>} : memref<128x64xf32, #tpu.memory_space<vmem>>, vector<1x16xf32>,
        %swap3A_461 = vector.shape_cast %swap3A_460 : vector<1x16xf32> to vector<16xf32>
        %swap3A_462 = vector.shape_cast %get3A_457 : vector<16xf32> to vector<1x16xf32>
        tpu.vector_store %arg10[%swap3A_458, %swap3A_459], %swap3A_462 {add = true, strides = array<i32>} : memref<128x64xf32, #tpu.memory_space<vmem>>, vector<1x16xf32>,
        %get3A_463 = arith.index_cast %add3A_435 : i32 to index
        %get3A_464 = arith.constant 48 : index
        %get3A_465 = tpu.vector_load %arg7[%get3A_463, %get3A_464] {strides = array<i32>} : memref<400x64xf32, #tpu.memory_space<vmem>>, vector<1x16xf32>,
        %get3A_466 = vector.shape_cast %get3A_465 : vector<1x16xf32> to vector<16xf32>
        %swap3A_467 = arith.index_cast %add3A_434 : i32 to index
        %swap3A_468 = arith.constant 48 : index
        %swap3A_469 = tpu.vector_load %arg10[%swap3A_467, %swap3A_468] {strides = array<i32>} : memref<128x64xf32, #tpu.memory_space<vmem>>, vector<1x16xf32>,
        %swap3A_470 = vector.shape_cast %swap3A_469 : vector<1x16xf32> to vector<16xf32>
        %swap3A_471 = vector.shape_cast %get3A_466 : vector<16xf32> to vector<1x16xf32>
        tpu.vector_store %arg10[%swap3A_467, %swap3A_468], %swap3A_471 {add = true, strides = array<i32>} : memref<128x64xf32, #tpu.memory_space<vmem>>, vector<1x16xf32>,
        %scan3A_472 = arith.constant 6 : i32
        %scan3A_473 = arith.addi %scan3A_217, %scan3A_472 : i32
        %mul3A_474 = arith.constant 1 : i32
        %mul3A_475 = arith.muli %scan3A_473, %mul3A_474 : i32
        %add3A_476 = arith.constant 0 : i32
        %add3A_477 = arith.addi %add3A_476, %mul3A_475 : i32
        %add3A_478 = arith.addi %rem3A_171, %add3A_477 : i32
        %get3A_479 = arith.index_cast %add3A_478 : i32 to index
        %get3A_480 = arith.constant 0 : index
        %get3A_481 = tpu.vector_load %arg7[%get3A_479, %get3A_480] {strides = array<i32>} : memref<400x64xf32, #tpu.memory_space<vmem>>, vector<1x16xf32>,
        %get3A_482 = vector.shape_cast %get3A_481 : vector<1x16xf32> to vector<16xf32>
        %swap3A_483 = arith.index_cast %add3A_477 : i32 to index
        %swap3A_484 = arith.constant 0 : index
        %swap3A_485 = tpu.vector_load %arg10[%swap3A_483, %swap3A_484] {strides = array<i32>} : memref<128x64xf32, #tpu.memory_space<vmem>>, vector<1x16xf32>,
        %swap3A_486 = vector.shape_cast %swap3A_485 : vector<1x16xf32> to vector<16xf32>
        %swap3A_487 = vector.shape_cast %get3A_482 : vector<16xf32> to vector<1x16xf32>
        tpu.vector_store %arg10[%swap3A_483, %swap3A_484], %swap3A_487 {add = true, strides = array<i32>} : memref<128x64xf32, #tpu.memory_space<vmem>>, vector<1x16xf32>,
        %get3A_488 = arith.index_cast %add3A_478 : i32 to index
        %get3A_489 = arith.constant 16 : index
        %get3A_490 = tpu.vector_load %arg7[%get3A_488, %get3A_489] {strides = array<i32>} : memref<400x64xf32, #tpu.memory_space<vmem>>, vector<1x16xf32>,
        %get3A_491 = vector.shape_cast %get3A_490 : vector<1x16xf32> to vector<16xf32>
        %swap3A_492 = arith.index_cast %add3A_477 : i32 to index
        %swap3A_493 = arith.constant 16 : index
        %swap3A_494 = tpu.vector_load %arg10[%swap3A_492, %swap3A_493] {strides = array<i32>} : memref<128x64xf32, #tpu.memory_space<vmem>>, vector<1x16xf32>,
        %swap3A_495 = vector.shape_cast %swap3A_494 : vector<1x16xf32> to vector<16xf32>
        %swap3A_496 = vector.shape_cast %get3A_491 : vector<16xf32> to vector<1x16xf32>
        tpu.vector_store %arg10[%swap3A_492, %swap3A_493], %swap3A_496 {add = true, strides = array<i32>} : memref<128x64xf32, #tpu.memory_space<vmem>>, vector<1x16xf32>,
        %get3A_497 = arith.index_cast %add3A_478 : i32 to index
        %get3A_498 = arith.constant 32 : index
        %get3A_499 = tpu.vector_load %arg7[%get3A_497, %get3A_498] {strides = array<i32>} : memref<400x64xf32, #tpu.memory_space<vmem>>, vector<1x16xf32>,
        %get3A_500 = vector.shape_cast %get3A_499 : vector<1x16xf32> to vector<16xf32>
        %swap3A_501 = arith.index_cast %add3A_477 : i32 to index
        %swap3A_502 = arith.constant 32 : index
        %swap3A_503 = tpu.vector_load %arg10[%swap3A_501, %swap3A_502] {strides = array<i32>} : memref<128x64xf32, #tpu.memory_space<vmem>>, vector<1x16xf32>,
        %swap3A_504 = vector.shape_cast %swap3A_503 : vector<1x16xf32> to vector<16xf32>
        %swap3A_505 = vector.shape_cast %get3A_500 : vector<16xf32> to vector<1x16xf32>
        tpu.vector_store %arg10[%swap3A_501, %swap3A_502], %swap3A_505 {add = true, strides = array<i32>} : memref<128x64xf32, #tpu.memory_space<vmem>>, vector<1x16xf32>,
        %get3A_506 = arith.index_cast %add3A_478 : i32 to index
        %get3A_507 = arith.constant 48 : index
        %get3A_508 = tpu.vector_load %arg7[%get3A_506, %get3A_507] {strides = array<i32>} : memref<400x64xf32, #tpu.memory_space<vmem>>, vector<1x16xf32>,
        %get3A_509 = vector.shape_cast %get3A_508 : vector<1x16xf32> to vector<16xf32>
        %swap3A_510 = arith.index_cast %add3A_477 : i32 to index
        %swap3A_511 = arith.constant 48 : index
        %swap3A_512 = tpu.vector_load %arg10[%swap3A_510, %swap3A_511] {strides = array<i32>} : memref<128x64xf32, #tpu.memory_space<vmem>>, vector<1x16xf32>,
        %swap3A_513 = vector.shape_cast %swap3A_512 : vector<1x16xf32> to vector<16xf32>
        %swap3A_514 = vector.shape_cast %get3A_509 : vector<16xf32> to vector<1x16xf32>
        tpu.vector_store %arg10[%swap3A_510, %swap3A_511], %swap3A_514 {add = true, strides = array<i32>} : memref<128x64xf32, #tpu.memory_space<vmem>>, vector<1x16xf32>,
        %scan3A_515 = arith.constant 7 : i32
        %scan3A_516 = arith.addi %scan3A_217, %scan3A_515 : i32
        %mul3A_517 = arith.constant 1 : i32
        %mul3A_518 = arith.muli %scan3A_516, %mul3A_517 : i32
        %add3A_519 = arith.constant 0 : i32
        %add3A_520 = arith.addi %add3A_519, %mul3A_518 : i32
        %add3A_521 = arith.addi %rem3A_171, %add3A_520 : i32
        %get3A_522 = arith.index_cast %add3A_521 : i32 to index
        %get3A_523 = arith.constant 0 : index
        %get3A_524 = tpu.vector_load %arg7[%get3A_522, %get3A_523] {strides = array<i32>} : memref<400x64xf32, #tpu.memory_space<vmem>>, vector<1x16xf32>,
        %get3A_525 = vector.shape_cast %get3A_524 : vector<1x16xf32> to vector<16xf32>
        %swap3A_526 = arith.index_cast %add3A_520 : i32 to index
        %swap3A_527 = arith.constant 0 : index
        %swap3A_528 = tpu.vector_load %arg10[%swap3A_526, %swap3A_527] {strides = array<i32>} : memref<128x64xf32, #tpu.memory_space<vmem>>, vector<1x16xf32>,
        %swap3A_529 = vector.shape_cast %swap3A_528 : vector<1x16xf32> to vector<16xf32>
        %swap3A_530 = vector.shape_cast %get3A_525 : vector<16xf32> to vector<1x16xf32>
        tpu.vector_store %arg10[%swap3A_526, %swap3A_527], %swap3A_530 {add = true, strides = array<i32>} : memref<128x64xf32, #tpu.memory_space<vmem>>, vector<1x16xf32>,
        %get3A_531 = arith.index_cast %add3A_521 : i32 to index
        %get3A_532 = arith.constant 16 : index
        %get3A_533 = tpu.vector_load %arg7[%get3A_531, %get3A_532] {strides = array<i32>} : memref<400x64xf32, #tpu.memory_space<vmem>>, vector<1x16xf32>,
        %get3A_534 = vector.shape_cast %get3A_533 : vector<1x16xf32> to vector<16xf32>
        %swap3A_535 = arith.index_cast %add3A_520 : i32 to index
        %swap3A_536 = arith.constant 16 : index
        %swap3A_537 = tpu.vector_load %arg10[%swap3A_535, %swap3A_536] {strides = array<i32>} : memref<128x64xf32, #tpu.memory_space<vmem>>, vector<1x16xf32>,
        %swap3A_538 = vector.shape_cast %swap3A_537 : vector<1x16xf32> to vector<16xf32>
        %swap3A_539 = vector.shape_cast %get3A_534 : vector<16xf32> to vector<1x16xf32>
        tpu.vector_store %arg10[%swap3A_535, %swap3A_536], %swap3A_539 {add = true, strides = array<i32>} : memref<128x64xf32, #tpu.memory_space<vmem>>, vector<1x16xf32>,
        %get3A_540 = arith.index_cast %add3A_521 : i32 to index
        %get3A_541 = arith.constant 32 : index
        %get3A_542 = tpu.vector_load %arg7[%get3A_540, %get3A_541] {strides = array<i32>} : memref<400x64xf32, #tpu.memory_space<vmem>>, vector<1x16xf32>,
        %get3A_543 = vector.shape_cast %get3A_542 : vector<1x16xf32> to vector<16xf32>
        %swap3A_544 = arith.index_cast %add3A_520 : i32 to index
        %swap3A_545 = arith.constant 32 : index
        %swap3A_546 = tpu.vector_load %arg10[%swap3A_544, %swap3A_545] {strides = array<i32>} : memref<128x64xf32, #tpu.memory_space<vmem>>, vector<1x16xf32>,
        %swap3A_547 = vector.shape_cast %swap3A_546 : vector<1x16xf32> to vector<16xf32>
        %swap3A_548 = vector.shape_cast %get3A_543 : vector<16xf32> to vector<1x16xf32>
        tpu.vector_store %arg10[%swap3A_544, %swap3A_545], %swap3A_548 {add = true, strides = array<i32>} : memref<128x64xf32, #tpu.memory_space<vmem>>, vector<1x16xf32>,
        %get3A_549 = arith.index_cast %add3A_521 : i32 to index
        %get3A_550 = arith.constant 48 : index
        %get3A_551 = tpu.vector_load %arg7[%get3A_549, %get3A_550] {strides = array<i32>} : memref<400x64xf32, #tpu.memory_space<vmem>>, vector<1x16xf32>,
        %get3A_552 = vector.shape_cast %get3A_551 : vector<1x16xf32> to vector<16xf32>
        %swap3A_553 = arith.index_cast %add3A_520 : i32 to index
        %swap3A_554 = arith.constant 48 : index
        %swap3A_555 = tpu.vector_load %arg10[%swap3A_553, %swap3A_554] {strides = array<i32>} : memref<128x64xf32, #tpu.memory_space<vmem>>, vector<1x16xf32>,
        %swap3A_556 = vector.shape_cast %swap3A_555 : vector<1x16xf32> to vector<16xf32>
        %swap3A_557 = vector.shape_cast %get3A_552 : vector<16xf32> to vector<1x16xf32>
        tpu.vector_store %arg10[%swap3A_553, %swap3A_554], %swap3A_557 {add = true, strides = array<i32>} : memref<128x64xf32, #tpu.memory_space<vmem>>, vector<1x16xf32>,
      }
      %scan3A_176 = arith.constant 128 : i32
      %mul3A_177 = arith.constant 128 : i32
      %mul3A_178 = arith.muli %add3A_154, %mul3A_177 : i32
      %add3A_179 = arith.addi %mul3A_2, %mul3A_178 : i32
      %dma_start3A_180 = arith.constant 0 : i32
      %dma_start3A_181 = tpu.memref_slice %arg5[%add3A_179, %dma_start3A_180] : memref<204800x64xf32, #tpu.memory_space<hbm>> -> memref<128x64xf32, #tpu.memory_space<hbm>>
      %dma_start3A_182 = arith.constant 0 : i32
      %dma_start3A_183 = tpu.memref_slice %arg5[%add3A_179, %dma_start3A_182] : memref<204800x64xf32, #tpu.memory_space<hbm>> -> memref<128x64xf32, #tpu.memory_space<hbm>>
      tpu.enqueue_dma source(%arg10 : memref<128x64xf32, #tpu.memory_space<vmem>>) target(%dma_start3A_183 : memref<128x64xf32, #tpu.memory_space<hbm>>) target_semaphore(%arg18 : memref<!tpu.dma_semaphore, #tpu.memory_space<semaphore_mem>>)
      %mul3A_184 = arith.constant 4 : i32
      %mul3A_185 = arith.muli %add3A_87, %mul3A_184 : i32
      %add3A_186 = arith.constant 3 : i32
      %add3A_187 = arith.addi %mul3A_185, %add3A_186 : i32
      %dma_wait3A_188 = arith.constant 0 : i32
      %dma_wait3A_189 = arith.constant 0 : i32
      %dma_wait3A_190 = tpu.memref_slice %arg4[%dma_wait3A_188, %dma_wait3A_189] : memref<1000000x64xf32, #tpu.memory_space<hbm>> -> memref<128x64xf32, #tpu.memory_space<hbm>>
      %dma_wait3A_191 = arith.constant 0 : i32
      %dma_wait3A_192 = arith.constant 0 : i32
      %dma_wait3A_193 = tpu.memref_slice %arg4[%dma_wait3A_191, %dma_wait3A_192] : memref<1000000x64xf32, #tpu.memory_space<hbm>> -> memref<128x64xf32, #tpu.memory_space<hbm>>
      tpu.wait_dma2 semaphore(%arg15 : memref<!tpu.dma_semaphore, #tpu.memory_space<semaphore_mem>>) src(%dma_wait3A_193 : memref<128x64xf32, #tpu.memory_space<hbm>>) dst(%arg11 : memref<128x64xf32, #tpu.memory_space<vmem>>)
      %add3A_194 = arith.constant 3 : i32
      %add3A_195 = arith.addi %add3A_187, %add3A_194 : i32
      %lt3A_196 = arith.constant 50 : i32
      %lt3A_197 = arith.cmpi slt, %add3A_195, %lt3A_196 : i32
      %convert_element_type3A_198 = arith.extui %lt3A_197 : i1 to i32
      %cond3A_199 = arith.constant 0 : i32
      %cond3A_200 = arith.cmpi ne, %convert_element_type3A_198, %cond3A_199 : i32
      scf.if %cond3A_200 {
        %ge3A = arith.constant 1 : i32
        %ge3A_217 = arith.cmpi sge, %add3A_187, %ge3A : i32
        %convert_element_type3A_218 = arith.extui %ge3A_217 : i1 to i32
        %cond3A_219 = arith.constant 0 : i32
        %cond3A_220 = arith.cmpi ne, %convert_element_type3A_218, %cond3A_219 : i32
        scf.if %cond3A_220 {
          %dma_wait3A_229 = arith.constant 0 : i32
          %dma_wait3A_230 = arith.constant 0 : i32
          %dma_wait3A_231 = tpu.memref_slice %arg4[%dma_wait3A_229, %dma_wait3A_230] : memref<1000000x64xf32, #tpu.memory_space<hbm>> -> memref<128x64xf32, #tpu.memory_space<hbm>>
          %dma_wait3A_232 = arith.constant 0 : i32
          %dma_wait3A_233 = arith.constant 0 : i32
          %dma_wait3A_234 = tpu.memref_slice %arg4[%dma_wait3A_232, %dma_wait3A_233] : memref<1000000x64xf32, #tpu.memory_space<hbm>> -> memref<128x64xf32, #tpu.memory_space<hbm>>
          tpu.wait_dma2 semaphore(%arg18 : memref<!tpu.dma_semaphore, #tpu.memory_space<semaphore_mem>>) src(%dma_wait3A_234 : memref<128x64xf32, #tpu.memory_space<hbm>>) dst(%arg10 : memref<128x64xf32, #tpu.memory_space<vmem>>)
        } else {
        }
        %add3A_221 = arith.constant 3 : i32
        %add3A_222 = arith.addi %add3A_187, %add3A_221 : i32
        %mul3A_223 = arith.constant 128 : i32
        %mul3A_224 = arith.muli %add3A_222, %mul3A_223 : i32
        %dma_start3A_225 = tpu.memref_slice %arg6[%mul3A_224] : memref<6400xi32, #tpu.memory_space<vmem>> -> memref<128xi32, #tpu.memory_space<vmem>>
        %dma_start3A_226 = arith.constant 0 : i32
        %dma_start3A_227 = arith.constant 0 : i32
        %dma_start3A_228 = tpu.memref_slice %arg4[%dma_start3A_226, %dma_start3A_227] : memref<1000000x64xf32, #tpu.memory_space<hbm>> -> memref<1000000x64xf32, #tpu.memory_space<hbm>>
        tpu.enqueue_indirect_dma source(%dma_start3A_228 : memref<1000000x64xf32, #tpu.memory_space<hbm>>) target(%arg10 : memref<128x64xf32, #tpu.memory_space<vmem>>) offsets(%dma_start3A_225 : memref<128xi32, #tpu.memory_space<vmem>>) semaphore(%arg14 : memref<!tpu.dma_semaphore, #tpu.memory_space<semaphore_mem>>)
      } else {
      }
      %mul3A_201 = arith.constant 128 : i32
      %mul3A_202 = arith.muli %add3A_187, %mul3A_201 : i32
      %rem3A_203 = arith.constant 200 : i32
      %rem3A_204 = arith.remsi %mul3A_202, %rem3A_203 : i32
      %scan3A_205 = arith.constant 0 : i32
      %scan3A_206 = arith.constant 128 : i32
      %scan3A_207 = arith.addi %scan3A_205, %scan3A_206 : i32
      %scan3A_208 = arith.constant 8 : i32
      scf.for %scan3A_217 = %scan3A_205 to %scan3A_207 step %scan3A_208  : i32 {
        %mul3A_218 = arith.constant 1 : i32
        %mul3A_219 = arith.muli %scan3A_217, %mul3A_218 : i32
        %add3A_220 = arith.constant 0 : i32
        %add3A_221 = arith.addi %add3A_220, %mul3A_219 : i32
        %add3A_222 = arith.addi %rem3A_204, %add3A_221 : i32
        %get3A = arith.index_cast %add3A_222 : i32 to index
        %get3A_223 = arith.constant 0 : index
        %get3A_224 = tpu.vector_load %arg7[%get3A, %get3A_223] {strides = array<i32>} : memref<400x64xf32, #tpu.memory_space<vmem>>, vector<1x16xf32>,
        %get3A_225 = vector.shape_cast %get3A_224 : vector<1x16xf32> to vector<16xf32>
        %swap3A = arith.index_cast %add3A_221 : i32 to index
        %swap3A_226 = arith.constant 0 : index
        %swap3A_227 = tpu.vector_load %arg11[%swap3A, %swap3A_226] {strides = array<i32>} : memref<128x64xf32, #tpu.memory_space<vmem>>, vector<1x16xf32>,
        %swap3A_228 = vector.shape_cast %swap3A_227 : vector<1x16xf32> to vector<16xf32>
        %swap3A_229 = vector.shape_cast %get3A_225 : vector<16xf32> to vector<1x16xf32>
        tpu.vector_store %arg11[%swap3A, %swap3A_226], %swap3A_229 {add = true, strides = array<i32>} : memref<128x64xf32, #tpu.memory_space<vmem>>, vector<1x16xf32>,
        %get3A_230 = arith.index_cast %add3A_222 : i32 to index
        %get3A_231 = arith.constant 16 : index
        %get3A_232 = tpu.vector_load %arg7[%get3A_230, %get3A_231] {strides = array<i32>} : memref<400x64xf32, #tpu.memory_space<vmem>>, vector<1x16xf32>,
        %get3A_233 = vector.shape_cast %get3A_232 : vector<1x16xf32> to vector<16xf32>
        %swap3A_234 = arith.index_cast %add3A_221 : i32 to index
        %swap3A_235 = arith.constant 16 : index
        %swap3A_236 = tpu.vector_load %arg11[%swap3A_234, %swap3A_235] {strides = array<i32>} : memref<128x64xf32, #tpu.memory_space<vmem>>, vector<1x16xf32>,
        %swap3A_237 = vector.shape_cast %swap3A_236 : vector<1x16xf32> to vector<16xf32>
        %swap3A_238 = vector.shape_cast %get3A_233 : vector<16xf32> to vector<1x16xf32>
        tpu.vector_store %arg11[%swap3A_234, %swap3A_235], %swap3A_238 {add = true, strides = array<i32>} : memref<128x64xf32, #tpu.memory_space<vmem>>, vector<1x16xf32>,
        %get3A_239 = arith.index_cast %add3A_222 : i32 to index
        %get3A_240 = arith.constant 32 : index
        %get3A_241 = tpu.vector_load %arg7[%get3A_239, %get3A_240] {strides = array<i32>} : memref<400x64xf32, #tpu.memory_space<vmem>>, vector<1x16xf32>,
        %get3A_242 = vector.shape_cast %get3A_241 : vector<1x16xf32> to vector<16xf32>
        %swap3A_243 = arith.index_cast %add3A_221 : i32 to index
        %swap3A_244 = arith.constant 32 : index
        %swap3A_245 = tpu.vector_load %arg11[%swap3A_243, %swap3A_244] {strides = array<i32>} : memref<128x64xf32, #tpu.memory_space<vmem>>, vector<1x16xf32>,
        %swap3A_246 = vector.shape_cast %swap3A_245 : vector<1x16xf32> to vector<16xf32>
        %swap3A_247 = vector.shape_cast %get3A_242 : vector<16xf32> to vector<1x16xf32>
        tpu.vector_store %arg11[%swap3A_243, %swap3A_244], %swap3A_247 {add = true, strides = array<i32>} : memref<128x64xf32, #tpu.memory_space<vmem>>, vector<1x16xf32>,
        %get3A_248 = arith.index_cast %add3A_222 : i32 to index
        %get3A_249 = arith.constant 48 : index
        %get3A_250 = tpu.vector_load %arg7[%get3A_248, %get3A_249] {strides = array<i32>} : memref<400x64xf32, #tpu.memory_space<vmem>>, vector<1x16xf32>,
        %get3A_251 = vector.shape_cast %get3A_250 : vector<1x16xf32> to vector<16xf32>
        %swap3A_252 = arith.index_cast %add3A_221 : i32 to index
        %swap3A_253 = arith.constant 48 : index
        %swap3A_254 = tpu.vector_load %arg11[%swap3A_252, %swap3A_253] {strides = array<i32>} : memref<128x64xf32, #tpu.memory_space<vmem>>, vector<1x16xf32>,
        %swap3A_255 = vector.shape_cast %swap3A_254 : vector<1x16xf32> to vector<16xf32>
        %swap3A_256 = vector.shape_cast %get3A_251 : vector<16xf32> to vector<1x16xf32>
        tpu.vector_store %arg11[%swap3A_252, %swap3A_253], %swap3A_256 {add = true, strides = array<i32>} : memref<128x64xf32, #tpu.memory_space<vmem>>, vector<1x16xf32>,
        %scan3A_257 = arith.constant 1 : i32
        %scan3A_258 = arith.addi %scan3A_217, %scan3A_257 : i32
        %mul3A_259 = arith.constant 1 : i32
        %mul3A_260 = arith.muli %scan3A_258, %mul3A_259 : i32
        %add3A_261 = arith.constant 0 : i32
        %add3A_262 = arith.addi %add3A_261, %mul3A_260 : i32
        %add3A_263 = arith.addi %rem3A_204, %add3A_262 : i32
        %get3A_264 = arith.index_cast %add3A_263 : i32 to index
        %get3A_265 = arith.constant 0 : index
        %get3A_266 = tpu.vector_load %arg7[%get3A_264, %get3A_265] {strides = array<i32>} : memref<400x64xf32, #tpu.memory_space<vmem>>, vector<1x16xf32>,
        %get3A_267 = vector.shape_cast %get3A_266 : vector<1x16xf32> to vector<16xf32>
        %swap3A_268 = arith.index_cast %add3A_262 : i32 to index
        %swap3A_269 = arith.constant 0 : index
        %swap3A_270 = tpu.vector_load %arg11[%swap3A_268, %swap3A_269] {strides = array<i32>} : memref<128x64xf32, #tpu.memory_space<vmem>>, vector<1x16xf32>,
        %swap3A_271 = vector.shape_cast %swap3A_270 : vector<1x16xf32> to vector<16xf32>
        %swap3A_272 = vector.shape_cast %get3A_267 : vector<16xf32> to vector<1x16xf32>
        tpu.vector_store %arg11[%swap3A_268, %swap3A_269], %swap3A_272 {add = true, strides = array<i32>} : memref<128x64xf32, #tpu.memory_space<vmem>>, vector<1x16xf32>,
        %get3A_273 = arith.index_cast %add3A_263 : i32 to index
        %get3A_274 = arith.constant 16 : index
        %get3A_275 = tpu.vector_load %arg7[%get3A_273, %get3A_274] {strides = array<i32>} : memref<400x64xf32, #tpu.memory_space<vmem>>, vector<1x16xf32>,
        %get3A_276 = vector.shape_cast %get3A_275 : vector<1x16xf32> to vector<16xf32>
        %swap3A_277 = arith.index_cast %add3A_262 : i32 to index
        %swap3A_278 = arith.constant 16 : index
        %swap3A_279 = tpu.vector_load %arg11[%swap3A_277, %swap3A_278] {strides = array<i32>} : memref<128x64xf32, #tpu.memory_space<vmem>>, vector<1x16xf32>,
        %swap3A_280 = vector.shape_cast %swap3A_279 : vector<1x16xf32> to vector<16xf32>
        %swap3A_281 = vector.shape_cast %get3A_276 : vector<16xf32> to vector<1x16xf32>
        tpu.vector_store %arg11[%swap3A_277, %swap3A_278], %swap3A_281 {add = true, strides = array<i32>} : memref<128x64xf32, #tpu.memory_space<vmem>>, vector<1x16xf32>,
        %get3A_282 = arith.index_cast %add3A_263 : i32 to index
        %get3A_283 = arith.constant 32 : index
        %get3A_284 = tpu.vector_load %arg7[%get3A_282, %get3A_283] {strides = array<i32>} : memref<400x64xf32, #tpu.memory_space<vmem>>, vector<1x16xf32>,
        %get3A_285 = vector.shape_cast %get3A_284 : vector<1x16xf32> to vector<16xf32>
        %swap3A_286 = arith.index_cast %add3A_262 : i32 to index
        %swap3A_287 = arith.constant 32 : index
        %swap3A_288 = tpu.vector_load %arg11[%swap3A_286, %swap3A_287] {strides = array<i32>} : memref<128x64xf32, #tpu.memory_space<vmem>>, vector<1x16xf32>,
        %swap3A_289 = vector.shape_cast %swap3A_288 : vector<1x16xf32> to vector<16xf32>
        %swap3A_290 = vector.shape_cast %get3A_285 : vector<16xf32> to vector<1x16xf32>
        tpu.vector_store %arg11[%swap3A_286, %swap3A_287], %swap3A_290 {add = true, strides = array<i32>} : memref<128x64xf32, #tpu.memory_space<vmem>>, vector<1x16xf32>,
        %get3A_291 = arith.index_cast %add3A_263 : i32 to index
        %get3A_292 = arith.constant 48 : index
        %get3A_293 = tpu.vector_load %arg7[%get3A_291, %get3A_292] {strides = array<i32>} : memref<400x64xf32, #tpu.memory_space<vmem>>, vector<1x16xf32>,
        %get3A_294 = vector.shape_cast %get3A_293 : vector<1x16xf32> to vector<16xf32>
        %swap3A_295 = arith.index_cast %add3A_262 : i32 to index
        %swap3A_296 = arith.constant 48 : index
        %swap3A_297 = tpu.vector_load %arg11[%swap3A_295, %swap3A_296] {strides = array<i32>} : memref<128x64xf32, #tpu.memory_space<vmem>>, vector<1x16xf32>,
        %swap3A_298 = vector.shape_cast %swap3A_297 : vector<1x16xf32> to vector<16xf32>
        %swap3A_299 = vector.shape_cast %get3A_294 : vector<16xf32> to vector<1x16xf32>
        tpu.vector_store %arg11[%swap3A_295, %swap3A_296], %swap3A_299 {add = true, strides = array<i32>} : memref<128x64xf32, #tpu.memory_space<vmem>>, vector<1x16xf32>,
        %scan3A_300 = arith.constant 2 : i32
        %scan3A_301 = arith.addi %scan3A_217, %scan3A_300 : i32
        %mul3A_302 = arith.constant 1 : i32
        %mul3A_303 = arith.muli %scan3A_301, %mul3A_302 : i32
        %add3A_304 = arith.constant 0 : i32
        %add3A_305 = arith.addi %add3A_304, %mul3A_303 : i32
        %add3A_306 = arith.addi %rem3A_204, %add3A_305 : i32
        %get3A_307 = arith.index_cast %add3A_306 : i32 to index
        %get3A_308 = arith.constant 0 : index
        %get3A_309 = tpu.vector_load %arg7[%get3A_307, %get3A_308] {strides = array<i32>} : memref<400x64xf32, #tpu.memory_space<vmem>>, vector<1x16xf32>,
        %get3A_310 = vector.shape_cast %get3A_309 : vector<1x16xf32> to vector<16xf32>
        %swap3A_311 = arith.index_cast %add3A_305 : i32 to index
        %swap3A_312 = arith.constant 0 : index
        %swap3A_313 = tpu.vector_load %arg11[%swap3A_311, %swap3A_312] {strides = array<i32>} : memref<128x64xf32, #tpu.memory_space<vmem>>, vector<1x16xf32>,
        %swap3A_314 = vector.shape_cast %swap3A_313 : vector<1x16xf32> to vector<16xf32>
        %swap3A_315 = vector.shape_cast %get3A_310 : vector<16xf32> to vector<1x16xf32>
        tpu.vector_store %arg11[%swap3A_311, %swap3A_312], %swap3A_315 {add = true, strides = array<i32>} : memref<128x64xf32, #tpu.memory_space<vmem>>, vector<1x16xf32>,
        %get3A_316 = arith.index_cast %add3A_306 : i32 to index
        %get3A_317 = arith.constant 16 : index
        %get3A_318 = tpu.vector_load %arg7[%get3A_316, %get3A_317] {strides = array<i32>} : memref<400x64xf32, #tpu.memory_space<vmem>>, vector<1x16xf32>,
        %get3A_319 = vector.shape_cast %get3A_318 : vector<1x16xf32> to vector<16xf32>
        %swap3A_320 = arith.index_cast %add3A_305 : i32 to index
        %swap3A_321 = arith.constant 16 : index
        %swap3A_322 = tpu.vector_load %arg11[%swap3A_320, %swap3A_321] {strides = array<i32>} : memref<128x64xf32, #tpu.memory_space<vmem>>, vector<1x16xf32>,
        %swap3A_323 = vector.shape_cast %swap3A_322 : vector<1x16xf32> to vector<16xf32>
        %swap3A_324 = vector.shape_cast %get3A_319 : vector<16xf32> to vector<1x16xf32>
        tpu.vector_store %arg11[%swap3A_320, %swap3A_321], %swap3A_324 {add = true, strides = array<i32>} : memref<128x64xf32, #tpu.memory_space<vmem>>, vector<1x16xf32>,
        %get3A_325 = arith.index_cast %add3A_306 : i32 to index
        %get3A_326 = arith.constant 32 : index
        %get3A_327 = tpu.vector_load %arg7[%get3A_325, %get3A_326] {strides = array<i32>} : memref<400x64xf32, #tpu.memory_space<vmem>>, vector<1x16xf32>,
        %get3A_328 = vector.shape_cast %get3A_327 : vector<1x16xf32> to vector<16xf32>
        %swap3A_329 = arith.index_cast %add3A_305 : i32 to index
        %swap3A_330 = arith.constant 32 : index
        %swap3A_331 = tpu.vector_load %arg11[%swap3A_329, %swap3A_330] {strides = array<i32>} : memref<128x64xf32, #tpu.memory_space<vmem>>, vector<1x16xf32>,
        %swap3A_332 = vector.shape_cast %swap3A_331 : vector<1x16xf32> to vector<16xf32>
        %swap3A_333 = vector.shape_cast %get3A_328 : vector<16xf32> to vector<1x16xf32>
        tpu.vector_store %arg11[%swap3A_329, %swap3A_330], %swap3A_333 {add = true, strides = array<i32>} : memref<128x64xf32, #tpu.memory_space<vmem>>, vector<1x16xf32>,
        %get3A_334 = arith.index_cast %add3A_306 : i32 to index
        %get3A_335 = arith.constant 48 : index
        %get3A_336 = tpu.vector_load %arg7[%get3A_334, %get3A_335] {strides = array<i32>} : memref<400x64xf32, #tpu.memory_space<vmem>>, vector<1x16xf32>,
        %get3A_337 = vector.shape_cast %get3A_336 : vector<1x16xf32> to vector<16xf32>
        %swap3A_338 = arith.index_cast %add3A_305 : i32 to index
        %swap3A_339 = arith.constant 48 : index
        %swap3A_340 = tpu.vector_load %arg11[%swap3A_338, %swap3A_339] {strides = array<i32>} : memref<128x64xf32, #tpu.memory_space<vmem>>, vector<1x16xf32>,
        %swap3A_341 = vector.shape_cast %swap3A_340 : vector<1x16xf32> to vector<16xf32>
        %swap3A_342 = vector.shape_cast %get3A_337 : vector<16xf32> to vector<1x16xf32>
        tpu.vector_store %arg11[%swap3A_338, %swap3A_339], %swap3A_342 {add = true, strides = array<i32>} : memref<128x64xf32, #tpu.memory_space<vmem>>, vector<1x16xf32>,
        %scan3A_343 = arith.constant 3 : i32
        %scan3A_344 = arith.addi %scan3A_217, %scan3A_343 : i32
        %mul3A_345 = arith.constant 1 : i32
        %mul3A_346 = arith.muli %scan3A_344, %mul3A_345 : i32
        %add3A_347 = arith.constant 0 : i32
        %add3A_348 = arith.addi %add3A_347, %mul3A_346 : i32
        %add3A_349 = arith.addi %rem3A_204, %add3A_348 : i32
        %get3A_350 = arith.index_cast %add3A_349 : i32 to index
        %get3A_351 = arith.constant 0 : index
        %get3A_352 = tpu.vector_load %arg7[%get3A_350, %get3A_351] {strides = array<i32>} : memref<400x64xf32, #tpu.memory_space<vmem>>, vector<1x16xf32>,
        %get3A_353 = vector.shape_cast %get3A_352 : vector<1x16xf32> to vector<16xf32>
        %swap3A_354 = arith.index_cast %add3A_348 : i32 to index
        %swap3A_355 = arith.constant 0 : index
        %swap3A_356 = tpu.vector_load %arg11[%swap3A_354, %swap3A_355] {strides = array<i32>} : memref<128x64xf32, #tpu.memory_space<vmem>>, vector<1x16xf32>,
        %swap3A_357 = vector.shape_cast %swap3A_356 : vector<1x16xf32> to vector<16xf32>
        %swap3A_358 = vector.shape_cast %get3A_353 : vector<16xf32> to vector<1x16xf32>
        tpu.vector_store %arg11[%swap3A_354, %swap3A_355], %swap3A_358 {add = true, strides = array<i32>} : memref<128x64xf32, #tpu.memory_space<vmem>>, vector<1x16xf32>,
        %get3A_359 = arith.index_cast %add3A_349 : i32 to index
        %get3A_360 = arith.constant 16 : index
        %get3A_361 = tpu.vector_load %arg7[%get3A_359, %get3A_360] {strides = array<i32>} : memref<400x64xf32, #tpu.memory_space<vmem>>, vector<1x16xf32>,
        %get3A_362 = vector.shape_cast %get3A_361 : vector<1x16xf32> to vector<16xf32>
        %swap3A_363 = arith.index_cast %add3A_348 : i32 to index
        %swap3A_364 = arith.constant 16 : index
        %swap3A_365 = tpu.vector_load %arg11[%swap3A_363, %swap3A_364] {strides = array<i32>} : memref<128x64xf32, #tpu.memory_space<vmem>>, vector<1x16xf32>,
        %swap3A_366 = vector.shape_cast %swap3A_365 : vector<1x16xf32> to vector<16xf32>
        %swap3A_367 = vector.shape_cast %get3A_362 : vector<16xf32> to vector<1x16xf32>
        tpu.vector_store %arg11[%swap3A_363, %swap3A_364], %swap3A_367 {add = true, strides = array<i32>} : memref<128x64xf32, #tpu.memory_space<vmem>>, vector<1x16xf32>,
        %get3A_368 = arith.index_cast %add3A_349 : i32 to index
        %get3A_369 = arith.constant 32 : index
        %get3A_370 = tpu.vector_load %arg7[%get3A_368, %get3A_369] {strides = array<i32>} : memref<400x64xf32, #tpu.memory_space<vmem>>, vector<1x16xf32>,
        %get3A_371 = vector.shape_cast %get3A_370 : vector<1x16xf32> to vector<16xf32>
        %swap3A_372 = arith.index_cast %add3A_348 : i32 to index
        %swap3A_373 = arith.constant 32 : index
        %swap3A_374 = tpu.vector_load %arg11[%swap3A_372, %swap3A_373] {strides = array<i32>} : memref<128x64xf32, #tpu.memory_space<vmem>>, vector<1x16xf32>,
        %swap3A_375 = vector.shape_cast %swap3A_374 : vector<1x16xf32> to vector<16xf32>
        %swap3A_376 = vector.shape_cast %get3A_371 : vector<16xf32> to vector<1x16xf32>
        tpu.vector_store %arg11[%swap3A_372, %swap3A_373], %swap3A_376 {add = true, strides = array<i32>} : memref<128x64xf32, #tpu.memory_space<vmem>>, vector<1x16xf32>,
        %get3A_377 = arith.index_cast %add3A_349 : i32 to index
        %get3A_378 = arith.constant 48 : index
        %get3A_379 = tpu.vector_load %arg7[%get3A_377, %get3A_378] {strides = array<i32>} : memref<400x64xf32, #tpu.memory_space<vmem>>, vector<1x16xf32>,
        %get3A_380 = vector.shape_cast %get3A_379 : vector<1x16xf32> to vector<16xf32>
        %swap3A_381 = arith.index_cast %add3A_348 : i32 to index
        %swap3A_382 = arith.constant 48 : index
        %swap3A_383 = tpu.vector_load %arg11[%swap3A_381, %swap3A_382] {strides = array<i32>} : memref<128x64xf32, #tpu.memory_space<vmem>>, vector<1x16xf32>,
        %swap3A_384 = vector.shape_cast %swap3A_383 : vector<1x16xf32> to vector<16xf32>
        %swap3A_385 = vector.shape_cast %get3A_380 : vector<16xf32> to vector<1x16xf32>
        tpu.vector_store %arg11[%swap3A_381, %swap3A_382], %swap3A_385 {add = true, strides = array<i32>} : memref<128x64xf32, #tpu.memory_space<vmem>>, vector<1x16xf32>,
        %scan3A_386 = arith.constant 4 : i32
        %scan3A_387 = arith.addi %scan3A_217, %scan3A_386 : i32
        %mul3A_388 = arith.constant 1 : i32
        %mul3A_389 = arith.muli %scan3A_387, %mul3A_388 : i32
        %add3A_390 = arith.constant 0 : i32
        %add3A_391 = arith.addi %add3A_390, %mul3A_389 : i32
        %add3A_392 = arith.addi %rem3A_204, %add3A_391 : i32
        %get3A_393 = arith.index_cast %add3A_392 : i32 to index
        %get3A_394 = arith.constant 0 : index
        %get3A_395 = tpu.vector_load %arg7[%get3A_393, %get3A_394] {strides = array<i32>} : memref<400x64xf32, #tpu.memory_space<vmem>>, vector<1x16xf32>,
        %get3A_396 = vector.shape_cast %get3A_395 : vector<1x16xf32> to vector<16xf32>
        %swap3A_397 = arith.index_cast %add3A_391 : i32 to index
        %swap3A_398 = arith.constant 0 : index
        %swap3A_399 = tpu.vector_load %arg11[%swap3A_397, %swap3A_398] {strides = array<i32>} : memref<128x64xf32, #tpu.memory_space<vmem>>, vector<1x16xf32>,
        %swap3A_400 = vector.shape_cast %swap3A_399 : vector<1x16xf32> to vector<16xf32>
        %swap3A_401 = vector.shape_cast %get3A_396 : vector<16xf32> to vector<1x16xf32>
        tpu.vector_store %arg11[%swap3A_397, %swap3A_398], %swap3A_401 {add = true, strides = array<i32>} : memref<128x64xf32, #tpu.memory_space<vmem>>, vector<1x16xf32>,
        %get3A_402 = arith.index_cast %add3A_392 : i32 to index
        %get3A_403 = arith.constant 16 : index
        %get3A_404 = tpu.vector_load %arg7[%get3A_402, %get3A_403] {strides = array<i32>} : memref<400x64xf32, #tpu.memory_space<vmem>>, vector<1x16xf32>,
        %get3A_405 = vector.shape_cast %get3A_404 : vector<1x16xf32> to vector<16xf32>
        %swap3A_406 = arith.index_cast %add3A_391 : i32 to index
        %swap3A_407 = arith.constant 16 : index
        %swap3A_408 = tpu.vector_load %arg11[%swap3A_406, %swap3A_407] {strides = array<i32>} : memref<128x64xf32, #tpu.memory_space<vmem>>, vector<1x16xf32>,
        %swap3A_409 = vector.shape_cast %swap3A_408 : vector<1x16xf32> to vector<16xf32>
        %swap3A_410 = vector.shape_cast %get3A_405 : vector<16xf32> to vector<1x16xf32>
        tpu.vector_store %arg11[%swap3A_406, %swap3A_407], %swap3A_410 {add = true, strides = array<i32>} : memref<128x64xf32, #tpu.memory_space<vmem>>, vector<1x16xf32>,
        %get3A_411 = arith.index_cast %add3A_392 : i32 to index
        %get3A_412 = arith.constant 32 : index
        %get3A_413 = tpu.vector_load %arg7[%get3A_411, %get3A_412] {strides = array<i32>} : memref<400x64xf32, #tpu.memory_space<vmem>>, vector<1x16xf32>,
        %get3A_414 = vector.shape_cast %get3A_413 : vector<1x16xf32> to vector<16xf32>
        %swap3A_415 = arith.index_cast %add3A_391 : i32 to index
        %swap3A_416 = arith.constant 32 : index
        %swap3A_417 = tpu.vector_load %arg11[%swap3A_415, %swap3A_416] {strides = array<i32>} : memref<128x64xf32, #tpu.memory_space<vmem>>, vector<1x16xf32>,
        %swap3A_418 = vector.shape_cast %swap3A_417 : vector<1x16xf32> to vector<16xf32>
        %swap3A_419 = vector.shape_cast %get3A_414 : vector<16xf32> to vector<1x16xf32>
        tpu.vector_store %arg11[%swap3A_415, %swap3A_416], %swap3A_419 {add = true, strides = array<i32>} : memref<128x64xf32, #tpu.memory_space<vmem>>, vector<1x16xf32>,
        %get3A_420 = arith.index_cast %add3A_392 : i32 to index
        %get3A_421 = arith.constant 48 : index
        %get3A_422 = tpu.vector_load %arg7[%get3A_420, %get3A_421] {strides = array<i32>} : memref<400x64xf32, #tpu.memory_space<vmem>>, vector<1x16xf32>,
        %get3A_423 = vector.shape_cast %get3A_422 : vector<1x16xf32> to vector<16xf32>
        %swap3A_424 = arith.index_cast %add3A_391 : i32 to index
        %swap3A_425 = arith.constant 48 : index
        %swap3A_426 = tpu.vector_load %arg11[%swap3A_424, %swap3A_425] {strides = array<i32>} : memref<128x64xf32, #tpu.memory_space<vmem>>, vector<1x16xf32>,
        %swap3A_427 = vector.shape_cast %swap3A_426 : vector<1x16xf32> to vector<16xf32>
        %swap3A_428 = vector.shape_cast %get3A_423 : vector<16xf32> to vector<1x16xf32>
        tpu.vector_store %arg11[%swap3A_424, %swap3A_425], %swap3A_428 {add = true, strides = array<i32>} : memref<128x64xf32, #tpu.memory_space<vmem>>, vector<1x16xf32>,
        %scan3A_429 = arith.constant 5 : i32
        %scan3A_430 = arith.addi %scan3A_217, %scan3A_429 : i32
        %mul3A_431 = arith.constant 1 : i32
        %mul3A_432 = arith.muli %scan3A_430, %mul3A_431 : i32
        %add3A_433 = arith.constant 0 : i32
        %add3A_434 = arith.addi %add3A_433, %mul3A_432 : i32
        %add3A_435 = arith.addi %rem3A_204, %add3A_434 : i32
        %get3A_436 = arith.index_cast %add3A_435 : i32 to index
        %get3A_437 = arith.constant 0 : index
        %get3A_438 = tpu.vector_load %arg7[%get3A_436, %get3A_437] {strides = array<i32>} : memref<400x64xf32, #tpu.memory_space<vmem>>, vector<1x16xf32>,
        %get3A_439 = vector.shape_cast %get3A_438 : vector<1x16xf32> to vector<16xf32>
        %swap3A_440 = arith.index_cast %add3A_434 : i32 to index
        %swap3A_441 = arith.constant 0 : index
        %swap3A_442 = tpu.vector_load %arg11[%swap3A_440, %swap3A_441] {strides = array<i32>} : memref<128x64xf32, #tpu.memory_space<vmem>>, vector<1x16xf32>,
        %swap3A_443 = vector.shape_cast %swap3A_442 : vector<1x16xf32> to vector<16xf32>
        %swap3A_444 = vector.shape_cast %get3A_439 : vector<16xf32> to vector<1x16xf32>
        tpu.vector_store %arg11[%swap3A_440, %swap3A_441], %swap3A_444 {add = true, strides = array<i32>} : memref<128x64xf32, #tpu.memory_space<vmem>>, vector<1x16xf32>,
        %get3A_445 = arith.index_cast %add3A_435 : i32 to index
        %get3A_446 = arith.constant 16 : index
        %get3A_447 = tpu.vector_load %arg7[%get3A_445, %get3A_446] {strides = array<i32>} : memref<400x64xf32, #tpu.memory_space<vmem>>, vector<1x16xf32>,
        %get3A_448 = vector.shape_cast %get3A_447 : vector<1x16xf32> to vector<16xf32>
        %swap3A_449 = arith.index_cast %add3A_434 : i32 to index
        %swap3A_450 = arith.constant 16 : index
        %swap3A_451 = tpu.vector_load %arg11[%swap3A_449, %swap3A_450] {strides = array<i32>} : memref<128x64xf32, #tpu.memory_space<vmem>>, vector<1x16xf32>,
        %swap3A_452 = vector.shape_cast %swap3A_451 : vector<1x16xf32> to vector<16xf32>
        %swap3A_453 = vector.shape_cast %get3A_448 : vector<16xf32> to vector<1x16xf32>
        tpu.vector_store %arg11[%swap3A_449, %swap3A_450], %swap3A_453 {add = true, strides = array<i32>} : memref<128x64xf32, #tpu.memory_space<vmem>>, vector<1x16xf32>,
        %get3A_454 = arith.index_cast %add3A_435 : i32 to index
        %get3A_455 = arith.constant 32 : index
        %get3A_456 = tpu.vector_load %arg7[%get3A_454, %get3A_455] {strides = array<i32>} : memref<400x64xf32, #tpu.memory_space<vmem>>, vector<1x16xf32>,
        %get3A_457 = vector.shape_cast %get3A_456 : vector<1x16xf32> to vector<16xf32>
        %swap3A_458 = arith.index_cast %add3A_434 : i32 to index
        %swap3A_459 = arith.constant 32 : index
        %swap3A_460 = tpu.vector_load %arg11[%swap3A_458, %swap3A_459] {strides = array<i32>} : memref<128x64xf32, #tpu.memory_space<vmem>>, vector<1x16xf32>,
        %swap3A_461 = vector.shape_cast %swap3A_460 : vector<1x16xf32> to vector<16xf32>
        %swap3A_462 = vector.shape_cast %get3A_457 : vector<16xf32> to vector<1x16xf32>
        tpu.vector_store %arg11[%swap3A_458, %swap3A_459], %swap3A_462 {add = true, strides = array<i32>} : memref<128x64xf32, #tpu.memory_space<vmem>>, vector<1x16xf32>,
        %get3A_463 = arith.index_cast %add3A_435 : i32 to index
        %get3A_464 = arith.constant 48 : index
        %get3A_465 = tpu.vector_load %arg7[%get3A_463, %get3A_464] {strides = array<i32>} : memref<400x64xf32, #tpu.memory_space<vmem>>, vector<1x16xf32>,
        %get3A_466 = vector.shape_cast %get3A_465 : vector<1x16xf32> to vector<16xf32>
        %swap3A_467 = arith.index_cast %add3A_434 : i32 to index
        %swap3A_468 = arith.constant 48 : index
        %swap3A_469 = tpu.vector_load %arg11[%swap3A_467, %swap3A_468] {strides = array<i32>} : memref<128x64xf32, #tpu.memory_space<vmem>>, vector<1x16xf32>,
        %swap3A_470 = vector.shape_cast %swap3A_469 : vector<1x16xf32> to vector<16xf32>
        %swap3A_471 = vector.shape_cast %get3A_466 : vector<16xf32> to vector<1x16xf32>
        tpu.vector_store %arg11[%swap3A_467, %swap3A_468], %swap3A_471 {add = true, strides = array<i32>} : memref<128x64xf32, #tpu.memory_space<vmem>>, vector<1x16xf32>,
        %scan3A_472 = arith.constant 6 : i32
        %scan3A_473 = arith.addi %scan3A_217, %scan3A_472 : i32
        %mul3A_474 = arith.constant 1 : i32
        %mul3A_475 = arith.muli %scan3A_473, %mul3A_474 : i32
        %add3A_476 = arith.constant 0 : i32
        %add3A_477 = arith.addi %add3A_476, %mul3A_475 : i32
        %add3A_478 = arith.addi %rem3A_204, %add3A_477 : i32
        %get3A_479 = arith.index_cast %add3A_478 : i32 to index
        %get3A_480 = arith.constant 0 : index
        %get3A_481 = tpu.vector_load %arg7[%get3A_479, %get3A_480] {strides = array<i32>} : memref<400x64xf32, #tpu.memory_space<vmem>>, vector<1x16xf32>,
        %get3A_482 = vector.shape_cast %get3A_481 : vector<1x16xf32> to vector<16xf32>
        %swap3A_483 = arith.index_cast %add3A_477 : i32 to index
        %swap3A_484 = arith.constant 0 : index
        %swap3A_485 = tpu.vector_load %arg11[%swap3A_483, %swap3A_484] {strides = array<i32>} : memref<128x64xf32, #tpu.memory_space<vmem>>, vector<1x16xf32>,
        %swap3A_486 = vector.shape_cast %swap3A_485 : vector<1x16xf32> to vector<16xf32>
        %swap3A_487 = vector.shape_cast %get3A_482 : vector<16xf32> to vector<1x16xf32>
        tpu.vector_store %arg11[%swap3A_483, %swap3A_484], %swap3A_487 {add = true, strides = array<i32>} : memref<128x64xf32, #tpu.memory_space<vmem>>, vector<1x16xf32>,
        %get3A_488 = arith.index_cast %add3A_478 : i32 to index
        %get3A_489 = arith.constant 16 : index
        %get3A_490 = tpu.vector_load %arg7[%get3A_488, %get3A_489] {strides = array<i32>} : memref<400x64xf32, #tpu.memory_space<vmem>>, vector<1x16xf32>,
        %get3A_491 = vector.shape_cast %get3A_490 : vector<1x16xf32> to vector<16xf32>
        %swap3A_492 = arith.index_cast %add3A_477 : i32 to index
        %swap3A_493 = arith.constant 16 : index
        %swap3A_494 = tpu.vector_load %arg11[%swap3A_492, %swap3A_493] {strides = array<i32>} : memref<128x64xf32, #tpu.memory_space<vmem>>, vector<1x16xf32>,
        %swap3A_495 = vector.shape_cast %swap3A_494 : vector<1x16xf32> to vector<16xf32>
        %swap3A_496 = vector.shape_cast %get3A_491 : vector<16xf32> to vector<1x16xf32>
        tpu.vector_store %arg11[%swap3A_492, %swap3A_493], %swap3A_496 {add = true, strides = array<i32>} : memref<128x64xf32, #tpu.memory_space<vmem>>, vector<1x16xf32>,
        %get3A_497 = arith.index_cast %add3A_478 : i32 to index
        %get3A_498 = arith.constant 32 : index
        %get3A_499 = tpu.vector_load %arg7[%get3A_497, %get3A_498] {strides = array<i32>} : memref<400x64xf32, #tpu.memory_space<vmem>>, vector<1x16xf32>,
        %get3A_500 = vector.shape_cast %get3A_499 : vector<1x16xf32> to vector<16xf32>
        %swap3A_501 = arith.index_cast %add3A_477 : i32 to index
        %swap3A_502 = arith.constant 32 : index
        %swap3A_503 = tpu.vector_load %arg11[%swap3A_501, %swap3A_502] {strides = array<i32>} : memref<128x64xf32, #tpu.memory_space<vmem>>, vector<1x16xf32>,
        %swap3A_504 = vector.shape_cast %swap3A_503 : vector<1x16xf32> to vector<16xf32>
        %swap3A_505 = vector.shape_cast %get3A_500 : vector<16xf32> to vector<1x16xf32>
        tpu.vector_store %arg11[%swap3A_501, %swap3A_502], %swap3A_505 {add = true, strides = array<i32>} : memref<128x64xf32, #tpu.memory_space<vmem>>, vector<1x16xf32>,
        %get3A_506 = arith.index_cast %add3A_478 : i32 to index
        %get3A_507 = arith.constant 48 : index
        %get3A_508 = tpu.vector_load %arg7[%get3A_506, %get3A_507] {strides = array<i32>} : memref<400x64xf32, #tpu.memory_space<vmem>>, vector<1x16xf32>,
        %get3A_509 = vector.shape_cast %get3A_508 : vector<1x16xf32> to vector<16xf32>
        %swap3A_510 = arith.index_cast %add3A_477 : i32 to index
        %swap3A_511 = arith.constant 48 : index
        %swap3A_512 = tpu.vector_load %arg11[%swap3A_510, %swap3A_511] {strides = array<i32>} : memref<128x64xf32, #tpu.memory_space<vmem>>, vector<1x16xf32>,
        %swap3A_513 = vector.shape_cast %swap3A_512 : vector<1x16xf32> to vector<16xf32>
        %swap3A_514 = vector.shape_cast %get3A_509 : vector<16xf32> to vector<1x16xf32>
        tpu.vector_store %arg11[%swap3A_510, %swap3A_511], %swap3A_514 {add = true, strides = array<i32>} : memref<128x64xf32, #tpu.memory_space<vmem>>, vector<1x16xf32>,
        %scan3A_515 = arith.constant 7 : i32
        %scan3A_516 = arith.addi %scan3A_217, %scan3A_515 : i32
        %mul3A_517 = arith.constant 1 : i32
        %mul3A_518 = arith.muli %scan3A_516, %mul3A_517 : i32
        %add3A_519 = arith.constant 0 : i32
        %add3A_520 = arith.addi %add3A_519, %mul3A_518 : i32
        %add3A_521 = arith.addi %rem3A_204, %add3A_520 : i32
        %get3A_522 = arith.index_cast %add3A_521 : i32 to index
        %get3A_523 = arith.constant 0 : index
        %get3A_524 = tpu.vector_load %arg7[%get3A_522, %get3A_523] {strides = array<i32>} : memref<400x64xf32, #tpu.memory_space<vmem>>, vector<1x16xf32>,
        %get3A_525 = vector.shape_cast %get3A_524 : vector<1x16xf32> to vector<16xf32>
        %swap3A_526 = arith.index_cast %add3A_520 : i32 to index
        %swap3A_527 = arith.constant 0 : index
        %swap3A_528 = tpu.vector_load %arg11[%swap3A_526, %swap3A_527] {strides = array<i32>} : memref<128x64xf32, #tpu.memory_space<vmem>>, vector<1x16xf32>,
        %swap3A_529 = vector.shape_cast %swap3A_528 : vector<1x16xf32> to vector<16xf32>
        %swap3A_530 = vector.shape_cast %get3A_525 : vector<16xf32> to vector<1x16xf32>
        tpu.vector_store %arg11[%swap3A_526, %swap3A_527], %swap3A_530 {add = true, strides = array<i32>} : memref<128x64xf32, #tpu.memory_space<vmem>>, vector<1x16xf32>,
        %get3A_531 = arith.index_cast %add3A_521 : i32 to index
        %get3A_532 = arith.constant 16 : index
        %get3A_533 = tpu.vector_load %arg7[%get3A_531, %get3A_532] {strides = array<i32>} : memref<400x64xf32, #tpu.memory_space<vmem>>, vector<1x16xf32>,
        %get3A_534 = vector.shape_cast %get3A_533 : vector<1x16xf32> to vector<16xf32>
        %swap3A_535 = arith.index_cast %add3A_520 : i32 to index
        %swap3A_536 = arith.constant 16 : index
        %swap3A_537 = tpu.vector_load %arg11[%swap3A_535, %swap3A_536] {strides = array<i32>} : memref<128x64xf32, #tpu.memory_space<vmem>>, vector<1x16xf32>,
        %swap3A_538 = vector.shape_cast %swap3A_537 : vector<1x16xf32> to vector<16xf32>
        %swap3A_539 = vector.shape_cast %get3A_534 : vector<16xf32> to vector<1x16xf32>
        tpu.vector_store %arg11[%swap3A_535, %swap3A_536], %swap3A_539 {add = true, strides = array<i32>} : memref<128x64xf32, #tpu.memory_space<vmem>>, vector<1x16xf32>,
        %get3A_540 = arith.index_cast %add3A_521 : i32 to index
        %get3A_541 = arith.constant 32 : index
        %get3A_542 = tpu.vector_load %arg7[%get3A_540, %get3A_541] {strides = array<i32>} : memref<400x64xf32, #tpu.memory_space<vmem>>, vector<1x16xf32>,
        %get3A_543 = vector.shape_cast %get3A_542 : vector<1x16xf32> to vector<16xf32>
        %swap3A_544 = arith.index_cast %add3A_520 : i32 to index
        %swap3A_545 = arith.constant 32 : index
        %swap3A_546 = tpu.vector_load %arg11[%swap3A_544, %swap3A_545] {strides = array<i32>} : memref<128x64xf32, #tpu.memory_space<vmem>>, vector<1x16xf32>,
        %swap3A_547 = vector.shape_cast %swap3A_546 : vector<1x16xf32> to vector<16xf32>
        %swap3A_548 = vector.shape_cast %get3A_543 : vector<16xf32> to vector<1x16xf32>
        tpu.vector_store %arg11[%swap3A_544, %swap3A_545], %swap3A_548 {add = true, strides = array<i32>} : memref<128x64xf32, #tpu.memory_space<vmem>>, vector<1x16xf32>,
        %get3A_549 = arith.index_cast %add3A_521 : i32 to index
        %get3A_550 = arith.constant 48 : index
        %get3A_551 = tpu.vector_load %arg7[%get3A_549, %get3A_550] {strides = array<i32>} : memref<400x64xf32, #tpu.memory_space<vmem>>, vector<1x16xf32>,
        %get3A_552 = vector.shape_cast %get3A_551 : vector<1x16xf32> to vector<16xf32>
        %swap3A_553 = arith.index_cast %add3A_520 : i32 to index
        %swap3A_554 = arith.constant 48 : index
        %swap3A_555 = tpu.vector_load %arg11[%swap3A_553, %swap3A_554] {strides = array<i32>} : memref<128x64xf32, #tpu.memory_space<vmem>>, vector<1x16xf32>,
        %swap3A_556 = vector.shape_cast %swap3A_555 : vector<1x16xf32> to vector<16xf32>
        %swap3A_557 = vector.shape_cast %get3A_552 : vector<16xf32> to vector<1x16xf32>
        tpu.vector_store %arg11[%swap3A_553, %swap3A_554], %swap3A_557 {add = true, strides = array<i32>} : memref<128x64xf32, #tpu.memory_space<vmem>>, vector<1x16xf32>,
      }
      %scan3A_209 = arith.constant 128 : i32
      %mul3A_210 = arith.constant 128 : i32
      %mul3A_211 = arith.muli %add3A_187, %mul3A_210 : i32
      %add3A_212 = arith.addi %mul3A_2, %mul3A_211 : i32
      %dma_start3A_213 = arith.constant 0 : i32
      %dma_start3A_214 = tpu.memref_slice %arg5[%add3A_212, %dma_start3A_213] : memref<204800x64xf32, #tpu.memory_space<hbm>> -> memref<128x64xf32, #tpu.memory_space<hbm>>
      %dma_start3A_215 = arith.constant 0 : i32
      %dma_start3A_216 = tpu.memref_slice %arg5[%add3A_212, %dma_start3A_215] : memref<204800x64xf32, #tpu.memory_space<hbm>> -> memref<128x64xf32, #tpu.memory_space<hbm>>
      tpu.enqueue_dma source(%arg11 : memref<128x64xf32, #tpu.memory_space<vmem>>) target(%dma_start3A_216 : memref<128x64xf32, #tpu.memory_space<hbm>>) target_semaphore(%arg19 : memref<!tpu.dma_semaphore, #tpu.memory_space<semaphore_mem>>)
    }
    %scan3A_20 = arith.constant 12 : i32
    %dma_wait3A = arith.constant 0 : i32
    %dma_wait3A_21 = arith.constant 0 : i32
    %dma_wait3A_22 = tpu.memref_slice %arg4[%dma_wait3A, %dma_wait3A_21] : memref<1000000x64xf32, #tpu.memory_space<hbm>> -> memref<128x64xf32, #tpu.memory_space<hbm>>
    %dma_wait3A_23 = arith.constant 0 : i32
    %dma_wait3A_24 = arith.constant 0 : i32
    %dma_wait3A_25 = tpu.memref_slice %arg4[%dma_wait3A_23, %dma_wait3A_24] : memref<1000000x64xf32, #tpu.memory_space<hbm>> -> memref<128x64xf32, #tpu.memory_space<hbm>>
    tpu.wait_dma2 semaphore(%arg12 : memref<!tpu.dma_semaphore, #tpu.memory_space<semaphore_mem>>) src(%dma_wait3A_25 : memref<128x64xf32, #tpu.memory_space<hbm>>) dst(%arg8 : memref<128x64xf32, #tpu.memory_space<vmem>>)
    %rem3A = arith.constant 6144 : i32
    %rem3A_26 = arith.constant 200 : i32
    %rem3A_27 = arith.remsi %rem3A, %rem3A_26 : i32
    %scan3A_28 = arith.constant 0 : i32
    %scan3A_29 = arith.constant 128 : i32
    %scan3A_30 = arith.addi %scan3A_28, %scan3A_29 : i32
    %scan3A_31 = arith.constant 8 : i32
    scf.for %scan3A_83 = %scan3A_28 to %scan3A_30 step %scan3A_31  : i32 {
      %mul3A_84 = arith.constant 1 : i32
      %mul3A_85 = arith.muli %scan3A_83, %mul3A_84 : i32
      %add3A_86 = arith.constant 0 : i32
      %add3A_87 = arith.addi %add3A_86, %mul3A_85 : i32
      %add3A_88 = arith.addi %rem3A_27, %add3A_87 : i32
      %get3A = arith.index_cast %add3A_88 : i32 to index
      %get3A_89 = arith.constant 0 : index
      %get3A_90 = tpu.vector_load %arg7[%get3A, %get3A_89] {strides = array<i32>} : memref<400x64xf32, #tpu.memory_space<vmem>>, vector<1x16xf32>,
      %get3A_91 = vector.shape_cast %get3A_90 : vector<1x16xf32> to vector<16xf32>
      %swap3A = arith.index_cast %add3A_87 : i32 to index
      %swap3A_92 = arith.constant 0 : index
      %swap3A_93 = tpu.vector_load %arg8[%swap3A, %swap3A_92] {strides = array<i32>} : memref<128x64xf32, #tpu.memory_space<vmem>>, vector<1x16xf32>,
      %swap3A_94 = vector.shape_cast %swap3A_93 : vector<1x16xf32> to vector<16xf32>
      %swap3A_95 = vector.shape_cast %get3A_91 : vector<16xf32> to vector<1x16xf32>
      tpu.vector_store %arg8[%swap3A, %swap3A_92], %swap3A_95 {add = true, strides = array<i32>} : memref<128x64xf32, #tpu.memory_space<vmem>>, vector<1x16xf32>,
      %get3A_96 = arith.index_cast %add3A_88 : i32 to index
      %get3A_97 = arith.constant 16 : index
      %get3A_98 = tpu.vector_load %arg7[%get3A_96, %get3A_97] {strides = array<i32>} : memref<400x64xf32, #tpu.memory_space<vmem>>, vector<1x16xf32>,
      %get3A_99 = vector.shape_cast %get3A_98 : vector<1x16xf32> to vector<16xf32>
      %swap3A_100 = arith.index_cast %add3A_87 : i32 to index
      %swap3A_101 = arith.constant 16 : index
      %swap3A_102 = tpu.vector_load %arg8[%swap3A_100, %swap3A_101] {strides = array<i32>} : memref<128x64xf32, #tpu.memory_space<vmem>>, vector<1x16xf32>,
      %swap3A_103 = vector.shape_cast %swap3A_102 : vector<1x16xf32> to vector<16xf32>
      %swap3A_104 = vector.shape_cast %get3A_99 : vector<16xf32> to vector<1x16xf32>
      tpu.vector_store %arg8[%swap3A_100, %swap3A_101], %swap3A_104 {add = true, strides = array<i32>} : memref<128x64xf32, #tpu.memory_space<vmem>>, vector<1x16xf32>,
      %get3A_105 = arith.index_cast %add3A_88 : i32 to index
      %get3A_106 = arith.constant 32 : index
      %get3A_107 = tpu.vector_load %arg7[%get3A_105, %get3A_106] {strides = array<i32>} : memref<400x64xf32, #tpu.memory_space<vmem>>, vector<1x16xf32>,
      %get3A_108 = vector.shape_cast %get3A_107 : vector<1x16xf32> to vector<16xf32>
      %swap3A_109 = arith.index_cast %add3A_87 : i32 to index
      %swap3A_110 = arith.constant 32 : index
      %swap3A_111 = tpu.vector_load %arg8[%swap3A_109, %swap3A_110] {strides = array<i32>} : memref<128x64xf32, #tpu.memory_space<vmem>>, vector<1x16xf32>,
      %swap3A_112 = vector.shape_cast %swap3A_111 : vector<1x16xf32> to vector<16xf32>
      %swap3A_113 = vector.shape_cast %get3A_108 : vector<16xf32> to vector<1x16xf32>
      tpu.vector_store %arg8[%swap3A_109, %swap3A_110], %swap3A_113 {add = true, strides = array<i32>} : memref<128x64xf32, #tpu.memory_space<vmem>>, vector<1x16xf32>,
      %get3A_114 = arith.index_cast %add3A_88 : i32 to index
      %get3A_115 = arith.constant 48 : index
      %get3A_116 = tpu.vector_load %arg7[%get3A_114, %get3A_115] {strides = array<i32>} : memref<400x64xf32, #tpu.memory_space<vmem>>, vector<1x16xf32>,
      %get3A_117 = vector.shape_cast %get3A_116 : vector<1x16xf32> to vector<16xf32>
      %swap3A_118 = arith.index_cast %add3A_87 : i32 to index
      %swap3A_119 = arith.constant 48 : index
      %swap3A_120 = tpu.vector_load %arg8[%swap3A_118, %swap3A_119] {strides = array<i32>} : memref<128x64xf32, #tpu.memory_space<vmem>>, vector<1x16xf32>,
      %swap3A_121 = vector.shape_cast %swap3A_120 : vector<1x16xf32> to vector<16xf32>
      %swap3A_122 = vector.shape_cast %get3A_117 : vector<16xf32> to vector<1x16xf32>
      tpu.vector_store %arg8[%swap3A_118, %swap3A_119], %swap3A_122 {add = true, strides = array<i32>} : memref<128x64xf32, #tpu.memory_space<vmem>>, vector<1x16xf32>,
      %scan3A_123 = arith.constant 1 : i32
      %scan3A_124 = arith.addi %scan3A_83, %scan3A_123 : i32
      %mul3A_125 = arith.constant 1 : i32
      %mul3A_126 = arith.muli %scan3A_124, %mul3A_125 : i32
      %add3A_127 = arith.constant 0 : i32
      %add3A_128 = arith.addi %add3A_127, %mul3A_126 : i32
      %add3A_129 = arith.addi %rem3A_27, %add3A_128 : i32
      %get3A_130 = arith.index_cast %add3A_129 : i32 to index
      %get3A_131 = arith.constant 0 : index
      %get3A_132 = tpu.vector_load %arg7[%get3A_130, %get3A_131] {strides = array<i32>} : memref<400x64xf32, #tpu.memory_space<vmem>>, vector<1x16xf32>,
      %get3A_133 = vector.shape_cast %get3A_132 : vector<1x16xf32> to vector<16xf32>
      %swap3A_134 = arith.index_cast %add3A_128 : i32 to index
      %swap3A_135 = arith.constant 0 : index
      %swap3A_136 = tpu.vector_load %arg8[%swap3A_134, %swap3A_135] {strides = array<i32>} : memref<128x64xf32, #tpu.memory_space<vmem>>, vector<1x16xf32>,
      %swap3A_137 = vector.shape_cast %swap3A_136 : vector<1x16xf32> to vector<16xf32>
      %swap3A_138 = vector.shape_cast %get3A_133 : vector<16xf32> to vector<1x16xf32>
      tpu.vector_store %arg8[%swap3A_134, %swap3A_135], %swap3A_138 {add = true, strides = array<i32>} : memref<128x64xf32, #tpu.memory_space<vmem>>, vector<1x16xf32>,
      %get3A_139 = arith.index_cast %add3A_129 : i32 to index
      %get3A_140 = arith.constant 16 : index
      %get3A_141 = tpu.vector_load %arg7[%get3A_139, %get3A_140] {strides = array<i32>} : memref<400x64xf32, #tpu.memory_space<vmem>>, vector<1x16xf32>,
      %get3A_142 = vector.shape_cast %get3A_141 : vector<1x16xf32> to vector<16xf32>
      %swap3A_143 = arith.index_cast %add3A_128 : i32 to index
      %swap3A_144 = arith.constant 16 : index
      %swap3A_145 = tpu.vector_load %arg8[%swap3A_143, %swap3A_144] {strides = array<i32>} : memref<128x64xf32, #tpu.memory_space<vmem>>, vector<1x16xf32>,
      %swap3A_146 = vector.shape_cast %swap3A_145 : vector<1x16xf32> to vector<16xf32>
      %swap3A_147 = vector.shape_cast %get3A_142 : vector<16xf32> to vector<1x16xf32>
      tpu.vector_store %arg8[%swap3A_143, %swap3A_144], %swap3A_147 {add = true, strides = array<i32>} : memref<128x64xf32, #tpu.memory_space<vmem>>, vector<1x16xf32>,
      %get3A_148 = arith.index_cast %add3A_129 : i32 to index
      %get3A_149 = arith.constant 32 : index
      %get3A_150 = tpu.vector_load %arg7[%get3A_148, %get3A_149] {strides = array<i32>} : memref<400x64xf32, #tpu.memory_space<vmem>>, vector<1x16xf32>,
      %get3A_151 = vector.shape_cast %get3A_150 : vector<1x16xf32> to vector<16xf32>
      %swap3A_152 = arith.index_cast %add3A_128 : i32 to index
      %swap3A_153 = arith.constant 32 : index
      %swap3A_154 = tpu.vector_load %arg8[%swap3A_152, %swap3A_153] {strides = array<i32>} : memref<128x64xf32, #tpu.memory_space<vmem>>, vector<1x16xf32>,
      %swap3A_155 = vector.shape_cast %swap3A_154 : vector<1x16xf32> to vector<16xf32>
      %swap3A_156 = vector.shape_cast %get3A_151 : vector<16xf32> to vector<1x16xf32>
      tpu.vector_store %arg8[%swap3A_152, %swap3A_153], %swap3A_156 {add = true, strides = array<i32>} : memref<128x64xf32, #tpu.memory_space<vmem>>, vector<1x16xf32>,
      %get3A_157 = arith.index_cast %add3A_129 : i32 to index
      %get3A_158 = arith.constant 48 : index
      %get3A_159 = tpu.vector_load %arg7[%get3A_157, %get3A_158] {strides = array<i32>} : memref<400x64xf32, #tpu.memory_space<vmem>>, vector<1x16xf32>,
      %get3A_160 = vector.shape_cast %get3A_159 : vector<1x16xf32> to vector<16xf32>
      %swap3A_161 = arith.index_cast %add3A_128 : i32 to index
      %swap3A_162 = arith.constant 48 : index
      %swap3A_163 = tpu.vector_load %arg8[%swap3A_161, %swap3A_162] {strides = array<i32>} : memref<128x64xf32, #tpu.memory_space<vmem>>, vector<1x16xf32>,
      %swap3A_164 = vector.shape_cast %swap3A_163 : vector<1x16xf32> to vector<16xf32>
      %swap3A_165 = vector.shape_cast %get3A_160 : vector<16xf32> to vector<1x16xf32>
      tpu.vector_store %arg8[%swap3A_161, %swap3A_162], %swap3A_165 {add = true, strides = array<i32>} : memref<128x64xf32, #tpu.memory_space<vmem>>, vector<1x16xf32>,
      %scan3A_166 = arith.constant 2 : i32
      %scan3A_167 = arith.addi %scan3A_83, %scan3A_166 : i32
      %mul3A_168 = arith.constant 1 : i32
      %mul3A_169 = arith.muli %scan3A_167, %mul3A_168 : i32
      %add3A_170 = arith.constant 0 : i32
      %add3A_171 = arith.addi %add3A_170, %mul3A_169 : i32
      %add3A_172 = arith.addi %rem3A_27, %add3A_171 : i32
      %get3A_173 = arith.index_cast %add3A_172 : i32 to index
      %get3A_174 = arith.constant 0 : index
      %get3A_175 = tpu.vector_load %arg7[%get3A_173, %get3A_174] {strides = array<i32>} : memref<400x64xf32, #tpu.memory_space<vmem>>, vector<1x16xf32>,
      %get3A_176 = vector.shape_cast %get3A_175 : vector<1x16xf32> to vector<16xf32>
      %swap3A_177 = arith.index_cast %add3A_171 : i32 to index
      %swap3A_178 = arith.constant 0 : index
      %swap3A_179 = tpu.vector_load %arg8[%swap3A_177, %swap3A_178] {strides = array<i32>} : memref<128x64xf32, #tpu.memory_space<vmem>>, vector<1x16xf32>,
      %swap3A_180 = vector.shape_cast %swap3A_179 : vector<1x16xf32> to vector<16xf32>
      %swap3A_181 = vector.shape_cast %get3A_176 : vector<16xf32> to vector<1x16xf32>
      tpu.vector_store %arg8[%swap3A_177, %swap3A_178], %swap3A_181 {add = true, strides = array<i32>} : memref<128x64xf32, #tpu.memory_space<vmem>>, vector<1x16xf32>,
      %get3A_182 = arith.index_cast %add3A_172 : i32 to index
      %get3A_183 = arith.constant 16 : index
      %get3A_184 = tpu.vector_load %arg7[%get3A_182, %get3A_183] {strides = array<i32>} : memref<400x64xf32, #tpu.memory_space<vmem>>, vector<1x16xf32>,
      %get3A_185 = vector.shape_cast %get3A_184 : vector<1x16xf32> to vector<16xf32>
      %swap3A_186 = arith.index_cast %add3A_171 : i32 to index
      %swap3A_187 = arith.constant 16 : index
      %swap3A_188 = tpu.vector_load %arg8[%swap3A_186, %swap3A_187] {strides = array<i32>} : memref<128x64xf32, #tpu.memory_space<vmem>>, vector<1x16xf32>,
      %swap3A_189 = vector.shape_cast %swap3A_188 : vector<1x16xf32> to vector<16xf32>
      %swap3A_190 = vector.shape_cast %get3A_185 : vector<16xf32> to vector<1x16xf32>
      tpu.vector_store %arg8[%swap3A_186, %swap3A_187], %swap3A_190 {add = true, strides = array<i32>} : memref<128x64xf32, #tpu.memory_space<vmem>>, vector<1x16xf32>,
      %get3A_191 = arith.index_cast %add3A_172 : i32 to index
      %get3A_192 = arith.constant 32 : index
      %get3A_193 = tpu.vector_load %arg7[%get3A_191, %get3A_192] {strides = array<i32>} : memref<400x64xf32, #tpu.memory_space<vmem>>, vector<1x16xf32>,
      %get3A_194 = vector.shape_cast %get3A_193 : vector<1x16xf32> to vector<16xf32>
      %swap3A_195 = arith.index_cast %add3A_171 : i32 to index
      %swap3A_196 = arith.constant 32 : index
      %swap3A_197 = tpu.vector_load %arg8[%swap3A_195, %swap3A_196] {strides = array<i32>} : memref<128x64xf32, #tpu.memory_space<vmem>>, vector<1x16xf32>,
      %swap3A_198 = vector.shape_cast %swap3A_197 : vector<1x16xf32> to vector<16xf32>
      %swap3A_199 = vector.shape_cast %get3A_194 : vector<16xf32> to vector<1x16xf32>
      tpu.vector_store %arg8[%swap3A_195, %swap3A_196], %swap3A_199 {add = true, strides = array<i32>} : memref<128x64xf32, #tpu.memory_space<vmem>>, vector<1x16xf32>,
      %get3A_200 = arith.index_cast %add3A_172 : i32 to index
      %get3A_201 = arith.constant 48 : index
      %get3A_202 = tpu.vector_load %arg7[%get3A_200, %get3A_201] {strides = array<i32>} : memref<400x64xf32, #tpu.memory_space<vmem>>, vector<1x16xf32>,
      %get3A_203 = vector.shape_cast %get3A_202 : vector<1x16xf32> to vector<16xf32>
      %swap3A_204 = arith.index_cast %add3A_171 : i32 to index
      %swap3A_205 = arith.constant 48 : index
      %swap3A_206 = tpu.vector_load %arg8[%swap3A_204, %swap3A_205] {strides = array<i32>} : memref<128x64xf32, #tpu.memory_space<vmem>>, vector<1x16xf32>,
      %swap3A_207 = vector.shape_cast %swap3A_206 : vector<1x16xf32> to vector<16xf32>
      %swap3A_208 = vector.shape_cast %get3A_203 : vector<16xf32> to vector<1x16xf32>
      tpu.vector_store %arg8[%swap3A_204, %swap3A_205], %swap3A_208 {add = true, strides = array<i32>} : memref<128x64xf32, #tpu.memory_space<vmem>>, vector<1x16xf32>,
      %scan3A_209 = arith.constant 3 : i32
      %scan3A_210 = arith.addi %scan3A_83, %scan3A_209 : i32
      %mul3A_211 = arith.constant 1 : i32
      %mul3A_212 = arith.muli %scan3A_210, %mul3A_211 : i32
      %add3A_213 = arith.constant 0 : i32
      %add3A_214 = arith.addi %add3A_213, %mul3A_212 : i32
      %add3A_215 = arith.addi %rem3A_27, %add3A_214 : i32
      %get3A_216 = arith.index_cast %add3A_215 : i32 to index
      %get3A_217 = arith.constant 0 : index
      %get3A_218 = tpu.vector_load %arg7[%get3A_216, %get3A_217] {strides = array<i32>} : memref<400x64xf32, #tpu.memory_space<vmem>>, vector<1x16xf32>,
      %get3A_219 = vector.shape_cast %get3A_218 : vector<1x16xf32> to vector<16xf32>
      %swap3A_220 = arith.index_cast %add3A_214 : i32 to index
      %swap3A_221 = arith.constant 0 : index
      %swap3A_222 = tpu.vector_load %arg8[%swap3A_220, %swap3A_221] {strides = array<i32>} : memref<128x64xf32, #tpu.memory_space<vmem>>, vector<1x16xf32>,
      %swap3A_223 = vector.shape_cast %swap3A_222 : vector<1x16xf32> to vector<16xf32>
      %swap3A_224 = vector.shape_cast %get3A_219 : vector<16xf32> to vector<1x16xf32>
      tpu.vector_store %arg8[%swap3A_220, %swap3A_221], %swap3A_224 {add = true, strides = array<i32>} : memref<128x64xf32, #tpu.memory_space<vmem>>, vector<1x16xf32>,
      %get3A_225 = arith.index_cast %add3A_215 : i32 to index
      %get3A_226 = arith.constant 16 : index
      %get3A_227 = tpu.vector_load %arg7[%get3A_225, %get3A_226] {strides = array<i32>} : memref<400x64xf32, #tpu.memory_space<vmem>>, vector<1x16xf32>,
      %get3A_228 = vector.shape_cast %get3A_227 : vector<1x16xf32> to vector<16xf32>
      %swap3A_229 = arith.index_cast %add3A_214 : i32 to index
      %swap3A_230 = arith.constant 16 : index
      %swap3A_231 = tpu.vector_load %arg8[%swap3A_229, %swap3A_230] {strides = array<i32>} : memref<128x64xf32, #tpu.memory_space<vmem>>, vector<1x16xf32>,
      %swap3A_232 = vector.shape_cast %swap3A_231 : vector<1x16xf32> to vector<16xf32>
      %swap3A_233 = vector.shape_cast %get3A_228 : vector<16xf32> to vector<1x16xf32>
      tpu.vector_store %arg8[%swap3A_229, %swap3A_230], %swap3A_233 {add = true, strides = array<i32>} : memref<128x64xf32, #tpu.memory_space<vmem>>, vector<1x16xf32>,
      %get3A_234 = arith.index_cast %add3A_215 : i32 to index
      %get3A_235 = arith.constant 32 : index
      %get3A_236 = tpu.vector_load %arg7[%get3A_234, %get3A_235] {strides = array<i32>} : memref<400x64xf32, #tpu.memory_space<vmem>>, vector<1x16xf32>,
      %get3A_237 = vector.shape_cast %get3A_236 : vector<1x16xf32> to vector<16xf32>
      %swap3A_238 = arith.index_cast %add3A_214 : i32 to index
      %swap3A_239 = arith.constant 32 : index
      %swap3A_240 = tpu.vector_load %arg8[%swap3A_238, %swap3A_239] {strides = array<i32>} : memref<128x64xf32, #tpu.memory_space<vmem>>, vector<1x16xf32>,
      %swap3A_241 = vector.shape_cast %swap3A_240 : vector<1x16xf32> to vector<16xf32>
      %swap3A_242 = vector.shape_cast %get3A_237 : vector<16xf32> to vector<1x16xf32>
      tpu.vector_store %arg8[%swap3A_238, %swap3A_239], %swap3A_242 {add = true, strides = array<i32>} : memref<128x64xf32, #tpu.memory_space<vmem>>, vector<1x16xf32>,
      %get3A_243 = arith.index_cast %add3A_215 : i32 to index
      %get3A_244 = arith.constant 48 : index
      %get3A_245 = tpu.vector_load %arg7[%get3A_243, %get3A_244] {strides = array<i32>} : memref<400x64xf32, #tpu.memory_space<vmem>>, vector<1x16xf32>,
      %get3A_246 = vector.shape_cast %get3A_245 : vector<1x16xf32> to vector<16xf32>
      %swap3A_247 = arith.index_cast %add3A_214 : i32 to index
      %swap3A_248 = arith.constant 48 : index
      %swap3A_249 = tpu.vector_load %arg8[%swap3A_247, %swap3A_248] {strides = array<i32>} : memref<128x64xf32, #tpu.memory_space<vmem>>, vector<1x16xf32>,
      %swap3A_250 = vector.shape_cast %swap3A_249 : vector<1x16xf32> to vector<16xf32>
      %swap3A_251 = vector.shape_cast %get3A_246 : vector<16xf32> to vector<1x16xf32>
      tpu.vector_store %arg8[%swap3A_247, %swap3A_248], %swap3A_251 {add = true, strides = array<i32>} : memref<128x64xf32, #tpu.memory_space<vmem>>, vector<1x16xf32>,
      %scan3A_252 = arith.constant 4 : i32
      %scan3A_253 = arith.addi %scan3A_83, %scan3A_252 : i32
      %mul3A_254 = arith.constant 1 : i32
      %mul3A_255 = arith.muli %scan3A_253, %mul3A_254 : i32
      %add3A_256 = arith.constant 0 : i32
      %add3A_257 = arith.addi %add3A_256, %mul3A_255 : i32
      %add3A_258 = arith.addi %rem3A_27, %add3A_257 : i32
      %get3A_259 = arith.index_cast %add3A_258 : i32 to index
      %get3A_260 = arith.constant 0 : index
      %get3A_261 = tpu.vector_load %arg7[%get3A_259, %get3A_260] {strides = array<i32>} : memref<400x64xf32, #tpu.memory_space<vmem>>, vector<1x16xf32>,
      %get3A_262 = vector.shape_cast %get3A_261 : vector<1x16xf32> to vector<16xf32>
      %swap3A_263 = arith.index_cast %add3A_257 : i32 to index
      %swap3A_264 = arith.constant 0 : index
      %swap3A_265 = tpu.vector_load %arg8[%swap3A_263, %swap3A_264] {strides = array<i32>} : memref<128x64xf32, #tpu.memory_space<vmem>>, vector<1x16xf32>,
      %swap3A_266 = vector.shape_cast %swap3A_265 : vector<1x16xf32> to vector<16xf32>
      %swap3A_267 = vector.shape_cast %get3A_262 : vector<16xf32> to vector<1x16xf32>
      tpu.vector_store %arg8[%swap3A_263, %swap3A_264], %swap3A_267 {add = true, strides = array<i32>} : memref<128x64xf32, #tpu.memory_space<vmem>>, vector<1x16xf32>,
      %get3A_268 = arith.index_cast %add3A_258 : i32 to index
      %get3A_269 = arith.constant 16 : index
      %get3A_270 = tpu.vector_load %arg7[%get3A_268, %get3A_269] {strides = array<i32>} : memref<400x64xf32, #tpu.memory_space<vmem>>, vector<1x16xf32>,
      %get3A_271 = vector.shape_cast %get3A_270 : vector<1x16xf32> to vector<16xf32>
      %swap3A_272 = arith.index_cast %add3A_257 : i32 to index
      %swap3A_273 = arith.constant 16 : index
      %swap3A_274 = tpu.vector_load %arg8[%swap3A_272, %swap3A_273] {strides = array<i32>} : memref<128x64xf32, #tpu.memory_space<vmem>>, vector<1x16xf32>,
      %swap3A_275 = vector.shape_cast %swap3A_274 : vector<1x16xf32> to vector<16xf32>
      %swap3A_276 = vector.shape_cast %get3A_271 : vector<16xf32> to vector<1x16xf32>
      tpu.vector_store %arg8[%swap3A_272, %swap3A_273], %swap3A_276 {add = true, strides = array<i32>} : memref<128x64xf32, #tpu.memory_space<vmem>>, vector<1x16xf32>,
      %get3A_277 = arith.index_cast %add3A_258 : i32 to index
      %get3A_278 = arith.constant 32 : index
      %get3A_279 = tpu.vector_load %arg7[%get3A_277, %get3A_278] {strides = array<i32>} : memref<400x64xf32, #tpu.memory_space<vmem>>, vector<1x16xf32>,
      %get3A_280 = vector.shape_cast %get3A_279 : vector<1x16xf32> to vector<16xf32>
      %swap3A_281 = arith.index_cast %add3A_257 : i32 to index
      %swap3A_282 = arith.constant 32 : index
      %swap3A_283 = tpu.vector_load %arg8[%swap3A_281, %swap3A_282] {strides = array<i32>} : memref<128x64xf32, #tpu.memory_space<vmem>>, vector<1x16xf32>,
      %swap3A_284 = vector.shape_cast %swap3A_283 : vector<1x16xf32> to vector<16xf32>
      %swap3A_285 = vector.shape_cast %get3A_280 : vector<16xf32> to vector<1x16xf32>
      tpu.vector_store %arg8[%swap3A_281, %swap3A_282], %swap3A_285 {add = true, strides = array<i32>} : memref<128x64xf32, #tpu.memory_space<vmem>>, vector<1x16xf32>,
      %get3A_286 = arith.index_cast %add3A_258 : i32 to index
      %get3A_287 = arith.constant 48 : index
      %get3A_288 = tpu.vector_load %arg7[%get3A_286, %get3A_287] {strides = array<i32>} : memref<400x64xf32, #tpu.memory_space<vmem>>, vector<1x16xf32>,
      %get3A_289 = vector.shape_cast %get3A_288 : vector<1x16xf32> to vector<16xf32>
      %swap3A_290 = arith.index_cast %add3A_257 : i32 to index
      %swap3A_291 = arith.constant 48 : index
      %swap3A_292 = tpu.vector_load %arg8[%swap3A_290, %swap3A_291] {strides = array<i32>} : memref<128x64xf32, #tpu.memory_space<vmem>>, vector<1x16xf32>,
      %swap3A_293 = vector.shape_cast %swap3A_292 : vector<1x16xf32> to vector<16xf32>
      %swap3A_294 = vector.shape_cast %get3A_289 : vector<16xf32> to vector<1x16xf32>
      tpu.vector_store %arg8[%swap3A_290, %swap3A_291], %swap3A_294 {add = true, strides = array<i32>} : memref<128x64xf32, #tpu.memory_space<vmem>>, vector<1x16xf32>,
      %scan3A_295 = arith.constant 5 : i32
      %scan3A_296 = arith.addi %scan3A_83, %scan3A_295 : i32
      %mul3A_297 = arith.constant 1 : i32
      %mul3A_298 = arith.muli %scan3A_296, %mul3A_297 : i32
      %add3A_299 = arith.constant 0 : i32
      %add3A_300 = arith.addi %add3A_299, %mul3A_298 : i32
      %add3A_301 = arith.addi %rem3A_27, %add3A_300 : i32
      %get3A_302 = arith.index_cast %add3A_301 : i32 to index
      %get3A_303 = arith.constant 0 : index
      %get3A_304 = tpu.vector_load %arg7[%get3A_302, %get3A_303] {strides = array<i32>} : memref<400x64xf32, #tpu.memory_space<vmem>>, vector<1x16xf32>,
      %get3A_305 = vector.shape_cast %get3A_304 : vector<1x16xf32> to vector<16xf32>
      %swap3A_306 = arith.index_cast %add3A_300 : i32 to index
      %swap3A_307 = arith.constant 0 : index
      %swap3A_308 = tpu.vector_load %arg8[%swap3A_306, %swap3A_307] {strides = array<i32>} : memref<128x64xf32, #tpu.memory_space<vmem>>, vector<1x16xf32>,
      %swap3A_309 = vector.shape_cast %swap3A_308 : vector<1x16xf32> to vector<16xf32>
      %swap3A_310 = vector.shape_cast %get3A_305 : vector<16xf32> to vector<1x16xf32>
      tpu.vector_store %arg8[%swap3A_306, %swap3A_307], %swap3A_310 {add = true, strides = array<i32>} : memref<128x64xf32, #tpu.memory_space<vmem>>, vector<1x16xf32>,
      %get3A_311 = arith.index_cast %add3A_301 : i32 to index
      %get3A_312 = arith.constant 16 : index
      %get3A_313 = tpu.vector_load %arg7[%get3A_311, %get3A_312] {strides = array<i32>} : memref<400x64xf32, #tpu.memory_space<vmem>>, vector<1x16xf32>,
      %get3A_314 = vector.shape_cast %get3A_313 : vector<1x16xf32> to vector<16xf32>
      %swap3A_315 = arith.index_cast %add3A_300 : i32 to index
      %swap3A_316 = arith.constant 16 : index
      %swap3A_317 = tpu.vector_load %arg8[%swap3A_315, %swap3A_316] {strides = array<i32>} : memref<128x64xf32, #tpu.memory_space<vmem>>, vector<1x16xf32>,
      %swap3A_318 = vector.shape_cast %swap3A_317 : vector<1x16xf32> to vector<16xf32>
      %swap3A_319 = vector.shape_cast %get3A_314 : vector<16xf32> to vector<1x16xf32>
      tpu.vector_store %arg8[%swap3A_315, %swap3A_316], %swap3A_319 {add = true, strides = array<i32>} : memref<128x64xf32, #tpu.memory_space<vmem>>, vector<1x16xf32>,
      %get3A_320 = arith.index_cast %add3A_301 : i32 to index
      %get3A_321 = arith.constant 32 : index
      %get3A_322 = tpu.vector_load %arg7[%get3A_320, %get3A_321] {strides = array<i32>} : memref<400x64xf32, #tpu.memory_space<vmem>>, vector<1x16xf32>,
      %get3A_323 = vector.shape_cast %get3A_322 : vector<1x16xf32> to vector<16xf32>
      %swap3A_324 = arith.index_cast %add3A_300 : i32 to index
      %swap3A_325 = arith.constant 32 : index
      %swap3A_326 = tpu.vector_load %arg8[%swap3A_324, %swap3A_325] {strides = array<i32>} : memref<128x64xf32, #tpu.memory_space<vmem>>, vector<1x16xf32>,
      %swap3A_327 = vector.shape_cast %swap3A_326 : vector<1x16xf32> to vector<16xf32>
      %swap3A_328 = vector.shape_cast %get3A_323 : vector<16xf32> to vector<1x16xf32>
      tpu.vector_store %arg8[%swap3A_324, %swap3A_325], %swap3A_328 {add = true, strides = array<i32>} : memref<128x64xf32, #tpu.memory_space<vmem>>, vector<1x16xf32>,
      %get3A_329 = arith.index_cast %add3A_301 : i32 to index
      %get3A_330 = arith.constant 48 : index
      %get3A_331 = tpu.vector_load %arg7[%get3A_329, %get3A_330] {strides = array<i32>} : memref<400x64xf32, #tpu.memory_space<vmem>>, vector<1x16xf32>,
      %get3A_332 = vector.shape_cast %get3A_331 : vector<1x16xf32> to vector<16xf32>
      %swap3A_333 = arith.index_cast %add3A_300 : i32 to index
      %swap3A_334 = arith.constant 48 : index
      %swap3A_335 = tpu.vector_load %arg8[%swap3A_333, %swap3A_334] {strides = array<i32>} : memref<128x64xf32, #tpu.memory_space<vmem>>, vector<1x16xf32>,
      %swap3A_336 = vector.shape_cast %swap3A_335 : vector<1x16xf32> to vector<16xf32>
      %swap3A_337 = vector.shape_cast %get3A_332 : vector<16xf32> to vector<1x16xf32>
      tpu.vector_store %arg8[%swap3A_333, %swap3A_334], %swap3A_337 {add = true, strides = array<i32>} : memref<128x64xf32, #tpu.memory_space<vmem>>, vector<1x16xf32>,
      %scan3A_338 = arith.constant 6 : i32
      %scan3A_339 = arith.addi %scan3A_83, %scan3A_338 : i32
      %mul3A_340 = arith.constant 1 : i32
      %mul3A_341 = arith.muli %scan3A_339, %mul3A_340 : i32
      %add3A_342 = arith.constant 0 : i32
      %add3A_343 = arith.addi %add3A_342, %mul3A_341 : i32
      %add3A_344 = arith.addi %rem3A_27, %add3A_343 : i32
      %get3A_345 = arith.index_cast %add3A_344 : i32 to index
      %get3A_346 = arith.constant 0 : index
      %get3A_347 = tpu.vector_load %arg7[%get3A_345, %get3A_346] {strides = array<i32>} : memref<400x64xf32, #tpu.memory_space<vmem>>, vector<1x16xf32>,
      %get3A_348 = vector.shape_cast %get3A_347 : vector<1x16xf32> to vector<16xf32>
      %swap3A_349 = arith.index_cast %add3A_343 : i32 to index
      %swap3A_350 = arith.constant 0 : index
      %swap3A_351 = tpu.vector_load %arg8[%swap3A_349, %swap3A_350] {strides = array<i32>} : memref<128x64xf32, #tpu.memory_space<vmem>>, vector<1x16xf32>,
      %swap3A_352 = vector.shape_cast %swap3A_351 : vector<1x16xf32> to vector<16xf32>
      %swap3A_353 = vector.shape_cast %get3A_348 : vector<16xf32> to vector<1x16xf32>
      tpu.vector_store %arg8[%swap3A_349, %swap3A_350], %swap3A_353 {add = true, strides = array<i32>} : memref<128x64xf32, #tpu.memory_space<vmem>>, vector<1x16xf32>,
      %get3A_354 = arith.index_cast %add3A_344 : i32 to index
      %get3A_355 = arith.constant 16 : index
      %get3A_356 = tpu.vector_load %arg7[%get3A_354, %get3A_355] {strides = array<i32>} : memref<400x64xf32, #tpu.memory_space<vmem>>, vector<1x16xf32>,
      %get3A_357 = vector.shape_cast %get3A_356 : vector<1x16xf32> to vector<16xf32>
      %swap3A_358 = arith.index_cast %add3A_343 : i32 to index
      %swap3A_359 = arith.constant 16 : index
      %swap3A_360 = tpu.vector_load %arg8[%swap3A_358, %swap3A_359] {strides = array<i32>} : memref<128x64xf32, #tpu.memory_space<vmem>>, vector<1x16xf32>,
      %swap3A_361 = vector.shape_cast %swap3A_360 : vector<1x16xf32> to vector<16xf32>
      %swap3A_362 = vector.shape_cast %get3A_357 : vector<16xf32> to vector<1x16xf32>
      tpu.vector_store %arg8[%swap3A_358, %swap3A_359], %swap3A_362 {add = true, strides = array<i32>} : memref<128x64xf32, #tpu.memory_space<vmem>>, vector<1x16xf32>,
      %get3A_363 = arith.index_cast %add3A_344 : i32 to index
      %get3A_364 = arith.constant 32 : index
      %get3A_365 = tpu.vector_load %arg7[%get3A_363, %get3A_364] {strides = array<i32>} : memref<400x64xf32, #tpu.memory_space<vmem>>, vector<1x16xf32>,
      %get3A_366 = vector.shape_cast %get3A_365 : vector<1x16xf32> to vector<16xf32>
      %swap3A_367 = arith.index_cast %add3A_343 : i32 to index
      %swap3A_368 = arith.constant 32 : index
      %swap3A_369 = tpu.vector_load %arg8[%swap3A_367, %swap3A_368] {strides = array<i32>} : memref<128x64xf32, #tpu.memory_space<vmem>>, vector<1x16xf32>,
      %swap3A_370 = vector.shape_cast %swap3A_369 : vector<1x16xf32> to vector<16xf32>
      %swap3A_371 = vector.shape_cast %get3A_366 : vector<16xf32> to vector<1x16xf32>
      tpu.vector_store %arg8[%swap3A_367, %swap3A_368], %swap3A_371 {add = true, strides = array<i32>} : memref<128x64xf32, #tpu.memory_space<vmem>>, vector<1x16xf32>,
      %get3A_372 = arith.index_cast %add3A_344 : i32 to index
      %get3A_373 = arith.constant 48 : index
      %get3A_374 = tpu.vector_load %arg7[%get3A_372, %get3A_373] {strides = array<i32>} : memref<400x64xf32, #tpu.memory_space<vmem>>, vector<1x16xf32>,
      %get3A_375 = vector.shape_cast %get3A_374 : vector<1x16xf32> to vector<16xf32>
      %swap3A_376 = arith.index_cast %add3A_343 : i32 to index
      %swap3A_377 = arith.constant 48 : index
      %swap3A_378 = tpu.vector_load %arg8[%swap3A_376, %swap3A_377] {strides = array<i32>} : memref<128x64xf32, #tpu.memory_space<vmem>>, vector<1x16xf32>,
      %swap3A_379 = vector.shape_cast %swap3A_378 : vector<1x16xf32> to vector<16xf32>
      %swap3A_380 = vector.shape_cast %get3A_375 : vector<16xf32> to vector<1x16xf32>
      tpu.vector_store %arg8[%swap3A_376, %swap3A_377], %swap3A_380 {add = true, strides = array<i32>} : memref<128x64xf32, #tpu.memory_space<vmem>>, vector<1x16xf32>,
      %scan3A_381 = arith.constant 7 : i32
      %scan3A_382 = arith.addi %scan3A_83, %scan3A_381 : i32
      %mul3A_383 = arith.constant 1 : i32
      %mul3A_384 = arith.muli %scan3A_382, %mul3A_383 : i32
      %add3A_385 = arith.constant 0 : i32
      %add3A_386 = arith.addi %add3A_385, %mul3A_384 : i32
      %add3A_387 = arith.addi %rem3A_27, %add3A_386 : i32
      %get3A_388 = arith.index_cast %add3A_387 : i32 to index
      %get3A_389 = arith.constant 0 : index
      %get3A_390 = tpu.vector_load %arg7[%get3A_388, %get3A_389] {strides = array<i32>} : memref<400x64xf32, #tpu.memory_space<vmem>>, vector<1x16xf32>,
      %get3A_391 = vector.shape_cast %get3A_390 : vector<1x16xf32> to vector<16xf32>
      %swap3A_392 = arith.index_cast %add3A_386 : i32 to index
      %swap3A_393 = arith.constant 0 : index
      %swap3A_394 = tpu.vector_load %arg8[%swap3A_392, %swap3A_393] {strides = array<i32>} : memref<128x64xf32, #tpu.memory_space<vmem>>, vector<1x16xf32>,
      %swap3A_395 = vector.shape_cast %swap3A_394 : vector<1x16xf32> to vector<16xf32>
      %swap3A_396 = vector.shape_cast %get3A_391 : vector<16xf32> to vector<1x16xf32>
      tpu.vector_store %arg8[%swap3A_392, %swap3A_393], %swap3A_396 {add = true, strides = array<i32>} : memref<128x64xf32, #tpu.memory_space<vmem>>, vector<1x16xf32>,
      %get3A_397 = arith.index_cast %add3A_387 : i32 to index
      %get3A_398 = arith.constant 16 : index
      %get3A_399 = tpu.vector_load %arg7[%get3A_397, %get3A_398] {strides = array<i32>} : memref<400x64xf32, #tpu.memory_space<vmem>>, vector<1x16xf32>,
      %get3A_400 = vector.shape_cast %get3A_399 : vector<1x16xf32> to vector<16xf32>
      %swap3A_401 = arith.index_cast %add3A_386 : i32 to index
      %swap3A_402 = arith.constant 16 : index
      %swap3A_403 = tpu.vector_load %arg8[%swap3A_401, %swap3A_402] {strides = array<i32>} : memref<128x64xf32, #tpu.memory_space<vmem>>, vector<1x16xf32>,
      %swap3A_404 = vector.shape_cast %swap3A_403 : vector<1x16xf32> to vector<16xf32>
      %swap3A_405 = vector.shape_cast %get3A_400 : vector<16xf32> to vector<1x16xf32>
      tpu.vector_store %arg8[%swap3A_401, %swap3A_402], %swap3A_405 {add = true, strides = array<i32>} : memref<128x64xf32, #tpu.memory_space<vmem>>, vector<1x16xf32>,
      %get3A_406 = arith.index_cast %add3A_387 : i32 to index
      %get3A_407 = arith.constant 32 : index
      %get3A_408 = tpu.vector_load %arg7[%get3A_406, %get3A_407] {strides = array<i32>} : memref<400x64xf32, #tpu.memory_space<vmem>>, vector<1x16xf32>,
      %get3A_409 = vector.shape_cast %get3A_408 : vector<1x16xf32> to vector<16xf32>
      %swap3A_410 = arith.index_cast %add3A_386 : i32 to index
      %swap3A_411 = arith.constant 32 : index
      %swap3A_412 = tpu.vector_load %arg8[%swap3A_410, %swap3A_411] {strides = array<i32>} : memref<128x64xf32, #tpu.memory_space<vmem>>, vector<1x16xf32>,
      %swap3A_413 = vector.shape_cast %swap3A_412 : vector<1x16xf32> to vector<16xf32>
      %swap3A_414 = vector.shape_cast %get3A_409 : vector<16xf32> to vector<1x16xf32>
      tpu.vector_store %arg8[%swap3A_410, %swap3A_411], %swap3A_414 {add = true, strides = array<i32>} : memref<128x64xf32, #tpu.memory_space<vmem>>, vector<1x16xf32>,
      %get3A_415 = arith.index_cast %add3A_387 : i32 to index
      %get3A_416 = arith.constant 48 : index
      %get3A_417 = tpu.vector_load %arg7[%get3A_415, %get3A_416] {strides = array<i32>} : memref<400x64xf32, #tpu.memory_space<vmem>>, vector<1x16xf32>,
      %get3A_418 = vector.shape_cast %get3A_417 : vector<1x16xf32> to vector<16xf32>
      %swap3A_419 = arith.index_cast %add3A_386 : i32 to index
      %swap3A_420 = arith.constant 48 : index
      %swap3A_421 = tpu.vector_load %arg8[%swap3A_419, %swap3A_420] {strides = array<i32>} : memref<128x64xf32, #tpu.memory_space<vmem>>, vector<1x16xf32>,
      %swap3A_422 = vector.shape_cast %swap3A_421 : vector<1x16xf32> to vector<16xf32>
      %swap3A_423 = vector.shape_cast %get3A_418 : vector<16xf32> to vector<1x16xf32>
      tpu.vector_store %arg8[%swap3A_419, %swap3A_420], %swap3A_423 {add = true, strides = array<i32>} : memref<128x64xf32, #tpu.memory_space<vmem>>, vector<1x16xf32>,
    }
    %scan3A_32 = arith.constant 128 : i32
    %add3A_33 = arith.constant 6144 : i32
    %add3A_34 = arith.addi %mul3A_2, %add3A_33 : i32
    %dma_start3A_35 = arith.constant 0 : i32
    %dma_start3A_36 = tpu.memref_slice %arg5[%add3A_34, %dma_start3A_35] : memref<204800x64xf32, #tpu.memory_space<hbm>> -> memref<128x64xf32, #tpu.memory_space<hbm>>
    %dma_start3A_37 = arith.constant 0 : i32
    %dma_start3A_38 = tpu.memref_slice %arg5[%add3A_34, %dma_start3A_37] : memref<204800x64xf32, #tpu.memory_space<hbm>> -> memref<128x64xf32, #tpu.memory_space<hbm>>
    tpu.enqueue_dma source(%arg8 : memref<128x64xf32, #tpu.memory_space<vmem>>) target(%dma_start3A_38 : memref<128x64xf32, #tpu.memory_space<hbm>>) target_semaphore(%arg16 : memref<!tpu.dma_semaphore, #tpu.memory_space<semaphore_mem>>)
    %dma_wait3A_39 = arith.constant 0 : i32
    %dma_wait3A_40 = arith.constant 0 : i32
    %dma_wait3A_41 = tpu.memref_slice %arg4[%dma_wait3A_39, %dma_wait3A_40] : memref<1000000x64xf32, #tpu.memory_space<hbm>> -> memref<128x64xf32, #tpu.memory_space<hbm>>
    %dma_wait3A_42 = arith.constant 0 : i32
    %dma_wait3A_43 = arith.constant 0 : i32
    %dma_wait3A_44 = tpu.memref_slice %arg4[%dma_wait3A_42, %dma_wait3A_43] : memref<1000000x64xf32, #tpu.memory_space<hbm>> -> memref<128x64xf32, #tpu.memory_space<hbm>>
    tpu.wait_dma2 semaphore(%arg13 : memref<!tpu.dma_semaphore, #tpu.memory_space<semaphore_mem>>) src(%dma_wait3A_44 : memref<128x64xf32, #tpu.memory_space<hbm>>) dst(%arg9 : memref<128x64xf32, #tpu.memory_space<vmem>>)
    %rem3A_45 = arith.constant 6272 : i32
    %rem3A_46 = arith.constant 200 : i32
    %rem3A_47 = arith.remsi %rem3A_45, %rem3A_46 : i32
    %scan3A_48 = arith.constant 0 : i32
    %scan3A_49 = arith.constant 128 : i32
    %scan3A_50 = arith.addi %scan3A_48, %scan3A_49 : i32
    %scan3A_51 = arith.constant 8 : i32
    scf.for %scan3A_83 = %scan3A_48 to %scan3A_50 step %scan3A_51  : i32 {
      %mul3A_84 = arith.constant 1 : i32
      %mul3A_85 = arith.muli %scan3A_83, %mul3A_84 : i32
      %add3A_86 = arith.constant 0 : i32
      %add3A_87 = arith.addi %add3A_86, %mul3A_85 : i32
      %add3A_88 = arith.addi %rem3A_47, %add3A_87 : i32
      %get3A = arith.index_cast %add3A_88 : i32 to index
      %get3A_89 = arith.constant 0 : index
      %get3A_90 = tpu.vector_load %arg7[%get3A, %get3A_89] {strides = array<i32>} : memref<400x64xf32, #tpu.memory_space<vmem>>, vector<1x16xf32>,
      %get3A_91 = vector.shape_cast %get3A_90 : vector<1x16xf32> to vector<16xf32>
      %swap3A = arith.index_cast %add3A_87 : i32 to index
      %swap3A_92 = arith.constant 0 : index
      %swap3A_93 = tpu.vector_load %arg9[%swap3A, %swap3A_92] {strides = array<i32>} : memref<128x64xf32, #tpu.memory_space<vmem>>, vector<1x16xf32>,
      %swap3A_94 = vector.shape_cast %swap3A_93 : vector<1x16xf32> to vector<16xf32>
      %swap3A_95 = vector.shape_cast %get3A_91 : vector<16xf32> to vector<1x16xf32>
      tpu.vector_store %arg9[%swap3A, %swap3A_92], %swap3A_95 {add = true, strides = array<i32>} : memref<128x64xf32, #tpu.memory_space<vmem>>, vector<1x16xf32>,
      %get3A_96 = arith.index_cast %add3A_88 : i32 to index
      %get3A_97 = arith.constant 16 : index
      %get3A_98 = tpu.vector_load %arg7[%get3A_96, %get3A_97] {strides = array<i32>} : memref<400x64xf32, #tpu.memory_space<vmem>>, vector<1x16xf32>,
      %get3A_99 = vector.shape_cast %get3A_98 : vector<1x16xf32> to vector<16xf32>
      %swap3A_100 = arith.index_cast %add3A_87 : i32 to index
      %swap3A_101 = arith.constant 16 : index
      %swap3A_102 = tpu.vector_load %arg9[%swap3A_100, %swap3A_101] {strides = array<i32>} : memref<128x64xf32, #tpu.memory_space<vmem>>, vector<1x16xf32>,
      %swap3A_103 = vector.shape_cast %swap3A_102 : vector<1x16xf32> to vector<16xf32>
      %swap3A_104 = vector.shape_cast %get3A_99 : vector<16xf32> to vector<1x16xf32>
      tpu.vector_store %arg9[%swap3A_100, %swap3A_101], %swap3A_104 {add = true, strides = array<i32>} : memref<128x64xf32, #tpu.memory_space<vmem>>, vector<1x16xf32>,
      %get3A_105 = arith.index_cast %add3A_88 : i32 to index
      %get3A_106 = arith.constant 32 : index
      %get3A_107 = tpu.vector_load %arg7[%get3A_105, %get3A_106] {strides = array<i32>} : memref<400x64xf32, #tpu.memory_space<vmem>>, vector<1x16xf32>,
      %get3A_108 = vector.shape_cast %get3A_107 : vector<1x16xf32> to vector<16xf32>
      %swap3A_109 = arith.index_cast %add3A_87 : i32 to index
      %swap3A_110 = arith.constant 32 : index
      %swap3A_111 = tpu.vector_load %arg9[%swap3A_109, %swap3A_110] {strides = array<i32>} : memref<128x64xf32, #tpu.memory_space<vmem>>, vector<1x16xf32>,
      %swap3A_112 = vector.shape_cast %swap3A_111 : vector<1x16xf32> to vector<16xf32>
      %swap3A_113 = vector.shape_cast %get3A_108 : vector<16xf32> to vector<1x16xf32>
      tpu.vector_store %arg9[%swap3A_109, %swap3A_110], %swap3A_113 {add = true, strides = array<i32>} : memref<128x64xf32, #tpu.memory_space<vmem>>, vector<1x16xf32>,
      %get3A_114 = arith.index_cast %add3A_88 : i32 to index
      %get3A_115 = arith.constant 48 : index
      %get3A_116 = tpu.vector_load %arg7[%get3A_114, %get3A_115] {strides = array<i32>} : memref<400x64xf32, #tpu.memory_space<vmem>>, vector<1x16xf32>,
      %get3A_117 = vector.shape_cast %get3A_116 : vector<1x16xf32> to vector<16xf32>
      %swap3A_118 = arith.index_cast %add3A_87 : i32 to index
      %swap3A_119 = arith.constant 48 : index
      %swap3A_120 = tpu.vector_load %arg9[%swap3A_118, %swap3A_119] {strides = array<i32>} : memref<128x64xf32, #tpu.memory_space<vmem>>, vector<1x16xf32>,
      %swap3A_121 = vector.shape_cast %swap3A_120 : vector<1x16xf32> to vector<16xf32>
      %swap3A_122 = vector.shape_cast %get3A_117 : vector<16xf32> to vector<1x16xf32>
      tpu.vector_store %arg9[%swap3A_118, %swap3A_119], %swap3A_122 {add = true, strides = array<i32>} : memref<128x64xf32, #tpu.memory_space<vmem>>, vector<1x16xf32>,
      %scan3A_123 = arith.constant 1 : i32
      %scan3A_124 = arith.addi %scan3A_83, %scan3A_123 : i32
      %mul3A_125 = arith.constant 1 : i32
      %mul3A_126 = arith.muli %scan3A_124, %mul3A_125 : i32
      %add3A_127 = arith.constant 0 : i32
      %add3A_128 = arith.addi %add3A_127, %mul3A_126 : i32
      %add3A_129 = arith.addi %rem3A_47, %add3A_128 : i32
      %get3A_130 = arith.index_cast %add3A_129 : i32 to index
      %get3A_131 = arith.constant 0 : index
      %get3A_132 = tpu.vector_load %arg7[%get3A_130, %get3A_131] {strides = array<i32>} : memref<400x64xf32, #tpu.memory_space<vmem>>, vector<1x16xf32>,
      %get3A_133 = vector.shape_cast %get3A_132 : vector<1x16xf32> to vector<16xf32>
      %swap3A_134 = arith.index_cast %add3A_128 : i32 to index
      %swap3A_135 = arith.constant 0 : index
      %swap3A_136 = tpu.vector_load %arg9[%swap3A_134, %swap3A_135] {strides = array<i32>} : memref<128x64xf32, #tpu.memory_space<vmem>>, vector<1x16xf32>,
      %swap3A_137 = vector.shape_cast %swap3A_136 : vector<1x16xf32> to vector<16xf32>
      %swap3A_138 = vector.shape_cast %get3A_133 : vector<16xf32> to vector<1x16xf32>
      tpu.vector_store %arg9[%swap3A_134, %swap3A_135], %swap3A_138 {add = true, strides = array<i32>} : memref<128x64xf32, #tpu.memory_space<vmem>>, vector<1x16xf32>,
      %get3A_139 = arith.index_cast %add3A_129 : i32 to index
      %get3A_140 = arith.constant 16 : index
      %get3A_141 = tpu.vector_load %arg7[%get3A_139, %get3A_140] {strides = array<i32>} : memref<400x64xf32, #tpu.memory_space<vmem>>, vector<1x16xf32>,
      %get3A_142 = vector.shape_cast %get3A_141 : vector<1x16xf32> to vector<16xf32>
      %swap3A_143 = arith.index_cast %add3A_128 : i32 to index
      %swap3A_144 = arith.constant 16 : index
      %swap3A_145 = tpu.vector_load %arg9[%swap3A_143, %swap3A_144] {strides = array<i32>} : memref<128x64xf32, #tpu.memory_space<vmem>>, vector<1x16xf32>,
      %swap3A_146 = vector.shape_cast %swap3A_145 : vector<1x16xf32> to vector<16xf32>
      %swap3A_147 = vector.shape_cast %get3A_142 : vector<16xf32> to vector<1x16xf32>
      tpu.vector_store %arg9[%swap3A_143, %swap3A_144], %swap3A_147 {add = true, strides = array<i32>} : memref<128x64xf32, #tpu.memory_space<vmem>>, vector<1x16xf32>,
      %get3A_148 = arith.index_cast %add3A_129 : i32 to index
      %get3A_149 = arith.constant 32 : index
      %get3A_150 = tpu.vector_load %arg7[%get3A_148, %get3A_149] {strides = array<i32>} : memref<400x64xf32, #tpu.memory_space<vmem>>, vector<1x16xf32>,
      %get3A_151 = vector.shape_cast %get3A_150 : vector<1x16xf32> to vector<16xf32>
      %swap3A_152 = arith.index_cast %add3A_128 : i32 to index
      %swap3A_153 = arith.constant 32 : index
      %swap3A_154 = tpu.vector_load %arg9[%swap3A_152, %swap3A_153] {strides = array<i32>} : memref<128x64xf32, #tpu.memory_space<vmem>>, vector<1x16xf32>,
      %swap3A_155 = vector.shape_cast %swap3A_154 : vector<1x16xf32> to vector<16xf32>
      %swap3A_156 = vector.shape_cast %get3A_151 : vector<16xf32> to vector<1x16xf32>
      tpu.vector_store %arg9[%swap3A_152, %swap3A_153], %swap3A_156 {add = true, strides = array<i32>} : memref<128x64xf32, #tpu.memory_space<vmem>>, vector<1x16xf32>,
      %get3A_157 = arith.index_cast %add3A_129 : i32 to index
      %get3A_158 = arith.constant 48 : index
      %get3A_159 = tpu.vector_load %arg7[%get3A_157, %get3A_158] {strides = array<i32>} : memref<400x64xf32, #tpu.memory_space<vmem>>, vector<1x16xf32>,
      %get3A_160 = vector.shape_cast %get3A_159 : vector<1x16xf32> to vector<16xf32>
      %swap3A_161 = arith.index_cast %add3A_128 : i32 to index
      %swap3A_162 = arith.constant 48 : index
      %swap3A_163 = tpu.vector_load %arg9[%swap3A_161, %swap3A_162] {strides = array<i32>} : memref<128x64xf32, #tpu.memory_space<vmem>>, vector<1x16xf32>,
      %swap3A_164 = vector.shape_cast %swap3A_163 : vector<1x16xf32> to vector<16xf32>
      %swap3A_165 = vector.shape_cast %get3A_160 : vector<16xf32> to vector<1x16xf32>
      tpu.vector_store %arg9[%swap3A_161, %swap3A_162], %swap3A_165 {add = true, strides = array<i32>} : memref<128x64xf32, #tpu.memory_space<vmem>>, vector<1x16xf32>,
      %scan3A_166 = arith.constant 2 : i32
      %scan3A_167 = arith.addi %scan3A_83, %scan3A_166 : i32
      %mul3A_168 = arith.constant 1 : i32
      %mul3A_169 = arith.muli %scan3A_167, %mul3A_168 : i32
      %add3A_170 = arith.constant 0 : i32
      %add3A_171 = arith.addi %add3A_170, %mul3A_169 : i32
      %add3A_172 = arith.addi %rem3A_47, %add3A_171 : i32
      %get3A_173 = arith.index_cast %add3A_172 : i32 to index
      %get3A_174 = arith.constant 0 : index
      %get3A_175 = tpu.vector_load %arg7[%get3A_173, %get3A_174] {strides = array<i32>} : memref<400x64xf32, #tpu.memory_space<vmem>>, vector<1x16xf32>,
      %get3A_176 = vector.shape_cast %get3A_175 : vector<1x16xf32> to vector<16xf32>
      %swap3A_177 = arith.index_cast %add3A_171 : i32 to index
      %swap3A_178 = arith.constant 0 : index
      %swap3A_179 = tpu.vector_load %arg9[%swap3A_177, %swap3A_178] {strides = array<i32>} : memref<128x64xf32, #tpu.memory_space<vmem>>, vector<1x16xf32>,
      %swap3A_180 = vector.shape_cast %swap3A_179 : vector<1x16xf32> to vector<16xf32>
      %swap3A_181 = vector.shape_cast %get3A_176 : vector<16xf32> to vector<1x16xf32>
      tpu.vector_store %arg9[%swap3A_177, %swap3A_178], %swap3A_181 {add = true, strides = array<i32>} : memref<128x64xf32, #tpu.memory_space<vmem>>, vector<1x16xf32>,
      %get3A_182 = arith.index_cast %add3A_172 : i32 to index
      %get3A_183 = arith.constant 16 : index
      %get3A_184 = tpu.vector_load %arg7[%get3A_182, %get3A_183] {strides = array<i32>} : memref<400x64xf32, #tpu.memory_space<vmem>>, vector<1x16xf32>,
      %get3A_185 = vector.shape_cast %get3A_184 : vector<1x16xf32> to vector<16xf32>
      %swap3A_186 = arith.index_cast %add3A_171 : i32 to index
      %swap3A_187 = arith.constant 16 : index
      %swap3A_188 = tpu.vector_load %arg9[%swap3A_186, %swap3A_187] {strides = array<i32>} : memref<128x64xf32, #tpu.memory_space<vmem>>, vector<1x16xf32>,
      %swap3A_189 = vector.shape_cast %swap3A_188 : vector<1x16xf32> to vector<16xf32>
      %swap3A_190 = vector.shape_cast %get3A_185 : vector<16xf32> to vector<1x16xf32>
      tpu.vector_store %arg9[%swap3A_186, %swap3A_187], %swap3A_190 {add = true, strides = array<i32>} : memref<128x64xf32, #tpu.memory_space<vmem>>, vector<1x16xf32>,
      %get3A_191 = arith.index_cast %add3A_172 : i32 to index
      %get3A_192 = arith.constant 32 : index
      %get3A_193 = tpu.vector_load %arg7[%get3A_191, %get3A_192] {strides = array<i32>} : memref<400x64xf32, #tpu.memory_space<vmem>>, vector<1x16xf32>,
      %get3A_194 = vector.shape_cast %get3A_193 : vector<1x16xf32> to vector<16xf32>
      %swap3A_195 = arith.index_cast %add3A_171 : i32 to index
      %swap3A_196 = arith.constant 32 : index
      %swap3A_197 = tpu.vector_load %arg9[%swap3A_195, %swap3A_196] {strides = array<i32>} : memref<128x64xf32, #tpu.memory_space<vmem>>, vector<1x16xf32>,
      %swap3A_198 = vector.shape_cast %swap3A_197 : vector<1x16xf32> to vector<16xf32>
      %swap3A_199 = vector.shape_cast %get3A_194 : vector<16xf32> to vector<1x16xf32>
      tpu.vector_store %arg9[%swap3A_195, %swap3A_196], %swap3A_199 {add = true, strides = array<i32>} : memref<128x64xf32, #tpu.memory_space<vmem>>, vector<1x16xf32>,
      %get3A_200 = arith.index_cast %add3A_172 : i32 to index
      %get3A_201 = arith.constant 48 : index
      %get3A_202 = tpu.vector_load %arg7[%get3A_200, %get3A_201] {strides = array<i32>} : memref<400x64xf32, #tpu.memory_space<vmem>>, vector<1x16xf32>,
      %get3A_203 = vector.shape_cast %get3A_202 : vector<1x16xf32> to vector<16xf32>
      %swap3A_204 = arith.index_cast %add3A_171 : i32 to index
      %swap3A_205 = arith.constant 48 : index
      %swap3A_206 = tpu.vector_load %arg9[%swap3A_204, %swap3A_205] {strides = array<i32>} : memref<128x64xf32, #tpu.memory_space<vmem>>, vector<1x16xf32>,
      %swap3A_207 = vector.shape_cast %swap3A_206 : vector<1x16xf32> to vector<16xf32>
      %swap3A_208 = vector.shape_cast %get3A_203 : vector<16xf32> to vector<1x16xf32>
      tpu.vector_store %arg9[%swap3A_204, %swap3A_205], %swap3A_208 {add = true, strides = array<i32>} : memref<128x64xf32, #tpu.memory_space<vmem>>, vector<1x16xf32>,
      %scan3A_209 = arith.constant 3 : i32
      %scan3A_210 = arith.addi %scan3A_83, %scan3A_209 : i32
      %mul3A_211 = arith.constant 1 : i32
      %mul3A_212 = arith.muli %scan3A_210, %mul3A_211 : i32
      %add3A_213 = arith.constant 0 : i32
      %add3A_214 = arith.addi %add3A_213, %mul3A_212 : i32
      %add3A_215 = arith.addi %rem3A_47, %add3A_214 : i32
      %get3A_216 = arith.index_cast %add3A_215 : i32 to index
      %get3A_217 = arith.constant 0 : index
      %get3A_218 = tpu.vector_load %arg7[%get3A_216, %get3A_217] {strides = array<i32>} : memref<400x64xf32, #tpu.memory_space<vmem>>, vector<1x16xf32>,
      %get3A_219 = vector.shape_cast %get3A_218 : vector<1x16xf32> to vector<16xf32>
      %swap3A_220 = arith.index_cast %add3A_214 : i32 to index
      %swap3A_221 = arith.constant 0 : index
      %swap3A_222 = tpu.vector_load %arg9[%swap3A_220, %swap3A_221] {strides = array<i32>} : memref<128x64xf32, #tpu.memory_space<vmem>>, vector<1x16xf32>,
      %swap3A_223 = vector.shape_cast %swap3A_222 : vector<1x16xf32> to vector<16xf32>
      %swap3A_224 = vector.shape_cast %get3A_219 : vector<16xf32> to vector<1x16xf32>
      tpu.vector_store %arg9[%swap3A_220, %swap3A_221], %swap3A_224 {add = true, strides = array<i32>} : memref<128x64xf32, #tpu.memory_space<vmem>>, vector<1x16xf32>,
      %get3A_225 = arith.index_cast %add3A_215 : i32 to index
      %get3A_226 = arith.constant 16 : index
      %get3A_227 = tpu.vector_load %arg7[%get3A_225, %get3A_226] {strides = array<i32>} : memref<400x64xf32, #tpu.memory_space<vmem>>, vector<1x16xf32>,
      %get3A_228 = vector.shape_cast %get3A_227 : vector<1x16xf32> to vector<16xf32>
      %swap3A_229 = arith.index_cast %add3A_214 : i32 to index
      %swap3A_230 = arith.constant 16 : index
      %swap3A_231 = tpu.vector_load %arg9[%swap3A_229, %swap3A_230] {strides = array<i32>} : memref<128x64xf32, #tpu.memory_space<vmem>>, vector<1x16xf32>,
      %swap3A_232 = vector.shape_cast %swap3A_231 : vector<1x16xf32> to vector<16xf32>
      %swap3A_233 = vector.shape_cast %get3A_228 : vector<16xf32> to vector<1x16xf32>
      tpu.vector_store %arg9[%swap3A_229, %swap3A_230], %swap3A_233 {add = true, strides = array<i32>} : memref<128x64xf32, #tpu.memory_space<vmem>>, vector<1x16xf32>,
      %get3A_234 = arith.index_cast %add3A_215 : i32 to index
      %get3A_235 = arith.constant 32 : index
      %get3A_236 = tpu.vector_load %arg7[%get3A_234, %get3A_235] {strides = array<i32>} : memref<400x64xf32, #tpu.memory_space<vmem>>, vector<1x16xf32>,
      %get3A_237 = vector.shape_cast %get3A_236 : vector<1x16xf32> to vector<16xf32>
      %swap3A_238 = arith.index_cast %add3A_214 : i32 to index
      %swap3A_239 = arith.constant 32 : index
      %swap3A_240 = tpu.vector_load %arg9[%swap3A_238, %swap3A_239] {strides = array<i32>} : memref<128x64xf32, #tpu.memory_space<vmem>>, vector<1x16xf32>,
      %swap3A_241 = vector.shape_cast %swap3A_240 : vector<1x16xf32> to vector<16xf32>
      %swap3A_242 = vector.shape_cast %get3A_237 : vector<16xf32> to vector<1x16xf32>
      tpu.vector_store %arg9[%swap3A_238, %swap3A_239], %swap3A_242 {add = true, strides = array<i32>} : memref<128x64xf32, #tpu.memory_space<vmem>>, vector<1x16xf32>,
      %get3A_243 = arith.index_cast %add3A_215 : i32 to index
      %get3A_244 = arith.constant 48 : index
      %get3A_245 = tpu.vector_load %arg7[%get3A_243, %get3A_244] {strides = array<i32>} : memref<400x64xf32, #tpu.memory_space<vmem>>, vector<1x16xf32>,
      %get3A_246 = vector.shape_cast %get3A_245 : vector<1x16xf32> to vector<16xf32>
      %swap3A_247 = arith.index_cast %add3A_214 : i32 to index
      %swap3A_248 = arith.constant 48 : index
      %swap3A_249 = tpu.vector_load %arg9[%swap3A_247, %swap3A_248] {strides = array<i32>} : memref<128x64xf32, #tpu.memory_space<vmem>>, vector<1x16xf32>,
      %swap3A_250 = vector.shape_cast %swap3A_249 : vector<1x16xf32> to vector<16xf32>
      %swap3A_251 = vector.shape_cast %get3A_246 : vector<16xf32> to vector<1x16xf32>
      tpu.vector_store %arg9[%swap3A_247, %swap3A_248], %swap3A_251 {add = true, strides = array<i32>} : memref<128x64xf32, #tpu.memory_space<vmem>>, vector<1x16xf32>,
      %scan3A_252 = arith.constant 4 : i32
      %scan3A_253 = arith.addi %scan3A_83, %scan3A_252 : i32
      %mul3A_254 = arith.constant 1 : i32
      %mul3A_255 = arith.muli %scan3A_253, %mul3A_254 : i32
      %add3A_256 = arith.constant 0 : i32
      %add3A_257 = arith.addi %add3A_256, %mul3A_255 : i32
      %add3A_258 = arith.addi %rem3A_47, %add3A_257 : i32
      %get3A_259 = arith.index_cast %add3A_258 : i32 to index
      %get3A_260 = arith.constant 0 : index
      %get3A_261 = tpu.vector_load %arg7[%get3A_259, %get3A_260] {strides = array<i32>} : memref<400x64xf32, #tpu.memory_space<vmem>>, vector<1x16xf32>,
      %get3A_262 = vector.shape_cast %get3A_261 : vector<1x16xf32> to vector<16xf32>
      %swap3A_263 = arith.index_cast %add3A_257 : i32 to index
      %swap3A_264 = arith.constant 0 : index
      %swap3A_265 = tpu.vector_load %arg9[%swap3A_263, %swap3A_264] {strides = array<i32>} : memref<128x64xf32, #tpu.memory_space<vmem>>, vector<1x16xf32>,
      %swap3A_266 = vector.shape_cast %swap3A_265 : vector<1x16xf32> to vector<16xf32>
      %swap3A_267 = vector.shape_cast %get3A_262 : vector<16xf32> to vector<1x16xf32>
      tpu.vector_store %arg9[%swap3A_263, %swap3A_264], %swap3A_267 {add = true, strides = array<i32>} : memref<128x64xf32, #tpu.memory_space<vmem>>, vector<1x16xf32>,
      %get3A_268 = arith.index_cast %add3A_258 : i32 to index
      %get3A_269 = arith.constant 16 : index
      %get3A_270 = tpu.vector_load %arg7[%get3A_268, %get3A_269] {strides = array<i32>} : memref<400x64xf32, #tpu.memory_space<vmem>>, vector<1x16xf32>,
      %get3A_271 = vector.shape_cast %get3A_270 : vector<1x16xf32> to vector<16xf32>
      %swap3A_272 = arith.index_cast %add3A_257 : i32 to index
      %swap3A_273 = arith.constant 16 : index
      %swap3A_274 = tpu.vector_load %arg9[%swap3A_272, %swap3A_273] {strides = array<i32>} : memref<128x64xf32, #tpu.memory_space<vmem>>, vector<1x16xf32>,
      %swap3A_275 = vector.shape_cast %swap3A_274 : vector<1x16xf32> to vector<16xf32>
      %swap3A_276 = vector.shape_cast %get3A_271 : vector<16xf32> to vector<1x16xf32>
      tpu.vector_store %arg9[%swap3A_272, %swap3A_273], %swap3A_276 {add = true, strides = array<i32>} : memref<128x64xf32, #tpu.memory_space<vmem>>, vector<1x16xf32>,
      %get3A_277 = arith.index_cast %add3A_258 : i32 to index
      %get3A_278 = arith.constant 32 : index
      %get3A_279 = tpu.vector_load %arg7[%get3A_277, %get3A_278] {strides = array<i32>} : memref<400x64xf32, #tpu.memory_space<vmem>>, vector<1x16xf32>,
      %get3A_280 = vector.shape_cast %get3A_279 : vector<1x16xf32> to vector<16xf32>
      %swap3A_281 = arith.index_cast %add3A_257 : i32 to index
      %swap3A_282 = arith.constant 32 : index
      %swap3A_283 = tpu.vector_load %arg9[%swap3A_281, %swap3A_282] {strides = array<i32>} : memref<128x64xf32, #tpu.memory_space<vmem>>, vector<1x16xf32>,
      %swap3A_284 = vector.shape_cast %swap3A_283 : vector<1x16xf32> to vector<16xf32>
      %swap3A_285 = vector.shape_cast %get3A_280 : vector<16xf32> to vector<1x16xf32>
      tpu.vector_store %arg9[%swap3A_281, %swap3A_282], %swap3A_285 {add = true, strides = array<i32>} : memref<128x64xf32, #tpu.memory_space<vmem>>, vector<1x16xf32>,
      %get3A_286 = arith.index_cast %add3A_258 : i32 to index
      %get3A_287 = arith.constant 48 : index
      %get3A_288 = tpu.vector_load %arg7[%get3A_286, %get3A_287] {strides = array<i32>} : memref<400x64xf32, #tpu.memory_space<vmem>>, vector<1x16xf32>,
      %get3A_289 = vector.shape_cast %get3A_288 : vector<1x16xf32> to vector<16xf32>
      %swap3A_290 = arith.index_cast %add3A_257 : i32 to index
      %swap3A_291 = arith.constant 48 : index
      %swap3A_292 = tpu.vector_load %arg9[%swap3A_290, %swap3A_291] {strides = array<i32>} : memref<128x64xf32, #tpu.memory_space<vmem>>, vector<1x16xf32>,
      %swap3A_293 = vector.shape_cast %swap3A_292 : vector<1x16xf32> to vector<16xf32>
      %swap3A_294 = vector.shape_cast %get3A_289 : vector<16xf32> to vector<1x16xf32>
      tpu.vector_store %arg9[%swap3A_290, %swap3A_291], %swap3A_294 {add = true, strides = array<i32>} : memref<128x64xf32, #tpu.memory_space<vmem>>, vector<1x16xf32>,
      %scan3A_295 = arith.constant 5 : i32
      %scan3A_296 = arith.addi %scan3A_83, %scan3A_295 : i32
      %mul3A_297 = arith.constant 1 : i32
      %mul3A_298 = arith.muli %scan3A_296, %mul3A_297 : i32
      %add3A_299 = arith.constant 0 : i32
      %add3A_300 = arith.addi %add3A_299, %mul3A_298 : i32
      %add3A_301 = arith.addi %rem3A_47, %add3A_300 : i32
      %get3A_302 = arith.index_cast %add3A_301 : i32 to index
      %get3A_303 = arith.constant 0 : index
      %get3A_304 = tpu.vector_load %arg7[%get3A_302, %get3A_303] {strides = array<i32>} : memref<400x64xf32, #tpu.memory_space<vmem>>, vector<1x16xf32>,
      %get3A_305 = vector.shape_cast %get3A_304 : vector<1x16xf32> to vector<16xf32>
      %swap3A_306 = arith.index_cast %add3A_300 : i32 to index
      %swap3A_307 = arith.constant 0 : index
      %swap3A_308 = tpu.vector_load %arg9[%swap3A_306, %swap3A_307] {strides = array<i32>} : memref<128x64xf32, #tpu.memory_space<vmem>>, vector<1x16xf32>,
      %swap3A_309 = vector.shape_cast %swap3A_308 : vector<1x16xf32> to vector<16xf32>
      %swap3A_310 = vector.shape_cast %get3A_305 : vector<16xf32> to vector<1x16xf32>
      tpu.vector_store %arg9[%swap3A_306, %swap3A_307], %swap3A_310 {add = true, strides = array<i32>} : memref<128x64xf32, #tpu.memory_space<vmem>>, vector<1x16xf32>,
      %get3A_311 = arith.index_cast %add3A_301 : i32 to index
      %get3A_312 = arith.constant 16 : index
      %get3A_313 = tpu.vector_load %arg7[%get3A_311, %get3A_312] {strides = array<i32>} : memref<400x64xf32, #tpu.memory_space<vmem>>, vector<1x16xf32>,
      %get3A_314 = vector.shape_cast %get3A_313 : vector<1x16xf32> to vector<16xf32>
      %swap3A_315 = arith.index_cast %add3A_300 : i32 to index
      %swap3A_316 = arith.constant 16 : index
      %swap3A_317 = tpu.vector_load %arg9[%swap3A_315, %swap3A_316] {strides = array<i32>} : memref<128x64xf32, #tpu.memory_space<vmem>>, vector<1x16xf32>,
      %swap3A_318 = vector.shape_cast %swap3A_317 : vector<1x16xf32> to vector<16xf32>
      %swap3A_319 = vector.shape_cast %get3A_314 : vector<16xf32> to vector<1x16xf32>
      tpu.vector_store %arg9[%swap3A_315, %swap3A_316], %swap3A_319 {add = true, strides = array<i32>} : memref<128x64xf32, #tpu.memory_space<vmem>>, vector<1x16xf32>,
      %get3A_320 = arith.index_cast %add3A_301 : i32 to index
      %get3A_321 = arith.constant 32 : index
      %get3A_322 = tpu.vector_load %arg7[%get3A_320, %get3A_321] {strides = array<i32>} : memref<400x64xf32, #tpu.memory_space<vmem>>, vector<1x16xf32>,
      %get3A_323 = vector.shape_cast %get3A_322 : vector<1x16xf32> to vector<16xf32>
      %swap3A_324 = arith.index_cast %add3A_300 : i32 to index
      %swap3A_325 = arith.constant 32 : index
      %swap3A_326 = tpu.vector_load %arg9[%swap3A_324, %swap3A_325] {strides = array<i32>} : memref<128x64xf32, #tpu.memory_space<vmem>>, vector<1x16xf32>,
      %swap3A_327 = vector.shape_cast %swap3A_326 : vector<1x16xf32> to vector<16xf32>
      %swap3A_328 = vector.shape_cast %get3A_323 : vector<16xf32> to vector<1x16xf32>
      tpu.vector_store %arg9[%swap3A_324, %swap3A_325], %swap3A_328 {add = true, strides = array<i32>} : memref<128x64xf32, #tpu.memory_space<vmem>>, vector<1x16xf32>,
      %get3A_329 = arith.index_cast %add3A_301 : i32 to index
      %get3A_330 = arith.constant 48 : index
      %get3A_331 = tpu.vector_load %arg7[%get3A_329, %get3A_330] {strides = array<i32>} : memref<400x64xf32, #tpu.memory_space<vmem>>, vector<1x16xf32>,
      %get3A_332 = vector.shape_cast %get3A_331 : vector<1x16xf32> to vector<16xf32>
      %swap3A_333 = arith.index_cast %add3A_300 : i32 to index
      %swap3A_334 = arith.constant 48 : index
      %swap3A_335 = tpu.vector_load %arg9[%swap3A_333, %swap3A_334] {strides = array<i32>} : memref<128x64xf32, #tpu.memory_space<vmem>>, vector<1x16xf32>,
      %swap3A_336 = vector.shape_cast %swap3A_335 : vector<1x16xf32> to vector<16xf32>
      %swap3A_337 = vector.shape_cast %get3A_332 : vector<16xf32> to vector<1x16xf32>
      tpu.vector_store %arg9[%swap3A_333, %swap3A_334], %swap3A_337 {add = true, strides = array<i32>} : memref<128x64xf32, #tpu.memory_space<vmem>>, vector<1x16xf32>,
      %scan3A_338 = arith.constant 6 : i32
      %scan3A_339 = arith.addi %scan3A_83, %scan3A_338 : i32
      %mul3A_340 = arith.constant 1 : i32
      %mul3A_341 = arith.muli %scan3A_339, %mul3A_340 : i32
      %add3A_342 = arith.constant 0 : i32
      %add3A_343 = arith.addi %add3A_342, %mul3A_341 : i32
      %add3A_344 = arith.addi %rem3A_47, %add3A_343 : i32
      %get3A_345 = arith.index_cast %add3A_344 : i32 to index
      %get3A_346 = arith.constant 0 : index
      %get3A_347 = tpu.vector_load %arg7[%get3A_345, %get3A_346] {strides = array<i32>} : memref<400x64xf32, #tpu.memory_space<vmem>>, vector<1x16xf32>,
      %get3A_348 = vector.shape_cast %get3A_347 : vector<1x16xf32> to vector<16xf32>
      %swap3A_349 = arith.index_cast %add3A_343 : i32 to index
      %swap3A_350 = arith.constant 0 : index
      %swap3A_351 = tpu.vector_load %arg9[%swap3A_349, %swap3A_350] {strides = array<i32>} : memref<128x64xf32, #tpu.memory_space<vmem>>, vector<1x16xf32>,
      %swap3A_352 = vector.shape_cast %swap3A_351 : vector<1x16xf32> to vector<16xf32>
      %swap3A_353 = vector.shape_cast %get3A_348 : vector<16xf32> to vector<1x16xf32>
      tpu.vector_store %arg9[%swap3A_349, %swap3A_350], %swap3A_353 {add = true, strides = array<i32>} : memref<128x64xf32, #tpu.memory_space<vmem>>, vector<1x16xf32>,
      %get3A_354 = arith.index_cast %add3A_344 : i32 to index
      %get3A_355 = arith.constant 16 : index
      %get3A_356 = tpu.vector_load %arg7[%get3A_354, %get3A_355] {strides = array<i32>} : memref<400x64xf32, #tpu.memory_space<vmem>>, vector<1x16xf32>,
      %get3A_357 = vector.shape_cast %get3A_356 : vector<1x16xf32> to vector<16xf32>
      %swap3A_358 = arith.index_cast %add3A_343 : i32 to index
      %swap3A_359 = arith.constant 16 : index
      %swap3A_360 = tpu.vector_load %arg9[%swap3A_358, %swap3A_359] {strides = array<i32>} : memref<128x64xf32, #tpu.memory_space<vmem>>, vector<1x16xf32>,
      %swap3A_361 = vector.shape_cast %swap3A_360 : vector<1x16xf32> to vector<16xf32>
      %swap3A_362 = vector.shape_cast %get3A_357 : vector<16xf32> to vector<1x16xf32>
      tpu.vector_store %arg9[%swap3A_358, %swap3A_359], %swap3A_362 {add = true, strides = array<i32>} : memref<128x64xf32, #tpu.memory_space<vmem>>, vector<1x16xf32>,
      %get3A_363 = arith.index_cast %add3A_344 : i32 to index
      %get3A_364 = arith.constant 32 : index
      %get3A_365 = tpu.vector_load %arg7[%get3A_363, %get3A_364] {strides = array<i32>} : memref<400x64xf32, #tpu.memory_space<vmem>>, vector<1x16xf32>,
      %get3A_366 = vector.shape_cast %get3A_365 : vector<1x16xf32> to vector<16xf32>
      %swap3A_367 = arith.index_cast %add3A_343 : i32 to index
      %swap3A_368 = arith.constant 32 : index
      %swap3A_369 = tpu.vector_load %arg9[%swap3A_367, %swap3A_368] {strides = array<i32>} : memref<128x64xf32, #tpu.memory_space<vmem>>, vector<1x16xf32>,
      %swap3A_370 = vector.shape_cast %swap3A_369 : vector<1x16xf32> to vector<16xf32>
      %swap3A_371 = vector.shape_cast %get3A_366 : vector<16xf32> to vector<1x16xf32>
      tpu.vector_store %arg9[%swap3A_367, %swap3A_368], %swap3A_371 {add = true, strides = array<i32>} : memref<128x64xf32, #tpu.memory_space<vmem>>, vector<1x16xf32>,
      %get3A_372 = arith.index_cast %add3A_344 : i32 to index
      %get3A_373 = arith.constant 48 : index
      %get3A_374 = tpu.vector_load %arg7[%get3A_372, %get3A_373] {strides = array<i32>} : memref<400x64xf32, #tpu.memory_space<vmem>>, vector<1x16xf32>,
      %get3A_375 = vector.shape_cast %get3A_374 : vector<1x16xf32> to vector<16xf32>
      %swap3A_376 = arith.index_cast %add3A_343 : i32 to index
      %swap3A_377 = arith.constant 48 : index
      %swap3A_378 = tpu.vector_load %arg9[%swap3A_376, %swap3A_377] {strides = array<i32>} : memref<128x64xf32, #tpu.memory_space<vmem>>, vector<1x16xf32>,
      %swap3A_379 = vector.shape_cast %swap3A_378 : vector<1x16xf32> to vector<16xf32>
      %swap3A_380 = vector.shape_cast %get3A_375 : vector<16xf32> to vector<1x16xf32>
      tpu.vector_store %arg9[%swap3A_376, %swap3A_377], %swap3A_380 {add = true, strides = array<i32>} : memref<128x64xf32, #tpu.memory_space<vmem>>, vector<1x16xf32>,
      %scan3A_381 = arith.constant 7 : i32
      %scan3A_382 = arith.addi %scan3A_83, %scan3A_381 : i32
      %mul3A_383 = arith.constant 1 : i32
      %mul3A_384 = arith.muli %scan3A_382, %mul3A_383 : i32
      %add3A_385 = arith.constant 0 : i32
      %add3A_386 = arith.addi %add3A_385, %mul3A_384 : i32
      %add3A_387 = arith.addi %rem3A_47, %add3A_386 : i32
      %get3A_388 = arith.index_cast %add3A_387 : i32 to index
      %get3A_389 = arith.constant 0 : index
      %get3A_390 = tpu.vector_load %arg7[%get3A_388, %get3A_389] {strides = array<i32>} : memref<400x64xf32, #tpu.memory_space<vmem>>, vector<1x16xf32>,
      %get3A_391 = vector.shape_cast %get3A_390 : vector<1x16xf32> to vector<16xf32>
      %swap3A_392 = arith.index_cast %add3A_386 : i32 to index
      %swap3A_393 = arith.constant 0 : index
      %swap3A_394 = tpu.vector_load %arg9[%swap3A_392, %swap3A_393] {strides = array<i32>} : memref<128x64xf32, #tpu.memory_space<vmem>>, vector<1x16xf32>,
      %swap3A_395 = vector.shape_cast %swap3A_394 : vector<1x16xf32> to vector<16xf32>
      %swap3A_396 = vector.shape_cast %get3A_391 : vector<16xf32> to vector<1x16xf32>
      tpu.vector_store %arg9[%swap3A_392, %swap3A_393], %swap3A_396 {add = true, strides = array<i32>} : memref<128x64xf32, #tpu.memory_space<vmem>>, vector<1x16xf32>,
      %get3A_397 = arith.index_cast %add3A_387 : i32 to index
      %get3A_398 = arith.constant 16 : index
      %get3A_399 = tpu.vector_load %arg7[%get3A_397, %get3A_398] {strides = array<i32>} : memref<400x64xf32, #tpu.memory_space<vmem>>, vector<1x16xf32>,
      %get3A_400 = vector.shape_cast %get3A_399 : vector<1x16xf32> to vector<16xf32>
      %swap3A_401 = arith.index_cast %add3A_386 : i32 to index
      %swap3A_402 = arith.constant 16 : index
      %swap3A_403 = tpu.vector_load %arg9[%swap3A_401, %swap3A_402] {strides = array<i32>} : memref<128x64xf32, #tpu.memory_space<vmem>>, vector<1x16xf32>,
      %swap3A_404 = vector.shape_cast %swap3A_403 : vector<1x16xf32> to vector<16xf32>
      %swap3A_405 = vector.shape_cast %get3A_400 : vector<16xf32> to vector<1x16xf32>
      tpu.vector_store %arg9[%swap3A_401, %swap3A_402], %swap3A_405 {add = true, strides = array<i32>} : memref<128x64xf32, #tpu.memory_space<vmem>>, vector<1x16xf32>,
      %get3A_406 = arith.index_cast %add3A_387 : i32 to index
      %get3A_407 = arith.constant 32 : index
      %get3A_408 = tpu.vector_load %arg7[%get3A_406, %get3A_407] {strides = array<i32>} : memref<400x64xf32, #tpu.memory_space<vmem>>, vector<1x16xf32>,
      %get3A_409 = vector.shape_cast %get3A_408 : vector<1x16xf32> to vector<16xf32>
      %swap3A_410 = arith.index_cast %add3A_386 : i32 to index
      %swap3A_411 = arith.constant 32 : index
      %swap3A_412 = tpu.vector_load %arg9[%swap3A_410, %swap3A_411] {strides = array<i32>} : memref<128x64xf32, #tpu.memory_space<vmem>>, vector<1x16xf32>,
      %swap3A_413 = vector.shape_cast %swap3A_412 : vector<1x16xf32> to vector<16xf32>
      %swap3A_414 = vector.shape_cast %get3A_409 : vector<16xf32> to vector<1x16xf32>
      tpu.vector_store %arg9[%swap3A_410, %swap3A_411], %swap3A_414 {add = true, strides = array<i32>} : memref<128x64xf32, #tpu.memory_space<vmem>>, vector<1x16xf32>,
      %get3A_415 = arith.index_cast %add3A_387 : i32 to index
      %get3A_416 = arith.constant 48 : index
      %get3A_417 = tpu.vector_load %arg7[%get3A_415, %get3A_416] {strides = array<i32>} : memref<400x64xf32, #tpu.memory_space<vmem>>, vector<1x16xf32>,
      %get3A_418 = vector.shape_cast %get3A_417 : vector<1x16xf32> to vector<16xf32>
      %swap3A_419 = arith.index_cast %add3A_386 : i32 to index
      %swap3A_420 = arith.constant 48 : index
      %swap3A_421 = tpu.vector_load %arg9[%swap3A_419, %swap3A_420] {strides = array<i32>} : memref<128x64xf32, #tpu.memory_space<vmem>>, vector<1x16xf32>,
      %swap3A_422 = vector.shape_cast %swap3A_421 : vector<1x16xf32> to vector<16xf32>
      %swap3A_423 = vector.shape_cast %get3A_418 : vector<16xf32> to vector<1x16xf32>
      tpu.vector_store %arg9[%swap3A_419, %swap3A_420], %swap3A_423 {add = true, strides = array<i32>} : memref<128x64xf32, #tpu.memory_space<vmem>>, vector<1x16xf32>,
    }
    %scan3A_52 = arith.constant 128 : i32
    %add3A_53 = arith.constant 6272 : i32
    %add3A_54 = arith.addi %mul3A_2, %add3A_53 : i32
    %dma_start3A_55 = arith.constant 0 : i32
    %dma_start3A_56 = tpu.memref_slice %arg5[%add3A_54, %dma_start3A_55] : memref<204800x64xf32, #tpu.memory_space<hbm>> -> memref<128x64xf32, #tpu.memory_space<hbm>>
    %dma_start3A_57 = arith.constant 0 : i32
    %dma_start3A_58 = tpu.memref_slice %arg5[%add3A_54, %dma_start3A_57] : memref<204800x64xf32, #tpu.memory_space<hbm>> -> memref<128x64xf32, #tpu.memory_space<hbm>>
    tpu.enqueue_dma source(%arg9 : memref<128x64xf32, #tpu.memory_space<vmem>>) target(%dma_start3A_58 : memref<128x64xf32, #tpu.memory_space<hbm>>) target_semaphore(%arg17 : memref<!tpu.dma_semaphore, #tpu.memory_space<semaphore_mem>>)
    %dma_wait3A_59 = arith.constant 0 : i32
    %dma_wait3A_60 = arith.constant 0 : i32
    %dma_wait3A_61 = tpu.memref_slice %arg4[%dma_wait3A_59, %dma_wait3A_60] : memref<1000000x64xf32, #tpu.memory_space<hbm>> -> memref<128x64xf32, #tpu.memory_space<hbm>>
    %dma_wait3A_62 = arith.constant 0 : i32
    %dma_wait3A_63 = arith.constant 0 : i32
    %dma_wait3A_64 = tpu.memref_slice %arg4[%dma_wait3A_62, %dma_wait3A_63] : memref<1000000x64xf32, #tpu.memory_space<hbm>> -> memref<128x64xf32, #tpu.memory_space<hbm>>
    tpu.wait_dma2 semaphore(%arg18 : memref<!tpu.dma_semaphore, #tpu.memory_space<semaphore_mem>>) src(%dma_wait3A_64 : memref<128x64xf32, #tpu.memory_space<hbm>>) dst(%arg10 : memref<128x64xf32, #tpu.memory_space<vmem>>)
    %dma_wait3A_65 = arith.constant 0 : i32
    %dma_wait3A_66 = arith.constant 0 : i32
    %dma_wait3A_67 = tpu.memref_slice %arg4[%dma_wait3A_65, %dma_wait3A_66] : memref<1000000x64xf32, #tpu.memory_space<hbm>> -> memref<128x64xf32, #tpu.memory_space<hbm>>
    %dma_wait3A_68 = arith.constant 0 : i32
    %dma_wait3A_69 = arith.constant 0 : i32
    %dma_wait3A_70 = tpu.memref_slice %arg4[%dma_wait3A_68, %dma_wait3A_69] : memref<1000000x64xf32, #tpu.memory_space<hbm>> -> memref<128x64xf32, #tpu.memory_space<hbm>>
    tpu.wait_dma2 semaphore(%arg19 : memref<!tpu.dma_semaphore, #tpu.memory_space<semaphore_mem>>) src(%dma_wait3A_70 : memref<128x64xf32, #tpu.memory_space<hbm>>) dst(%arg11 : memref<128x64xf32, #tpu.memory_space<vmem>>)
    %dma_wait3A_71 = arith.constant 0 : i32
    %dma_wait3A_72 = arith.constant 0 : i32
    %dma_wait3A_73 = tpu.memref_slice %arg4[%dma_wait3A_71, %dma_wait3A_72] : memref<1000000x64xf32, #tpu.memory_space<hbm>> -> memref<128x64xf32, #tpu.memory_space<hbm>>
    %dma_wait3A_74 = arith.constant 0 : i32
    %dma_wait3A_75 = arith.constant 0 : i32
    %dma_wait3A_76 = tpu.memref_slice %arg4[%dma_wait3A_74, %dma_wait3A_75] : memref<1000000x64xf32, #tpu.memory_space<hbm>> -> memref<128x64xf32, #tpu.memory_space<hbm>>
    tpu.wait_dma2 semaphore(%arg16 : memref<!tpu.dma_semaphore, #tpu.memory_space<semaphore_mem>>) src(%dma_wait3A_76 : memref<128x64xf32, #tpu.memory_space<hbm>>) dst(%arg8 : memref<128x64xf32, #tpu.memory_space<vmem>>)
    %dma_wait3A_77 = arith.constant 0 : i32
    %dma_wait3A_78 = arith.constant 0 : i32
    %dma_wait3A_79 = tpu.memref_slice %arg4[%dma_wait3A_77, %dma_wait3A_78] : memref<1000000x64xf32, #tpu.memory_space<hbm>> -> memref<128x64xf32, #tpu.memory_space<hbm>>
    %dma_wait3A_80 = arith.constant 0 : i32
    %dma_wait3A_81 = arith.constant 0 : i32
    %dma_wait3A_82 = tpu.memref_slice %arg4[%dma_wait3A_80, %dma_wait3A_81] : memref<1000000x64xf32, #tpu.memory_space<hbm>> -> memref<128x64xf32, #tpu.memory_space<hbm>>
    tpu.wait_dma2 semaphore(%arg17 : memref<!tpu.dma_semaphore, #tpu.memory_space<semaphore_mem>>) src(%dma_wait3A_82 : memref<128x64xf32, #tpu.memory_space<hbm>>) dst(%arg9 : memref<128x64xf32, #tpu.memory_space<vmem>>)
    return
  }
}

</mosaic_0001>

<sc_bundles>
// kernel: _emb.3.cloned.1.call-start
scs
__scs_entry_jumppad:
0x0: {  	(pc) =	sbr.rel $0x88, $3  }
0x1: {  	(tag) =	ssettag $0x0;
	lr =	simm.s32 $0x1  }
0x2: {  	[smem:$0x3F9E] =	sst lr;
	_ =	strace $0xD0000000  }
0x3: {  	_ = 	snop  }
0x4: {  	_ = 	snop  }
0x5: {  	_ = 	snop  }
0x6: {  	_ = 	snop  }
0x7: {  	_ = 	snop  }
__scs_overlays_trampoline_lowered:
0x8: {  	[smem:$0x3FAD] =	sst s0  }
0x9: {  	[smem:$0x3FAE] =	sst s1  }
0xa: {  	[smem:$0x3FAF] =	sst s2  }
0xb: {  	[smem:$0x3FB0] =	sst s3  }
0xc: {  	[smem:$0x3FB1] =	sst s4  }
0xd: {  	[smem:$0x3FB2] =	sst s5  }
0xe: {  	[smem:$0x3FB3] =	sst s6  }
0xf: {  	[smem:$0x3FB4] =	sst s7  }
0x10: {  	[smem:$0x3FB5] =	sst s8  }
0x11: {  	[smem:$0x3FB6] =	sst s9;
	s0 =	simm.s32 @!p0 $0x0  }
0x12: {  	s1 =	sld [smem:$0x3F9C];
	s0 =	simm.s32 @p0 $0x1  }
0x13: {  	[smem:$0x3FB7] =	sst s0;
	s0 =	simm.s32 @!p1 $0x0  }
0x14: {  	s2 =	sld [smem:$0x3F9B];
	s0 =	simm.s32 @p1 $0x1  }
0x15: {  	[smem:$0x3FB8] =	sst s0;
	s0 =	simm.s32 @!p2 $0x0  }
0x16: {  	s3 =	sld [smem:$0x3FDB];
	s0 =	simm.s32 @p2 $0x1  }
0x17: {  	s4 =	simm.s32 $0x1BF5;
	[smem:$0x3FBA] =	sst s0  }
0x18: {  	s0 =	sld [smem:$0x3F9D];
	_ =	swait.ge [sflag:s4], $0x0  }
0x19: {  	s7 =	sld [smem:$0x3F9E]  }
0x1a: {  	s8 =	sadd.s32 $0xFFFFE003, lr  }
0x1b: {  	s9 =	sadd.s32 $0xFFFFFEF7, lr;
	s5 =	simm.s32 $0xFFFFFFFF;
	p2 =	slt.u32 s8, $0xFFFFF086  }
0x1c: {  	p1 =	slt.u32 s9, $0xF7A;
	s5 =	simm.s32 @!p2 $0x0  }
0x1d: {  	s5 =	simm.s32 @p1 $0x1;
	p0 =	seq.s32 s7, s2  }
0x1e: {  	s7 =	smul.u32 @!p0 $0xF7A, s2;
	p2 =	seq.s32 @!p0 s5, $0x0  }
0x1f: {  	s9 =	smul.u32 $0xF7A, s1;
	s8 =	simm.s32 @!p0 $0x1BF5;
	p2 =	por !p2, p0  }
0x20: {  	[sflag:s8] =	ssyncset.s32 @!p0 $0xFFFFF086;
	s6 =	sadd.s32 @!p0 s3, s7;
	s7 =	simm.s32 @!p0 $0x108  }
0x21: {  	s3 =	sadd.s32 s3, s9;
	s6 =	sadd.s32 @!p0 $0x88, s6;
	s7 =	simm.s32 @p2 $0x1082  }
0x22: {  	[simem:s7], [sflag:s8] =	dma.local @!p0 [hbm:s6], $0xF7A  }
0x23: {  	s9 =	sor.u32 $0xD0000000, s2;
	s6 =	simm.s32 $0x108;
	_ =	swait.ge @!p0 [sflag:s8], $0x0  }
0x24: {  	s3 =	sadd.s32 $0x88, s3;
	s6 =	simm.s32 @!p1 $0x1082;
	[sflag:s4] =	ssyncset.s32 $0xFFFFF086  }
0x25: {  	[simem:s6], [sflag:s4] =	dma.local [hbm:s3], $0xF7A  }
0x26: {  	[smem:$0x3F9E] =	sst s1;
	(tag) =	ssettag s2;
	_ =	strace s9  }
0x27: {  	s1 =	sld [smem:$0x3FAE]  }
0x28: {  	s2 =	sld [smem:$0x3FAF]  }
0x29: {  	s4 =	sld [smem:$0x3FB1]  }
0x2a: {  	p0 =	seq.s32 s5, $0x0;
	s5 =	sld [smem:$0x3FB2]  }
0x2b: {  	s6 =	sld [smem:$0x3FB3]  }
0x2c: {  	s7 =	sld [smem:$0x3FB4]  }
0x2d: {  	s3 =	simm.s32 $0x108;
	s8 =	sld [smem:$0x3FB5]  }
0x2e: {  	s3 =	simm.s32 @!p0 $0x1082;
	s9 =	sld [smem:$0x3FB6]  }
0x2f: {  	lr =	sadd.s32 s0, s3;
	s0 =	sld [smem:$0x3FAD]  }
0x30: {  	s3 =	sld [smem:$0x3FB0]  }
0x31: {  	[smem:$0x3FB9] =	sst s10  }
0x32: {  	s10 =	sld [smem:$0x3FB7];
	_ =	sdelay $0x3  }
0x33: {  	p0 =	seq.s32 s10, $0x1;
	s10 =	sld [smem:$0x3FB9];
	_ =	sdelay $0x3  }
0x34: {  	[smem:$0x3FB9] =	sst s10  }
0x35: {  	s10 =	sld [smem:$0x3FB8];
	_ =	sdelay $0x3  }
0x36: {  	p1 =	seq.s32 s10, $0x1;
	s10 =	sld [smem:$0x3FB9];
	_ =	sdelay $0x3  }
0x37: {  	[smem:$0x3FB9] =	sst s10  }
0x38: {  	s10 =	sld [smem:$0x3FBA]  }
0x39: {  	_ = 	snop;
	(pc) =	sbr.ind lr, $3  }
0x3a: {  	_ = 	snop  }
0x3b: {  	_ = 	snop  }
0x3c: {  	p2 =	seq.s32 s10, $0x1;
	s10 =	sld [smem:$0x3FB9]  }
0x3d: {  	_ =	shalt  }
0x3e: {  	_ =	shalt  }
0x3f: {  	_ =	shalt  }
0x40: {  	_ =	shalt  }
0x41: {  	_ =	shalt  }
0x42: {  	_ =	shalt  }
0x43: {  	_ =	shalt  }
0x44: {  	_ =	shalt  }
0x45: {  	_ =	shalt  }
0x46: {  	_ =	shalt  }
0x47: {  	_ =	shalt  }
0x48: {  	_ =	shalt  }
0x49: {  	_ =	shalt  }
0x4a: {  	_ =	shalt  }
0x4b: {  	_ =	shalt  }
0x4c: {  	_ =	shalt  }
0x4d: {  	_ =	shalt  }
0x4e: {  	_ =	shalt  }
0x4f: {  	_ =	shalt  }
0x50: {  	_ =	shalt  }
0x51: {  	_ =	shalt  }
0x52: {  	_ =	shalt  }
0x53: {  	_ =	shalt  }
0x54: {  	_ =	shalt  }
0x55: {  	_ =	shalt  }
0x56: {  	_ =	shalt  }
0x57: {  	_ =	shalt  }
0x58: {  	_ =	shalt  }
0x59: {  	_ =	shalt  }
0x5a: {  	_ =	shalt  }
0x5b: {  	_ =	shalt  }
0x5c: {  	_ =	shalt  }
0x5d: {  	_ =	shalt  }
0x5e: {  	_ =	shalt  }
0x5f: {  	_ =	shalt  }
0x60: {  	_ =	shalt  }
0x61: {  	_ =	shalt  }
0x62: {  	_ =	shalt  }
0x63: {  	_ =	shalt  }
0x64: {  	_ =	shalt  }
0x65: {  	_ =	shalt  }
0x66: {  	_ =	shalt  }
0x67: {  	_ =	shalt  }
0x68: {  	_ =	shalt  }
0x69: {  	_ =	shalt  }
0x6a: {  	_ =	shalt  }
0x6b: {  	_ =	shalt  }
0x6c: {  	_ =	shalt  }
0x6d: {  	_ =	shalt  }
0x6e: {  	_ =	shalt  }
0x6f: {  	_ =	shalt  }
0x70: {  	_ =	shalt  }
0x71: {  	_ =	shalt  }
0x72: {  	_ =	shalt  }
0x73: {  	_ =	shalt  }
0x74: {  	_ =	shalt  }
0x75: {  	_ =	shalt  }
0x76: {  	_ =	shalt  }
0x77: {  	_ =	shalt  }
0x78: {  	_ =	shalt  }
0x79: {  	_ =	shalt  }
0x7a: {  	_ =	shalt  }
0x7b: {  	_ =	shalt  }
0x7c: {  	_ =	shalt  }
0x7d: {  	_ =	shalt  }
0x7e: {  	_ =	shalt  }
0x7f: {  	_ =	shalt  }
0x80: {  	_ =	shalt  }
0x81: {  	_ =	shalt  }
0x82: {  	_ =	shalt  }
0x83: {  	_ =	shalt  }
0x84: {  	_ =	shalt  }
0x85: {  	_ =	shalt  }
0x86: {  	_ =	shalt  }
0x87: {  	_ =	shalt  }
.Lfunc_end0:
.L_simem_size_0:
called_computation.1_lowered:
.L_overlay_start_0:
0x88: {  	s2 =	sld [smem:$0x3FD9]  }
0x89: {  	s3 =	sld [smem:$0x3FFE];
	_ =	sdelay $0x1  }
0x8a: {  	s1 =	srdreg.scid  }
0x8b: {  	s0 =	sand.u32 $0x1, s1  }
0x8c: {  	s17 =	sshll.u32 s0, $0xA;
	s2 =	sadd.s32 s3, s2  }
0x8d: {  	s2 =	sadd.s32 s2, s17  }
0x8e: {  	[smem:$0x3FC5] =	sst s2  }
0x8f: {  	_ = 	snop  }
0x90: {  	s2 =	sld [smem:$0x3FC9]  }
0x91: {  	s18 =	sld [smem:$0x3FD0];
	(tm) =	ssettm $0x1  }
0x92: {  	s4 =	sld [smem:$0x3FFB];
	_ =	sdelay $0x3  }
0x93: {  	_ =	strace s4  }
0x94: {  	s4 =	sld [smem:$0x3FFC];
	_ =	sdelay $0x3  }
0x95: {  	_ =	strace s4  }
0x96: {  	s4 =	sld [smem:$0x3FFD];
	_ =	sdelay $0x3  }
0x97: {  	_ =	strace s4  }
0x98: {  	_ =	strace $0x8FFFFFFF  }
0x99: {  	s19 =	sld [smem:$0x3FDB];
	_ =	sdelay $0x1  }
0x9a: {  	s5 =	simm.s32 $_scs_section_size  }
0x9b: {  	s6 =	simm.s32 $_size__tile_overlayer_lowered;
	s7 =	simm.s32 $_tile_overlayer_lowered  }
0x9c: {  	s22 =	simm.s32 $0x1BFF;
	s21 =	sshll.u32 s7, $0x1;
	s4 =	sadd.s32 s5, s19  }
0x9d: {  	s8 =	simm.s32 $0x0;
	s20 =	sshll.u32 s6, $0x1;
	s6 =	sadd.s32 s21, s4  }
0x9e: {  	[timem:s8], [sflag:s22] =	dma.local [hbm:s6], s20  }
0x9f: {  	_ =	swait.ge [sflag:s22], s20  }
0xa0: {  	s5 =	ssub.s32 $0x0, s20;
	[sflag:s22] =	ssyncset.done $0x0  }
0xa1: {  	[sflag:s22] =	ssyncadd.s32 s5;
	_ =	sdelay $0x1  }
0xa2: {  	s23 =	simm.s32 $0x1B8B  }
0xa3: {  	_ =	swait.ge [sflag:s23], $0x1  }
0xa4: {  	[sflag:s23] =	ssyncset.done $0x0  }
0xa5: {  	s25 =	simm.s32 $0x1B8E;
	s24 =	sld [smem:$0x3FFE];
	[sflag:s23] =	ssyncadd.s32 $0xFFFFFFFF  }
0xa6: {  	s26 =	simm.s32 $execute0_lowered;
	[smem:$0x3FD2] =	sst s25  }
0xa7: {  	s6 =	sshll.u32 s26, $0x1;
	_ =	strace $0x80000046;
	[dreg:$0x1] =	wrdreg $0xFFFFFFFF  }
0xa8: {  	s28 =	simm.s32 $_size_execute0_lowered;
	s4 =	sadd.s32 s4, s6;
	[dreg:$0x0] =	wrdreg $0x0  }
0xa9: {  	s6 =	sshll.u32 s28, $0x1;
	[dreg:$0x2] =	wrdreg s4  }
0xaa: {  	[dreg:$0x3] =	wrdreg s6  }
0xab: {  	[dreg:$0x4] =	wrdreg $0xC0  }
0xac: {  	_ =	task [dreg:s8], $0x5FFFF  }
0xad: {  	[dreg:$0x1] =	wrdreg $0xFFFFFFFF  }
0xae: {  	[dreg:$0x0] =	wrdreg $0x60  }
0xaf: {  	[dreg:$0x2] =	wrdreg s2  }
0xb0: {  	[dreg:$0x3] =	wrdreg s24  }
0xb1: {  	[dreg:$0x4] =	wrdreg s18  }
0xb2: {  	[dreg:$0x5] =	wrdreg $0x9  }
0xb3: {  	_ =	task.clear_ibuf [dreg:s8], $0x6FFFF;
	_ =	strace $0x90000046  }
0xb4: {  	s29 =	simm.s32 $0x9;
	_ =	strace $0x80000048  }
0xb5: {  	_ =	swait.ge [sflag:s29], $0x1  }
0xb6: {  	[sflag:s29] =	ssyncadd.s32 $0xFFFFFFFF  }
0xb7: {  	_ =	strace $0x90000048  }
0xb8: {  	_ =	sfence  }
0xb9: {  	s30 =	sld [smem:$0x0];
	_ =	sdelay $0x2  }
0xba: {  	s31 =	sshll.u32 s1, $0xD;
	s1 =	sshrl.u32 s1, $0x2  }
0xbb: {  	s3 =	sand.u32 $0x4000, s31;
	s1 =	sadd.s32 s1, s30  }
0xbc: {  	s0 =	sor.u32 s3, s0;
	s1 =	sshll.u32 s1, $0x11  }
0xbd: {  	s0 =	sor.u32 s1, s0  }
0xbe: {  	s0 =	sadd.s32 $0x8F2B, s0  }
0xbf: {  	[sflag:s0] =	ssyncadd.remote.s32 $0x1  }
0xc0: {  	_ =	sfence.sel $0xFFFF  }
0xc1: {  	[dreg:$0x0] =	wrdreg $0xFFFFFFFF;
	(pc) =	sbr.abs _section_cstart, $3  }
0xc2: {  	[dreg:$0x1] =	wrdreg $0xFFFFFFFF  }
0xc3: {  	_ =	task.clear_ibuf [dreg:s8], $0x2FFFF;
	_ =	strace $0x9FFFFFFF  }
0xc4: {  	(tm) =	ssettm $0x7FFFFFFF  }
0xc5: {  	_ =	shalt  }
tec
execute0_lowered:
.L_overlay_start_1:
0x0: {  	(tag) =	ssettag $0x1  }
0x1: {  	s0 =	rddreg [dreg:$0x0]  }
0x2: {  	s1 =	rddreg [dreg:$0x1];
	s3 =	srdreg.scid  }
0x3: {  	s5 =	stileid.u32;
	s2 =	rddreg [dreg:$0x2]  }
0x4: {  	s13 =	simm.s32 $0x7D00;
	s14 =	simm.s32 $0x9D00;
	s16 =	simm.s32 $0x1  }
0x5: {  	s17 =	simm.s32 $0x80;
	s11 =	simm.s32 $0xDD00;
	s19 =	simm.s32 $0x2  }
0x6: {  	s20 =	simm.s32 $0x5;
	s4 =	sand.u32 $0x1, s3;
	s5 =	sshll.u32 s5, $0x1  }
0x7: {  	s3 =	simm.s32 $0x0;
	s6 =	sadd.s32 $0xA00, s1;
	s5 =	sor.u32 s4, s5  }
0x8: {  	[smem:$0x7FF] =	sst s3;
	s25 =	ssub.s32 $0x2, s4;
	s7 =	smul.u32 $0x64000, s5  }
0x9: {  	_ =	strace $0x80000047;
	s5 =	smul.u32 $0x1900, s5;
	s28 =	sshrl.u32 s25, $0x1  }
0xa: {  	[dreg:$0x4] =	wrdreg s6;
	s6 =	sadd.s32 $0xF42E00, s1;
	s1 =	ssub.s32 s25, s28  }
0xb: {  	s26 =	sshrl.u32 s7, $0x3;
	s8 =	sshrl.u32 s5, $0x3;
	s31 =	smax.u32 s1, $0x1  }
0xc: {  	s4 =	sadd.s32 s2, s26;
	s0 =	sadd.s32 s0, s8;
	[dreg:$0x8] =	wrdreg s31  }
0xd: {  	s21 =	simm.s32 $0x3;
	[dreg:$0x5] =	wrdreg s0;
	s29 =	sadd.s32 $0xC000, s4  }
0xe: {  	s22 =	simm.s32 $0x6;
	s30 =	sadd.s32 $0xC400, s4;
	[dreg:$0x6] =	wrdreg s29  }
0xf: {  	s23 =	simm.s32 $0x4;
	s1 =	simm.s32 $0x0;
	[dreg:$0x7] =	wrdreg s30  }
.LBB2_1:
0x10: {  	[dreg:$0x9] =	wrdreg s1  }
0x11: {  	s0 =	rddreg [dreg:$0x5];
	s24 =	simm.s32 $0x9  }
0x12: {  	[tilespmem:s3], [sflag:$0x9] =	stream.linear.gather [hbm4b:s0+s3], $0x1900, $0x38;
	[tilespmem:$0xFD00] =	vst v63  }
0x13: {  	_ =	swait.ge [sflag:s24], $0x1900  }
0x14: {  	[sflag:s24] =	ssyncset.done $0x0  }
0x15: {  	s4 =	simm.s32 $0x1900;
	s25 =	rddreg [dreg:$0x4];
	[sflag:s24] =	ssyncadd.s32 $0xFFFFE700  }
0x16: {  	[tilespmem:s4], [sflag:$0x9] =	stream.linear.gather [hbm4b:s25+s3], $0x6400, $0x38;
	[tilespmem:$0xFD00] =	vst v63  }
0x17: {  	_ =	swait.ge [sflag:s24], $0x6400  }
0x18: {  	s28 =	simm.s32 $0x100;
	s26 =	simm.s32 $0xBD00;
	[sflag:s24] =	ssyncset.done $0x0  }
0x19: {  	s29 =	simm.s32 $0x1A00;
	s30 =	simm.s32 $0x3900;
	[sflag:s24] =	ssyncadd.s32 $0xFFFF9C00  }
0x1a: {  	[tilespmem:s13], [sflag:$0x1] =	stream.indirect.gather [hbm4b:s6+s17], $0x40, s3, s17, $0xb8;
	[tilespmem:$0xFD00] =	vst v63  }
0x1b: {  	s31 =	simm.s32 $0x5900;
	s1 =	simm.s32 $0x7900;
	s12 =	simm.s32 $0x80  }
0x1c: {  	[tilespmem:s14], [sflag:$0x2] =	stream.indirect.gather [hbm4b:s6+s17], $0x40, s17, s17, $0xb8;
	[tilespmem:$0xFD00] =	vst v63  }
0x1d: {  	s7 =	simm.s32 $0x0;
	s0 =	simm.s32 $0x180;
	s4 =	simm.s32 $0x0  }
0x1e: {  	[tilespmem:s26], [sflag:$0x3] =	stream.indirect.gather [hbm4b:s6+s17], $0x40, s28, s17, $0xb8;
	[tilespmem:$0xFD00] =	vst v63  }
.LBB2_2:
0x1f: {  	s8 =	smulhi.u32 $0x51EB851F, s4;
	_ =	sdelay $0x1  }
0x20: {  	s8 =	sshrl.u32 s8, $0x6  }
0x21: {  	s8 =	smul.u32 $0xFFFF3800, s8;
	_ =	sdelay $0x1  }
0x22: {  	_ =	swait.ge [sflag:s16], $0x2000;
	s8 =	sshra.s32 s8, $0x2  }
0x23: {  	p0 =	seq.s32 s7, $0x0;
	[sflag:s16] =	ssyncset.done $0x0;
	s8 =	sadd.s32 s8, s29  }
0x24: {  	s9 =	simm.s32 @!p0 $0x8;
	[sflag:s16] =	ssyncadd.s32 $0xFFFFE000;
	v0 =	vmov s8  }
0x25: {  	s10 =	sshllo.u32 s7, $0x2;
	_ =	swait.ge @!p0 [sflag:s9], $0x2000  }
0x26: {  	[sflag:s9] =	ssyncset.done @!p0 $0x0;
	s8 =	sshll.u32 s10, $0x7  }
0x27: {  	[sflag:s9] =	ssyncadd.s32 @!p0 $0xFFFFE000;
	s10 =	simm.s32 $0x0;
	s24 =	sand.u32 $0x3FFFFF80, s8  }
0x28: {  	[tilespmem:s11], [sflag:$0x4] =	stream.indirect.gather [hbm4b:s6+s17], $0x40, s24, s17, $0xb8;
	[tilespmem:$0xFD00] =	vst v63  }
0x29: {  	v1 =	vld.idx.msk [tilespmem:v0+s10+$0xFFFFFF00 ss:$0x1], $0xffff;
	_ =	sdelay $0x4  }
0x2a: {  	[tilespmem:s10+$0x7D00] =	vst.add.f32.msk $0xffff, v1  }
0x2b: {  	v1 =	vld.idx.msk [tilespmem:v0+s10+$0xFFFFFF10 ss:$0x1], $0xffff;
	_ =	sdelay $0x4  }
0x2c: {  	[tilespmem:s10+$0x7D10] =	vst.add.f32.msk $0xffff, v1  }
0x2d: {  	v1 =	vld.idx.msk [tilespmem:v0+s10+$0xFFFFFF20 ss:$0x1], $0xffff;
	_ =	sdelay $0x4  }
0x2e: {  	[tilespmem:s10+$0x7D20] =	vst.add.f32.msk $0xffff, v1  }
0x2f: {  	v1 =	vld.idx.msk [tilespmem:v0+s10+$0xFFFFFF30 ss:$0x1], $0xffff;
	_ =	sdelay $0x4  }
0x30: {  	[tilespmem:s10+$0x7D30] =	vst.add.f32.msk $0xffff, v1  }
0x31: {  	v1 =	vld.idx.msk [tilespmem:v0+s10+$0xFFFFFF40 ss:$0x1], $0xffff;
	_ =	sdelay $0x4  }
0x32: {  	[tilespmem:s10+$0x7D40] =	vst.add.f32.msk $0xffff, v1  }
0x33: {  	v1 =	vld.idx.msk [tilespmem:v0+s10+$0xFFFFFF50 ss:$0x1], $0xffff;
	_ =	sdelay $0x4  }
0x34: {  	[tilespmem:s10+$0x7D50] =	vst.add.f32.msk $0xffff, v1  }
0x35: {  	v1 =	vld.idx.msk [tilespmem:v0+s10+$0xFFFFFF60 ss:$0x1], $0xffff;
	_ =	sdelay $0x4  }
0x36: {  	[tilespmem:s10+$0x7D60] =	vst.add.f32.msk $0xffff, v1  }
0x37: {  	v1 =	vld.idx.msk [tilespmem:v0+s10+$0xFFFFFF70 ss:$0x1], $0xffff;
	_ =	sdelay $0x4  }
0x38: {  	[tilespmem:s10+$0x7D70] =	vst.add.f32.msk $0xffff, v1  }
0x39: {  	v1 =	vld.idx.msk [tilespmem:v0+s10+$0xFFFFFF80 ss:$0x1], $0xffff;
	_ =	sdelay $0x4  }
0x3a: {  	[tilespmem:s10+$0x7D80] =	vst.add.f32.msk $0xffff, v1  }
0x3b: {  	v1 =	vld.idx.msk [tilespmem:v0+s10+$0xFFFFFF90 ss:$0x1], $0xffff;
	_ =	sdelay $0x4  }
0x3c: {  	[tilespmem:s10+$0x7D90] =	vst.add.f32.msk $0xffff, v1  }
0x3d: {  	v1 =	vld.idx.msk [tilespmem:v0+s10+$0xFFFFFFA0 ss:$0x1], $0xffff;
	_ =	sdelay $0x4  }
0x3e: {  	[tilespmem:s10+$0x7DA0] =	vst.add.f32.msk $0xffff, v1  }
0x3f: {  	v1 =	vld.idx.msk [tilespmem:v0+s10+$0xFFFFFFB0 ss:$0x1], $0xffff;
	_ =	sdelay $0x4  }
0x40: {  	[tilespmem:s10+$0x7DB0] =	vst.add.f32.msk $0xffff, v1  }
0x41: {  	v1 =	vld.idx.msk [tilespmem:v0+s10+$0xFFFFFFC0 ss:$0x1], $0xffff;
	_ =	sdelay $0x4  }
0x42: {  	[tilespmem:s10+$0x7DC0] =	vst.add.f32.msk $0xffff, v1  }
0x43: {  	v1 =	vld.idx.msk [tilespmem:v0+s10+$0xFFFFFFD0 ss:$0x1], $0xffff;
	_ =	sdelay $0x4  }
0x44: {  	[tilespmem:s10+$0x7DD0] =	vst.add.f32.msk $0xffff, v1  }
0x45: {  	v1 =	vld.idx.msk [tilespmem:v0+s10+$0xFFFFFFE0 ss:$0x1], $0xffff;
	_ =	sdelay $0x4  }
0x46: {  	[tilespmem:s10+$0x7DE0] =	vst.add.f32.msk $0xffff, v1  }
0x47: {  	v1 =	vld.idx.msk [tilespmem:v0+s10+$0xFFFFFFF0 ss:$0x1], $0xffff;
	_ =	sdelay $0x4  }
0x48: {  	[tilespmem:s10+$0x7DF0] =	vst.add.f32.msk $0xffff, v1  }
0x49: {  	v1 =	vld.idx.msk [tilespmem:v0+s10+$0x0 ss:$0x1], $0xffff;
	_ =	sdelay $0x4  }
0x4a: {  	[tilespmem:s10+$0x7E00] =	vst.add.f32.msk $0xffff, v1  }
0x4b: {  	v1 =	vld.idx.msk [tilespmem:v0+s10+$0x10 ss:$0x1], $0xffff;
	_ =	sdelay $0x4  }
0x4c: {  	[tilespmem:s10+$0x7E10] =	vst.add.f32.msk $0xffff, v1  }
0x4d: {  	v1 =	vld.idx.msk [tilespmem:v0+s10+$0x20 ss:$0x1], $0xffff;
	_ =	sdelay $0x4  }
0x4e: {  	[tilespmem:s10+$0x7E20] =	vst.add.f32.msk $0xffff, v1  }
0x4f: {  	v1 =	vld.idx.msk [tilespmem:v0+s10+$0x30 ss:$0x1], $0xffff;
	_ =	sdelay $0x4  }
0x50: {  	[tilespmem:s10+$0x7E30] =	vst.add.f32.msk $0xffff, v1  }
0x51: {  	v1 =	vld.idx.msk [tilespmem:v0+s10+$0x40 ss:$0x1], $0xffff;
	_ =	sdelay $0x4  }
0x52: {  	[tilespmem:s10+$0x7E40] =	vst.add.f32.msk $0xffff, v1  }
0x53: {  	v1 =	vld.idx.msk [tilespmem:v0+s10+$0x50 ss:$0x1], $0xffff;
	_ =	sdelay $0x4  }
0x54: {  	[tilespmem:s10+$0x7E50] =	vst.add.f32.msk $0xffff, v1  }
0x55: {  	v1 =	vld.idx.msk [tilespmem:v0+s10+$0x60 ss:$0x1], $0xffff;
	_ =	sdelay $0x4  }
0x56: {  	[tilespmem:s10+$0x7E60] =	vst.add.f32.msk $0xffff, v1  }
0x57: {  	v1 =	vld.idx.msk [tilespmem:v0+s10+$0x70 ss:$0x1], $0xffff;
	_ =	sdelay $0x4  }
0x58: {  	[tilespmem:s10+$0x7E70] =	vst.add.f32.msk $0xffff, v1  }
0x59: {  	v1 =	vld.idx.msk [tilespmem:v0+s10+$0x80 ss:$0x1], $0xffff;
	_ =	sdelay $0x4  }
0x5a: {  	[tilespmem:s10+$0x7E80] =	vst.add.f32.msk $0xffff, v1  }
0x5b: {  	v1 =	vld.idx.msk [tilespmem:v0+s10+$0x90 ss:$0x1], $0xffff;
	_ =	sdelay $0x4  }
0x5c: {  	[tilespmem:s10+$0x7E90] =	vst.add.f32.msk $0xffff, v1  }
0x5d: {  	v1 =	vld.idx.msk [tilespmem:v0+s10+$0xA0 ss:$0x1], $0xffff;
	_ =	sdelay $0x4  }
0x5e: {  	[tilespmem:s10+$0x7EA0] =	vst.add.f32.msk $0xffff, v1  }
0x5f: {  	v1 =	vld.idx.msk [tilespmem:v0+s10+$0xB0 ss:$0x1], $0xffff;
	_ =	sdelay $0x4  }
0x60: {  	[tilespmem:s10+$0x7EB0] =	vst.add.f32.msk $0xffff, v1  }
0x61: {  	v1 =	vld.idx.msk [tilespmem:v0+s10+$0xC0 ss:$0x1], $0xffff;
	_ =	sdelay $0x4  }
0x62: {  	[tilespmem:s10+$0x7EC0] =	vst.add.f32.msk $0xffff, v1  }
0x63: {  	v1 =	vld.idx.msk [tilespmem:v0+s10+$0xD0 ss:$0x1], $0xffff;
	_ =	sdelay $0x4  }
0x64: {  	[tilespmem:s10+$0x7ED0] =	vst.add.f32.msk $0xffff, v1  }
0x65: {  	v1 =	vld.idx.msk [tilespmem:v0+s10+$0xE0 ss:$0x1], $0xffff;
	_ =	sdelay $0x1  }
0x66: {  	s25 =	smulhi.u32 $0x51EB851F, s0  }
0x67: {  	s15 =	smulhi.u32 $0x51EB851F, s12  }
0x68: {  	s26 =	smulhi.u32 $0x51EB851F, s28;
	s9 =	sshrl.u32 s25, $0x6  }
0x69: {  	s15 =	sshrl.u32 s15, $0x6;
	s9 =	smul.u32 $0xFFFF3800, s9;
	[tilespmem:s10+$0x7EE0] =	vst.add.f32.msk $0xffff, v1  }
0x6a: {  	s15 =	smul.u32 $0xFFFF3800, s15;
	s11 =	sshrl.u32 s26, $0x6;
	v1 =	vld.idx.msk [tilespmem:v0+s10+$0xF0 ss:$0x1], $0xffff  }
0x6b: {  	s9 =	sshra.s32 s9, $0x2;
	s11 =	smul.u32 $0xFFFF3800, s11  }
0x6c: {  	s15 =	sshra.s32 s15, $0x2;
	s9 =	sadd.s32 s9, s1  }
0x6d: {  	s24 =	sshll.u32 s7, $0x9;
	s26 =	simm.s32 $0x0;
	s11 =	sshra.s32 s11, $0x2  }
0x6e: {  	s25 =	sadd.s32 s11, s31;
	s11 =	sadd.s32 s15, s30;
	s15 =	simm.s32 $0x800  }
.LBB2_3:
0x6f: {  	s26 =	sadd.s32 $0x8, s26;
	[tilespmem:s10+$0x7EF0] =	vst.add.f32.msk $0xffff, v1;
	s10 =	sshra.s32 s15, $0x2  }
0x70: {  	v1 =	vld.idx.msk [tilespmem:v0+s10+$0xFFFFFF00 ss:$0x1], $0xffff;
	p0 =	slt.u32 s26, $0x78;
	_ =	sdelay $0x5  }
0x71: {  	[tilespmem:s10+$0x7D00] =	vst.add.f32.msk $0xffff, v1  }
0x72: {  	v1 =	vld.idx.msk [tilespmem:v0+s10+$0xFFFFFF10 ss:$0x1], $0xffff;
	_ =	sdelay $0x5  }
0x73: {  	[tilespmem:s10+$0x7D10] =	vst.add.f32.msk $0xffff, v1  }
0x74: {  	v1 =	vld.idx.msk [tilespmem:v0+s10+$0xFFFFFF20 ss:$0x1], $0xffff;
	_ =	sdelay $0x5  }
0x75: {  	[tilespmem:s10+$0x7D20] =	vst.add.f32.msk $0xffff, v1  }
0x76: {  	v1 =	vld.idx.msk [tilespmem:v0+s10+$0xFFFFFF30 ss:$0x1], $0xffff;
	_ =	sdelay $0x5  }
0x77: {  	[tilespmem:s10+$0x7D30] =	vst.add.f32.msk $0xffff, v1  }
0x78: {  	v1 =	vld.idx.msk [tilespmem:v0+s10+$0xFFFFFF40 ss:$0x1], $0xffff;
	_ =	sdelay $0x5  }
0x79: {  	[tilespmem:s10+$0x7D40] =	vst.add.f32.msk $0xffff, v1  }
0x7a: {  	v1 =	vld.idx.msk [tilespmem:v0+s10+$0xFFFFFF50 ss:$0x1], $0xffff;
	_ =	sdelay $0x5  }
0x7b: {  	[tilespmem:s10+$0x7D50] =	vst.add.f32.msk $0xffff, v1  }
0x7c: {  	v1 =	vld.idx.msk [tilespmem:v0+s10+$0xFFFFFF60 ss:$0x1], $0xffff;
	_ =	sdelay $0x5  }
0x7d: {  	[tilespmem:s10+$0x7D60] =	vst.add.f32.msk $0xffff, v1  }
0x7e: {  	v1 =	vld.idx.msk [tilespmem:v0+s10+$0xFFFFFF70 ss:$0x1], $0xffff;
	_ =	sdelay $0x5  }
0x7f: {  	[tilespmem:s10+$0x7D70] =	vst.add.f32.msk $0xffff, v1  }
0x80: {  	v1 =	vld.idx.msk [tilespmem:v0+s10+$0xFFFFFF80 ss:$0x1], $0xffff;
	_ =	sdelay $0x5  }
0x81: {  	[tilespmem:s10+$0x7D80] =	vst.add.f32.msk $0xffff, v1  }
0x82: {  	v1 =	vld.idx.msk [tilespmem:v0+s10+$0xFFFFFF90 ss:$0x1], $0xffff;
	_ =	sdelay $0x5  }
0x83: {  	[tilespmem:s10+$0x7D90] =	vst.add.f32.msk $0xffff, v1  }
0x84: {  	v1 =	vld.idx.msk [tilespmem:v0+s10+$0xFFFFFFA0 ss:$0x1], $0xffff;
	_ =	sdelay $0x5  }
0x85: {  	[tilespmem:s10+$0x7DA0] =	vst.add.f32.msk $0xffff, v1  }
0x86: {  	v1 =	vld.idx.msk [tilespmem:v0+s10+$0xFFFFFFB0 ss:$0x1], $0xffff;
	_ =	sdelay $0x5  }
0x87: {  	[tilespmem:s10+$0x7DB0] =	vst.add.f32.msk $0xffff, v1  }
0x88: {  	v1 =	vld.idx.msk [tilespmem:v0+s10+$0xFFFFFFC0 ss:$0x1], $0xffff;
	_ =	sdelay $0x5  }
0x89: {  	[tilespmem:s10+$0x7DC0] =	vst.add.f32.msk $0xffff, v1  }
0x8a: {  	v1 =	vld.idx.msk [tilespmem:v0+s10+$0xFFFFFFD0 ss:$0x1], $0xffff;
	_ =	sdelay $0x5  }
0x8b: {  	[tilespmem:s10+$0x7DD0] =	vst.add.f32.msk $0xffff, v1  }
0x8c: {  	v1 =	vld.idx.msk [tilespmem:v0+s10+$0xFFFFFFE0 ss:$0x1], $0xffff;
	_ =	sdelay $0x5  }
0x8d: {  	[tilespmem:s10+$0x7DE0] =	vst.add.f32.msk $0xffff, v1  }
0x8e: {  	v1 =	vld.idx.msk [tilespmem:v0+s10+$0xFFFFFFF0 ss:$0x1], $0xffff;
	_ =	sdelay $0x5  }
0x8f: {  	[tilespmem:s10+$0x7DF0] =	vst.add.f32.msk $0xffff, v1  }
0x90: {  	v1 =	vld.idx.msk [tilespmem:v0+s10+$0x0 ss:$0x1], $0xffff;
	_ =	sdelay $0x5  }
0x91: {  	[tilespmem:s10+$0x7E00] =	vst.add.f32.msk $0xffff, v1  }
0x92: {  	v1 =	vld.idx.msk [tilespmem:v0+s10+$0x10 ss:$0x1], $0xffff;
	_ =	sdelay $0x5  }
0x93: {  	[tilespmem:s10+$0x7E10] =	vst.add.f32.msk $0xffff, v1  }
0x94: {  	v1 =	vld.idx.msk [tilespmem:v0+s10+$0x20 ss:$0x1], $0xffff;
	_ =	sdelay $0x5  }
0x95: {  	[tilespmem:s10+$0x7E20] =	vst.add.f32.msk $0xffff, v1  }
0x96: {  	v1 =	vld.idx.msk [tilespmem:v0+s10+$0x30 ss:$0x1], $0xffff;
	_ =	sdelay $0x5  }
0x97: {  	[tilespmem:s10+$0x7E30] =	vst.add.f32.msk $0xffff, v1  }
0x98: {  	v1 =	vld.idx.msk [tilespmem:v0+s10+$0x40 ss:$0x1], $0xffff;
	_ =	sdelay $0x5  }
0x99: {  	[tilespmem:s10+$0x7E40] =	vst.add.f32.msk $0xffff, v1  }
0x9a: {  	v1 =	vld.idx.msk [tilespmem:v0+s10+$0x50 ss:$0x1], $0xffff;
	_ =	sdelay $0x5  }
0x9b: {  	[tilespmem:s10+$0x7E50] =	vst.add.f32.msk $0xffff, v1  }
0x9c: {  	v1 =	vld.idx.msk [tilespmem:v0+s10+$0x60 ss:$0x1], $0xffff;
	_ =	sdelay $0x5  }
0x9d: {  	[tilespmem:s10+$0x7E60] =	vst.add.f32.msk $0xffff, v1  }
0x9e: {  	v1 =	vld.idx.msk [tilespmem:v0+s10+$0x70 ss:$0x1], $0xffff;
	_ =	sdelay $0x5  }
0x9f: {  	[tilespmem:s10+$0x7E70] =	vst.add.f32.msk $0xffff, v1  }
0xa0: {  	v1 =	vld.idx.msk [tilespmem:v0+s10+$0x80 ss:$0x1], $0xffff;
	_ =	sdelay $0x5  }
0xa1: {  	[tilespmem:s10+$0x7E80] =	vst.add.f32.msk $0xffff, v1  }
0xa2: {  	v1 =	vld.idx.msk [tilespmem:v0+s10+$0x90 ss:$0x1], $0xffff;
	_ =	sdelay $0x5  }
0xa3: {  	[tilespmem:s10+$0x7E90] =	vst.add.f32.msk $0xffff, v1  }
0xa4: {  	v1 =	vld.idx.msk [tilespmem:v0+s10+$0xA0 ss:$0x1], $0xffff;
	_ =	sdelay $0x5  }
0xa5: {  	[tilespmem:s10+$0x7EA0] =	vst.add.f32.msk $0xffff, v1  }
0xa6: {  	v1 =	vld.idx.msk [tilespmem:v0+s10+$0xB0 ss:$0x1], $0xffff;
	_ =	sdelay $0x5  }
0xa7: {  	[tilespmem:s10+$0x7EB0] =	vst.add.f32.msk $0xffff, v1  }
0xa8: {  	v1 =	vld.idx.msk [tilespmem:v0+s10+$0xC0 ss:$0x1], $0xffff;
	_ =	sdelay $0x5  }
0xa9: {  	[tilespmem:s10+$0x7EC0] =	vst.add.f32.msk $0xffff, v1  }
0xaa: {  	v1 =	vld.idx.msk [tilespmem:v0+s10+$0xD0 ss:$0x1], $0xffff;
	_ =	sdelay $0x5  }
0xab: {  	[tilespmem:s10+$0x7ED0] =	vst.add.f32.msk $0xffff, v1  }
0xac: {  	v1 =	vld.idx.msk [tilespmem:v0+s10+$0xE0 ss:$0x1], $0xffff;
	_ =	sdelay $0x5  }
0xad: {  	[tilespmem:s10+$0x7EE0] =	vst.add.f32.msk $0xffff, v1  }
0xae: {  	v1 =	vld.idx.msk [tilespmem:v0+s10+$0xF0 ss:$0x1], $0xffff  }
.Ltmp0:
0xaf: {  	(pc) =	sbr.rel @p0 .LBB2_3-.Ltmp0, $2  }
0xb0: {  	_ =	sdelay $0x2  }
0xb1: {  	s15 =	sadd.s32 $0x800, s15  }
0xb2: {  	s15 =	sadd.s32 s5, s24  }
0xb3: {  	s15 =	sshll.u32 s15, $0x3  }
0xb4: {  	[tilespmem:s10+$0x7EF0] =	vst.add.f32.msk $0xffff, v1;
	s18 =	simm.s32 $0x0;
	s15 =	sadd.s32 s2, s15  }
0xb5: {  	[hbm4b:s15+s18] =	stream.linear.scatter [tilespmem:s13], [sflag:$0x5], $0x2000, $0x38;
	[tilespmem:$0xFD00] =	vst v63  }
0xb6: {  	_ =	swait.ge [sflag:s19], $0x2000  }
0xb7: {  	[sflag:s19] =	ssyncset.done $0x0  }
0xb8: {  	v0 =	vmov s11;
	[sflag:s19] =	ssyncadd.s32 $0xFFFFE000  }
0xb9: {  	_ =	swait.ge [sflag:s20], $0x2000  }
0xba: {  	s10 =	sand.u32 $0x3FFFFE00, s24;
	[sflag:s20] =	ssyncset.done $0x0  }
0xbb: {  	s11 =	simm.s32 $0x0;
	s26 =	sadd.s32 $0x200, s10;
	[sflag:s20] =	ssyncadd.s32 $0xFFFFE000  }
0xbc: {  	[tilespmem:s13], [sflag:$0x1] =	stream.indirect.gather [hbm4b:s6+s17], $0x40, s26, s17, $0xb8;
	[tilespmem:$0xFD00] =	vst v63  }
0xbd: {  	v1 =	vld.idx.msk [tilespmem:v0+s11+$0x0 ss:$0x1], $0xffff;
	_ =	sdelay $0x4  }
0xbe: {  	[tilespmem:s11+$0x9D00] =	vst.add.f32.msk $0xffff, v1  }
0xbf: {  	v1 =	vld.idx.msk [tilespmem:v0+s11+$0x10 ss:$0x1], $0xffff;
	_ =	sdelay $0x4  }
0xc0: {  	[tilespmem:s11+$0x9D10] =	vst.add.f32.msk $0xffff, v1  }
0xc1: {  	v1 =	vld.idx.msk [tilespmem:v0+s11+$0x20 ss:$0x1], $0xffff;
	_ =	sdelay $0x4  }
0xc2: {  	[tilespmem:s11+$0x9D20] =	vst.add.f32.msk $0xffff, v1  }
0xc3: {  	v1 =	vld.idx.msk [tilespmem:v0+s11+$0x30 ss:$0x1], $0xffff;
	_ =	sdelay $0x4  }
0xc4: {  	[tilespmem:s11+$0x9D30] =	vst.add.f32.msk $0xffff, v1  }
0xc5: {  	v1 =	vld.idx.msk [tilespmem:v0+s11+$0x40 ss:$0x1], $0xffff;
	_ =	sdelay $0x4  }
0xc6: {  	[tilespmem:s11+$0x9D40] =	vst.add.f32.msk $0xffff, v1  }
0xc7: {  	v1 =	vld.idx.msk [tilespmem:v0+s11+$0x50 ss:$0x1], $0xffff;
	_ =	sdelay $0x4  }
0xc8: {  	[tilespmem:s11+$0x9D50] =	vst.add.f32.msk $0xffff, v1  }
0xc9: {  	v1 =	vld.idx.msk [tilespmem:v0+s11+$0x60 ss:$0x1], $0xffff;
	_ =	sdelay $0x4  }
0xca: {  	[tilespmem:s11+$0x9D60] =	vst.add.f32.msk $0xffff, v1  }
0xcb: {  	v1 =	vld.idx.msk [tilespmem:v0+s11+$0x70 ss:$0x1], $0xffff;
	_ =	sdelay $0x4  }
0xcc: {  	[tilespmem:s11+$0x9D70] =	vst.add.f32.msk $0xffff, v1  }
0xcd: {  	v1 =	vld.idx.msk [tilespmem:v0+s11+$0x80 ss:$0x1], $0xffff;
	_ =	sdelay $0x4  }
0xce: {  	[tilespmem:s11+$0x9D80] =	vst.add.f32.msk $0xffff, v1  }
0xcf: {  	v1 =	vld.idx.msk [tilespmem:v0+s11+$0x90 ss:$0x1], $0xffff;
	_ =	sdelay $0x4  }
0xd0: {  	[tilespmem:s11+$0x9D90] =	vst.add.f32.msk $0xffff, v1  }
0xd1: {  	v1 =	vld.idx.msk [tilespmem:v0+s11+$0xA0 ss:$0x1], $0xffff;
	_ =	sdelay $0x4  }
0xd2: {  	[tilespmem:s11+$0x9DA0] =	vst.add.f32.msk $0xffff, v1  }
0xd3: {  	v1 =	vld.idx.msk [tilespmem:v0+s11+$0xB0 ss:$0x1], $0xffff;
	_ =	sdelay $0x4  }
0xd4: {  	[tilespmem:s11+$0x9DB0] =	vst.add.f32.msk $0xffff, v1  }
0xd5: {  	v1 =	vld.idx.msk [tilespmem:v0+s11+$0xC0 ss:$0x1], $0xffff;
	_ =	sdelay $0x4  }
0xd6: {  	[tilespmem:s11+$0x9DC0] =	vst.add.f32.msk $0xffff, v1  }
0xd7: {  	v1 =	vld.idx.msk [tilespmem:v0+s11+$0xD0 ss:$0x1], $0xffff;
	_ =	sdelay $0x4  }
0xd8: {  	[tilespmem:s11+$0x9DD0] =	vst.add.f32.msk $0xffff, v1  }
0xd9: {  	v1 =	vld.idx.msk [tilespmem:v0+s11+$0xE0 ss:$0x1], $0xffff;
	_ =	sdelay $0x4  }
0xda: {  	[tilespmem:s11+$0x9DE0] =	vst.add.f32.msk $0xffff, v1  }
0xdb: {  	v1 =	vld.idx.msk [tilespmem:v0+s11+$0xF0 ss:$0x1], $0xffff;
	_ =	sdelay $0x4  }
0xdc: {  	[tilespmem:s11+$0x9DF0] =	vst.add.f32.msk $0xffff, v1  }
0xdd: {  	v1 =	vld.idx.msk [tilespmem:v0+s11+$0x100 ss:$0x1], $0xffff;
	_ =	sdelay $0x4  }
0xde: {  	[tilespmem:s11+$0x9E00] =	vst.add.f32.msk $0xffff, v1  }
0xdf: {  	v1 =	vld.idx.msk [tilespmem:v0+s11+$0x110 ss:$0x1], $0xffff;
	_ =	sdelay $0x4  }
0xe0: {  	[tilespmem:s11+$0x9E10] =	vst.add.f32.msk $0xffff, v1  }
0xe1: {  	v1 =	vld.idx.msk [tilespmem:v0+s11+$0x120 ss:$0x1], $0xffff;
	_ =	sdelay $0x4  }
0xe2: {  	[tilespmem:s11+$0x9E20] =	vst.add.f32.msk $0xffff, v1  }
0xe3: {  	v1 =	vld.idx.msk [tilespmem:v0+s11+$0x130 ss:$0x1], $0xffff;
	_ =	sdelay $0x4  }
0xe4: {  	[tilespmem:s11+$0x9E30] =	vst.add.f32.msk $0xffff, v1  }
0xe5: {  	v1 =	vld.idx.msk [tilespmem:v0+s11+$0x140 ss:$0x1], $0xffff;
	_ =	sdelay $0x4  }
0xe6: {  	[tilespmem:s11+$0x9E40] =	vst.add.f32.msk $0xffff, v1  }
0xe7: {  	v1 =	vld.idx.msk [tilespmem:v0+s11+$0x150 ss:$0x1], $0xffff;
	_ =	sdelay $0x4  }
0xe8: {  	[tilespmem:s11+$0x9E50] =	vst.add.f32.msk $0xffff, v1  }
0xe9: {  	v1 =	vld.idx.msk [tilespmem:v0+s11+$0x160 ss:$0x1], $0xffff;
	_ =	sdelay $0x4  }
0xea: {  	[tilespmem:s11+$0x9E60] =	vst.add.f32.msk $0xffff, v1  }
0xeb: {  	v1 =	vld.idx.msk [tilespmem:v0+s11+$0x170 ss:$0x1], $0xffff;
	_ =	sdelay $0x4  }
0xec: {  	[tilespmem:s11+$0x9E70] =	vst.add.f32.msk $0xffff, v1  }
0xed: {  	v1 =	vld.idx.msk [tilespmem:v0+s11+$0x180 ss:$0x1], $0xffff;
	_ =	sdelay $0x4  }
0xee: {  	[tilespmem:s11+$0x9E80] =	vst.add.f32.msk $0xffff, v1  }
0xef: {  	v1 =	vld.idx.msk [tilespmem:v0+s11+$0x190 ss:$0x1], $0xffff;
	_ =	sdelay $0x4  }
0xf0: {  	[tilespmem:s11+$0x9E90] =	vst.add.f32.msk $0xffff, v1  }
0xf1: {  	v1 =	vld.idx.msk [tilespmem:v0+s11+$0x1A0 ss:$0x1], $0xffff;
	_ =	sdelay $0x4  }
0xf2: {  	[tilespmem:s11+$0x9EA0] =	vst.add.f32.msk $0xffff, v1  }
0xf3: {  	v1 =	vld.idx.msk [tilespmem:v0+s11+$0x1B0 ss:$0x1], $0xffff;
	_ =	sdelay $0x4  }
0xf4: {  	[tilespmem:s11+$0x9EB0] =	vst.add.f32.msk $0xffff, v1  }
0xf5: {  	v1 =	vld.idx.msk [tilespmem:v0+s11+$0x1C0 ss:$0x1], $0xffff;
	_ =	sdelay $0x4  }
0xf6: {  	[tilespmem:s11+$0x9EC0] =	vst.add.f32.msk $0xffff, v1  }
0xf7: {  	v1 =	vld.idx.msk [tilespmem:v0+s11+$0x1D0 ss:$0x1], $0xffff;
	_ =	sdelay $0x4  }
0xf8: {  	[tilespmem:s11+$0x9ED0] =	vst.add.f32.msk $0xffff, v1  }
0xf9: {  	v1 =	vld.idx.msk [tilespmem:v0+s11+$0x1E0 ss:$0x1], $0xffff;
	_ =	sdelay $0x4  }
0xfa: {  	[tilespmem:s11+$0x9EE0] =	vst.add.f32.msk $0xffff, v1  }
0xfb: {  	v1 =	vld.idx.msk [tilespmem:v0+s11+$0x1F0 ss:$0x1], $0xffff;
	_ =	sdelay $0x3  }
0xfc: {  	s15 =	simm.s32 $0x0;
	s18 =	simm.s32 $0x800;
	s26 =	sor.u32 $0x80, s24  }
.LBB2_5:
0xfd: {  	s15 =	sadd.s32 $0x8, s15;
	[tilespmem:s11+$0x9EF0] =	vst.add.f32.msk $0xffff, v1;
	s11 =	sshra.s32 s18, $0x2  }
0xfe: {  	v1 =	vld.idx.msk [tilespmem:v0+s11+$0x0 ss:$0x1], $0xffff;
	p0 =	slt.u32 s15, $0x78;
	_ =	sdelay $0x5  }
0xff: {  	[tilespmem:s11+$0x9D00] =	vst.add.f32.msk $0xffff, v1  }
0x100: {  	v1 =	vld.idx.msk [tilespmem:v0+s11+$0x10 ss:$0x1], $0xffff;
	_ =	sdelay $0x5  }
0x101: {  	[tilespmem:s11+$0x9D10] =	vst.add.f32.msk $0xffff, v1  }
0x102: {  	v1 =	vld.idx.msk [tilespmem:v0+s11+$0x20 ss:$0x1], $0xffff;
	_ =	sdelay $0x5  }
0x103: {  	[tilespmem:s11+$0x9D20] =	vst.add.f32.msk $0xffff, v1  }
0x104: {  	v1 =	vld.idx.msk [tilespmem:v0+s11+$0x30 ss:$0x1], $0xffff;
	_ =	sdelay $0x5  }
0x105: {  	[tilespmem:s11+$0x9D30] =	vst.add.f32.msk $0xffff, v1  }
0x106: {  	v1 =	vld.idx.msk [tilespmem:v0+s11+$0x40 ss:$0x1], $0xffff;
	_ =	sdelay $0x5  }
0x107: {  	[tilespmem:s11+$0x9D40] =	vst.add.f32.msk $0xffff, v1  }
0x108: {  	v1 =	vld.idx.msk [tilespmem:v0+s11+$0x50 ss:$0x1], $0xffff;
	_ =	sdelay $0x5  }
0x109: {  	[tilespmem:s11+$0x9D50] =	vst.add.f32.msk $0xffff, v1  }
0x10a: {  	v1 =	vld.idx.msk [tilespmem:v0+s11+$0x60 ss:$0x1], $0xffff;
	_ =	sdelay $0x5  }
0x10b: {  	[tilespmem:s11+$0x9D60] =	vst.add.f32.msk $0xffff, v1  }
0x10c: {  	v1 =	vld.idx.msk [tilespmem:v0+s11+$0x70 ss:$0x1], $0xffff;
	_ =	sdelay $0x5  }
0x10d: {  	[tilespmem:s11+$0x9D70] =	vst.add.f32.msk $0xffff, v1  }
0x10e: {  	v1 =	vld.idx.msk [tilespmem:v0+s11+$0x80 ss:$0x1], $0xffff;
	_ =	sdelay $0x5  }
0x10f: {  	[tilespmem:s11+$0x9D80] =	vst.add.f32.msk $0xffff, v1  }
0x110: {  	v1 =	vld.idx.msk [tilespmem:v0+s11+$0x90 ss:$0x1], $0xffff;
	_ =	sdelay $0x5  }
0x111: {  	[tilespmem:s11+$0x9D90] =	vst.add.f32.msk $0xffff, v1  }
0x112: {  	v1 =	vld.idx.msk [tilespmem:v0+s11+$0xA0 ss:$0x1], $0xffff;
	_ =	sdelay $0x5  }
0x113: {  	[tilespmem:s11+$0x9DA0] =	vst.add.f32.msk $0xffff, v1  }
0x114: {  	v1 =	vld.idx.msk [tilespmem:v0+s11+$0xB0 ss:$0x1], $0xffff;
	_ =	sdelay $0x5  }
0x115: {  	[tilespmem:s11+$0x9DB0] =	vst.add.f32.msk $0xffff, v1  }
0x116: {  	v1 =	vld.idx.msk [tilespmem:v0+s11+$0xC0 ss:$0x1], $0xffff;
	_ =	sdelay $0x5  }
0x117: {  	[tilespmem:s11+$0x9DC0] =	vst.add.f32.msk $0xffff, v1  }
0x118: {  	v1 =	vld.idx.msk [tilespmem:v0+s11+$0xD0 ss:$0x1], $0xffff;
	_ =	sdelay $0x5  }
0x119: {  	[tilespmem:s11+$0x9DD0] =	vst.add.f32.msk $0xffff, v1  }
0x11a: {  	v1 =	vld.idx.msk [tilespmem:v0+s11+$0xE0 ss:$0x1], $0xffff;
	_ =	sdelay $0x5  }
0x11b: {  	[tilespmem:s11+$0x9DE0] =	vst.add.f32.msk $0xffff, v1  }
0x11c: {  	v1 =	vld.idx.msk [tilespmem:v0+s11+$0xF0 ss:$0x1], $0xffff;
	_ =	sdelay $0x5  }
0x11d: {  	[tilespmem:s11+$0x9DF0] =	vst.add.f32.msk $0xffff, v1  }
0x11e: {  	v1 =	vld.idx.msk [tilespmem:v0+s11+$0x100 ss:$0x1], $0xffff;
	_ =	sdelay $0x5  }
0x11f: {  	[tilespmem:s11+$0x9E00] =	vst.add.f32.msk $0xffff, v1  }
0x120: {  	v1 =	vld.idx.msk [tilespmem:v0+s11+$0x110 ss:$0x1], $0xffff;
	_ =	sdelay $0x5  }
0x121: {  	[tilespmem:s11+$0x9E10] =	vst.add.f32.msk $0xffff, v1  }
0x122: {  	v1 =	vld.idx.msk [tilespmem:v0+s11+$0x120 ss:$0x1], $0xffff;
	_ =	sdelay $0x5  }
0x123: {  	[tilespmem:s11+$0x9E20] =	vst.add.f32.msk $0xffff, v1  }
0x124: {  	v1 =	vld.idx.msk [tilespmem:v0+s11+$0x130 ss:$0x1], $0xffff;
	_ =	sdelay $0x5  }
0x125: {  	[tilespmem:s11+$0x9E30] =	vst.add.f32.msk $0xffff, v1  }
0x126: {  	v1 =	vld.idx.msk [tilespmem:v0+s11+$0x140 ss:$0x1], $0xffff;
	_ =	sdelay $0x5  }
0x127: {  	[tilespmem:s11+$0x9E40] =	vst.add.f32.msk $0xffff, v1  }
0x128: {  	v1 =	vld.idx.msk [tilespmem:v0+s11+$0x150 ss:$0x1], $0xffff;
	_ =	sdelay $0x5  }
0x129: {  	[tilespmem:s11+$0x9E50] =	vst.add.f32.msk $0xffff, v1  }
0x12a: {  	v1 =	vld.idx.msk [tilespmem:v0+s11+$0x160 ss:$0x1], $0xffff;
	_ =	sdelay $0x5  }
0x12b: {  	[tilespmem:s11+$0x9E60] =	vst.add.f32.msk $0xffff, v1  }
0x12c: {  	v1 =	vld.idx.msk [tilespmem:v0+s11+$0x170 ss:$0x1], $0xffff;
	_ =	sdelay $0x5  }
0x12d: {  	[tilespmem:s11+$0x9E70] =	vst.add.f32.msk $0xffff, v1  }
0x12e: {  	v1 =	vld.idx.msk [tilespmem:v0+s11+$0x180 ss:$0x1], $0xffff;
	_ =	sdelay $0x5  }
0x12f: {  	[tilespmem:s11+$0x9E80] =	vst.add.f32.msk $0xffff, v1  }
0x130: {  	v1 =	vld.idx.msk [tilespmem:v0+s11+$0x190 ss:$0x1], $0xffff;
	_ =	sdelay $0x5  }
0x131: {  	[tilespmem:s11+$0x9E90] =	vst.add.f32.msk $0xffff, v1  }
0x132: {  	v1 =	vld.idx.msk [tilespmem:v0+s11+$0x1A0 ss:$0x1], $0xffff;
	_ =	sdelay $0x5  }
0x133: {  	[tilespmem:s11+$0x9EA0] =	vst.add.f32.msk $0xffff, v1  }
0x134: {  	v1 =	vld.idx.msk [tilespmem:v0+s11+$0x1B0 ss:$0x1], $0xffff;
	_ =	sdelay $0x5  }
0x135: {  	[tilespmem:s11+$0x9EB0] =	vst.add.f32.msk $0xffff, v1  }
0x136: {  	v1 =	vld.idx.msk [tilespmem:v0+s11+$0x1C0 ss:$0x1], $0xffff;
	_ =	sdelay $0x5  }
0x137: {  	[tilespmem:s11+$0x9EC0] =	vst.add.f32.msk $0xffff, v1  }
0x138: {  	v1 =	vld.idx.msk [tilespmem:v0+s11+$0x1D0 ss:$0x1], $0xffff;
	_ =	sdelay $0x5  }
0x139: {  	[tilespmem:s11+$0x9ED0] =	vst.add.f32.msk $0xffff, v1  }
0x13a: {  	v1 =	vld.idx.msk [tilespmem:v0+s11+$0x1E0 ss:$0x1], $0xffff;
	_ =	sdelay $0x5  }
0x13b: {  	[tilespmem:s11+$0x9EE0] =	vst.add.f32.msk $0xffff, v1  }
0x13c: {  	v1 =	vld.idx.msk [tilespmem:v0+s11+$0x1F0 ss:$0x1], $0xffff  }
.Ltmp1:
0x13d: {  	(pc) =	sbr.rel @p0 .LBB2_5-.Ltmp1, $2  }
0x13e: {  	_ =	sdelay $0x2  }
0x13f: {  	s18 =	sadd.s32 $0x800, s18  }
0x140: {  	s15 =	sadd.s32 s5, s26  }
0x141: {  	s15 =	sshll.u32 s15, $0x3  }
0x142: {  	s15 =	sand.u32 $0x1FFFFC00, s15  }
0x143: {  	[tilespmem:s11+$0x9EF0] =	vst.add.f32.msk $0xffff, v1;
	s18 =	simm.s32 $0x0;
	s15 =	sadd.s32 s2, s15  }
0x144: {  	[hbm4b:s15+s18] =	stream.linear.scatter [tilespmem:s14], [sflag:$0x6], $0x2000, $0x38;
	[tilespmem:$0xFD00] =	vst v63  }
0x145: {  	_ =	swait.ge [sflag:s21], $0x2000  }
0x146: {  	[sflag:s21] =	ssyncset.done $0x0  }
0x147: {  	v0 =	vmov s25;
	[sflag:s21] =	ssyncadd.s32 $0xFFFFE000  }
0x148: {  	_ =	swait.ge [sflag:s22], $0x2000  }
0x149: {  	[sflag:s22] =	ssyncset.done $0x0  }
0x14a: {  	s26 =	sadd.s32 $0x280, s10;
	s11 =	simm.s32 $0x0;
	[sflag:s22] =	ssyncadd.s32 $0xFFFFE000  }
0x14b: {  	[tilespmem:s14], [sflag:$0x2] =	stream.indirect.gather [hbm4b:s6+s17], $0x40, s26, s17, $0xb8;
	[tilespmem:$0xFD00] =	vst v63  }
0x14c: {  	v1 =	vld.idx.msk [tilespmem:v0+s11+$0x0 ss:$0x1], $0xffff;
	_ =	sdelay $0x4  }
0x14d: {  	[tilespmem:s11+$0xBD00] =	vst.add.f32.msk $0xffff, v1  }
0x14e: {  	v1 =	vld.idx.msk [tilespmem:v0+s11+$0x10 ss:$0x1], $0xffff;
	_ =	sdelay $0x4  }
0x14f: {  	[tilespmem:s11+$0xBD10] =	vst.add.f32.msk $0xffff, v1  }
0x150: {  	v1 =	vld.idx.msk [tilespmem:v0+s11+$0x20 ss:$0x1], $0xffff;
	_ =	sdelay $0x4  }
0x151: {  	[tilespmem:s11+$0xBD20] =	vst.add.f32.msk $0xffff, v1  }
0x152: {  	v1 =	vld.idx.msk [tilespmem:v0+s11+$0x30 ss:$0x1], $0xffff;
	_ =	sdelay $0x4  }
0x153: {  	[tilespmem:s11+$0xBD30] =	vst.add.f32.msk $0xffff, v1  }
0x154: {  	v1 =	vld.idx.msk [tilespmem:v0+s11+$0x40 ss:$0x1], $0xffff;
	_ =	sdelay $0x4  }
0x155: {  	[tilespmem:s11+$0xBD40] =	vst.add.f32.msk $0xffff, v1  }
0x156: {  	v1 =	vld.idx.msk [tilespmem:v0+s11+$0x50 ss:$0x1], $0xffff;
	_ =	sdelay $0x4  }
0x157: {  	[tilespmem:s11+$0xBD50] =	vst.add.f32.msk $0xffff, v1  }
0x158: {  	v1 =	vld.idx.msk [tilespmem:v0+s11+$0x60 ss:$0x1], $0xffff;
	_ =	sdelay $0x4  }
0x159: {  	[tilespmem:s11+$0xBD60] =	vst.add.f32.msk $0xffff, v1  }
0x15a: {  	v1 =	vld.idx.msk [tilespmem:v0+s11+$0x70 ss:$0x1], $0xffff;
	_ =	sdelay $0x4  }
0x15b: {  	[tilespmem:s11+$0xBD70] =	vst.add.f32.msk $0xffff, v1  }
0x15c: {  	v1 =	vld.idx.msk [tilespmem:v0+s11+$0x80 ss:$0x1], $0xffff;
	_ =	sdelay $0x4  }
0x15d: {  	[tilespmem:s11+$0xBD80] =	vst.add.f32.msk $0xffff, v1  }
0x15e: {  	v1 =	vld.idx.msk [tilespmem:v0+s11+$0x90 ss:$0x1], $0xffff;
	_ =	sdelay $0x4  }
0x15f: {  	[tilespmem:s11+$0xBD90] =	vst.add.f32.msk $0xffff, v1  }
0x160: {  	v1 =	vld.idx.msk [tilespmem:v0+s11+$0xA0 ss:$0x1], $0xffff;
	_ =	sdelay $0x4  }
0x161: {  	[tilespmem:s11+$0xBDA0] =	vst.add.f32.msk $0xffff, v1  }
0x162: {  	v1 =	vld.idx.msk [tilespmem:v0+s11+$0xB0 ss:$0x1], $0xffff;
	_ =	sdelay $0x4  }
0x163: {  	[tilespmem:s11+$0xBDB0] =	vst.add.f32.msk $0xffff, v1  }
0x164: {  	v1 =	vld.idx.msk [tilespmem:v0+s11+$0xC0 ss:$0x1], $0xffff;
	_ =	sdelay $0x4  }
0x165: {  	[tilespmem:s11+$0xBDC0] =	vst.add.f32.msk $0xffff, v1  }
0x166: {  	v1 =	vld.idx.msk [tilespmem:v0+s11+$0xD0 ss:$0x1], $0xffff;
	_ =	sdelay $0x4  }
0x167: {  	[tilespmem:s11+$0xBDD0] =	vst.add.f32.msk $0xffff, v1  }
0x168: {  	v1 =	vld.idx.msk [tilespmem:v0+s11+$0xE0 ss:$0x1], $0xffff;
	_ =	sdelay $0x4  }
0x169: {  	[tilespmem:s11+$0xBDE0] =	vst.add.f32.msk $0xffff, v1  }
0x16a: {  	v1 =	vld.idx.msk [tilespmem:v0+s11+$0xF0 ss:$0x1], $0xffff;
	_ =	sdelay $0x4  }
0x16b: {  	[tilespmem:s11+$0xBDF0] =	vst.add.f32.msk $0xffff, v1  }
0x16c: {  	v1 =	vld.idx.msk [tilespmem:v0+s11+$0x100 ss:$0x1], $0xffff;
	_ =	sdelay $0x4  }
0x16d: {  	[tilespmem:s11+$0xBE00] =	vst.add.f32.msk $0xffff, v1  }
0x16e: {  	v1 =	vld.idx.msk [tilespmem:v0+s11+$0x110 ss:$0x1], $0xffff;
	_ =	sdelay $0x4  }
0x16f: {  	[tilespmem:s11+$0xBE10] =	vst.add.f32.msk $0xffff, v1  }
0x170: {  	v1 =	vld.idx.msk [tilespmem:v0+s11+$0x120 ss:$0x1], $0xffff;
	_ =	sdelay $0x4  }
0x171: {  	[tilespmem:s11+$0xBE20] =	vst.add.f32.msk $0xffff, v1  }
0x172: {  	v1 =	vld.idx.msk [tilespmem:v0+s11+$0x130 ss:$0x1], $0xffff;
	_ =	sdelay $0x4  }
0x173: {  	[tilespmem:s11+$0xBE30] =	vst.add.f32.msk $0xffff, v1  }
0x174: {  	v1 =	vld.idx.msk [tilespmem:v0+s11+$0x140 ss:$0x1], $0xffff;
	_ =	sdelay $0x4  }
0x175: {  	[tilespmem:s11+$0xBE40] =	vst.add.f32.msk $0xffff, v1  }
0x176: {  	v1 =	vld.idx.msk [tilespmem:v0+s11+$0x150 ss:$0x1], $0xffff;
	_ =	sdelay $0x4  }
0x177: {  	[tilespmem:s11+$0xBE50] =	vst.add.f32.msk $0xffff, v1  }
0x178: {  	v1 =	vld.idx.msk [tilespmem:v0+s11+$0x160 ss:$0x1], $0xffff;
	_ =	sdelay $0x4  }
0x179: {  	[tilespmem:s11+$0xBE60] =	vst.add.f32.msk $0xffff, v1  }
0x17a: {  	v1 =	vld.idx.msk [tilespmem:v0+s11+$0x170 ss:$0x1], $0xffff;
	_ =	sdelay $0x4  }
0x17b: {  	[tilespmem:s11+$0xBE70] =	vst.add.f32.msk $0xffff, v1  }
0x17c: {  	v1 =	vld.idx.msk [tilespmem:v0+s11+$0x180 ss:$0x1], $0xffff;
	_ =	sdelay $0x4  }
0x17d: {  	[tilespmem:s11+$0xBE80] =	vst.add.f32.msk $0xffff, v1  }
0x17e: {  	v1 =	vld.idx.msk [tilespmem:v0+s11+$0x190 ss:$0x1], $0xffff;
	_ =	sdelay $0x4  }
0x17f: {  	[tilespmem:s11+$0xBE90] =	vst.add.f32.msk $0xffff, v1  }
0x180: {  	v1 =	vld.idx.msk [tilespmem:v0+s11+$0x1A0 ss:$0x1], $0xffff;
	_ =	sdelay $0x4  }
0x181: {  	[tilespmem:s11+$0xBEA0] =	vst.add.f32.msk $0xffff, v1  }
0x182: {  	v1 =	vld.idx.msk [tilespmem:v0+s11+$0x1B0 ss:$0x1], $0xffff;
	_ =	sdelay $0x4  }
0x183: {  	[tilespmem:s11+$0xBEB0] =	vst.add.f32.msk $0xffff, v1  }
0x184: {  	v1 =	vld.idx.msk [tilespmem:v0+s11+$0x1C0 ss:$0x1], $0xffff;
	_ =	sdelay $0x4  }
0x185: {  	[tilespmem:s11+$0xBEC0] =	vst.add.f32.msk $0xffff, v1  }
0x186: {  	v1 =	vld.idx.msk [tilespmem:v0+s11+$0x1D0 ss:$0x1], $0xffff;
	_ =	sdelay $0x4  }
0x187: {  	[tilespmem:s11+$0xBED0] =	vst.add.f32.msk $0xffff, v1  }
0x188: {  	v1 =	vld.idx.msk [tilespmem:v0+s11+$0x1E0 ss:$0x1], $0xffff;
	_ =	sdelay $0x4  }
0x189: {  	[tilespmem:s11+$0xBEE0] =	vst.add.f32.msk $0xffff, v1  }
0x18a: {  	v1 =	vld.idx.msk [tilespmem:v0+s11+$0x1F0 ss:$0x1], $0xffff;
	_ =	sdelay $0x3  }
0x18b: {  	s24 =	sor.u32 $0x100, s24;
	s15 =	simm.s32 $0x0;
	s18 =	simm.s32 $0x800  }
.LBB2_7:
0x18c: {  	s15 =	sadd.s32 $0x8, s15;
	[tilespmem:s11+$0xBEF0] =	vst.add.f32.msk $0xffff, v1;
	s11 =	sshra.s32 s18, $0x2  }
0x18d: {  	v1 =	vld.idx.msk [tilespmem:v0+s11+$0x0 ss:$0x1], $0xffff;
	p0 =	slt.u32 s15, $0x78;
	_ =	sdelay $0x5  }
0x18e: {  	[tilespmem:s11+$0xBD00] =	vst.add.f32.msk $0xffff, v1  }
0x18f: {  	v1 =	vld.idx.msk [tilespmem:v0+s11+$0x10 ss:$0x1], $0xffff;
	_ =	sdelay $0x5  }
0x190: {  	[tilespmem:s11+$0xBD10] =	vst.add.f32.msk $0xffff, v1  }
0x191: {  	v1 =	vld.idx.msk [tilespmem:v0+s11+$0x20 ss:$0x1], $0xffff;
	_ =	sdelay $0x5  }
0x192: {  	[tilespmem:s11+$0xBD20] =	vst.add.f32.msk $0xffff, v1  }
0x193: {  	v1 =	vld.idx.msk [tilespmem:v0+s11+$0x30 ss:$0x1], $0xffff;
	_ =	sdelay $0x5  }
0x194: {  	[tilespmem:s11+$0xBD30] =	vst.add.f32.msk $0xffff, v1  }
0x195: {  	v1 =	vld.idx.msk [tilespmem:v0+s11+$0x40 ss:$0x1], $0xffff;
	_ =	sdelay $0x5  }
0x196: {  	[tilespmem:s11+$0xBD40] =	vst.add.f32.msk $0xffff, v1  }
0x197: {  	v1 =	vld.idx.msk [tilespmem:v0+s11+$0x50 ss:$0x1], $0xffff;
	_ =	sdelay $0x5  }
0x198: {  	[tilespmem:s11+$0xBD50] =	vst.add.f32.msk $0xffff, v1  }
0x199: {  	v1 =	vld.idx.msk [tilespmem:v0+s11+$0x60 ss:$0x1], $0xffff;
	_ =	sdelay $0x5  }
0x19a: {  	[tilespmem:s11+$0xBD60] =	vst.add.f32.msk $0xffff, v1  }
0x19b: {  	v1 =	vld.idx.msk [tilespmem:v0+s11+$0x70 ss:$0x1], $0xffff;
	_ =	sdelay $0x5  }
0x19c: {  	[tilespmem:s11+$0xBD70] =	vst.add.f32.msk $0xffff, v1  }
0x19d: {  	v1 =	vld.idx.msk [tilespmem:v0+s11+$0x80 ss:$0x1], $0xffff;
	_ =	sdelay $0x5  }
0x19e: {  	[tilespmem:s11+$0xBD80] =	vst.add.f32.msk $0xffff, v1  }
0x19f: {  	v1 =	vld.idx.msk [tilespmem:v0+s11+$0x90 ss:$0x1], $0xffff;
	_ =	sdelay $0x5  }
0x1a0: {  	[tilespmem:s11+$0xBD90] =	vst.add.f32.msk $0xffff, v1  }
0x1a1: {  	v1 =	vld.idx.msk [tilespmem:v0+s11+$0xA0 ss:$0x1], $0xffff;
	_ =	sdelay $0x5  }
0x1a2: {  	[tilespmem:s11+$0xBDA0] =	vst.add.f32.msk $0xffff, v1  }
0x1a3: {  	v1 =	vld.idx.msk [tilespmem:v0+s11+$0xB0 ss:$0x1], $0xffff;
	_ =	sdelay $0x5  }
0x1a4: {  	[tilespmem:s11+$0xBDB0] =	vst.add.f32.msk $0xffff, v1  }
0x1a5: {  	v1 =	vld.idx.msk [tilespmem:v0+s11+$0xC0 ss:$0x1], $0xffff;
	_ =	sdelay $0x5  }
0x1a6: {  	[tilespmem:s11+$0xBDC0] =	vst.add.f32.msk $0xffff, v1  }
0x1a7: {  	v1 =	vld.idx.msk [tilespmem:v0+s11+$0xD0 ss:$0x1], $0xffff;
	_ =	sdelay $0x5  }
0x1a8: {  	[tilespmem:s11+$0xBDD0] =	vst.add.f32.msk $0xffff, v1  }
0x1a9: {  	v1 =	vld.idx.msk [tilespmem:v0+s11+$0xE0 ss:$0x1], $0xffff;
	_ =	sdelay $0x5  }
0x1aa: {  	[tilespmem:s11+$0xBDE0] =	vst.add.f32.msk $0xffff, v1  }
0x1ab: {  	v1 =	vld.idx.msk [tilespmem:v0+s11+$0xF0 ss:$0x1], $0xffff;
	_ =	sdelay $0x5  }
0x1ac: {  	[tilespmem:s11+$0xBDF0] =	vst.add.f32.msk $0xffff, v1  }
0x1ad: {  	v1 =	vld.idx.msk [tilespmem:v0+s11+$0x100 ss:$0x1], $0xffff;
	_ =	sdelay $0x5  }
0x1ae: {  	[tilespmem:s11+$0xBE00] =	vst.add.f32.msk $0xffff, v1  }
0x1af: {  	v1 =	vld.idx.msk [tilespmem:v0+s11+$0x110 ss:$0x1], $0xffff;
	_ =	sdelay $0x5  }
0x1b0: {  	[tilespmem:s11+$0xBE10] =	vst.add.f32.msk $0xffff, v1  }
0x1b1: {  	v1 =	vld.idx.msk [tilespmem:v0+s11+$0x120 ss:$0x1], $0xffff;
	_ =	sdelay $0x5  }
0x1b2: {  	[tilespmem:s11+$0xBE20] =	vst.add.f32.msk $0xffff, v1  }
0x1b3: {  	v1 =	vld.idx.msk [tilespmem:v0+s11+$0x130 ss:$0x1], $0xffff;
	_ =	sdelay $0x5  }
0x1b4: {  	[tilespmem:s11+$0xBE30] =	vst.add.f32.msk $0xffff, v1  }
0x1b5: {  	v1 =	vld.idx.msk [tilespmem:v0+s11+$0x140 ss:$0x1], $0xffff;
	_ =	sdelay $0x5  }
0x1b6: {  	[tilespmem:s11+$0xBE40] =	vst.add.f32.msk $0xffff, v1  }
0x1b7: {  	v1 =	vld.idx.msk [tilespmem:v0+s11+$0x150 ss:$0x1], $0xffff;
	_ =	sdelay $0x5  }
0x1b8: {  	[tilespmem:s11+$0xBE50] =	vst.add.f32.msk $0xffff, v1  }
0x1b9: {  	v1 =	vld.idx.msk [tilespmem:v0+s11+$0x160 ss:$0x1], $0xffff;
	_ =	sdelay $0x5  }
0x1ba: {  	[tilespmem:s11+$0xBE60] =	vst.add.f32.msk $0xffff, v1  }
0x1bb: {  	v1 =	vld.idx.msk [tilespmem:v0+s11+$0x170 ss:$0x1], $0xffff;
	_ =	sdelay $0x5  }
0x1bc: {  	[tilespmem:s11+$0xBE70] =	vst.add.f32.msk $0xffff, v1  }
0x1bd: {  	v1 =	vld.idx.msk [tilespmem:v0+s11+$0x180 ss:$0x1], $0xffff;
	_ =	sdelay $0x5  }
0x1be: {  	[tilespmem:s11+$0xBE80] =	vst.add.f32.msk $0xffff, v1  }
0x1bf: {  	v1 =	vld.idx.msk [tilespmem:v0+s11+$0x190 ss:$0x1], $0xffff;
	_ =	sdelay $0x5  }
0x1c0: {  	[tilespmem:s11+$0xBE90] =	vst.add.f32.msk $0xffff, v1  }
0x1c1: {  	v1 =	vld.idx.msk [tilespmem:v0+s11+$0x1A0 ss:$0x1], $0xffff;
	_ =	sdelay $0x5  }
0x1c2: {  	[tilespmem:s11+$0xBEA0] =	vst.add.f32.msk $0xffff, v1  }
0x1c3: {  	v1 =	vld.idx.msk [tilespmem:v0+s11+$0x1B0 ss:$0x1], $0xffff;
	_ =	sdelay $0x5  }
0x1c4: {  	[tilespmem:s11+$0xBEB0] =	vst.add.f32.msk $0xffff, v1  }
0x1c5: {  	v1 =	vld.idx.msk [tilespmem:v0+s11+$0x1C0 ss:$0x1], $0xffff;
	_ =	sdelay $0x5  }
0x1c6: {  	[tilespmem:s11+$0xBEC0] =	vst.add.f32.msk $0xffff, v1  }
0x1c7: {  	v1 =	vld.idx.msk [tilespmem:v0+s11+$0x1D0 ss:$0x1], $0xffff;
	_ =	sdelay $0x5  }
0x1c8: {  	[tilespmem:s11+$0xBED0] =	vst.add.f32.msk $0xffff, v1  }
0x1c9: {  	v1 =	vld.idx.msk [tilespmem:v0+s11+$0x1E0 ss:$0x1], $0xffff;
	_ =	sdelay $0x5  }
0x1ca: {  	[tilespmem:s11+$0xBEE0] =	vst.add.f32.msk $0xffff, v1  }
0x1cb: {  	v1 =	vld.idx.msk [tilespmem:v0+s11+$0x1F0 ss:$0x1], $0xffff  }
.Ltmp2:
0x1cc: {  	(pc) =	sbr.rel @p0 .LBB2_7-.Ltmp2, $2  }
0x1cd: {  	_ =	sdelay $0x2  }
0x1ce: {  	s18 =	sadd.s32 $0x800, s18  }
0x1cf: {  	s15 =	sadd.s32 s5, s24  }
0x1d0: {  	s15 =	sshll.u32 s15, $0x3  }
0x1d1: {  	s15 =	sand.u32 $0x1FFFF800, s15  }
0x1d2: {  	[tilespmem:s11+$0xBEF0] =	vst.add.f32.msk $0xffff, v1;
	s26 =	simm.s32 $0xBD00;
	s25 =	sadd.s32 s2, s15  }
0x1d3: {  	[hbm4b:s25+s3] =	stream.linear.scatter [tilespmem:s26], [sflag:$0x7], $0x2000, $0x38;
	[tilespmem:$0xFD00] =	vst v63  }
0x1d4: {  	_ =	swait.ge [sflag:s23], $0x2000  }
0x1d5: {  	p0 =	seq.s32 s7, $0xB;
	[sflag:s23] =	ssyncset.done $0x0  }
0x1d6: {  	s11 =	simm.s32 @!p0 $0x7;
	[sflag:s23] =	ssyncadd.s32 $0xFFFFE000  }
0x1d7: {  	v0 =	vmov s9;
	_ =	swait.ge @!p0 [sflag:s11], $0x2000  }
0x1d8: {  	s9 =	sadd.s32 @!p0 $0x300, s10;
	[sflag:s11] =	ssyncset.done @!p0 $0x0  }
0x1d9: {  	s10 =	simm.s32 @!p0 $0x80;
	[sflag:s11] =	ssyncadd.s32 @!p0 $0xFFFFE000;
	s11 =	simm.s32 @!p0 $0xBD00  }
0x1da: {  	[tilespmem:s11], [sflag:$0x3] =	stream.indirect.gather @!p0 [hbm4b:s6+s10], $0x40, s9, s10, $0xb8;
	[tilespmem:$0xFD00] =	vst v63  }
0x1db: {  	s9 =	simm.s32 $0x0  }
0x1dc: {  	v1 =	vld.idx.msk [tilespmem:v0+s9+$0x0 ss:$0x1], $0xffff;
	_ =	sdelay $0x4  }
0x1dd: {  	[tilespmem:s9+$0xDD00] =	vst.add.f32.msk $0xffff, v1  }
0x1de: {  	v1 =	vld.idx.msk [tilespmem:v0+s9+$0x10 ss:$0x1], $0xffff;
	_ =	sdelay $0x4  }
0x1df: {  	[tilespmem:s9+$0xDD10] =	vst.add.f32.msk $0xffff, v1  }
0x1e0: {  	v1 =	vld.idx.msk [tilespmem:v0+s9+$0x20 ss:$0x1], $0xffff;
	_ =	sdelay $0x4  }
0x1e1: {  	[tilespmem:s9+$0xDD20] =	vst.add.f32.msk $0xffff, v1  }
0x1e2: {  	v1 =	vld.idx.msk [tilespmem:v0+s9+$0x30 ss:$0x1], $0xffff;
	_ =	sdelay $0x4  }
0x1e3: {  	[tilespmem:s9+$0xDD30] =	vst.add.f32.msk $0xffff, v1  }
0x1e4: {  	v1 =	vld.idx.msk [tilespmem:v0+s9+$0x40 ss:$0x1], $0xffff;
	_ =	sdelay $0x4  }
0x1e5: {  	[tilespmem:s9+$0xDD40] =	vst.add.f32.msk $0xffff, v1  }
0x1e6: {  	v1 =	vld.idx.msk [tilespmem:v0+s9+$0x50 ss:$0x1], $0xffff;
	_ =	sdelay $0x4  }
0x1e7: {  	[tilespmem:s9+$0xDD50] =	vst.add.f32.msk $0xffff, v1  }
0x1e8: {  	v1 =	vld.idx.msk [tilespmem:v0+s9+$0x60 ss:$0x1], $0xffff;
	_ =	sdelay $0x4  }
0x1e9: {  	[tilespmem:s9+$0xDD60] =	vst.add.f32.msk $0xffff, v1  }
0x1ea: {  	v1 =	vld.idx.msk [tilespmem:v0+s9+$0x70 ss:$0x1], $0xffff;
	_ =	sdelay $0x4  }
0x1eb: {  	[tilespmem:s9+$0xDD70] =	vst.add.f32.msk $0xffff, v1  }
0x1ec: {  	v1 =	vld.idx.msk [tilespmem:v0+s9+$0x80 ss:$0x1], $0xffff;
	_ =	sdelay $0x4  }
0x1ed: {  	[tilespmem:s9+$0xDD80] =	vst.add.f32.msk $0xffff, v1  }
0x1ee: {  	v1 =	vld.idx.msk [tilespmem:v0+s9+$0x90 ss:$0x1], $0xffff;
	_ =	sdelay $0x4  }
0x1ef: {  	[tilespmem:s9+$0xDD90] =	vst.add.f32.msk $0xffff, v1  }
0x1f0: {  	v1 =	vld.idx.msk [tilespmem:v0+s9+$0xA0 ss:$0x1], $0xffff;
	_ =	sdelay $0x4  }
0x1f1: {  	[tilespmem:s9+$0xDDA0] =	vst.add.f32.msk $0xffff, v1  }
0x1f2: {  	v1 =	vld.idx.msk [tilespmem:v0+s9+$0xB0 ss:$0x1], $0xffff;
	_ =	sdelay $0x4  }
0x1f3: {  	[tilespmem:s9+$0xDDB0] =	vst.add.f32.msk $0xffff, v1  }
0x1f4: {  	v1 =	vld.idx.msk [tilespmem:v0+s9+$0xC0 ss:$0x1], $0xffff;
	_ =	sdelay $0x4  }
0x1f5: {  	[tilespmem:s9+$0xDDC0] =	vst.add.f32.msk $0xffff, v1  }
0x1f6: {  	v1 =	vld.idx.msk [tilespmem:v0+s9+$0xD0 ss:$0x1], $0xffff;
	_ =	sdelay $0x4  }
0x1f7: {  	[tilespmem:s9+$0xDDD0] =	vst.add.f32.msk $0xffff, v1  }
0x1f8: {  	v1 =	vld.idx.msk [tilespmem:v0+s9+$0xE0 ss:$0x1], $0xffff;
	_ =	sdelay $0x4  }
0x1f9: {  	[tilespmem:s9+$0xDDE0] =	vst.add.f32.msk $0xffff, v1  }
0x1fa: {  	v1 =	vld.idx.msk [tilespmem:v0+s9+$0xF0 ss:$0x1], $0xffff;
	_ =	sdelay $0x4  }
0x1fb: {  	[tilespmem:s9+$0xDDF0] =	vst.add.f32.msk $0xffff, v1  }
0x1fc: {  	v1 =	vld.idx.msk [tilespmem:v0+s9+$0x100 ss:$0x1], $0xffff;
	_ =	sdelay $0x4  }
0x1fd: {  	[tilespmem:s9+$0xDE00] =	vst.add.f32.msk $0xffff, v1  }
0x1fe: {  	v1 =	vld.idx.msk [tilespmem:v0+s9+$0x110 ss:$0x1], $0xffff;
	_ =	sdelay $0x4  }
0x1ff: {  	[tilespmem:s9+$0xDE10] =	vst.add.f32.msk $0xffff, v1  }
0x200: {  	v1 =	vld.idx.msk [tilespmem:v0+s9+$0x120 ss:$0x1], $0xffff;
	_ =	sdelay $0x4  }
0x201: {  	[tilespmem:s9+$0xDE20] =	vst.add.f32.msk $0xffff, v1  }
0x202: {  	v1 =	vld.idx.msk [tilespmem:v0+s9+$0x130 ss:$0x1], $0xffff;
	_ =	sdelay $0x4  }
0x203: {  	[tilespmem:s9+$0xDE30] =	vst.add.f32.msk $0xffff, v1  }
0x204: {  	v1 =	vld.idx.msk [tilespmem:v0+s9+$0x140 ss:$0x1], $0xffff;
	_ =	sdelay $0x4  }
0x205: {  	[tilespmem:s9+$0xDE40] =	vst.add.f32.msk $0xffff, v1  }
0x206: {  	v1 =	vld.idx.msk [tilespmem:v0+s9+$0x150 ss:$0x1], $0xffff;
	_ =	sdelay $0x4  }
0x207: {  	[tilespmem:s9+$0xDE50] =	vst.add.f32.msk $0xffff, v1  }
0x208: {  	v1 =	vld.idx.msk [tilespmem:v0+s9+$0x160 ss:$0x1], $0xffff;
	_ =	sdelay $0x4  }
0x209: {  	[tilespmem:s9+$0xDE60] =	vst.add.f32.msk $0xffff, v1  }
0x20a: {  	v1 =	vld.idx.msk [tilespmem:v0+s9+$0x170 ss:$0x1], $0xffff;
	_ =	sdelay $0x4  }
0x20b: {  	[tilespmem:s9+$0xDE70] =	vst.add.f32.msk $0xffff, v1  }
0x20c: {  	v1 =	vld.idx.msk [tilespmem:v0+s9+$0x180 ss:$0x1], $0xffff;
	_ =	sdelay $0x4  }
0x20d: {  	[tilespmem:s9+$0xDE80] =	vst.add.f32.msk $0xffff, v1  }
0x20e: {  	v1 =	vld.idx.msk [tilespmem:v0+s9+$0x190 ss:$0x1], $0xffff;
	_ =	sdelay $0x4  }
0x20f: {  	[tilespmem:s9+$0xDE90] =	vst.add.f32.msk $0xffff, v1  }
0x210: {  	v1 =	vld.idx.msk [tilespmem:v0+s9+$0x1A0 ss:$0x1], $0xffff;
	_ =	sdelay $0x4  }
0x211: {  	[tilespmem:s9+$0xDEA0] =	vst.add.f32.msk $0xffff, v1  }
0x212: {  	v1 =	vld.idx.msk [tilespmem:v0+s9+$0x1B0 ss:$0x1], $0xffff;
	_ =	sdelay $0x4  }
0x213: {  	[tilespmem:s9+$0xDEB0] =	vst.add.f32.msk $0xffff, v1  }
0x214: {  	v1 =	vld.idx.msk [tilespmem:v0+s9+$0x1C0 ss:$0x1], $0xffff;
	_ =	sdelay $0x4  }
0x215: {  	[tilespmem:s9+$0xDEC0] =	vst.add.f32.msk $0xffff, v1  }
0x216: {  	v1 =	vld.idx.msk [tilespmem:v0+s9+$0x1D0 ss:$0x1], $0xffff;
	_ =	sdelay $0x4  }
0x217: {  	[tilespmem:s9+$0xDED0] =	vst.add.f32.msk $0xffff, v1  }
0x218: {  	v1 =	vld.idx.msk [tilespmem:v0+s9+$0x1E0 ss:$0x1], $0xffff;
	_ =	sdelay $0x4  }
0x219: {  	[tilespmem:s9+$0xDEE0] =	vst.add.f32.msk $0xffff, v1  }
0x21a: {  	v1 =	vld.idx.msk [tilespmem:v0+s9+$0x1F0 ss:$0x1], $0xffff;
	_ =	sdelay $0x3  }
0x21b: {  	s10 =	simm.s32 $0x0;
	s11 =	simm.s32 $0x800  }
.LBB2_9:
0x21c: {  	s10 =	sadd.s32 $0x8, s10;
	[tilespmem:s9+$0xDEF0] =	vst.add.f32.msk $0xffff, v1;
	s9 =	sshra.s32 s11, $0x2  }
0x21d: {  	v1 =	vld.idx.msk [tilespmem:v0+s9+$0x0 ss:$0x1], $0xffff;
	p0 =	slt.u32 s10, $0x78;
	_ =	sdelay $0x5  }
0x21e: {  	[tilespmem:s9+$0xDD00] =	vst.add.f32.msk $0xffff, v1  }
0x21f: {  	v1 =	vld.idx.msk [tilespmem:v0+s9+$0x10 ss:$0x1], $0xffff;
	_ =	sdelay $0x5  }
0x220: {  	[tilespmem:s9+$0xDD10] =	vst.add.f32.msk $0xffff, v1  }
0x221: {  	v1 =	vld.idx.msk [tilespmem:v0+s9+$0x20 ss:$0x1], $0xffff;
	_ =	sdelay $0x5  }
0x222: {  	[tilespmem:s9+$0xDD20] =	vst.add.f32.msk $0xffff, v1  }
0x223: {  	v1 =	vld.idx.msk [tilespmem:v0+s9+$0x30 ss:$0x1], $0xffff;
	_ =	sdelay $0x5  }
0x224: {  	[tilespmem:s9+$0xDD30] =	vst.add.f32.msk $0xffff, v1  }
0x225: {  	v1 =	vld.idx.msk [tilespmem:v0+s9+$0x40 ss:$0x1], $0xffff;
	_ =	sdelay $0x5  }
0x226: {  	[tilespmem:s9+$0xDD40] =	vst.add.f32.msk $0xffff, v1  }
0x227: {  	v1 =	vld.idx.msk [tilespmem:v0+s9+$0x50 ss:$0x1], $0xffff;
	_ =	sdelay $0x5  }
0x228: {  	[tilespmem:s9+$0xDD50] =	vst.add.f32.msk $0xffff, v1  }
0x229: {  	v1 =	vld.idx.msk [tilespmem:v0+s9+$0x60 ss:$0x1], $0xffff;
	_ =	sdelay $0x5  }
0x22a: {  	[tilespmem:s9+$0xDD60] =	vst.add.f32.msk $0xffff, v1  }
0x22b: {  	v1 =	vld.idx.msk [tilespmem:v0+s9+$0x70 ss:$0x1], $0xffff;
	_ =	sdelay $0x5  }
0x22c: {  	[tilespmem:s9+$0xDD70] =	vst.add.f32.msk $0xffff, v1  }
0x22d: {  	v1 =	vld.idx.msk [tilespmem:v0+s9+$0x80 ss:$0x1], $0xffff;
	_ =	sdelay $0x5  }
0x22e: {  	[tilespmem:s9+$0xDD80] =	vst.add.f32.msk $0xffff, v1  }
0x22f: {  	v1 =	vld.idx.msk [tilespmem:v0+s9+$0x90 ss:$0x1], $0xffff;
	_ =	sdelay $0x5  }
0x230: {  	[tilespmem:s9+$0xDD90] =	vst.add.f32.msk $0xffff, v1  }
0x231: {  	v1 =	vld.idx.msk [tilespmem:v0+s9+$0xA0 ss:$0x1], $0xffff;
	_ =	sdelay $0x5  }
0x232: {  	[tilespmem:s9+$0xDDA0] =	vst.add.f32.msk $0xffff, v1  }
0x233: {  	v1 =	vld.idx.msk [tilespmem:v0+s9+$0xB0 ss:$0x1], $0xffff;
	_ =	sdelay $0x5  }
0x234: {  	[tilespmem:s9+$0xDDB0] =	vst.add.f32.msk $0xffff, v1  }
0x235: {  	v1 =	vld.idx.msk [tilespmem:v0+s9+$0xC0 ss:$0x1], $0xffff;
	_ =	sdelay $0x5  }
0x236: {  	[tilespmem:s9+$0xDDC0] =	vst.add.f32.msk $0xffff, v1  }
0x237: {  	v1 =	vld.idx.msk [tilespmem:v0+s9+$0xD0 ss:$0x1], $0xffff;
	_ =	sdelay $0x5  }
0x238: {  	[tilespmem:s9+$0xDDD0] =	vst.add.f32.msk $0xffff, v1  }
0x239: {  	v1 =	vld.idx.msk [tilespmem:v0+s9+$0xE0 ss:$0x1], $0xffff;
	_ =	sdelay $0x5  }
0x23a: {  	[tilespmem:s9+$0xDDE0] =	vst.add.f32.msk $0xffff, v1  }
0x23b: {  	v1 =	vld.idx.msk [tilespmem:v0+s9+$0xF0 ss:$0x1], $0xffff;
	_ =	sdelay $0x5  }
0x23c: {  	[tilespmem:s9+$0xDDF0] =	vst.add.f32.msk $0xffff, v1  }
0x23d: {  	v1 =	vld.idx.msk [tilespmem:v0+s9+$0x100 ss:$0x1], $0xffff;
	_ =	sdelay $0x5  }
0x23e: {  	[tilespmem:s9+$0xDE00] =	vst.add.f32.msk $0xffff, v1  }
0x23f: {  	v1 =	vld.idx.msk [tilespmem:v0+s9+$0x110 ss:$0x1], $0xffff;
	_ =	sdelay $0x5  }
0x240: {  	[tilespmem:s9+$0xDE10] =	vst.add.f32.msk $0xffff, v1  }
0x241: {  	v1 =	vld.idx.msk [tilespmem:v0+s9+$0x120 ss:$0x1], $0xffff;
	_ =	sdelay $0x5  }
0x242: {  	[tilespmem:s9+$0xDE20] =	vst.add.f32.msk $0xffff, v1  }
0x243: {  	v1 =	vld.idx.msk [tilespmem:v0+s9+$0x130 ss:$0x1], $0xffff;
	_ =	sdelay $0x5  }
0x244: {  	[tilespmem:s9+$0xDE30] =	vst.add.f32.msk $0xffff, v1  }
0x245: {  	v1 =	vld.idx.msk [tilespmem:v0+s9+$0x140 ss:$0x1], $0xffff;
	_ =	sdelay $0x5  }
0x246: {  	[tilespmem:s9+$0xDE40] =	vst.add.f32.msk $0xffff, v1  }
0x247: {  	v1 =	vld.idx.msk [tilespmem:v0+s9+$0x150 ss:$0x1], $0xffff;
	_ =	sdelay $0x5  }
0x248: {  	[tilespmem:s9+$0xDE50] =	vst.add.f32.msk $0xffff, v1  }
0x249: {  	v1 =	vld.idx.msk [tilespmem:v0+s9+$0x160 ss:$0x1], $0xffff;
	_ =	sdelay $0x5  }
0x24a: {  	[tilespmem:s9+$0xDE60] =	vst.add.f32.msk $0xffff, v1  }
0x24b: {  	v1 =	vld.idx.msk [tilespmem:v0+s9+$0x170 ss:$0x1], $0xffff;
	_ =	sdelay $0x5  }
0x24c: {  	[tilespmem:s9+$0xDE70] =	vst.add.f32.msk $0xffff, v1  }
0x24d: {  	v1 =	vld.idx.msk [tilespmem:v0+s9+$0x180 ss:$0x1], $0xffff;
	_ =	sdelay $0x5  }
0x24e: {  	[tilespmem:s9+$0xDE80] =	vst.add.f32.msk $0xffff, v1  }
0x24f: {  	v1 =	vld.idx.msk [tilespmem:v0+s9+$0x190 ss:$0x1], $0xffff;
	_ =	sdelay $0x5  }
0x250: {  	[tilespmem:s9+$0xDE90] =	vst.add.f32.msk $0xffff, v1  }
0x251: {  	v1 =	vld.idx.msk [tilespmem:v0+s9+$0x1A0 ss:$0x1], $0xffff;
	_ =	sdelay $0x5  }
0x252: {  	[tilespmem:s9+$0xDEA0] =	vst.add.f32.msk $0xffff, v1  }
0x253: {  	v1 =	vld.idx.msk [tilespmem:v0+s9+$0x1B0 ss:$0x1], $0xffff;
	_ =	sdelay $0x5  }
0x254: {  	[tilespmem:s9+$0xDEB0] =	vst.add.f32.msk $0xffff, v1  }
0x255: {  	v1 =	vld.idx.msk [tilespmem:v0+s9+$0x1C0 ss:$0x1], $0xffff;
	_ =	sdelay $0x5  }
0x256: {  	[tilespmem:s9+$0xDEC0] =	vst.add.f32.msk $0xffff, v1  }
0x257: {  	v1 =	vld.idx.msk [tilespmem:v0+s9+$0x1D0 ss:$0x1], $0xffff;
	_ =	sdelay $0x5  }
0x258: {  	[tilespmem:s9+$0xDED0] =	vst.add.f32.msk $0xffff, v1  }
0x259: {  	v1 =	vld.idx.msk [tilespmem:v0+s9+$0x1E0 ss:$0x1], $0xffff;
	_ =	sdelay $0x5  }
0x25a: {  	[tilespmem:s9+$0xDEE0] =	vst.add.f32.msk $0xffff, v1  }
0x25b: {  	v1 =	vld.idx.msk [tilespmem:v0+s9+$0x1F0 ss:$0x1], $0xffff  }
.Ltmp3:
0x25c: {  	(pc) =	sbr.rel @p0 .LBB2_9-.Ltmp3, $2  }
0x25d: {  	_ =	sdelay $0x2  }
0x25e: {  	s11 =	sadd.s32 $0x800, s11  }
0x25f: {  	s7 =	sadd.s32 $0x1, s7  }
0x260: {  	s8 =	sadd.s32 s5, s8;
	s11 =	simm.s32 $0xDD00;
	p0 =	sne.s32 s7, $0xC  }
.Ltmp4:
0x261: {  	s29 =	sadd.s32 $0x8000, s29;
	s4 =	sadd.s32 $0x200, s4;
	(pc) =	sbr.rel @p0 .LBB2_2-.Ltmp4, $4  }
0x262: {  	s30 =	sadd.s32 $0x8000, s30;
	s12 =	sadd.s32 $0x200, s12;
	s8 =	sshll.u32 s8, $0x3  }
0x263: {  	s31 =	sadd.s32 $0x8000, s31;
	s28 =	sadd.s32 $0x200, s28;
	s8 =	sand.u32 $0x1FFFFC00, s8  }
0x264: {  	[tilespmem:s9+$0xDEF0] =	vst.add.f32.msk $0xffff, v1;
	s1 =	sadd.s32 $0x8000, s1;
	s0 =	sadd.s32 $0x200, s0;
	s8 =	sadd.s32 s2, s8  }
0x265: {  	[hbm4b:s8+s3] =	stream.linear.scatter [tilespmem:s11], [sflag:$0x8], $0x2000, $0x38;
	[tilespmem:$0xFD00] =	vst v63  }
0x266: {  	_ =	swait.ge [sflag:s16], $0x2000  }
0x267: {  	[sflag:s16] =	ssyncset.done $0x0  }
0x268: {  	s0 =	simm.s32 $0x0;
	[sflag:s16] =	ssyncadd.s32 $0xFFFFE000  }
0x269: {  	v0 =	vld [tilespmem:s0+$0x3EF0]  }
0x26a: {  	v1 =	vld [tilespmem:s0+$0x3D00]  }
0x26b: {  	v2 =	vld [tilespmem:s0+$0x3D10]  }
0x26c: {  	v3 =	vld [tilespmem:s0+$0x3D20]  }
0x26d: {  	v4 =	vld [tilespmem:s0+$0x3D30]  }
0x26e: {  	v5 =	vld [tilespmem:s0+$0x3D40]  }
0x26f: {  	v6 =	vld [tilespmem:s0+$0x3D50]  }
0x270: {  	v7 =	vld [tilespmem:s0+$0x3D60]  }
0x271: {  	v8 =	vld [tilespmem:s0+$0x3D70]  }
0x272: {  	v9 =	vld [tilespmem:s0+$0x3D80]  }
0x273: {  	v10 =	vld [tilespmem:s0+$0x3D90]  }
0x274: {  	v11 =	vld [tilespmem:s0+$0x3DA0]  }
0x275: {  	v12 =	vld [tilespmem:s0+$0x3DB0]  }
0x276: {  	v13 =	vld [tilespmem:s0+$0x3DC0]  }
0x277: {  	v14 =	vld [tilespmem:s0+$0x3DD0]  }
0x278: {  	v15 =	vld [tilespmem:s0+$0x3DE0]  }
0x279: {  	v16 =	vld [tilespmem:s0+$0x3DF0]  }
0x27a: {  	v17 =	vld [tilespmem:s0+$0x3E00]  }
0x27b: {  	v18 =	vld [tilespmem:s0+$0x3E10]  }
0x27c: {  	v19 =	vld [tilespmem:s0+$0x3E20]  }
0x27d: {  	v20 =	vld [tilespmem:s0+$0x3E30]  }
0x27e: {  	v21 =	vld [tilespmem:s0+$0x3E40]  }
0x27f: {  	v22 =	vld [tilespmem:s0+$0x3E50]  }
0x280: {  	v23 =	vld [tilespmem:s0+$0x3E60]  }
0x281: {  	v24 =	vld [tilespmem:s0+$0x3E70]  }
0x282: {  	v25 =	vld [tilespmem:s0+$0x3E80]  }
0x283: {  	v26 =	vld [tilespmem:s0+$0x3E90]  }
0x284: {  	v27 =	vld [tilespmem:s0+$0x3EA0]  }
0x285: {  	v28 =	vld [tilespmem:s0+$0x3EB0]  }
0x286: {  	v29 =	vld [tilespmem:s0+$0x3EC0]  }
0x287: {  	v30 =	vld [tilespmem:s0+$0x3ED0]  }
0x288: {  	[tilespmem:s0+$0x7EF0] =	vst.add.f32.msk $0xffff, v0  }
0x289: {  	v0 =	vld [tilespmem:s0+$0x3EE0]  }
0x28a: {  	[tilespmem:s0+$0x7D00] =	vst.add.f32.msk $0xffff, v1  }
0x28b: {  	[tilespmem:s0+$0x7D10] =	vst.add.f32.msk $0xffff, v2  }
0x28c: {  	[tilespmem:s0+$0x7D20] =	vst.add.f32.msk $0xffff, v3  }
0x28d: {  	[tilespmem:s0+$0x7D30] =	vst.add.f32.msk $0xffff, v4  }
0x28e: {  	[tilespmem:s0+$0x7D40] =	vst.add.f32.msk $0xffff, v5  }
0x28f: {  	[tilespmem:s0+$0x7D50] =	vst.add.f32.msk $0xffff, v6  }
0x290: {  	[tilespmem:s0+$0x7D60] =	vst.add.f32.msk $0xffff, v7  }
0x291: {  	[tilespmem:s0+$0x7D70] =	vst.add.f32.msk $0xffff, v8  }
0x292: {  	[tilespmem:s0+$0x7D80] =	vst.add.f32.msk $0xffff, v9  }
0x293: {  	[tilespmem:s0+$0x7D90] =	vst.add.f32.msk $0xffff, v10  }
0x294: {  	[tilespmem:s0+$0x7DA0] =	vst.add.f32.msk $0xffff, v11  }
0x295: {  	[tilespmem:s0+$0x7DB0] =	vst.add.f32.msk $0xffff, v12  }
0x296: {  	[tilespmem:s0+$0x7DC0] =	vst.add.f32.msk $0xffff, v13  }
0x297: {  	[tilespmem:s0+$0x7DD0] =	vst.add.f32.msk $0xffff, v14  }
0x298: {  	[tilespmem:s0+$0x7DE0] =	vst.add.f32.msk $0xffff, v15  }
0x299: {  	[tilespmem:s0+$0x7DF0] =	vst.add.f32.msk $0xffff, v16  }
0x29a: {  	[tilespmem:s0+$0x7E00] =	vst.add.f32.msk $0xffff, v17  }
0x29b: {  	[tilespmem:s0+$0x7E10] =	vst.add.f32.msk $0xffff, v18  }
0x29c: {  	[tilespmem:s0+$0x7E20] =	vst.add.f32.msk $0xffff, v19  }
0x29d: {  	[tilespmem:s0+$0x7E30] =	vst.add.f32.msk $0xffff, v20  }
0x29e: {  	[tilespmem:s0+$0x7E40] =	vst.add.f32.msk $0xffff, v21  }
0x29f: {  	[tilespmem:s0+$0x7E50] =	vst.add.f32.msk $0xffff, v22  }
0x2a0: {  	[tilespmem:s0+$0x7E60] =	vst.add.f32.msk $0xffff, v23  }
0x2a1: {  	[tilespmem:s0+$0x7E70] =	vst.add.f32.msk $0xffff, v24  }
0x2a2: {  	[tilespmem:s0+$0x7E80] =	vst.add.f32.msk $0xffff, v25  }
0x2a3: {  	[tilespmem:s0+$0x7E90] =	vst.add.f32.msk $0xffff, v26  }
0x2a4: {  	[tilespmem:s0+$0x7EA0] =	vst.add.f32.msk $0xffff, v27  }
0x2a5: {  	[tilespmem:s0+$0x7EB0] =	vst.add.f32.msk $0xffff, v28  }
0x2a6: {  	[tilespmem:s0+$0x7EC0] =	vst.add.f32.msk $0xffff, v29  }
0x2a7: {  	s1 =	simm.s32 $0x0;
	s4 =	simm.s32 $0x800;
	[tilespmem:s0+$0x7ED0] =	vst.add.f32.msk $0xffff, v30  }
.LBB2_12:
0x2a8: {  	s1 =	sadd.s32 $0x8, s1;
	[tilespmem:s0+$0x7EE0] =	vst.add.f32.msk $0xffff, v0;
	s0 =	sshra.s32 s4, $0x2  }
0x2a9: {  	v0 =	vld [tilespmem:s0+$0x3EF0];
	p0 =	slt.u32 s1, $0x78  }
0x2aa: {  	v1 =	vld [tilespmem:s0+$0x3D00]  }
0x2ab: {  	v2 =	vld [tilespmem:s0+$0x3D10]  }
0x2ac: {  	v3 =	vld [tilespmem:s0+$0x3D20]  }
0x2ad: {  	v4 =	vld [tilespmem:s0+$0x3D30]  }
0x2ae: {  	[tilespmem:s0+$0x7EF0] =	vst.add.f32.msk $0xffff, v0  }
0x2af: {  	v5 =	vld [tilespmem:s0+$0x3D40]  }
0x2b0: {  	v6 =	vld [tilespmem:s0+$0x3D50]  }
0x2b1: {  	v7 =	vld [tilespmem:s0+$0x3D60]  }
0x2b2: {  	v8 =	vld [tilespmem:s0+$0x3D70]  }
0x2b3: {  	v9 =	vld [tilespmem:s0+$0x3D80]  }
0x2b4: {  	v10 =	vld [tilespmem:s0+$0x3D90]  }
0x2b5: {  	v11 =	vld [tilespmem:s0+$0x3DA0]  }
0x2b6: {  	v12 =	vld [tilespmem:s0+$0x3DB0]  }
0x2b7: {  	v13 =	vld [tilespmem:s0+$0x3DC0]  }
0x2b8: {  	v14 =	vld [tilespmem:s0+$0x3DD0]  }
0x2b9: {  	v15 =	vld [tilespmem:s0+$0x3DE0]  }
0x2ba: {  	v16 =	vld [tilespmem:s0+$0x3DF0]  }
0x2bb: {  	v17 =	vld [tilespmem:s0+$0x3E00]  }
0x2bc: {  	v18 =	vld [tilespmem:s0+$0x3E10]  }
0x2bd: {  	v19 =	vld [tilespmem:s0+$0x3E20]  }
0x2be: {  	v20 =	vld [tilespmem:s0+$0x3E30]  }
0x2bf: {  	v21 =	vld [tilespmem:s0+$0x3E40]  }
0x2c0: {  	v22 =	vld [tilespmem:s0+$0x3E50]  }
0x2c1: {  	v23 =	vld [tilespmem:s0+$0x3E60]  }
0x2c2: {  	v24 =	vld [tilespmem:s0+$0x3E70]  }
0x2c3: {  	v25 =	vld [tilespmem:s0+$0x3E80]  }
0x2c4: {  	v26 =	vld [tilespmem:s0+$0x3E90]  }
0x2c5: {  	v27 =	vld [tilespmem:s0+$0x3EA0]  }
0x2c6: {  	v28 =	vld [tilespmem:s0+$0x3EB0]  }
0x2c7: {  	v29 =	vld [tilespmem:s0+$0x3EC0]  }
0x2c8: {  	v30 =	vld [tilespmem:s0+$0x3ED0]  }
0x2c9: {  	v0 =	vld [tilespmem:s0+$0x3EE0]  }
0x2ca: {  	[tilespmem:s0+$0x7D00] =	vst.add.f32.msk $0xffff, v1  }
0x2cb: {  	[tilespmem:s0+$0x7D10] =	vst.add.f32.msk $0xffff, v2  }
0x2cc: {  	[tilespmem:s0+$0x7D20] =	vst.add.f32.msk $0xffff, v3  }
0x2cd: {  	[tilespmem:s0+$0x7D30] =	vst.add.f32.msk $0xffff, v4  }
0x2ce: {  	[tilespmem:s0+$0x7D40] =	vst.add.f32.msk $0xffff, v5  }
0x2cf: {  	[tilespmem:s0+$0x7D50] =	vst.add.f32.msk $0xffff, v6  }
0x2d0: {  	[tilespmem:s0+$0x7D60] =	vst.add.f32.msk $0xffff, v7  }
0x2d1: {  	[tilespmem:s0+$0x7D70] =	vst.add.f32.msk $0xffff, v8  }
0x2d2: {  	[tilespmem:s0+$0x7D80] =	vst.add.f32.msk $0xffff, v9  }
0x2d3: {  	[tilespmem:s0+$0x7D90] =	vst.add.f32.msk $0xffff, v10  }
0x2d4: {  	[tilespmem:s0+$0x7DA0] =	vst.add.f32.msk $0xffff, v11  }
0x2d5: {  	[tilespmem:s0+$0x7DB0] =	vst.add.f32.msk $0xffff, v12  }
0x2d6: {  	[tilespmem:s0+$0x7DC0] =	vst.add.f32.msk $0xffff, v13  }
0x2d7: {  	[tilespmem:s0+$0x7DD0] =	vst.add.f32.msk $0xffff, v14  }
0x2d8: {  	[tilespmem:s0+$0x7DE0] =	vst.add.f32.msk $0xffff, v15  }
0x2d9: {  	[tilespmem:s0+$0x7DF0] =	vst.add.f32.msk $0xffff, v16  }
0x2da: {  	[tilespmem:s0+$0x7E00] =	vst.add.f32.msk $0xffff, v17  }
0x2db: {  	[tilespmem:s0+$0x7E10] =	vst.add.f32.msk $0xffff, v18  }
0x2dc: {  	[tilespmem:s0+$0x7E20] =	vst.add.f32.msk $0xffff, v19  }
0x2dd: {  	[tilespmem:s0+$0x7E30] =	vst.add.f32.msk $0xffff, v20  }
0x2de: {  	[tilespmem:s0+$0x7E40] =	vst.add.f32.msk $0xffff, v21  }
0x2df: {  	[tilespmem:s0+$0x7E50] =	vst.add.f32.msk $0xffff, v22  }
0x2e0: {  	[tilespmem:s0+$0x7E60] =	vst.add.f32.msk $0xffff, v23  }
0x2e1: {  	[tilespmem:s0+$0x7E70] =	vst.add.f32.msk $0xffff, v24  }
0x2e2: {  	[tilespmem:s0+$0x7E80] =	vst.add.f32.msk $0xffff, v25  }
.Ltmp5:
0x2e3: {  	[tilespmem:s0+$0x7E90] =	vst.add.f32.msk $0xffff, v26;
	(pc) =	sbr.rel @p0 .LBB2_12-.Ltmp5, $4  }
0x2e4: {  	[tilespmem:s0+$0x7EA0] =	vst.add.f32.msk $0xffff, v27  }
0x2e5: {  	[tilespmem:s0+$0x7EB0] =	vst.add.f32.msk $0xffff, v28  }
0x2e6: {  	[tilespmem:s0+$0x7EC0] =	vst.add.f32.msk $0xffff, v29  }
0x2e7: {  	s4 =	sadd.s32 $0x800, s4;
	[tilespmem:s0+$0x7ED0] =	vst.add.f32.msk $0xffff, v30  }
0x2e8: {  	[tilespmem:s0+$0x7EE0] =	vst.add.f32.msk $0xffff, v0;
	s31 =	simm.s32 $0x0;
	s1 =	rddreg [dreg:$0x6]  }
0x2e9: {  	[hbm4b:s1+s31] =	stream.linear.scatter [tilespmem:s13], [sflag:$0x5], $0x2000, $0x38;
	[tilespmem:$0xFD00] =	vst v63  }
0x2ea: {  	_ =	swait.ge [sflag:s19], $0x2000  }
0x2eb: {  	[sflag:s19] =	ssyncset.done $0x0  }
0x2ec: {  	s0 =	simm.s32 $0x0;
	[sflag:s19] =	ssyncadd.s32 $0xFFFFE000  }
0x2ed: {  	v0 =	vld [tilespmem:s0+$0x2CF0]  }
0x2ee: {  	v1 =	vld [tilespmem:s0+$0x2B00]  }
0x2ef: {  	v2 =	vld [tilespmem:s0+$0x2B10]  }
0x2f0: {  	v3 =	vld [tilespmem:s0+$0x2B20]  }
0x2f1: {  	v4 =	vld [tilespmem:s0+$0x2B30]  }
0x2f2: {  	v5 =	vld [tilespmem:s0+$0x2B40]  }
0x2f3: {  	v6 =	vld [tilespmem:s0+$0x2B50]  }
0x2f4: {  	v7 =	vld [tilespmem:s0+$0x2B60]  }
0x2f5: {  	v8 =	vld [tilespmem:s0+$0x2B70]  }
0x2f6: {  	v9 =	vld [tilespmem:s0+$0x2B80]  }
0x2f7: {  	v10 =	vld [tilespmem:s0+$0x2B90]  }
0x2f8: {  	v11 =	vld [tilespmem:s0+$0x2BA0]  }
0x2f9: {  	v12 =	vld [tilespmem:s0+$0x2BB0]  }
0x2fa: {  	v13 =	vld [tilespmem:s0+$0x2BC0]  }
0x2fb: {  	v14 =	vld [tilespmem:s0+$0x2BD0]  }
0x2fc: {  	v15 =	vld [tilespmem:s0+$0x2BE0]  }
0x2fd: {  	v16 =	vld [tilespmem:s0+$0x2BF0]  }
0x2fe: {  	v17 =	vld [tilespmem:s0+$0x2C00]  }
0x2ff: {  	v18 =	vld [tilespmem:s0+$0x2C10]  }
0x300: {  	v19 =	vld [tilespmem:s0+$0x2C20]  }
0x301: {  	v20 =	vld [tilespmem:s0+$0x2C30]  }
0x302: {  	v21 =	vld [tilespmem:s0+$0x2C40]  }
0x303: {  	v22 =	vld [tilespmem:s0+$0x2C50]  }
0x304: {  	v23 =	vld [tilespmem:s0+$0x2C60]  }
0x305: {  	v24 =	vld [tilespmem:s0+$0x2C70]  }
0x306: {  	v25 =	vld [tilespmem:s0+$0x2C80]  }
0x307: {  	v26 =	vld [tilespmem:s0+$0x2C90]  }
0x308: {  	v27 =	vld [tilespmem:s0+$0x2CA0]  }
0x309: {  	v28 =	vld [tilespmem:s0+$0x2CB0]  }
0x30a: {  	v29 =	vld [tilespmem:s0+$0x2CC0]  }
0x30b: {  	v30 =	vld [tilespmem:s0+$0x2CD0]  }
0x30c: {  	[tilespmem:s0+$0x9EF0] =	vst.add.f32.msk $0xffff, v0  }
0x30d: {  	v0 =	vld [tilespmem:s0+$0x2CE0]  }
0x30e: {  	[tilespmem:s0+$0x9D00] =	vst.add.f32.msk $0xffff, v1  }
0x30f: {  	[tilespmem:s0+$0x9D10] =	vst.add.f32.msk $0xffff, v2  }
0x310: {  	[tilespmem:s0+$0x9D20] =	vst.add.f32.msk $0xffff, v3  }
0x311: {  	[tilespmem:s0+$0x9D30] =	vst.add.f32.msk $0xffff, v4  }
0x312: {  	[tilespmem:s0+$0x9D40] =	vst.add.f32.msk $0xffff, v5  }
0x313: {  	[tilespmem:s0+$0x9D50] =	vst.add.f32.msk $0xffff, v6  }
0x314: {  	[tilespmem:s0+$0x9D60] =	vst.add.f32.msk $0xffff, v7  }
0x315: {  	[tilespmem:s0+$0x9D70] =	vst.add.f32.msk $0xffff, v8  }
0x316: {  	[tilespmem:s0+$0x9D80] =	vst.add.f32.msk $0xffff, v9  }
0x317: {  	[tilespmem:s0+$0x9D90] =	vst.add.f32.msk $0xffff, v10  }
0x318: {  	[tilespmem:s0+$0x9DA0] =	vst.add.f32.msk $0xffff, v11  }
0x319: {  	[tilespmem:s0+$0x9DB0] =	vst.add.f32.msk $0xffff, v12  }
0x31a: {  	[tilespmem:s0+$0x9DC0] =	vst.add.f32.msk $0xffff, v13  }
0x31b: {  	[tilespmem:s0+$0x9DD0] =	vst.add.f32.msk $0xffff, v14  }
0x31c: {  	[tilespmem:s0+$0x9DE0] =	vst.add.f32.msk $0xffff, v15  }
0x31d: {  	[tilespmem:s0+$0x9DF0] =	vst.add.f32.msk $0xffff, v16  }
0x31e: {  	[tilespmem:s0+$0x9E00] =	vst.add.f32.msk $0xffff, v17  }
0x31f: {  	[tilespmem:s0+$0x9E10] =	vst.add.f32.msk $0xffff, v18  }
0x320: {  	[tilespmem:s0+$0x9E20] =	vst.add.f32.msk $0xffff, v19  }
0x321: {  	[tilespmem:s0+$0x9E30] =	vst.add.f32.msk $0xffff, v20  }
0x322: {  	[tilespmem:s0+$0x9E40] =	vst.add.f32.msk $0xffff, v21  }
0x323: {  	[tilespmem:s0+$0x9E50] =	vst.add.f32.msk $0xffff, v22  }
0x324: {  	[tilespmem:s0+$0x9E60] =	vst.add.f32.msk $0xffff, v23  }
0x325: {  	[tilespmem:s0+$0x9E70] =	vst.add.f32.msk $0xffff, v24  }
0x326: {  	[tilespmem:s0+$0x9E80] =	vst.add.f32.msk $0xffff, v25  }
0x327: {  	[tilespmem:s0+$0x9E90] =	vst.add.f32.msk $0xffff, v26  }
0x328: {  	[tilespmem:s0+$0x9EA0] =	vst.add.f32.msk $0xffff, v27  }
0x329: {  	[tilespmem:s0+$0x9EB0] =	vst.add.f32.msk $0xffff, v28  }
0x32a: {  	[tilespmem:s0+$0x9EC0] =	vst.add.f32.msk $0xffff, v29  }
0x32b: {  	s4 =	simm.s32 $0x800;
	s1 =	simm.s32 $0x0;
	[tilespmem:s0+$0x9ED0] =	vst.add.f32.msk $0xffff, v30  }
.LBB2_14:
0x32c: {  	s1 =	sadd.s32 $0x8, s1;
	[tilespmem:s0+$0x9EE0] =	vst.add.f32.msk $0xffff, v0;
	s0 =	sshra.s32 s4, $0x2  }
0x32d: {  	v0 =	vld [tilespmem:s0+$0x2CF0];
	p0 =	slt.u32 s1, $0x78  }
0x32e: {  	v1 =	vld [tilespmem:s0+$0x2B00]  }
0x32f: {  	v2 =	vld [tilespmem:s0+$0x2B10]  }
0x330: {  	v3 =	vld [tilespmem:s0+$0x2B20]  }
0x331: {  	v4 =	vld [tilespmem:s0+$0x2B30]  }
0x332: {  	[tilespmem:s0+$0x9EF0] =	vst.add.f32.msk $0xffff, v0  }
0x333: {  	v5 =	vld [tilespmem:s0+$0x2B40]  }
0x334: {  	v6 =	vld [tilespmem:s0+$0x2B50]  }
0x335: {  	v7 =	vld [tilespmem:s0+$0x2B60]  }
0x336: {  	v8 =	vld [tilespmem:s0+$0x2B70]  }
0x337: {  	v9 =	vld [tilespmem:s0+$0x2B80]  }
0x338: {  	v10 =	vld [tilespmem:s0+$0x2B90]  }
0x339: {  	v11 =	vld [tilespmem:s0+$0x2BA0]  }
0x33a: {  	v12 =	vld [tilespmem:s0+$0x2BB0]  }
0x33b: {  	v13 =	vld [tilespmem:s0+$0x2BC0]  }
0x33c: {  	v14 =	vld [tilespmem:s0+$0x2BD0]  }
0x33d: {  	v15 =	vld [tilespmem:s0+$0x2BE0]  }
0x33e: {  	v16 =	vld [tilespmem:s0+$0x2BF0]  }
0x33f: {  	v17 =	vld [tilespmem:s0+$0x2C00]  }
0x340: {  	v18 =	vld [tilespmem:s0+$0x2C10]  }
0x341: {  	v19 =	vld [tilespmem:s0+$0x2C20]  }
0x342: {  	v20 =	vld [tilespmem:s0+$0x2C30]  }
0x343: {  	v21 =	vld [tilespmem:s0+$0x2C40]  }
0x344: {  	v22 =	vld [tilespmem:s0+$0x2C50]  }
0x345: {  	v23 =	vld [tilespmem:s0+$0x2C60]  }
0x346: {  	v24 =	vld [tilespmem:s0+$0x2C70]  }
0x347: {  	v25 =	vld [tilespmem:s0+$0x2C80]  }
0x348: {  	v26 =	vld [tilespmem:s0+$0x2C90]  }
0x349: {  	v27 =	vld [tilespmem:s0+$0x2CA0]  }
0x34a: {  	v28 =	vld [tilespmem:s0+$0x2CB0]  }
0x34b: {  	v29 =	vld [tilespmem:s0+$0x2CC0]  }
0x34c: {  	v30 =	vld [tilespmem:s0+$0x2CD0]  }
0x34d: {  	v0 =	vld [tilespmem:s0+$0x2CE0]  }
0x34e: {  	[tilespmem:s0+$0x9D00] =	vst.add.f32.msk $0xffff, v1  }
0x34f: {  	[tilespmem:s0+$0x9D10] =	vst.add.f32.msk $0xffff, v2  }
0x350: {  	[tilespmem:s0+$0x9D20] =	vst.add.f32.msk $0xffff, v3  }
0x351: {  	[tilespmem:s0+$0x9D30] =	vst.add.f32.msk $0xffff, v4  }
0x352: {  	[tilespmem:s0+$0x9D40] =	vst.add.f32.msk $0xffff, v5  }
0x353: {  	[tilespmem:s0+$0x9D50] =	vst.add.f32.msk $0xffff, v6  }
0x354: {  	[tilespmem:s0+$0x9D60] =	vst.add.f32.msk $0xffff, v7  }
0x355: {  	[tilespmem:s0+$0x9D70] =	vst.add.f32.msk $0xffff, v8  }
0x356: {  	[tilespmem:s0+$0x9D80] =	vst.add.f32.msk $0xffff, v9  }
0x357: {  	[tilespmem:s0+$0x9D90] =	vst.add.f32.msk $0xffff, v10  }
0x358: {  	[tilespmem:s0+$0x9DA0] =	vst.add.f32.msk $0xffff, v11  }
0x359: {  	[tilespmem:s0+$0x9DB0] =	vst.add.f32.msk $0xffff, v12  }
0x35a: {  	[tilespmem:s0+$0x9DC0] =	vst.add.f32.msk $0xffff, v13  }
0x35b: {  	[tilespmem:s0+$0x9DD0] =	vst.add.f32.msk $0xffff, v14  }
0x35c: {  	[tilespmem:s0+$0x9DE0] =	vst.add.f32.msk $0xffff, v15  }
0x35d: {  	[tilespmem:s0+$0x9DF0] =	vst.add.f32.msk $0xffff, v16  }
0x35e: {  	[tilespmem:s0+$0x9E00] =	vst.add.f32.msk $0xffff, v17  }
0x35f: {  	[tilespmem:s0+$0x9E10] =	vst.add.f32.msk $0xffff, v18  }
0x360: {  	[tilespmem:s0+$0x9E20] =	vst.add.f32.msk $0xffff, v19  }
0x361: {  	[tilespmem:s0+$0x9E30] =	vst.add.f32.msk $0xffff, v20  }
0x362: {  	[tilespmem:s0+$0x9E40] =	vst.add.f32.msk $0xffff, v21  }
0x363: {  	[tilespmem:s0+$0x9E50] =	vst.add.f32.msk $0xffff, v22  }
0x364: {  	[tilespmem:s0+$0x9E60] =	vst.add.f32.msk $0xffff, v23  }
0x365: {  	[tilespmem:s0+$0x9E70] =	vst.add.f32.msk $0xffff, v24  }
0x366: {  	[tilespmem:s0+$0x9E80] =	vst.add.f32.msk $0xffff, v25  }
.Ltmp6:
0x367: {  	[tilespmem:s0+$0x9E90] =	vst.add.f32.msk $0xffff, v26;
	(pc) =	sbr.rel @p0 .LBB2_14-.Ltmp6, $4  }
0x368: {  	[tilespmem:s0+$0x9EA0] =	vst.add.f32.msk $0xffff, v27  }
0x369: {  	[tilespmem:s0+$0x9EB0] =	vst.add.f32.msk $0xffff, v28  }
0x36a: {  	[tilespmem:s0+$0x9EC0] =	vst.add.f32.msk $0xffff, v29  }
0x36b: {  	s4 =	sadd.s32 $0x800, s4;
	[tilespmem:s0+$0x9ED0] =	vst.add.f32.msk $0xffff, v30  }
0x36c: {  	[tilespmem:s0+$0x9EE0] =	vst.add.f32.msk $0xffff, v0;
	s28 =	rddreg [dreg:$0x7];
	s29 =	simm.s32 $0x7  }
0x36d: {  	[hbm4b:s28+s3] =	stream.linear.scatter [tilespmem:s14], [sflag:$0x6], $0x2000, $0x38;
	[tilespmem:$0xFD00] =	vst v63  }
0x36e: {  	_ =	swait.ge [sflag:s29], $0x2000  }
0x36f: {  	[sflag:s29] =	ssyncset.done $0x0  }
0x370: {  	s30 =	simm.s32 $0x8;
	[sflag:s29] =	ssyncadd.s32 $0xFFFFE000  }
0x371: {  	_ =	swait.ge [sflag:s30], $0x2000  }
0x372: {  	[sflag:s30] =	ssyncset.done $0x0  }
0x373: {  	[sflag:s30] =	ssyncadd.s32 $0xFFFFE000  }
0x374: {  	_ =	swait.ge [sflag:s20], $0x2000  }
0x375: {  	[sflag:s20] =	ssyncset.done $0x0  }
0x376: {  	[sflag:s20] =	ssyncadd.s32 $0xFFFFE000  }
0x377: {  	_ =	swait.ge [sflag:s22], $0x2000  }
0x378: {  	s1 =	rddreg [dreg:$0x9]  }
0x379: {  	s31 =	rddreg [dreg:$0x8];
	s1 =	sadd.s32 $0x1, s1  }
0x37a: {  	p0 =	sne.s32 s1, s31  }
.Ltmp7:
0x37b: {  	_ = 	snop;
	(pc) =	sbr.rel @p0 .LBB2_1-.Ltmp7, $3  }
0x37c: {  	_ =	sdelay $0x1  }
0x37d: {  	[sflag:s22] =	ssyncset.done $0x0  }
0x37e: {  	[sflag:s22] =	ssyncadd.s32 $0xFFFFE000  }
0x37f: {  	_ =	sfence.sel $0x180000  }
0x380: {  	[bflag:$0x0] =	sbarrier.arrive $0xFFFF  }
0x381: {  	_ =	strace $0x90000047  }
0x382: {  	s0 =	stileid.u32;
	[bflag:$0x2] =	sbarrier.arrive $0xFFFF  }
0x383: {  	p0 =	sne.s32 s0, $0x0;
	s0 =	rddreg [dreg:$0x3]  }
0x384: {  	s0 =	sadd.s32 @!p0 $0x100000, s0  }
0x385: {  	[sflag:s0] =	ssyncadd.tile.s32 @!p0 $0x1;
	_ =	shalt  }
.Lfunc_end2:
_tile_overlayer_lowered:
.L_overlay_start_2:
0x386: {  	(tag) =	ssettag $0x2  }
0x387: {  	s0 =	rddreg [dreg:$0x0];
	s2 =	stileid.u32  }
0x388: {  	s1 =	rddreg [dreg:$0x1];
	p0 =	sne.s32 s2, $0x0  }
0x389: {  	s3 =	rddreg [dreg:$0x2];
	[bflag:$0x3] =	sbarrier.arrive $0xFFFF;
	s2 =	simm.s32 @!p0 $0x1C09  }
0x38a: {  	[timem:s3], [sflag:s2] =	dma.local @!p0 [hbm:s0], s1  }
0x38b: {  	s0 =	simm.s32 @!p0 $0x9  }
0x38c: {  	_ =	swait.ge @!p0 [sflag:s0], s1  }
0x38d: {  	s1 =	ssub.s32 @!p0 $0x0, s1;
	[sflag:s0] =	ssyncset.done @!p0 $0x0  }
0x38e: {  	[sflag:s0] =	ssyncadd.s32 @!p0 s1  }
0x38f: {  	[bflag:$0x3] =	sbarrier.arrive $0xFFFF  }
0x390: {  	_ =	shalt  }

// kernel: sparse-core-data-format-call.cloned.1.call-start
scs
called_computation_lowered:
.L_overlay_start_0:
0x0: {  	s2 =	sld [smem:$0x3FD9]  }
0x1: {  	s3 =	sld [smem:$0x3FFE];
	_ =	sdelay $0x1  }
0x2: {  	s1 =	srdreg.scid  }
0x3: {  	s0 =	sand.u32 $0x1, s1  }
0x4: {  	s18 =	sshll.u32 s0, $0xA;
	s2 =	sadd.s32 s3, s2  }
0x5: {  	s2 =	sadd.s32 s2, s18  }
0x6: {  	[smem:$0x3FC5] =	sst s2  }
0x7: {  	_ = 	snop  }
0x8: {  	s2 =	sld [smem:$0x3FD0];
	(tm) =	ssettm $0x1  }
0x9: {  	s19 =	sld [smem:$0x3FFB];
	_ =	sdelay $0x3  }
0xa: {  	_ =	strace s19  }
0xb: {  	s3 =	sld [smem:$0x3FFC];
	_ =	sdelay $0x3  }
0xc: {  	_ =	strace s3  }
0xd: {  	s3 =	sld [smem:$0x3FFD];
	_ =	sdelay $0x3  }
0xe: {  	_ =	strace s3  }
0xf: {  	_ =	strace $0x8FFFFFFF  }
0x10: {  	s20 =	sld [smem:$0x3FDB];
	_ =	sdelay $0x1  }
0x11: {  	s4 =	simm.s32 $_scs_section_size  }
0x12: {  	s5 =	simm.s32 $_size__tile_overlayer_lowered;
	s6 =	simm.s32 $_tile_overlayer_lowered  }
0x13: {  	s23 =	simm.s32 $0x1BFF;
	s22 =	sshll.u32 s6, $0x1;
	s3 =	sadd.s32 s4, s20  }
0x14: {  	s7 =	simm.s32 $0x0;
	s21 =	sshll.u32 s5, $0x1;
	s5 =	sadd.s32 s22, s3  }
0x15: {  	[timem:s7], [sflag:s23] =	dma.local [hbm:s5], s21  }
0x16: {  	_ =	swait.ge [sflag:s23], s21  }
0x17: {  	s4 =	ssub.s32 $0x0, s21;
	[sflag:s23] =	ssyncset.done $0x0  }
0x18: {  	[sflag:s23] =	ssyncadd.s32 s4;
	_ =	sdelay $0x1  }
0x19: {  	s24 =	simm.s32 $0x1B8B  }
0x1a: {  	_ =	swait.ge [sflag:s24], $0x1  }
0x1b: {  	[sflag:s24] =	ssyncset.done $0x0  }
0x1c: {  	s26 =	simm.s32 $0x1B8E;
	s25 =	sld [smem:$0x3FFE];
	[sflag:s24] =	ssyncadd.s32 $0xFFFFFFFF  }
0x1d: {  	s27 =	simm.s32 $execute0_lowered;
	[smem:$0x3FD2] =	sst s26  }
0x1e: {  	s5 =	sshll.u32 s27, $0x1;
	_ =	strace $0x80000049;
	[dreg:$0x1] =	wrdreg $0xFFFFFFFF  }
0x1f: {  	s28 =	simm.s32 $_size_execute0_lowered;
	s3 =	sadd.s32 s3, s5;
	[dreg:$0x0] =	wrdreg $0x0  }
0x20: {  	s5 =	sshll.u32 s28, $0x1;
	[dreg:$0x2] =	wrdreg s3  }
0x21: {  	[dreg:$0x3] =	wrdreg s5  }
0x22: {  	[dreg:$0x4] =	wrdreg $0xC0  }
0x23: {  	_ =	task [dreg:s7], $0x5FFFF  }
0x24: {  	[dreg:$0x1] =	wrdreg $0xFFFFFFFF  }
0x25: {  	[dreg:$0x0] =	wrdreg $0x60  }
0x26: {  	[dreg:$0x2] =	wrdreg s25  }
0x27: {  	[dreg:$0x3] =	wrdreg s2  }
0x28: {  	[dreg:$0x4] =	wrdreg $0x9  }
0x29: {  	_ =	task.clear_ibuf [dreg:s7], $0x5FFFF;
	_ =	strace $0x90000049  }
0x2a: {  	s29 =	simm.s32 $0x9;
	_ =	strace $0x8000004B  }
0x2b: {  	_ =	swait.ge [sflag:s29], $0x1  }
0x2c: {  	[sflag:s29] =	ssyncadd.s32 $0xFFFFFFFF  }
0x2d: {  	_ =	strace $0x9000004B  }
0x2e: {  	_ =	sfence  }
0x2f: {  	s30 =	sld [smem:$0x0];
	_ =	sdelay $0x2  }
0x30: {  	s31 =	sshll.u32 s1, $0xD;
	s1 =	sshrl.u32 s1, $0x2  }
0x31: {  	s3 =	sand.u32 $0x4000, s31;
	s1 =	sadd.s32 s1, s30  }
0x32: {  	s0 =	sor.u32 s3, s0;
	s1 =	sshll.u32 s1, $0x11  }
0x33: {  	s0 =	sor.u32 s1, s0  }
0x34: {  	s0 =	sadd.s32 $0x8F2B, s0  }
0x35: {  	[sflag:s0] =	ssyncadd.remote.s32 $0x1  }
0x36: {  	_ =	sfence.sel $0xFFFF  }
0x37: {  	[dreg:$0x0] =	wrdreg $0xFFFFFFFF;
	(pc) =	sbr.abs _section_cstart, $3  }
0x38: {  	[dreg:$0x1] =	wrdreg $0xFFFFFFFF  }
0x39: {  	_ =	task.clear_ibuf [dreg:s7], $0x2FFFF;
	_ =	strace $0x9FFFFFFF  }
0x3a: {  	(tm) =	ssettm $0x7FFFFFFF  }
0x3b: {  	_ =	shalt  }
tec
execute0_lowered:
.L_overlay_start_1:
0x0: {  	(tag) =	ssettag $0x1  }
0x1: {  	s0 =	srdreg.scid  }
0x2: {  	s1 =	sshll.u32 s0, $0x4  }
0x3: {  	s4 =	rddreg [dreg:$0x0];
	s0 =	stileid.u32;
	s1 =	sand.u32 $0x10, s1  }
0x4: {  	s2 =	rddreg [dreg:$0x1];
	s7 =	simm.s32 $0x1;
	s1 =	sor.u32 s0, s1  }
0x5: {  	s8 =	simm.s32 $0x2;
	s11 =	simm.s32 $0x0;
	s3 =	sshll.u32 s1, $0x7  }
0x6: {  	s10 =	simm.s32 $0x0;
	s4 =	sadd.s32 $0xA00, s4;
	s6 =	ssub.s32 $0x32000, s3  }
.Ltmp0:
0x7: {  	s1 =	rddreg [dreg:$0x2];
	s5 =	sand.u32 $0xF80, s6;
	(pc) =	sbr.rel .LBB1_1-.Ltmp0, $4  }
0x8: {  	_ =	strace $0x8000004A;
	s9 =	smov.u32 s3;
	p0 =	sne.s32 s5, $0x0  }
0x9: {  	s6 =	sshrl.u32 s6, $0xC;
	s5 =	simm.s32 $0x1;
	s7 =	simm.s32 @!p0 $0x0  }
0xa: {  	[sflag:s5] =	ssyncpa.u1 $0x0;
	p0 =	por $0x0, $0x0;
	s6 =	sadd.s32 s7, s6  }
0xb: {  	[sflag:s8] =	ssyncpa.u1 $0x0;
	s8 =	simm.s32 $0x190000;
	s7 =	sadd.s32 $0x1, s6  }
.LBB1_4:
0xc: {  	s14 =	sshll.u32 s11, $0x3  }
0xd: {  	s30 =	sand.u32 $0x7F, s11;
	s15 =	sand.u32 $0xFFFFFC00, s14  }
0xe: {  	s11 =	sor.u32 s30, s15  }
0xf: {  	s15 =	smulhi.u32 $0x51EB851F, s11  }
0x10: {  	s14 =	smulhi.u32 $0x51EB851F, s14  }
0x11: {  	s15 =	sshrl.u32 s15, $0x10  }
0x12: {  	s14 =	sshrl.u32 s14, $0x10;
	s15 =	smul.u32 $0x32000, s15  }
0x13: {  	s14 =	sand.u32 $0x3F, s14  }
0x14: {  	s14 =	smul.u32 $0x6400, s14;
	s11 =	ssub.s32 s11, s15  }
0x15: {  	[tilespmem:s13+$0x810 ss:$0x81] =	vst.msk $0xffff, v2;
	s15 =	sand.u32 $0x7, s11  }
0x16: {  	[tilespmem:s13+$0x1020 ss:$0x81] =	vst.msk $0xffff, v0;
	s14 =	sadd.s32 s2, s14;
	s11 =	sshrl.u32 s11, $0x3;
	s15 =	sshll.u32 s15, $0x12  }
0x17: {  	[tilespmem:s13+$0x0 ss:$0x81] =	vst.msk $0xffff, v1;
	s11 =	sadd.s32 s11, s14;
	s31 =	sor.u32 $0x400, s15  }
0x18: {  	[hbm4b:s11+s31] =	stream.strided.scatter [tilespmem:s12], [sflag:$0x2], $0x2000, s8, s31, $0x20;
	[tilespmem:$0x8080] =	vst v63  }
.LBB1_5:
0x19: {  	s13 =	sadd.s32 $0x1000, s9  }
0x1a: {  	p2 =	sgt.s32 s13, $0x31FFF  }
0x1b: {  	s13 =	smov.u32 @p2 s3;
	p2 =	sne.s32 s10, s7  }
.Ltmp1:
0x1c: {  	p1 =	slt.u32 s10, $0x2;
	(pc) =	sbr.rel @!p2 .LBB1_6-.Ltmp1, $4  }
0x1d: {  	s12 =	simm.s32 @!p1 $0x2  }
0x1e: {  	s14 =	sadd.s32 $0x1, s10;
	_ =	swait.ge @!p1 [sflag:s12], $0x2000  }
0x1f: {  	s11 =	smov.u32 s9;
	p0 =	por !p0, !p0;
	[sflag:s12] =	ssyncset.done @!p1 $0x0  }
0x20: {  	s10 =	smov.u32 s14;
	s9 =	smov.u32 s13;
	[sflag:s12] =	ssyncadd.s32 @!p1 $0xFFFFE000  }
.LBB1_1:
0x21: {  	p1 =	sge.u32 s10, s6  }
0x22: {  	s12 =	sand.u32 @!p1 $0x1FFFFFF, s9  }
0x23: {  	s13 =	smulhi.u32 @!p1 $0x147AE15, s12;
	_ =	sdelay $0x1  }
0x24: {  	s13 =	sshrl.u32 @!p1 s13, $0xA  }
0x25: {  	s13 =	smul.u32 @!p1 $0x32000, s13;
	_ =	sdelay $0x1  }
0x26: {  	s31 =	sadd.s32 $0xFFFFFFFF, s10;
	s14 =	sxor.u32 @!p1 $0xFFFFFFFF, s10;
	s12 =	ssub.s32 @!p1 s12, s13  }
0x27: {  	s15 =	simm.s32 @!p1 $0x80;
	s14 =	sshll.u32 @!p1 s14, $0xD;
	s12 =	sshll.u32 @!p1 s12, $0x4  }
0x28: {  	s13 =	sand.u32 @!p1 $0x2000, s14;
	s14 =	simm.s32 @!p1 $0x40;
	s12 =	sadd.s32 @!p1 s4, s12  }
0x29: {  	[tilespmem:s13], [sflag:$0x1] =	stream.strided.gather @!p1 [hbm4b:s12+s14], $0x2000, s15, s14, $0x38;
	[tilespmem:$0x8080] =	vst v63  }
0x2a: {  	p1 =	sge.u32 s31, s6  }
.Ltmp2:
0x2b: {  	_ = 	snop;
	(pc) =	sbr.rel @p1 .LBB1_5-.Ltmp2, $1  }
0x2c: {  	_ =	sdelay $0x3  }
0x2d: {  	s12 =	simm.s32 $0x1  }
0x2e: {  	_ =	swait.ge [sflag:s5], $0x2000;
	s12 =	simm.s32 @!p0 $0x0  }
0x2f: {  	[sflag:s5] =	ssyncset.done $0x0;
	s13 =	sshll.u32 s12, $0xD  }
0x30: {  	[sflag:s5] =	ssyncadd.s32 $0xFFFFE000;
	s16 =	sor.u32 $0x20, s13  }
0x31: {  	s12 =	smul.u32 $0x8100, s12;
	v3 =	vld [tilespmem:s16+$0x10]  }
0x32: {  	s30 =	sand.u32 $0x1, s10;
	v2 =	vld [tilespmem:s16+$0xFFFFFFF0]  }
0x33: {  	s13 =	smul.u32 $0x8100, s30;
	s12 =	sshrl.u32 s12, $0x2;
	v0 =	vld [tilespmem:s16+$0x0]  }
0x34: {  	v1 =	vld [tilespmem:s16+$0xFFFFFFE0];
	s14 =	sor.u32 $0x4000, s12  }
0x35: {  	s31 =	sshrl.u32 s13, $0x2;
	s13 =	sadd.s32 $0x0, s14  }
0x36: {  	s15 =	simm.s32 $0x4;
	s16 =	sadd.s32 $0x40, s16;
	s12 =	sor.u32 $0x4000, s31;
	[tilespmem:s13+$0x1830 ss:$0x81] =	vst.msk $0xffff, v3  }
.LBB1_3:
0x37: {  	v3 =	vld [tilespmem:s16+$0x10];
	p1 =	sne.s32 s15, $0x1FC;
	[tilespmem:s13+$0x810 ss:$0x81] =	vst.msk $0xffff, v2;
	s17 =	smov.u32 s15;
	s15 =	sadd.s32 $0x4, s15  }
.Ltmp3:
0x38: {  	v2 =	vld [tilespmem:s16+$0xFFFFFFF0];
	[tilespmem:s13+$0x1020 ss:$0x81] =	vst.msk $0xffff, v0;
	(pc) =	sbr.rel @p1 .LBB1_3-.Ltmp3, $4  }
0x39: {  	v0 =	vld [tilespmem:s16+$0x0];
	[tilespmem:s13+$0x0 ss:$0x81] =	vst.msk $0xffff, v1  }
0x3a: {  	s13 =	sshra.s32 s17, $0x2;
	v1 =	vld [tilespmem:s16+$0xFFFFFFE0]  }
0x3b: {  	s13 =	sadd.s32 s13, s14  }
0x3c: {  	s16 =	sadd.s32 $0x40, s16;
	[tilespmem:s13+$0x1830 ss:$0x81] =	vst.msk $0xffff, v3  }
.Ltmp4:
0x3d: {  	_ = 	snop;
	(pc) =	sbr.rel .LBB1_4-.Ltmp4, $1  }
0x3e: {  	_ =	sdelay $0x3  }
.LBB1_6:
0x3f: {  	_ =	sfence.sel $0x180000  }
0x40: {  	s2 =	simm.s32 $0x1;
	[bflag:$0x0] =	sbarrier.arrive $0xFFFF  }
0x41: {  	s31 =	simm.s32 $0x2;
	[sflag:s2] =	ssyncpa.u1 $0x1  }
0x42: {  	[sflag:s31] =	ssyncpa.u1 $0x1  }
0x43: {  	p0 =	sne.s32 s0, $0x0;
	_ =	strace $0x9000004A  }
0x44: {  	s0 =	sadd.s32 @!p0 $0x100000, s1;
	[bflag:$0x2] =	sbarrier.arrive $0xFFFF  }
0x45: {  	[sflag:s0] =	ssyncadd.tile.s32 @!p0 $0x1;
	_ =	shalt  }
.Lfunc_end1:
_tile_overlayer_lowered:
.L_overlay_start_2:
0x46: {  	(tag) =	ssettag $0x2  }
0x47: {  	s0 =	rddreg [dreg:$0x0];
	s2 =	stileid.u32  }
0x48: {  	s1 =	rddreg [dreg:$0x1];
	p0 =	sne.s32 s2, $0x0  }
0x49: {  	s3 =	rddreg [dreg:$0x2];
	[bflag:$0x3] =	sbarrier.arrive $0xFFFF;
	s2 =	simm.s32 @!p0 $0x1C01  }
0x4a: {  	[timem:s3], [sflag:s2] =	dma.local @!p0 [hbm:s0], s1  }
0x4b: {  	s0 =	simm.s32 @!p0 $0x1  }
0x4c: {  	_ =	swait.ge @!p0 [sflag:s0], s1  }
0x4d: {  	s1 =	ssub.s32 @!p0 $0x0, s1;
	[sflag:s0] =	ssyncset.done @!p0 $0x0  }
0x4e: {  	[sflag:s0] =	ssyncadd.s32 @!p0 s1  }
0x4f: {  	[bflag:$0x3] =	sbarrier.arrive $0xFFFF  }
0x50: {  	_ =	shalt  }

</sc_bundles>
